<compile_context>
chip_gen: v7x
topology: tpu7x:2x2x1
jax: 0.10.2.dev20260603
libtpu: 0.0.44.dev20260713+nightly
codegen_flags: <defaults>
</compile_context>

<pallas_src>
import functools

import jax
import jax.numpy as jnp
from jax import lax
from jax.experimental import pallas as pl
from jax.experimental.pallas import tpu as pltpu
from jax.experimental.pallas import tpu_sc as plsc

_N = 10000
_E = 320000
_D = 128
_H = 16
_Y = 64
_G = 64

_NC = 2
_NS = 16
_NW = _NC * _NS
_CH = 128
_CPT = 80
_EPAD = _NW * _CPT * _CH
_NPAD = 10240
_RPT = _NPAD // _NS
_PADIDX = _N

_mesh = plsc.VectorSubcoreMesh(core_axis_name="c", subcore_axis_name="s")
_params = pltpu.CompilerParams(use_tc_tiling_on_sc=False,
                               needs_layout_passes=False)


def _lane_bcast(v, k):
    idx = jnp.full((16, 1), k, dtype=jnp.int32)
    dn = lax.GatherDimensionNumbers(offset_dims=(), collapsed_slice_dims=(0,),
                                    start_index_map=(0,))
    return lax.gather(v, idx, dn, (1,),
                      mode=lax.GatherScatterMode.PROMISE_IN_BOUNDS)


def _rsqrt16(x):
    i = plsc.bitcast(x, jnp.int32)
    i = jnp.int32(0x5F3759DF) - lax.shift_right_arithmetic(i, 1)
    y = plsc.bitcast(i, jnp.float32)
    for _ in range(3):
        y = y * (1.5 - 0.5 * x * y * y)
    return y


@functools.partial(
    pl.kernel,
    out_type=jax.ShapeDtypeStruct((_NW, _NPAD), jnp.float32),
    mesh=_mesh,
    scratch_types=[
        pltpu.VMEM((_CPT, _CH), jnp.int32),
        pltpu.VMEM((_NPAD,), jnp.float32),
    ],
    compiler_params=_params,
)
def _sc_deg(dst_h, out_h, didx, hist):
    c = lax.axis_index("c")
    s = lax.axis_index("s")
    w = c * _NS + s
    pltpu.sync_copy(dst_h.at[w], didx)

    def zero(i, carry):
        hist[pl.ds(pl.multiple_of(i * 16, 16), 16)] = jnp.zeros((16,),
                                                                jnp.float32)
        return carry

    lax.fori_loop(0, _NPAD // 16, zero, 0)

    ones = jnp.ones((16,), jnp.float32)

    def chunk(j, carry):
        for k in range(_CH // 16):
            idx = didx[j, pl.ds(k * 16, 16)]
            plsc.addupdate_scatter(hist, [idx], ones)
        return carry

    lax.fori_loop(0, _CPT, chunk, 0)
    pltpu.sync_copy(hist, out_h.at[w])


def _sc_mp_body(layer2, *refs):
    if layer2:
        (degp_h, xw1_h, z1p_h, b1_h, src_h, dst_h, zeros_h, zout_h, ytab_h,
         sidx, didx, bufs, dbuf, ybuf, zbuf, bvec, acc,
         g0, g1, g2, g3, s0, s1, s2, s3) = refs
    else:
        (degp_h, xw1_h, src_h, dst_h, zeros_h, zout_h, ytab_h,
         sidx, didx, bufs, dbuf, ybuf, acc,
         g0, g1, g2, g3, s0, s1, s2, s3) = refs
    gsem = [g0, g1, g2, g3]
    ssem = [s0, s1, s2, s3]
    c = lax.axis_index("c")
    s = lax.axis_index("s")
    w = c * _NS + s
    base = s * _RPT
    pltpu.sync_copy(zeros_h.at[pl.ds(base, _RPT)], acc.at[pl.ds(base, _RPT)])
    pltpu.sync_copy(src_h.at[w], sidx)
    pltpu.sync_copy(dst_h.at[w], didx)

    pltpu.sync_copy(degp_h.at[:, pl.ds(base, _RPT)], dbuf)
    pltpu.sync_copy(xw1_h.at[pl.ds(base, _RPT)], ybuf)
    if layer2:
        pltpu.sync_copy(z1p_h.at[0, pl.ds(base, _RPT)], zbuf.at[0])
        pltpu.sync_copy(z1p_h.at[1, pl.ds(base, _RPT)], zbuf.at[1])
        pltpu.sync_copy(b1_h, bvec)

    def grp(g, carry):
        o = pl.multiple_of(g * 16, 16)
        d = dbuf[0, pl.ds(o, 16)]
        for r in range(1, _NW):
            d = d + dbuf[r, pl.ds(o, 16)]
        dv = _rsqrt16(d + 1.0)
        for k in range(16):
            dvk = _lane_bcast(dv, k)
            if layer2:
                y1 = dvk * ybuf[o + k, :]
                z = zbuf[0, o + k, :] + zbuf[1, o + k, :] + y1
                h1 = jnp.maximum(dvk * z + bvec[:], 0.0)
                ybuf[o + k, :] = dvk * h1
            else:
                ybuf[o + k, :] = dvk * ybuf[o + k, :]
        return carry

    lax.fori_loop(0, _RPT // 16, grp, 0)
    pltpu.sync_copy(ybuf, ytab_h.at[pl.ds(c * _NPAD + base, _RPT)])
    plsc.subcore_barrier()

    def gwait(j, m):
        pltpu.make_async_copy(ytab_h.at[sidx.at[j]], bufs.at[m],
                              gsem[m]).wait()

    def swait(m):
        pltpu.make_async_copy(bufs.at[m], acc.at[didx.at[0]],
                              ssem[m]).wait()

    pltpu.async_copy(ytab_h.at[sidx.at[0]], bufs.at[0], gsem[0])
    pltpu.async_copy(ytab_h.at[sidx.at[1]], bufs.at[1], gsem[1])

    for m in range(4):
        gwait(m, m)
        pltpu.async_copy(bufs.at[m], acc.at[didx.at[m]], ssem[m], add=True)
        m2 = (m + 2) % 4
        if m >= 2:
            swait(m2)
        pltpu.async_copy(ytab_h.at[sidx.at[m + 2]], bufs.at[m2], gsem[m2])

    def step(i, carry):
        for m in range(4):
            j = 4 * i + m
            gwait(j, m)
            pltpu.async_copy(bufs.at[m], acc.at[didx.at[j]], ssem[m],
                             add=True)
            m2 = (m + 2) % 4

            @pl.when(j + 2 < _CPT)
            def _():
                swait(m2)
                pltpu.async_copy(ytab_h.at[sidx.at[j + 2]], bufs.at[m2],
                                 gsem[m2])

        return carry

    lax.fori_loop(1, _CPT // 4, step, 0)
    for m in range(4):
        swait(m)
    plsc.subcore_barrier()
    pltpu.sync_copy(acc.at[pl.ds(base, _RPT)],
                    zout_h.at[c, pl.ds(base, _RPT)])


_mp_out = [jax.ShapeDtypeStruct((_NC, _NPAD, _H), jnp.float32),
           jax.ShapeDtypeStruct((_NC * _NPAD, _H), jnp.float32)]
_mp_scratch1 = [
    pltpu.VMEM((_CPT, _CH), jnp.int32),
    pltpu.VMEM((_CPT, _CH), jnp.int32),
    pltpu.VMEM((4, _CH, _H), jnp.float32),
    pltpu.VMEM((_NW, _RPT), jnp.float32),
    pltpu.VMEM((_RPT, _H), jnp.float32),
    pltpu.VMEM_SHARED((_NPAD, _H), jnp.float32),
] + [pltpu.SemaphoreType.DMA] * 8
_mp_scratch2 = _mp_scratch1[:5] + [
    pltpu.VMEM((2, _RPT, _H), jnp.float32),
    pltpu.VMEM((_H,), jnp.float32),
] + _mp_scratch1[5:]

_sc_mp1 = functools.partial(
    pl.kernel, out_type=_mp_out, mesh=_mesh, scratch_types=_mp_scratch1,
    compiler_params=_params)(functools.partial(_sc_mp_body, False))

_sc_mp2 = functools.partial(
    pl.kernel, out_type=_mp_out, mesh=_mesh, scratch_types=_mp_scratch2,
    compiler_params=_params)(functools.partial(_sc_mp_body, True))


def _tc_mm1(x_ref, w1_ref, xw_ref):
    xw_ref[...] = jnp.dot(x_ref[...], w1_ref[...],
                          preferred_element_type=jnp.float32)


def _tc_post(degp_ref, onesw_ref, xw1_ref, z1_ref, z2_ref, b1_ref, b2_ref,
             w2_ref, wfc_ref, bfc_ref, batch_ref, out_ref):
    deg = lax.dot_general(degp_ref[...], onesw_ref[...],
                          (((0,), (0,)), ((), ())),
                          preferred_element_type=jnp.float32) + 1.0
    dinv = lax.rsqrt(deg)
    y1 = dinv * xw1_ref[...]
    h1 = jnp.maximum(dinv * (z1_ref[0] + z1_ref[1] + y1) + b1_ref[...], 0.0)
    y2 = dinv * h1
    a = dinv * (z2_ref[0] + z2_ref[1] + y2)
    h2 = jnp.maximum(
        jnp.dot(a, w2_ref[...], preferred_element_type=jnp.float32)
        + b2_ref[...], 0.0)
    s = jnp.dot(h2, wfc_ref[...], preferred_element_type=jnp.float32)
    onehot = (lax.broadcasted_iota(jnp.int32, (_G, _NPAD), 0)
              == batch_ref[...]).astype(jnp.float32)
    pooled = jnp.dot(onehot, s, preferred_element_type=jnp.float32)
    logit = pooled + bfc_ref[...]
    out_ref[...] = 1.0 / (1.0 + jnp.exp(-logit))


def kernel(x, edge_index, batch, W1, b1, W2, b2, Wfc, bfc):
    f32 = jnp.float32
    src = edge_index[0].astype(jnp.int32)
    dst = edge_index[1].astype(jnp.int32)
    pad = _PADIDX + jnp.arange(_EPAD - _E, dtype=jnp.int32) % (_NPAD - _N)
    coff = (jnp.arange(_NW, dtype=jnp.int32) // _NS * _NPAD)[:, None, None]
    src_p = jnp.concatenate([src, pad]).reshape(_NW, _CPT, _CH) + coff
    dst_p = jnp.concatenate([dst, pad]).reshape(_NW, _CPT, _CH)
    x_p = jnp.pad(x, ((0, _NPAD - _N), (0, 0)))
    batch_p = jnp.pad(batch.astype(jnp.int32), (0, _NPAD - _N),
                      constant_values=_G).reshape(1, _NPAD)
    zeros16 = jnp.zeros((_NPAD, _H), f32)
    onesw = jnp.ones((_NW, 1), f32)
    b1r = b1.astype(f32)

    degp = _sc_deg(dst_p)

    xw1 = pl.pallas_call(
        _tc_mm1, out_shape=jax.ShapeDtypeStruct((_NPAD, _H), f32),
    )(x_p, W1)

    z1, _ = _sc_mp1(degp, xw1, src_p, dst_p, zeros16)
    z2, _ = _sc_mp2(degp, xw1, z1, b1r, src_p, dst_p, zeros16)

    out = pl.pallas_call(
        _tc_post, out_shape=jax.ShapeDtypeStruct((_G, 1), f32),
    )(degp, onesw, xw1, z1, z2, b1.reshape(1, _H), b2.reshape(1, _Y),
      W2, Wfc, bfc.reshape(1, 1), batch_p)

    return out

# --- scband reference (transcript-rebuilt; emitter-appended) ---
"""Pipeline reference for scband-basic-gnn-25048249270599 (READ-ONLY COPY).

The authoritative reference and input builder live on the scoring server;
editing this copy changes nothing except your own understanding.
"""

import jax, jax.numpy as jnp
import numpy as np

N = 10000
E = 320000
D = 128
H = 16
Y = 64
G = 64


def setup_inputs(seed: int = 0) -> dict:
    key = jax.random.key(seed)
    ks = jax.random.split(key, 8)
    x = jax.random.normal(ks[0], (N, D), dtype=jnp.float32)
    edge_index = jax.random.randint(ks[1], (2, E), 0, N)
    batch = jnp.sort(jax.random.randint(ks[2], (N,), 0, G))
    W1 = jax.random.normal(ks[3], (D, H), dtype=jnp.float32) * 0.05
    b1 = jnp.zeros((H,), dtype=jnp.float32)
    W2 = jax.random.normal(ks[4], (H, Y), dtype=jnp.float32) * 0.05
    b2 = jnp.zeros((Y,), dtype=jnp.float32)
    Wfc = jax.random.normal(ks[5], (Y, 1), dtype=jnp.float32) * 0.05
    bfc = jnp.zeros((1,), dtype=jnp.float32)
    return {"x": x, "edge_index": edge_index, "batch": batch,
            "W1": W1, "b1": b1, "W2": W2, "b2": b2, "Wfc": Wfc, "bfc": bfc}


def _gcn_conv(x, edge_index, W, b):
    # PyG GCNConv: x @ W, add self-loops, symmetric normalization, scatter-add to dst, + bias
    n = x.shape[0]
    xw = x @ W
    loop = jnp.arange(n, dtype=edge_index.dtype)
    src = jnp.concatenate([edge_index[0], loop])
    dst = jnp.concatenate([edge_index[1], loop])
    deg = jnp.zeros((n,), dtype=xw.dtype).at[dst].add(1.0)
    dinv = jnp.where(deg > 0, jax.lax.rsqrt(jnp.maximum(deg, 1e-12)), 0.0)
    norm = dinv[src] * dinv[dst]
    msg = jnp.take(xw, src, axis=0) * norm[:, None]
    out = jax.ops.segment_sum(msg, dst, num_segments=n)
    return out + b


def reference(x, edge_index, batch, W1, b1, W2, b2, Wfc, bfc):
    h = jax.nn.relu(_gcn_conv(x, edge_index, W1, b1))
    # dropout is identity in eval mode
    h = jax.nn.relu(_gcn_conv(h, edge_index, W2, b2))
    pooled = jax.ops.segment_sum(h, batch, num_segments=G)
    out = pooled @ Wfc + bfc
    return jax.nn.sigmoid(out)

if __name__ == "__main__":
    import jax
    _d = setup_inputs()
    print(jax.jit(kernel)(*tuple(_d.values())))

</pallas_src>

<mosaic_0001>
#map = affine_map<(d0, d1) -> (0, 0, 0)>
#map1 = affine_map<(d0, d1) -> (0, 0)>
module attributes {stable_mosaic.version = 14 : i64} {
  func.func @_sc_deg(%arg0: i32, %arg1: i32, %arg2: memref<32x80x128xi32, #tpu.memory_space<hbm>>, %arg3: memref<32x10240xf32, #tpu.memory_space<hbm>>, %arg4: memref<80x128xi32, #tpu.memory_space<vmem>>, %arg5: memref<10240xf32, #tpu.memory_space<vmem>>) attributes {dimension_semantics = [#tpu.dimension_semantics<core_parallel>, #tpu.dimension_semantics<subcore_parallel>], iteration_bounds = array<i64: 2, 16>, scalar_prefetch = 0 : i64, scratch_operands = 2 : i64, tpu.core_type = #tpu.core_type<sc_vector_subcore>, window_params = [{transform_indices = #map}, {transform_indices = #map1}]} {
    %mul3A = arith.constant 16 : i32
    %mul3A_0 = arith.muli %arg0, %mul3A : i32
    %add3A = arith.addi %mul3A_0, %arg1 : i32
    "tpu.region"() ({
      %run_scoped3A = tpu.sem_alloc : memref<!tpu.dma_semaphore, #tpu.memory_space<semaphore_mem>>
      %dma_start3A = arith.constant 0 : i32
      %dma_start3A_13 = arith.constant 0 : i32
      %dma_start3A_14 = tpu.memref_slice %arg2[%add3A, %dma_start3A, %dma_start3A_13] : memref<32x80x128xi32, #tpu.memory_space<hbm>> -> memref<1x80x128xi32, #tpu.memory_space<hbm>>
      %dma_start3A_15 = tpu.memref_squeeze %dma_start3A_14 : memref<1x80x128xi32, #tpu.memory_space<hbm>> -> memref<80x128xi32, #tpu.memory_space<hbm>>
      %dma_start3A_16 = arith.constant 0 : i32
      %dma_start3A_17 = arith.constant 0 : i32
      %dma_start3A_18 = tpu.memref_slice %arg2[%add3A, %dma_start3A_16, %dma_start3A_17] : memref<32x80x128xi32, #tpu.memory_space<hbm>> -> memref<1x80x128xi32, #tpu.memory_space<hbm>>
      %dma_start3A_19 = tpu.memref_squeeze %dma_start3A_18 : memref<1x80x128xi32, #tpu.memory_space<hbm>> -> memref<80x128xi32, #tpu.memory_space<hbm>>
      tpu.enqueue_dma source(%dma_start3A_19 : memref<80x128xi32, #tpu.memory_space<hbm>>) target(%arg4 : memref<80x128xi32, #tpu.memory_space<vmem>>) target_semaphore(%run_scoped3A : memref<!tpu.dma_semaphore, #tpu.memory_space<semaphore_mem>>)
      %dma_wait3A = arith.constant 0 : i32
      %dma_wait3A_20 = arith.constant 0 : i32
      %dma_wait3A_21 = tpu.memref_slice %arg2[%add3A, %dma_wait3A, %dma_wait3A_20] : memref<32x80x128xi32, #tpu.memory_space<hbm>> -> memref<1x80x128xi32, #tpu.memory_space<hbm>>
      %dma_wait3A_22 = tpu.memref_squeeze %dma_wait3A_21 : memref<1x80x128xi32, #tpu.memory_space<hbm>> -> memref<80x128xi32, #tpu.memory_space<hbm>>
      %dma_wait3A_23 = arith.constant 0 : i32
      %dma_wait3A_24 = arith.constant 0 : i32
      %dma_wait3A_25 = tpu.memref_slice %arg2[%add3A, %dma_wait3A_23, %dma_wait3A_24] : memref<32x80x128xi32, #tpu.memory_space<hbm>> -> memref<1x80x128xi32, #tpu.memory_space<hbm>>
      %dma_wait3A_26 = tpu.memref_squeeze %dma_wait3A_25 : memref<1x80x128xi32, #tpu.memory_space<hbm>> -> memref<80x128xi32, #tpu.memory_space<hbm>>
      tpu.wait_dma2 semaphore(%run_scoped3A : memref<!tpu.dma_semaphore, #tpu.memory_space<semaphore_mem>>) src(%dma_wait3A_26 : memref<80x128xi32, #tpu.memory_space<hbm>>) dst(%arg4 : memref<80x128xi32, #tpu.memory_space<vmem>>)
      tpu.yield
    }) : () -> ()
    %scan3A = arith.constant 0 : i32
    %scan3A_1 = arith.constant 0 : i32
    %scan3A_2 = arith.constant 640 : i32
    %scan3A_3 = arith.addi %scan3A_1, %scan3A_2 : i32
    %scan3A_4 = arith.constant 1 : i32
    scf.for %scan3A_13 = %scan3A_1 to %scan3A_3 step %scan3A_4  : i32 {
      %broadcast_in_dim3A_14 = arith.constant 0.000000e+00 : f32
      %broadcast_in_dim3A_15 = vector.broadcast %broadcast_in_dim3A_14 : f32 to vector<16xf32>
      %mul3A_16 = arith.constant 16 : i32
      %mul3A_17 = arith.muli %scan3A_13, %mul3A_16 : i32
      %multiple_of3A = tpu.assume_multiple %mul3A_17, 16 : i32
      %swap3A = arith.index_cast %multiple_of3A : i32 to index
      %swap3A_18 = tpu.vector_load %arg5[%swap3A] {strides = array<i32>} : memref<10240xf32, #tpu.memory_space<vmem>>, vector<16xf32>,
      tpu.vector_store %arg5[%swap3A], %broadcast_in_dim3A_15 {strides = array<i32>} : memref<10240xf32, #tpu.memory_space<vmem>>, vector<16xf32>,
    }
    %scan3A_5 = arith.constant 640 : i32
    %broadcast_in_dim3A = arith.constant 1.000000e+00 : f32
    %broadcast_in_dim3A_6 = vector.broadcast %broadcast_in_dim3A : f32 to vector<16xf32>
    %scan3A_7 = arith.constant 0 : i32
    %scan3A_8 = arith.constant 0 : i32
    %scan3A_9 = arith.constant 80 : i32
    %scan3A_10 = arith.addi %scan3A_8, %scan3A_9 : i32
    %scan3A_11 = arith.constant 1 : i32
    scf.for %scan3A_13 = %scan3A_8 to %scan3A_10 step %scan3A_11  : i32 {
      %get3A = arith.index_cast %scan3A_13 : i32 to index
      %get3A_14 = arith.constant 0 : index
      %get3A_15 = tpu.vector_load %arg4[%get3A, %get3A_14] {strides = array<i32>} : memref<80x128xi32, #tpu.memory_space<vmem>>, vector<16xi32>,
      tpu.vector_store_idx %arg5[%get3A_15], %broadcast_in_dim3A_6 {add = true} : memref<10240xf32, #tpu.memory_space<vmem>>[vector<16xi32>], vector<16xf32>,
      %get3A_16 = arith.index_cast %scan3A_13 : i32 to index
      %get3A_17 = arith.constant 16 : index
      %get3A_18 = tpu.vector_load %arg4[%get3A_16, %get3A_17] {strides = array<i32>} : memref<80x128xi32, #tpu.memory_space<vmem>>, vector<16xi32>,
      tpu.vector_store_idx %arg5[%get3A_18], %broadcast_in_dim3A_6 {add = true} : memref<10240xf32, #tpu.memory_space<vmem>>[vector<16xi32>], vector<16xf32>,
      %get3A_19 = arith.index_cast %scan3A_13 : i32 to index
      %get3A_20 = arith.constant 32 : index
      %get3A_21 = tpu.vector_load %arg4[%get3A_19, %get3A_20] {strides = array<i32>} : memref<80x128xi32, #tpu.memory_space<vmem>>, vector<16xi32>,
      tpu.vector_store_idx %arg5[%get3A_21], %broadcast_in_dim3A_6 {add = true} : memref<10240xf32, #tpu.memory_space<vmem>>[vector<16xi32>], vector<16xf32>,
      %get3A_22 = arith.index_cast %scan3A_13 : i32 to index
      %get3A_23 = arith.constant 48 : index
      %get3A_24 = tpu.vector_load %arg4[%get3A_22, %get3A_23] {strides = array<i32>} : memref<80x128xi32, #tpu.memory_space<vmem>>, vector<16xi32>,
      tpu.vector_store_idx %arg5[%get3A_24], %broadcast_in_dim3A_6 {add = true} : memref<10240xf32, #tpu.memory_space<vmem>>[vector<16xi32>], vector<16xf32>,
      %get3A_25 = arith.index_cast %scan3A_13 : i32 to index
      %get3A_26 = arith.constant 64 : index
      %get3A_27 = tpu.vector_load %arg4[%get3A_25, %get3A_26] {strides = array<i32>} : memref<80x128xi32, #tpu.memory_space<vmem>>, vector<16xi32>,
      tpu.vector_store_idx %arg5[%get3A_27], %broadcast_in_dim3A_6 {add = true} : memref<10240xf32, #tpu.memory_space<vmem>>[vector<16xi32>], vector<16xf32>,
      %get3A_28 = arith.index_cast %scan3A_13 : i32 to index
      %get3A_29 = arith.constant 80 : index
      %get3A_30 = tpu.vector_load %arg4[%get3A_28, %get3A_29] {strides = array<i32>} : memref<80x128xi32, #tpu.memory_space<vmem>>, vector<16xi32>,
      tpu.vector_store_idx %arg5[%get3A_30], %broadcast_in_dim3A_6 {add = true} : memref<10240xf32, #tpu.memory_space<vmem>>[vector<16xi32>], vector<16xf32>,
      %get3A_31 = arith.index_cast %scan3A_13 : i32 to index
      %get3A_32 = arith.constant 96 : index
      %get3A_33 = tpu.vector_load %arg4[%get3A_31, %get3A_32] {strides = array<i32>} : memref<80x128xi32, #tpu.memory_space<vmem>>, vector<16xi32>,
      tpu.vector_store_idx %arg5[%get3A_33], %broadcast_in_dim3A_6 {add = true} : memref<10240xf32, #tpu.memory_space<vmem>>[vector<16xi32>], vector<16xf32>,
      %get3A_34 = arith.index_cast %scan3A_13 : i32 to index
      %get3A_35 = arith.constant 112 : index
      %get3A_36 = tpu.vector_load %arg4[%get3A_34, %get3A_35] {strides = array<i32>} : memref<80x128xi32, #tpu.memory_space<vmem>>, vector<16xi32>,
      tpu.vector_store_idx %arg5[%get3A_36], %broadcast_in_dim3A_6 {add = true} : memref<10240xf32, #tpu.memory_space<vmem>>[vector<16xi32>], vector<16xf32>,
    }
    %scan3A_12 = arith.constant 80 : i32
    "tpu.region"() ({
      %run_scoped3A = tpu.sem_alloc : memref<!tpu.dma_semaphore, #tpu.memory_space<semaphore_mem>>
      %dma_start3A = arith.constant 0 : i32
      %dma_start3A_13 = tpu.memref_slice %arg3[%add3A, %dma_start3A] : memref<32x10240xf32, #tpu.memory_space<hbm>> -> memref<1x10240xf32, #tpu.memory_space<hbm>>
      %dma_start3A_14 = tpu.memref_squeeze %dma_start3A_13 : memref<1x10240xf32, #tpu.memory_space<hbm>> -> memref<10240xf32, #tpu.memory_space<hbm>>
      %dma_start3A_15 = arith.constant 0 : i32
      %dma_start3A_16 = tpu.memref_slice %arg3[%add3A, %dma_start3A_15] : memref<32x10240xf32, #tpu.memory_space<hbm>> -> memref<1x10240xf32, #tpu.memory_space<hbm>>
      %dma_start3A_17 = tpu.memref_squeeze %dma_start3A_16 : memref<1x10240xf32, #tpu.memory_space<hbm>> -> memref<10240xf32, #tpu.memory_space<hbm>>
      tpu.enqueue_dma source(%arg5 : memref<10240xf32, #tpu.memory_space<vmem>>) target(%dma_start3A_17 : memref<10240xf32, #tpu.memory_space<hbm>>) target_semaphore(%run_scoped3A : memref<!tpu.dma_semaphore, #tpu.memory_space<semaphore_mem>>)
      %dma_wait3A = arith.constant 0 : i32
      %dma_wait3A_18 = tpu.memref_slice %arg3[%add3A, %dma_wait3A] : memref<32x10240xf32, #tpu.memory_space<hbm>> -> memref<1x10240xf32, #tpu.memory_space<hbm>>
      %dma_wait3A_19 = tpu.memref_squeeze %dma_wait3A_18 : memref<1x10240xf32, #tpu.memory_space<hbm>> -> memref<10240xf32, #tpu.memory_space<hbm>>
      %dma_wait3A_20 = arith.constant 0 : i32
      %dma_wait3A_21 = tpu.memref_slice %arg3[%add3A, %dma_wait3A_20] : memref<32x10240xf32, #tpu.memory_space<hbm>> -> memref<1x10240xf32, #tpu.memory_space<hbm>>
      %dma_wait3A_22 = tpu.memref_squeeze %dma_wait3A_21 : memref<1x10240xf32, #tpu.memory_space<hbm>> -> memref<10240xf32, #tpu.memory_space<hbm>>
      tpu.wait_dma2 semaphore(%run_scoped3A : memref<!tpu.dma_semaphore, #tpu.memory_space<semaphore_mem>>) src(%arg5 : memref<10240xf32, #tpu.memory_space<vmem>>) dst(%dma_wait3A_22 : memref<10240xf32, #tpu.memory_space<hbm>>)
      tpu.yield
    }) : () -> ()
    return
  }
}

#map = affine_map<(d0, d1) -> (0, 0)>
#map1 = affine_map<(d0, d1) -> (0, 0, 0)>
#map2 = affine_map<(d0, d1) -> (0)>
module attributes {stable_mosaic.version = 14 : i64} {
  func.func @_sc_mp_body(%arg0: i32, %arg1: i32, %arg2: memref<32x10240xf32, #tpu.memory_space<hbm>>, %arg3: memref<10240x16xf32, #tpu.memory_space<hbm>>, %arg4: memref<2x10240x16xf32, #tpu.memory_space<hbm>>, %arg5: memref<16xf32, #tpu.memory_space<hbm>>, %arg6: memref<32x80x128xi32, #tpu.memory_space<hbm>>, %arg7: memref<32x80x128xi32, #tpu.memory_space<hbm>>, %arg8: memref<10240x16xf32, #tpu.memory_space<hbm>>, %arg9: memref<2x10240x16xf32, #tpu.memory_space<hbm>>, %arg10: memref<20480x16xf32, #tpu.memory_space<hbm>>, %arg11: memref<80x128xi32, #tpu.memory_space<vmem>>, %arg12: memref<80x128xi32, #tpu.memory_space<vmem>>, %arg13: memref<4x128x16xf32, #tpu.memory_space<vmem>>, %arg14: memref<32x640xf32, #tpu.memory_space<vmem>>, %arg15: memref<640x16xf32, #tpu.memory_space<vmem>>, %arg16: memref<2x640x16xf32, #tpu.memory_space<vmem>>, %arg17: memref<16xf32, #tpu.memory_space<vmem>>, %arg18: memref<10240x16xf32, #tpu.memory_space<vmem_shared>>, %arg19: memref<!tpu.dma_semaphore, #tpu.memory_space<semaphore_mem>>, %arg20: memref<!tpu.dma_semaphore, #tpu.memory_space<semaphore_mem>>, %arg21: memref<!tpu.dma_semaphore, #tpu.memory_space<semaphore_mem>>, %arg22: memref<!tpu.dma_semaphore, #tpu.memory_space<semaphore_mem>>, %arg23: memref<!tpu.dma_semaphore, #tpu.memory_space<semaphore_mem>>, %arg24: memref<!tpu.dma_semaphore, #tpu.memory_space<semaphore_mem>>, %arg25: memref<!tpu.dma_semaphore, #tpu.memory_space<semaphore_mem>>, %arg26: memref<!tpu.dma_semaphore, #tpu.memory_space<semaphore_mem>>) attributes {dimension_semantics = [#tpu.dimension_semantics<core_parallel>, #tpu.dimension_semantics<subcore_parallel>], iteration_bounds = array<i64: 2, 16>, scalar_prefetch = 0 : i64, scratch_operands = 16 : i64, tpu.core_type = #tpu.core_type<sc_vector_subcore>, window_params = [{transform_indices = #map}, {transform_indices = #map}, {transform_indices = #map1}, {transform_indices = #map2}, {transform_indices = #map1}, {transform_indices = #map1}, {transform_indices = #map}, {transform_indices = #map1}, {transform_indices = #map}]} {
    %mul3A = arith.constant 16 : i32
    %mul3A_0 = arith.muli %arg0, %mul3A : i32
    %add3A = arith.addi %mul3A_0, %arg1 : i32
    %mul3A_1 = arith.constant 640 : i32
    %mul3A_2 = arith.muli %arg1, %mul3A_1 : i32
    "tpu.region"() ({
      %run_scoped3A_259 = tpu.sem_alloc : memref<!tpu.dma_semaphore, #tpu.memory_space<semaphore_mem>>
      %dma_start3A_260 = arith.constant 0 : i32
      %dma_start3A_261 = tpu.memref_slice %arg18[%mul3A_2, %dma_start3A_260] : memref<10240x16xf32, #tpu.memory_space<vmem_shared>> -> memref<640x16xf32, #tpu.memory_space<vmem_shared>>
      %dma_start3A_262 = arith.constant 0 : i32
      %dma_start3A_263 = tpu.memref_slice %arg8[%mul3A_2, %dma_start3A_262] : memref<10240x16xf32, #tpu.memory_space<hbm>> -> memref<640x16xf32, #tpu.memory_space<hbm>>
      tpu.enqueue_dma source(%dma_start3A_263 : memref<640x16xf32, #tpu.memory_space<hbm>>) target(%dma_start3A_261 : memref<640x16xf32, #tpu.memory_space<vmem_shared>>) target_semaphore(%run_scoped3A_259 : memref<!tpu.dma_semaphore, #tpu.memory_space<semaphore_mem>>)
      %dma_wait3A_264 = arith.constant 0 : i32
      %dma_wait3A_265 = tpu.memref_slice %arg18[%mul3A_2, %dma_wait3A_264] : memref<10240x16xf32, #tpu.memory_space<vmem_shared>> -> memref<640x16xf32, #tpu.memory_space<vmem_shared>>
      %dma_wait3A_266 = arith.constant 0 : i32
      %dma_wait3A_267 = tpu.memref_slice %arg8[%mul3A_2, %dma_wait3A_266] : memref<10240x16xf32, #tpu.memory_space<hbm>> -> memref<640x16xf32, #tpu.memory_space<hbm>>
      tpu.wait_dma2 semaphore(%run_scoped3A_259 : memref<!tpu.dma_semaphore, #tpu.memory_space<semaphore_mem>>) src(%dma_wait3A_267 : memref<640x16xf32, #tpu.memory_space<hbm>>) dst(%dma_wait3A_265 : memref<640x16xf32, #tpu.memory_space<vmem_shared>>)
      tpu.yield
    }) : () -> ()
    "tpu.region"() ({
      %run_scoped3A_259 = tpu.sem_alloc : memref<!tpu.dma_semaphore, #tpu.memory_space<semaphore_mem>>
      %dma_start3A_260 = arith.constant 0 : i32
      %dma_start3A_261 = arith.constant 0 : i32
      %dma_start3A_262 = tpu.memref_slice %arg6[%add3A, %dma_start3A_260, %dma_start3A_261] : memref<32x80x128xi32, #tpu.memory_space<hbm>> -> memref<1x80x128xi32, #tpu.memory_space<hbm>>
      %dma_start3A_263 = tpu.memref_squeeze %dma_start3A_262 : memref<1x80x128xi32, #tpu.memory_space<hbm>> -> memref<80x128xi32, #tpu.memory_space<hbm>>
      %dma_start3A_264 = arith.constant 0 : i32
      %dma_start3A_265 = arith.constant 0 : i32
      %dma_start3A_266 = tpu.memref_slice %arg6[%add3A, %dma_start3A_264, %dma_start3A_265] : memref<32x80x128xi32, #tpu.memory_space<hbm>> -> memref<1x80x128xi32, #tpu.memory_space<hbm>>
      %dma_start3A_267 = tpu.memref_squeeze %dma_start3A_266 : memref<1x80x128xi32, #tpu.memory_space<hbm>> -> memref<80x128xi32, #tpu.memory_space<hbm>>
      tpu.enqueue_dma source(%dma_start3A_267 : memref<80x128xi32, #tpu.memory_space<hbm>>) target(%arg11 : memref<80x128xi32, #tpu.memory_space<vmem>>) target_semaphore(%run_scoped3A_259 : memref<!tpu.dma_semaphore, #tpu.memory_space<semaphore_mem>>)
      %dma_wait3A_268 = arith.constant 0 : i32
      %dma_wait3A_269 = arith.constant 0 : i32
      %dma_wait3A_270 = tpu.memref_slice %arg6[%add3A, %dma_wait3A_268, %dma_wait3A_269] : memref<32x80x128xi32, #tpu.memory_space<hbm>> -> memref<1x80x128xi32, #tpu.memory_space<hbm>>
      %dma_wait3A_271 = tpu.memref_squeeze %dma_wait3A_270 : memref<1x80x128xi32, #tpu.memory_space<hbm>> -> memref<80x128xi32, #tpu.memory_space<hbm>>
      %dma_wait3A_272 = arith.constant 0 : i32
      %dma_wait3A_273 = arith.constant 0 : i32
      %dma_wait3A_274 = tpu.memref_slice %arg6[%add3A, %dma_wait3A_272, %dma_wait3A_273] : memref<32x80x128xi32, #tpu.memory_space<hbm>> -> memref<1x80x128xi32, #tpu.memory_space<hbm>>
      %dma_wait3A_275 = tpu.memref_squeeze %dma_wait3A_274 : memref<1x80x128xi32, #tpu.memory_space<hbm>> -> memref<80x128xi32, #tpu.memory_space<hbm>>
      tpu.wait_dma2 semaphore(%run_scoped3A_259 : memref<!tpu.dma_semaphore, #tpu.memory_space<semaphore_mem>>) src(%dma_wait3A_275 : memref<80x128xi32, #tpu.memory_space<hbm>>) dst(%arg11 : memref<80x128xi32, #tpu.memory_space<vmem>>)
      tpu.yield
    }) : () -> ()
    "tpu.region"() ({
      %run_scoped3A_259 = tpu.sem_alloc : memref<!tpu.dma_semaphore, #tpu.memory_space<semaphore_mem>>
      %dma_start3A_260 = arith.constant 0 : i32
      %dma_start3A_261 = arith.constant 0 : i32
      %dma_start3A_262 = tpu.memref_slice %arg7[%add3A, %dma_start3A_260, %dma_start3A_261] : memref<32x80x128xi32, #tpu.memory_space<hbm>> -> memref<1x80x128xi32, #tpu.memory_space<hbm>>
      %dma_start3A_263 = tpu.memref_squeeze %dma_start3A_262 : memref<1x80x128xi32, #tpu.memory_space<hbm>> -> memref<80x128xi32, #tpu.memory_space<hbm>>
      %dma_start3A_264 = arith.constant 0 : i32
      %dma_start3A_265 = arith.constant 0 : i32
      %dma_start3A_266 = tpu.memref_slice %arg7[%add3A, %dma_start3A_264, %dma_start3A_265] : memref<32x80x128xi32, #tpu.memory_space<hbm>> -> memref<1x80x128xi32, #tpu.memory_space<hbm>>
      %dma_start3A_267 = tpu.memref_squeeze %dma_start3A_266 : memref<1x80x128xi32, #tpu.memory_space<hbm>> -> memref<80x128xi32, #tpu.memory_space<hbm>>
      tpu.enqueue_dma source(%dma_start3A_267 : memref<80x128xi32, #tpu.memory_space<hbm>>) target(%arg12 : memref<80x128xi32, #tpu.memory_space<vmem>>) target_semaphore(%run_scoped3A_259 : memref<!tpu.dma_semaphore, #tpu.memory_space<semaphore_mem>>)
      %dma_wait3A_268 = arith.constant 0 : i32
      %dma_wait3A_269 = arith.constant 0 : i32
      %dma_wait3A_270 = tpu.memref_slice %arg7[%add3A, %dma_wait3A_268, %dma_wait3A_269] : memref<32x80x128xi32, #tpu.memory_space<hbm>> -> memref<1x80x128xi32, #tpu.memory_space<hbm>>
      %dma_wait3A_271 = tpu.memref_squeeze %dma_wait3A_270 : memref<1x80x128xi32, #tpu.memory_space<hbm>> -> memref<80x128xi32, #tpu.memory_space<hbm>>
      %dma_wait3A_272 = arith.constant 0 : i32
      %dma_wait3A_273 = arith.constant 0 : i32
      %dma_wait3A_274 = tpu.memref_slice %arg7[%add3A, %dma_wait3A_272, %dma_wait3A_273] : memref<32x80x128xi32, #tpu.memory_space<hbm>> -> memref<1x80x128xi32, #tpu.memory_space<hbm>>
      %dma_wait3A_275 = tpu.memref_squeeze %dma_wait3A_274 : memref<1x80x128xi32, #tpu.memory_space<hbm>> -> memref<80x128xi32, #tpu.memory_space<hbm>>
      tpu.wait_dma2 semaphore(%run_scoped3A_259 : memref<!tpu.dma_semaphore, #tpu.memory_space<semaphore_mem>>) src(%dma_wait3A_275 : memref<80x128xi32, #tpu.memory_space<hbm>>) dst(%arg12 : memref<80x128xi32, #tpu.memory_space<vmem>>)
      tpu.yield
    }) : () -> ()
    "tpu.region"() ({
      %run_scoped3A_259 = tpu.sem_alloc : memref<!tpu.dma_semaphore, #tpu.memory_space<semaphore_mem>>
      %dma_start3A_260 = arith.constant 0 : i32
      %dma_start3A_261 = tpu.memref_slice %arg2[%dma_start3A_260, %mul3A_2] : memref<32x10240xf32, #tpu.memory_space<hbm>> -> memref<32x640xf32, #tpu.memory_space<hbm>>
      %dma_start3A_262 = arith.constant 0 : i32
      %dma_start3A_263 = tpu.memref_slice %arg2[%dma_start3A_262, %mul3A_2] : memref<32x10240xf32, #tpu.memory_space<hbm>> -> memref<32x640xf32, #tpu.memory_space<hbm>>
      tpu.enqueue_dma source(%dma_start3A_263 : memref<32x640xf32, #tpu.memory_space<hbm>>) target(%arg14 : memref<32x640xf32, #tpu.memory_space<vmem>>) target_semaphore(%run_scoped3A_259 : memref<!tpu.dma_semaphore, #tpu.memory_space<semaphore_mem>>)
      %dma_wait3A_264 = arith.constant 0 : i32
      %dma_wait3A_265 = tpu.memref_slice %arg2[%dma_wait3A_264, %mul3A_2] : memref<32x10240xf32, #tpu.memory_space<hbm>> -> memref<32x640xf32, #tpu.memory_space<hbm>>
      %dma_wait3A_266 = arith.constant 0 : i32
      %dma_wait3A_267 = tpu.memref_slice %arg2[%dma_wait3A_266, %mul3A_2] : memref<32x10240xf32, #tpu.memory_space<hbm>> -> memref<32x640xf32, #tpu.memory_space<hbm>>
      tpu.wait_dma2 semaphore(%run_scoped3A_259 : memref<!tpu.dma_semaphore, #tpu.memory_space<semaphore_mem>>) src(%dma_wait3A_267 : memref<32x640xf32, #tpu.memory_space<hbm>>) dst(%arg14 : memref<32x640xf32, #tpu.memory_space<vmem>>)
      tpu.yield
    }) : () -> ()
    "tpu.region"() ({
      %run_scoped3A_259 = tpu.sem_alloc : memref<!tpu.dma_semaphore, #tpu.memory_space<semaphore_mem>>
      %dma_start3A_260 = arith.constant 0 : i32
      %dma_start3A_261 = tpu.memref_slice %arg3[%mul3A_2, %dma_start3A_260] : memref<10240x16xf32, #tpu.memory_space<hbm>> -> memref<640x16xf32, #tpu.memory_space<hbm>>
      %dma_start3A_262 = arith.constant 0 : i32
      %dma_start3A_263 = tpu.memref_slice %arg3[%mul3A_2, %dma_start3A_262] : memref<10240x16xf32, #tpu.memory_space<hbm>> -> memref<640x16xf32, #tpu.memory_space<hbm>>
      tpu.enqueue_dma source(%dma_start3A_263 : memref<640x16xf32, #tpu.memory_space<hbm>>) target(%arg15 : memref<640x16xf32, #tpu.memory_space<vmem>>) target_semaphore(%run_scoped3A_259 : memref<!tpu.dma_semaphore, #tpu.memory_space<semaphore_mem>>)
      %dma_wait3A_264 = arith.constant 0 : i32
      %dma_wait3A_265 = tpu.memref_slice %arg3[%mul3A_2, %dma_wait3A_264] : memref<10240x16xf32, #tpu.memory_space<hbm>> -> memref<640x16xf32, #tpu.memory_space<hbm>>
      %dma_wait3A_266 = arith.constant 0 : i32
      %dma_wait3A_267 = tpu.memref_slice %arg3[%mul3A_2, %dma_wait3A_266] : memref<10240x16xf32, #tpu.memory_space<hbm>> -> memref<640x16xf32, #tpu.memory_space<hbm>>
      tpu.wait_dma2 semaphore(%run_scoped3A_259 : memref<!tpu.dma_semaphore, #tpu.memory_space<semaphore_mem>>) src(%dma_wait3A_267 : memref<640x16xf32, #tpu.memory_space<hbm>>) dst(%arg15 : memref<640x16xf32, #tpu.memory_space<vmem>>)
      tpu.yield
    }) : () -> ()
    %run_scoped3A = arith.constant 0 : i32
    %run_scoped3A_3 = arith.constant 0 : i32
    "tpu.region"() ({
      %run_scoped3A_259 = tpu.sem_alloc : memref<!tpu.dma_semaphore, #tpu.memory_space<semaphore_mem>>
      %dma_start3A_260 = arith.constant 0 : i32
      %dma_start3A_261 = arith.constant 0 : i32
      %dma_start3A_262 = tpu.memref_slice %arg16[%run_scoped3A_3, %dma_start3A_260, %dma_start3A_261] : memref<2x640x16xf32, #tpu.memory_space<vmem>> -> memref<1x640x16xf32, #tpu.memory_space<vmem>>
      %dma_start3A_263 = tpu.memref_squeeze %dma_start3A_262 : memref<1x640x16xf32, #tpu.memory_space<vmem>> -> memref<640x16xf32, #tpu.memory_space<vmem>>
      %dma_start3A_264 = arith.constant 0 : i32
      %dma_start3A_265 = tpu.memref_slice %arg4[%run_scoped3A, %mul3A_2, %dma_start3A_264] : memref<2x10240x16xf32, #tpu.memory_space<hbm>> -> memref<1x640x16xf32, #tpu.memory_space<hbm>>
      %dma_start3A_266 = tpu.memref_squeeze %dma_start3A_265 : memref<1x640x16xf32, #tpu.memory_space<hbm>> -> memref<640x16xf32, #tpu.memory_space<hbm>>
      %dma_start3A_267 = arith.constant 0 : i32
      %dma_start3A_268 = arith.constant 0 : i32
      %dma_start3A_269 = tpu.memref_slice %arg16[%run_scoped3A_3, %dma_start3A_267, %dma_start3A_268] : memref<2x640x16xf32, #tpu.memory_space<vmem>> -> memref<1x640x16xf32, #tpu.memory_space<vmem>>
      %dma_start3A_270 = tpu.memref_squeeze %dma_start3A_269 : memref<1x640x16xf32, #tpu.memory_space<vmem>> -> memref<640x16xf32, #tpu.memory_space<vmem>>
      %dma_start3A_271 = arith.constant 0 : i32
      %dma_start3A_272 = tpu.memref_slice %arg4[%run_scoped3A, %mul3A_2, %dma_start3A_271] : memref<2x10240x16xf32, #tpu.memory_space<hbm>> -> memref<1x640x16xf32, #tpu.memory_space<hbm>>
      %dma_start3A_273 = tpu.memref_squeeze %dma_start3A_272 : memref<1x640x16xf32, #tpu.memory_space<hbm>> -> memref<640x16xf32, #tpu.memory_space<hbm>>
      tpu.enqueue_dma source(%dma_start3A_273 : memref<640x16xf32, #tpu.memory_space<hbm>>) target(%dma_start3A_270 : memref<640x16xf32, #tpu.memory_space<vmem>>) target_semaphore(%run_scoped3A_259 : memref<!tpu.dma_semaphore, #tpu.memory_space<semaphore_mem>>)
      %dma_wait3A_274 = arith.constant 0 : i32
      %dma_wait3A_275 = arith.constant 0 : i32
      %dma_wait3A_276 = tpu.memref_slice %arg16[%run_scoped3A_3, %dma_wait3A_274, %dma_wait3A_275] : memref<2x640x16xf32, #tpu.memory_space<vmem>> -> memref<1x640x16xf32, #tpu.memory_space<vmem>>
      %dma_wait3A_277 = tpu.memref_squeeze %dma_wait3A_276 : memref<1x640x16xf32, #tpu.memory_space<vmem>> -> memref<640x16xf32, #tpu.memory_space<vmem>>
      %dma_wait3A_278 = arith.constant 0 : i32
      %dma_wait3A_279 = tpu.memref_slice %arg4[%run_scoped3A, %mul3A_2, %dma_wait3A_278] : memref<2x10240x16xf32, #tpu.memory_space<hbm>> -> memref<1x640x16xf32, #tpu.memory_space<hbm>>
      %dma_wait3A_280 = tpu.memref_squeeze %dma_wait3A_279 : memref<1x640x16xf32, #tpu.memory_space<hbm>> -> memref<640x16xf32, #tpu.memory_space<hbm>>
      %dma_wait3A_281 = arith.constant 0 : i32
      %dma_wait3A_282 = arith.constant 0 : i32
      %dma_wait3A_283 = tpu.memref_slice %arg16[%run_scoped3A_3, %dma_wait3A_281, %dma_wait3A_282] : memref<2x640x16xf32, #tpu.memory_space<vmem>> -> memref<1x640x16xf32, #tpu.memory_space<vmem>>
      %dma_wait3A_284 = tpu.memref_squeeze %dma_wait3A_283 : memref<1x640x16xf32, #tpu.memory_space<vmem>> -> memref<640x16xf32, #tpu.memory_space<vmem>>
      %dma_wait3A_285 = arith.constant 0 : i32
      %dma_wait3A_286 = tpu.memref_slice %arg4[%run_scoped3A, %mul3A_2, %dma_wait3A_285] : memref<2x10240x16xf32, #tpu.memory_space<hbm>> -> memref<1x640x16xf32, #tpu.memory_space<hbm>>
      %dma_wait3A_287 = tpu.memref_squeeze %dma_wait3A_286 : memref<1x640x16xf32, #tpu.memory_space<hbm>> -> memref<640x16xf32, #tpu.memory_space<hbm>>
      tpu.wait_dma2 semaphore(%run_scoped3A_259 : memref<!tpu.dma_semaphore, #tpu.memory_space<semaphore_mem>>) src(%dma_wait3A_287 : memref<640x16xf32, #tpu.memory_space<hbm>>) dst(%dma_wait3A_284 : memref<640x16xf32, #tpu.memory_space<vmem>>)
      tpu.yield
    }) : () -> ()
    %run_scoped3A_4 = arith.constant 1 : i32
    %run_scoped3A_5 = arith.constant 1 : i32
    "tpu.region"() ({
      %run_scoped3A_259 = tpu.sem_alloc : memref<!tpu.dma_semaphore, #tpu.memory_space<semaphore_mem>>
      %dma_start3A_260 = arith.constant 0 : i32
      %dma_start3A_261 = arith.constant 0 : i32
      %dma_start3A_262 = tpu.memref_slice %arg16[%run_scoped3A_5, %dma_start3A_260, %dma_start3A_261] : memref<2x640x16xf32, #tpu.memory_space<vmem>> -> memref<1x640x16xf32, #tpu.memory_space<vmem>>
      %dma_start3A_263 = tpu.memref_squeeze %dma_start3A_262 : memref<1x640x16xf32, #tpu.memory_space<vmem>> -> memref<640x16xf32, #tpu.memory_space<vmem>>
      %dma_start3A_264 = arith.constant 0 : i32
      %dma_start3A_265 = tpu.memref_slice %arg4[%run_scoped3A_4, %mul3A_2, %dma_start3A_264] : memref<2x10240x16xf32, #tpu.memory_space<hbm>> -> memref<1x640x16xf32, #tpu.memory_space<hbm>>
      %dma_start3A_266 = tpu.memref_squeeze %dma_start3A_265 : memref<1x640x16xf32, #tpu.memory_space<hbm>> -> memref<640x16xf32, #tpu.memory_space<hbm>>
      %dma_start3A_267 = arith.constant 0 : i32
      %dma_start3A_268 = arith.constant 0 : i32
      %dma_start3A_269 = tpu.memref_slice %arg16[%run_scoped3A_5, %dma_start3A_267, %dma_start3A_268] : memref<2x640x16xf32, #tpu.memory_space<vmem>> -> memref<1x640x16xf32, #tpu.memory_space<vmem>>
      %dma_start3A_270 = tpu.memref_squeeze %dma_start3A_269 : memref<1x640x16xf32, #tpu.memory_space<vmem>> -> memref<640x16xf32, #tpu.memory_space<vmem>>
      %dma_start3A_271 = arith.constant 0 : i32
      %dma_start3A_272 = tpu.memref_slice %arg4[%run_scoped3A_4, %mul3A_2, %dma_start3A_271] : memref<2x10240x16xf32, #tpu.memory_space<hbm>> -> memref<1x640x16xf32, #tpu.memory_space<hbm>>
      %dma_start3A_273 = tpu.memref_squeeze %dma_start3A_272 : memref<1x640x16xf32, #tpu.memory_space<hbm>> -> memref<640x16xf32, #tpu.memory_space<hbm>>
      tpu.enqueue_dma source(%dma_start3A_273 : memref<640x16xf32, #tpu.memory_space<hbm>>) target(%dma_start3A_270 : memref<640x16xf32, #tpu.memory_space<vmem>>) target_semaphore(%run_scoped3A_259 : memref<!tpu.dma_semaphore, #tpu.memory_space<semaphore_mem>>)
      %dma_wait3A_274 = arith.constant 0 : i32
      %dma_wait3A_275 = arith.constant 0 : i32
      %dma_wait3A_276 = tpu.memref_slice %arg16[%run_scoped3A_5, %dma_wait3A_274, %dma_wait3A_275] : memref<2x640x16xf32, #tpu.memory_space<vmem>> -> memref<1x640x16xf32, #tpu.memory_space<vmem>>
      %dma_wait3A_277 = tpu.memref_squeeze %dma_wait3A_276 : memref<1x640x16xf32, #tpu.memory_space<vmem>> -> memref<640x16xf32, #tpu.memory_space<vmem>>
      %dma_wait3A_278 = arith.constant 0 : i32
      %dma_wait3A_279 = tpu.memref_slice %arg4[%run_scoped3A_4, %mul3A_2, %dma_wait3A_278] : memref<2x10240x16xf32, #tpu.memory_space<hbm>> -> memref<1x640x16xf32, #tpu.memory_space<hbm>>
      %dma_wait3A_280 = tpu.memref_squeeze %dma_wait3A_279 : memref<1x640x16xf32, #tpu.memory_space<hbm>> -> memref<640x16xf32, #tpu.memory_space<hbm>>
      %dma_wait3A_281 = arith.constant 0 : i32
      %dma_wait3A_282 = arith.constant 0 : i32
      %dma_wait3A_283 = tpu.memref_slice %arg16[%run_scoped3A_5, %dma_wait3A_281, %dma_wait3A_282] : memref<2x640x16xf32, #tpu.memory_space<vmem>> -> memref<1x640x16xf32, #tpu.memory_space<vmem>>
      %dma_wait3A_284 = tpu.memref_squeeze %dma_wait3A_283 : memref<1x640x16xf32, #tpu.memory_space<vmem>> -> memref<640x16xf32, #tpu.memory_space<vmem>>
      %dma_wait3A_285 = arith.constant 0 : i32
      %dma_wait3A_286 = tpu.memref_slice %arg4[%run_scoped3A_4, %mul3A_2, %dma_wait3A_285] : memref<2x10240x16xf32, #tpu.memory_space<hbm>> -> memref<1x640x16xf32, #tpu.memory_space<hbm>>
      %dma_wait3A_287 = tpu.memref_squeeze %dma_wait3A_286 : memref<1x640x16xf32, #tpu.memory_space<hbm>> -> memref<640x16xf32, #tpu.memory_space<hbm>>
      tpu.wait_dma2 semaphore(%run_scoped3A_259 : memref<!tpu.dma_semaphore, #tpu.memory_space<semaphore_mem>>) src(%dma_wait3A_287 : memref<640x16xf32, #tpu.memory_space<hbm>>) dst(%dma_wait3A_284 : memref<640x16xf32, #tpu.memory_space<vmem>>)
      tpu.yield
    }) : () -> ()
    "tpu.region"() ({
      %run_scoped3A_259 = tpu.sem_alloc : memref<!tpu.dma_semaphore, #tpu.memory_space<semaphore_mem>>
      tpu.enqueue_dma source(%arg5 : memref<16xf32, #tpu.memory_space<hbm>>) target(%arg17 : memref<16xf32, #tpu.memory_space<vmem>>) target_semaphore(%run_scoped3A_259 : memref<!tpu.dma_semaphore, #tpu.memory_space<semaphore_mem>>)
      tpu.wait_dma2 semaphore(%run_scoped3A_259 : memref<!tpu.dma_semaphore, #tpu.memory_space<semaphore_mem>>) src(%arg5 : memref<16xf32, #tpu.memory_space<hbm>>) dst(%arg17 : memref<16xf32, #tpu.memory_space<vmem>>)
      tpu.yield
    }) : () -> ()
    %scan3A = arith.constant 0 : i32
    %scan3A_6 = arith.constant 0 : i32
    %scan3A_7 = arith.constant 40 : i32
    %scan3A_8 = arith.addi %scan3A_6, %scan3A_7 : i32
    %scan3A_9 = arith.constant 1 : i32
    scf.for %scan3A_259 = %scan3A_6 to %scan3A_8 step %scan3A_9  : i32 {
      %mul3A_260 = arith.constant 16 : i32
      %mul3A_261 = arith.muli %scan3A_259, %mul3A_260 : i32
      %multiple_of3A = tpu.assume_multiple %mul3A_261, 16 : i32
      %get3A = arith.constant 0 : i32
      %get3A_262 = arith.index_cast %get3A : i32 to index
      %get3A_263 = arith.index_cast %multiple_of3A : i32 to index
      %get3A_264 = tpu.vector_load %arg14[%get3A_262, %get3A_263] {strides = array<i32>} : memref<32x640xf32, #tpu.memory_space<vmem>>, vector<16xf32>,
      %get3A_265 = arith.constant 1 : i32
      %get3A_266 = arith.index_cast %get3A_265 : i32 to index
      %get3A_267 = arith.index_cast %multiple_of3A : i32 to index
      %get3A_268 = tpu.vector_load %arg14[%get3A_266, %get3A_267] {strides = array<i32>} : memref<32x640xf32, #tpu.memory_space<vmem>>, vector<16xf32>,
      %add3A_269 = arith.addf %get3A_264, %get3A_268 : vector<16xf32>
      %get3A_270 = arith.constant 2 : i32
      %get3A_271 = arith.index_cast %get3A_270 : i32 to index
      %get3A_272 = arith.index_cast %multiple_of3A : i32 to index
      %get3A_273 = tpu.vector_load %arg14[%get3A_271, %get3A_272] {strides = array<i32>} : memref<32x640xf32, #tpu.memory_space<vmem>>, vector<16xf32>,
      %add3A_274 = arith.addf %add3A_269, %get3A_273 : vector<16xf32>
      %get3A_275 = arith.constant 3 : i32
      %get3A_276 = arith.index_cast %get3A_275 : i32 to index
      %get3A_277 = arith.index_cast %multiple_of3A : i32 to index
      %get3A_278 = tpu.vector_load %arg14[%get3A_276, %get3A_277] {strides = array<i32>} : memref<32x640xf32, #tpu.memory_space<vmem>>, vector<16xf32>,
      %add3A_279 = arith.addf %add3A_274, %get3A_278 : vector<16xf32>
      %get3A_280 = arith.constant 4 : i32
      %get3A_281 = arith.index_cast %get3A_280 : i32 to index
      %get3A_282 = arith.index_cast %multiple_of3A : i32 to index
      %get3A_283 = tpu.vector_load %arg14[%get3A_281, %get3A_282] {strides = array<i32>} : memref<32x640xf32, #tpu.memory_space<vmem>>, vector<16xf32>,
      %add3A_284 = arith.addf %add3A_279, %get3A_283 : vector<16xf32>
      %get3A_285 = arith.constant 5 : i32
      %get3A_286 = arith.index_cast %get3A_285 : i32 to index
      %get3A_287 = arith.index_cast %multiple_of3A : i32 to index
      %get3A_288 = tpu.vector_load %arg14[%get3A_286, %get3A_287] {strides = array<i32>} : memref<32x640xf32, #tpu.memory_space<vmem>>, vector<16xf32>,
      %add3A_289 = arith.addf %add3A_284, %get3A_288 : vector<16xf32>
      %get3A_290 = arith.constant 6 : i32
      %get3A_291 = arith.index_cast %get3A_290 : i32 to index
      %get3A_292 = arith.index_cast %multiple_of3A : i32 to index
      %get3A_293 = tpu.vector_load %arg14[%get3A_291, %get3A_292] {strides = array<i32>} : memref<32x640xf32, #tpu.memory_space<vmem>>, vector<16xf32>,
      %add3A_294 = arith.addf %add3A_289, %get3A_293 : vector<16xf32>
      %get3A_295 = arith.constant 7 : i32
      %get3A_296 = arith.index_cast %get3A_295 : i32 to index
      %get3A_297 = arith.index_cast %multiple_of3A : i32 to index
      %get3A_298 = tpu.vector_load %arg14[%get3A_296, %get3A_297] {strides = array<i32>} : memref<32x640xf32, #tpu.memory_space<vmem>>, vector<16xf32>,
      %add3A_299 = arith.addf %add3A_294, %get3A_298 : vector<16xf32>
      %get3A_300 = arith.constant 8 : i32
      %get3A_301 = arith.index_cast %get3A_300 : i32 to index
      %get3A_302 = arith.index_cast %multiple_of3A : i32 to index
      %get3A_303 = tpu.vector_load %arg14[%get3A_301, %get3A_302] {strides = array<i32>} : memref<32x640xf32, #tpu.memory_space<vmem>>, vector<16xf32>,
      %add3A_304 = arith.addf %add3A_299, %get3A_303 : vector<16xf32>
      %get3A_305 = arith.constant 9 : i32
      %get3A_306 = arith.index_cast %get3A_305 : i32 to index
      %get3A_307 = arith.index_cast %multiple_of3A : i32 to index
      %get3A_308 = tpu.vector_load %arg14[%get3A_306, %get3A_307] {strides = array<i32>} : memref<32x640xf32, #tpu.memory_space<vmem>>, vector<16xf32>,
      %add3A_309 = arith.addf %add3A_304, %get3A_308 : vector<16xf32>
      %get3A_310 = arith.constant 10 : i32
      %get3A_311 = arith.index_cast %get3A_310 : i32 to index
      %get3A_312 = arith.index_cast %multiple_of3A : i32 to index
      %get3A_313 = tpu.vector_load %arg14[%get3A_311, %get3A_312] {strides = array<i32>} : memref<32x640xf32, #tpu.memory_space<vmem>>, vector<16xf32>,
      %add3A_314 = arith.addf %add3A_309, %get3A_313 : vector<16xf32>
      %get3A_315 = arith.constant 11 : i32
      %get3A_316 = arith.index_cast %get3A_315 : i32 to index
      %get3A_317 = arith.index_cast %multiple_of3A : i32 to index
      %get3A_318 = tpu.vector_load %arg14[%get3A_316, %get3A_317] {strides = array<i32>} : memref<32x640xf32, #tpu.memory_space<vmem>>, vector<16xf32>,
      %add3A_319 = arith.addf %add3A_314, %get3A_318 : vector<16xf32>
      %get3A_320 = arith.constant 12 : i32
      %get3A_321 = arith.index_cast %get3A_320 : i32 to index
      %get3A_322 = arith.index_cast %multiple_of3A : i32 to index
      %get3A_323 = tpu.vector_load %arg14[%get3A_321, %get3A_322] {strides = array<i32>} : memref<32x640xf32, #tpu.memory_space<vmem>>, vector<16xf32>,
      %add3A_324 = arith.addf %add3A_319, %get3A_323 : vector<16xf32>
      %get3A_325 = arith.constant 13 : i32
      %get3A_326 = arith.index_cast %get3A_325 : i32 to index
      %get3A_327 = arith.index_cast %multiple_of3A : i32 to index
      %get3A_328 = tpu.vector_load %arg14[%get3A_326, %get3A_327] {strides = array<i32>} : memref<32x640xf32, #tpu.memory_space<vmem>>, vector<16xf32>,
      %add3A_329 = arith.addf %add3A_324, %get3A_328 : vector<16xf32>
      %get3A_330 = arith.constant 14 : i32
      %get3A_331 = arith.index_cast %get3A_330 : i32 to index
      %get3A_332 = arith.index_cast %multiple_of3A : i32 to index
      %get3A_333 = tpu.vector_load %arg14[%get3A_331, %get3A_332] {strides = array<i32>} : memref<32x640xf32, #tpu.memory_space<vmem>>, vector<16xf32>,
      %add3A_334 = arith.addf %add3A_329, %get3A_333 : vector<16xf32>
      %get3A_335 = arith.constant 15 : i32
      %get3A_336 = arith.index_cast %get3A_335 : i32 to index
      %get3A_337 = arith.index_cast %multiple_of3A : i32 to index
      %get3A_338 = tpu.vector_load %arg14[%get3A_336, %get3A_337] {strides = array<i32>} : memref<32x640xf32, #tpu.memory_space<vmem>>, vector<16xf32>,
      %add3A_339 = arith.addf %add3A_334, %get3A_338 : vector<16xf32>
      %get3A_340 = arith.constant 16 : i32
      %get3A_341 = arith.index_cast %get3A_340 : i32 to index
      %get3A_342 = arith.index_cast %multiple_of3A : i32 to index
      %get3A_343 = tpu.vector_load %arg14[%get3A_341, %get3A_342] {strides = array<i32>} : memref<32x640xf32, #tpu.memory_space<vmem>>, vector<16xf32>,
      %add3A_344 = arith.addf %add3A_339, %get3A_343 : vector<16xf32>
      %get3A_345 = arith.constant 17 : i32
      %get3A_346 = arith.index_cast %get3A_345 : i32 to index
      %get3A_347 = arith.index_cast %multiple_of3A : i32 to index
      %get3A_348 = tpu.vector_load %arg14[%get3A_346, %get3A_347] {strides = array<i32>} : memref<32x640xf32, #tpu.memory_space<vmem>>, vector<16xf32>,
      %add3A_349 = arith.addf %add3A_344, %get3A_348 : vector<16xf32>
      %get3A_350 = arith.constant 18 : i32
      %get3A_351 = arith.index_cast %get3A_350 : i32 to index
      %get3A_352 = arith.index_cast %multiple_of3A : i32 to index
      %get3A_353 = tpu.vector_load %arg14[%get3A_351, %get3A_352] {strides = array<i32>} : memref<32x640xf32, #tpu.memory_space<vmem>>, vector<16xf32>,
      %add3A_354 = arith.addf %add3A_349, %get3A_353 : vector<16xf32>
      %get3A_355 = arith.constant 19 : i32
      %get3A_356 = arith.index_cast %get3A_355 : i32 to index
      %get3A_357 = arith.index_cast %multiple_of3A : i32 to index
      %get3A_358 = tpu.vector_load %arg14[%get3A_356, %get3A_357] {strides = array<i32>} : memref<32x640xf32, #tpu.memory_space<vmem>>, vector<16xf32>,
      %add3A_359 = arith.addf %add3A_354, %get3A_358 : vector<16xf32>
      %get3A_360 = arith.constant 20 : i32
      %get3A_361 = arith.index_cast %get3A_360 : i32 to index
      %get3A_362 = arith.index_cast %multiple_of3A : i32 to index
      %get3A_363 = tpu.vector_load %arg14[%get3A_361, %get3A_362] {strides = array<i32>} : memref<32x640xf32, #tpu.memory_space<vmem>>, vector<16xf32>,
      %add3A_364 = arith.addf %add3A_359, %get3A_363 : vector<16xf32>
      %get3A_365 = arith.constant 21 : i32
      %get3A_366 = arith.index_cast %get3A_365 : i32 to index
      %get3A_367 = arith.index_cast %multiple_of3A : i32 to index
      %get3A_368 = tpu.vector_load %arg14[%get3A_366, %get3A_367] {strides = array<i32>} : memref<32x640xf32, #tpu.memory_space<vmem>>, vector<16xf32>,
      %add3A_369 = arith.addf %add3A_364, %get3A_368 : vector<16xf32>
      %get3A_370 = arith.constant 22 : i32
      %get3A_371 = arith.index_cast %get3A_370 : i32 to index
      %get3A_372 = arith.index_cast %multiple_of3A : i32 to index
      %get3A_373 = tpu.vector_load %arg14[%get3A_371, %get3A_372] {strides = array<i32>} : memref<32x640xf32, #tpu.memory_space<vmem>>, vector<16xf32>,
      %add3A_374 = arith.addf %add3A_369, %get3A_373 : vector<16xf32>
      %get3A_375 = arith.constant 23 : i32
      %get3A_376 = arith.index_cast %get3A_375 : i32 to index
      %get3A_377 = arith.index_cast %multiple_of3A : i32 to index
      %get3A_378 = tpu.vector_load %arg14[%get3A_376, %get3A_377] {strides = array<i32>} : memref<32x640xf32, #tpu.memory_space<vmem>>, vector<16xf32>,
      %add3A_379 = arith.addf %add3A_374, %get3A_378 : vector<16xf32>
      %get3A_380 = arith.constant 24 : i32
      %get3A_381 = arith.index_cast %get3A_380 : i32 to index
      %get3A_382 = arith.index_cast %multiple_of3A : i32 to index
      %get3A_383 = tpu.vector_load %arg14[%get3A_381, %get3A_382] {strides = array<i32>} : memref<32x640xf32, #tpu.memory_space<vmem>>, vector<16xf32>,
      %add3A_384 = arith.addf %add3A_379, %get3A_383 : vector<16xf32>
      %get3A_385 = arith.constant 25 : i32
      %get3A_386 = arith.index_cast %get3A_385 : i32 to index
      %get3A_387 = arith.index_cast %multiple_of3A : i32 to index
      %get3A_388 = tpu.vector_load %arg14[%get3A_386, %get3A_387] {strides = array<i32>} : memref<32x640xf32, #tpu.memory_space<vmem>>, vector<16xf32>,
      %add3A_389 = arith.addf %add3A_384, %get3A_388 : vector<16xf32>
      %get3A_390 = arith.constant 26 : i32
      %get3A_391 = arith.index_cast %get3A_390 : i32 to index
      %get3A_392 = arith.index_cast %multiple_of3A : i32 to index
      %get3A_393 = tpu.vector_load %arg14[%get3A_391, %get3A_392] {strides = array<i32>} : memref<32x640xf32, #tpu.memory_space<vmem>>, vector<16xf32>,
      %add3A_394 = arith.addf %add3A_389, %get3A_393 : vector<16xf32>
      %get3A_395 = arith.constant 27 : i32
      %get3A_396 = arith.index_cast %get3A_395 : i32 to index
      %get3A_397 = arith.index_cast %multiple_of3A : i32 to index
      %get3A_398 = tpu.vector_load %arg14[%get3A_396, %get3A_397] {strides = array<i32>} : memref<32x640xf32, #tpu.memory_space<vmem>>, vector<16xf32>,
      %add3A_399 = arith.addf %add3A_394, %get3A_398 : vector<16xf32>
      %get3A_400 = arith.constant 28 : i32
      %get3A_401 = arith.index_cast %get3A_400 : i32 to index
      %get3A_402 = arith.index_cast %multiple_of3A : i32 to index
      %get3A_403 = tpu.vector_load %arg14[%get3A_401, %get3A_402] {strides = array<i32>} : memref<32x640xf32, #tpu.memory_space<vmem>>, vector<16xf32>,
      %add3A_404 = arith.addf %add3A_399, %get3A_403 : vector<16xf32>
      %get3A_405 = arith.constant 29 : i32
      %get3A_406 = arith.index_cast %get3A_405 : i32 to index
      %get3A_407 = arith.index_cast %multiple_of3A : i32 to index
      %get3A_408 = tpu.vector_load %arg14[%get3A_406, %get3A_407] {strides = array<i32>} : memref<32x640xf32, #tpu.memory_space<vmem>>, vector<16xf32>,
      %add3A_409 = arith.addf %add3A_404, %get3A_408 : vector<16xf32>
      %get3A_410 = arith.constant 30 : i32
      %get3A_411 = arith.index_cast %get3A_410 : i32 to index
      %get3A_412 = arith.index_cast %multiple_of3A : i32 to index
      %get3A_413 = tpu.vector_load %arg14[%get3A_411, %get3A_412] {strides = array<i32>} : memref<32x640xf32, #tpu.memory_space<vmem>>, vector<16xf32>,
      %add3A_414 = arith.addf %add3A_409, %get3A_413 : vector<16xf32>
      %get3A_415 = arith.constant 31 : i32
      %get3A_416 = arith.index_cast %get3A_415 : i32 to index
      %get3A_417 = arith.index_cast %multiple_of3A : i32 to index
      %get3A_418 = tpu.vector_load %arg14[%get3A_416, %get3A_417] {strides = array<i32>} : memref<32x640xf32, #tpu.memory_space<vmem>>, vector<16xf32>,
      %add3A_419 = arith.addf %add3A_414, %get3A_418 : vector<16xf32>
      %add3A_420 = arith.constant 1.000000e+00 : f32
      %add3A_421 = vector.broadcast %add3A_420 : f32 to vector<16xf32>
      %add3A_422 = arith.addf %add3A_419, %add3A_421 : vector<16xf32>
      %bitcast3A = vector.bitcast %add3A_422 : vector<16xf32> to vector<16xi32>
      %shift_right_arithmetic3A = arith.constant 1 : i32
      %shift_right_arithmetic3A_423 = vector.broadcast %shift_right_arithmetic3A : i32 to vector<16xi32>
      %shift_right_arithmetic3A_424 = arith.shrsi %bitcast3A, %shift_right_arithmetic3A_423 : vector<16xi32>
      %sub3A = arith.constant 1597463007 : i32
      %sub3A_425 = vector.broadcast %sub3A : i32 to vector<16xi32>
      %sub3A_426 = arith.subi %sub3A_425, %shift_right_arithmetic3A_424 : vector<16xi32>
      %bitcast3A_427 = vector.bitcast %sub3A_426 : vector<16xi32> to vector<16xf32>
      %mul3A_428 = arith.constant 5.000000e-01 : f32
      %mul3A_429 = vector.broadcast %mul3A_428 : f32 to vector<16xf32>
      %mul3A_430 = arith.mulf %mul3A_429, %add3A_422 : vector<16xf32>
      %mul3A_431 = arith.mulf %mul3A_430, %bitcast3A_427 : vector<16xf32>
      %mul3A_432 = arith.mulf %mul3A_431, %bitcast3A_427 : vector<16xf32>
      %sub3A_433 = arith.constant 1.500000e+00 : f32
      %sub3A_434 = vector.broadcast %sub3A_433 : f32 to vector<16xf32>
      %sub3A_435 = arith.subf %sub3A_434, %mul3A_432 : vector<16xf32>
      %mul3A_436 = arith.mulf %bitcast3A_427, %sub3A_435 : vector<16xf32>
      %mul3A_437 = arith.constant 5.000000e-01 : f32
      %mul3A_438 = vector.broadcast %mul3A_437 : f32 to vector<16xf32>
      %mul3A_439 = arith.mulf %mul3A_438, %add3A_422 : vector<16xf32>
      %mul3A_440 = arith.mulf %mul3A_439, %mul3A_436 : vector<16xf32>
      %mul3A_441 = arith.mulf %mul3A_440, %mul3A_436 : vector<16xf32>
      %sub3A_442 = arith.constant 1.500000e+00 : f32
      %sub3A_443 = vector.broadcast %sub3A_442 : f32 to vector<16xf32>
      %sub3A_444 = arith.subf %sub3A_443, %mul3A_441 : vector<16xf32>
      %mul3A_445 = arith.mulf %mul3A_436, %sub3A_444 : vector<16xf32>
      %mul3A_446 = arith.constant 5.000000e-01 : f32
      %mul3A_447 = vector.broadcast %mul3A_446 : f32 to vector<16xf32>
      %mul3A_448 = arith.mulf %mul3A_447, %add3A_422 : vector<16xf32>
      %mul3A_449 = arith.mulf %mul3A_448, %mul3A_445 : vector<16xf32>
      %mul3A_450 = arith.mulf %mul3A_449, %mul3A_445 : vector<16xf32>
      %sub3A_451 = arith.constant 1.500000e+00 : f32
      %sub3A_452 = vector.broadcast %sub3A_451 : f32 to vector<16xf32>
      %sub3A_453 = arith.subf %sub3A_452, %mul3A_450 : vector<16xf32>
      %mul3A_454 = arith.mulf %mul3A_445, %sub3A_453 : vector<16xf32>
      %broadcast_in_dim3A = arith.constant 0 : i32
      %broadcast_in_dim3A_455 = vector.broadcast %broadcast_in_dim3A : i32 to vector<16x1xi32>
      %gather3A = vector.shape_cast %broadcast_in_dim3A_455 : vector<16x1xi32> to vector<16xi32>
      %gather3A_456 = tpu.dynamic_gather %mul3A_454[%gather3A] in [0] : vector<16xf32>, vector<16xi32> -> vector<16xf32>
      %add3A_457 = arith.constant 0 : i32
      %add3A_458 = arith.addi %multiple_of3A, %add3A_457 : i32
      %get3A_459 = arith.index_cast %add3A_458 : i32 to index
      %get3A_460 = arith.constant 0 : index
      %get3A_461 = tpu.vector_load %arg15[%get3A_459, %get3A_460] {strides = array<i32>} : memref<640x16xf32, #tpu.memory_space<vmem>>, vector<16xf32>,
      %mul3A_462 = arith.mulf %gather3A_456, %get3A_461 : vector<16xf32>
      %add3A_463 = arith.constant 0 : i32
      %add3A_464 = arith.addi %multiple_of3A, %add3A_463 : i32
      %get3A_465 = arith.constant 0 : i32
      %get3A_466 = arith.index_cast %get3A_465 : i32 to index
      %get3A_467 = arith.index_cast %add3A_464 : i32 to index
      %get3A_468 = arith.constant 0 : index
      %get3A_469 = tpu.vector_load %arg16[%get3A_466, %get3A_467, %get3A_468] {strides = array<i32>} : memref<2x640x16xf32, #tpu.memory_space<vmem>>, vector<16xf32>,
      %add3A_470 = arith.constant 0 : i32
      %add3A_471 = arith.addi %multiple_of3A, %add3A_470 : i32
      %get3A_472 = arith.constant 1 : i32
      %get3A_473 = arith.index_cast %get3A_472 : i32 to index
      %get3A_474 = arith.index_cast %add3A_471 : i32 to index
      %get3A_475 = arith.constant 0 : index
      %get3A_476 = tpu.vector_load %arg16[%get3A_473, %get3A_474, %get3A_475] {strides = array<i32>} : memref<2x640x16xf32, #tpu.memory_space<vmem>>, vector<16xf32>,
      %add3A_477 = arith.addf %get3A_469, %get3A_476 : vector<16xf32>
      %add3A_478 = arith.addf %add3A_477, %mul3A_462 : vector<16xf32>
      %mul3A_479 = arith.mulf %gather3A_456, %add3A_478 : vector<16xf32>
      %get3A_480 = arith.constant 0 : index
      %get3A_481 = tpu.vector_load %arg17[%get3A_480] {strides = array<i32>} : memref<16xf32, #tpu.memory_space<vmem>>, vector<16xf32>,
      %add3A_482 = arith.addf %mul3A_479, %get3A_481 : vector<16xf32>
      %max3A = arith.constant 0.000000e+00 : f32
      %max3A_483 = vector.broadcast %max3A : f32 to vector<16xf32>
      %max3A_484 = arith.maximumf %add3A_482, %max3A_483 : vector<16xf32>
      %mul3A_485 = arith.mulf %gather3A_456, %max3A_484 : vector<16xf32>
      %add3A_486 = arith.constant 0 : i32
      %add3A_487 = arith.addi %multiple_of3A, %add3A_486 : i32
      %swap3A = arith.index_cast %add3A_487 : i32 to index
      %swap3A_488 = arith.constant 0 : index
      %swap3A_489 = tpu.vector_load %arg15[%swap3A, %swap3A_488] {strides = array<i32>} : memref<640x16xf32, #tpu.memory_space<vmem>>, vector<16xf32>,
      tpu.vector_store %arg15[%swap3A, %swap3A_488], %mul3A_485 {strides = array<i32>} : memref<640x16xf32, #tpu.memory_space<vmem>>, vector<16xf32>,
      %broadcast_in_dim3A_490 = arith.constant 1 : i32
      %broadcast_in_dim3A_491 = vector.broadcast %broadcast_in_dim3A_490 : i32 to vector<16x1xi32>
      %gather3A_492 = vector.shape_cast %broadcast_in_dim3A_491 : vector<16x1xi32> to vector<16xi32>
      %gather3A_493 = tpu.dynamic_gather %mul3A_454[%gather3A_492] in [0] : vector<16xf32>, vector<16xi32> -> vector<16xf32>
      %add3A_494 = arith.constant 1 : i32
      %add3A_495 = arith.addi %multiple_of3A, %add3A_494 : i32
      %get3A_496 = arith.index_cast %add3A_495 : i32 to index
      %get3A_497 = arith.constant 0 : index
      %get3A_498 = tpu.vector_load %arg15[%get3A_496, %get3A_497] {strides = array<i32>} : memref<640x16xf32, #tpu.memory_space<vmem>>, vector<16xf32>,
      %mul3A_499 = arith.mulf %gather3A_493, %get3A_498 : vector<16xf32>
      %add3A_500 = arith.constant 1 : i32
      %add3A_501 = arith.addi %multiple_of3A, %add3A_500 : i32
      %get3A_502 = arith.constant 0 : i32
      %get3A_503 = arith.index_cast %get3A_502 : i32 to index
      %get3A_504 = arith.index_cast %add3A_501 : i32 to index
      %get3A_505 = arith.constant 0 : index
      %get3A_506 = tpu.vector_load %arg16[%get3A_503, %get3A_504, %get3A_505] {strides = array<i32>} : memref<2x640x16xf32, #tpu.memory_space<vmem>>, vector<16xf32>,
      %add3A_507 = arith.constant 1 : i32
      %add3A_508 = arith.addi %multiple_of3A, %add3A_507 : i32
      %get3A_509 = arith.constant 1 : i32
      %get3A_510 = arith.index_cast %get3A_509 : i32 to index
      %get3A_511 = arith.index_cast %add3A_508 : i32 to index
      %get3A_512 = arith.constant 0 : index
      %get3A_513 = tpu.vector_load %arg16[%get3A_510, %get3A_511, %get3A_512] {strides = array<i32>} : memref<2x640x16xf32, #tpu.memory_space<vmem>>, vector<16xf32>,
      %add3A_514 = arith.addf %get3A_506, %get3A_513 : vector<16xf32>
      %add3A_515 = arith.addf %add3A_514, %mul3A_499 : vector<16xf32>
      %mul3A_516 = arith.mulf %gather3A_493, %add3A_515 : vector<16xf32>
      %get3A_517 = arith.constant 0 : index
      %get3A_518 = tpu.vector_load %arg17[%get3A_517] {strides = array<i32>} : memref<16xf32, #tpu.memory_space<vmem>>, vector<16xf32>,
      %add3A_519 = arith.addf %mul3A_516, %get3A_518 : vector<16xf32>
      %max3A_520 = arith.constant 0.000000e+00 : f32
      %max3A_521 = vector.broadcast %max3A_520 : f32 to vector<16xf32>
      %max3A_522 = arith.maximumf %add3A_519, %max3A_521 : vector<16xf32>
      %mul3A_523 = arith.mulf %gather3A_493, %max3A_522 : vector<16xf32>
      %add3A_524 = arith.constant 1 : i32
      %add3A_525 = arith.addi %multiple_of3A, %add3A_524 : i32
      %swap3A_526 = arith.index_cast %add3A_525 : i32 to index
      %swap3A_527 = arith.constant 0 : index
      %swap3A_528 = tpu.vector_load %arg15[%swap3A_526, %swap3A_527] {strides = array<i32>} : memref<640x16xf32, #tpu.memory_space<vmem>>, vector<16xf32>,
      tpu.vector_store %arg15[%swap3A_526, %swap3A_527], %mul3A_523 {strides = array<i32>} : memref<640x16xf32, #tpu.memory_space<vmem>>, vector<16xf32>,
      %broadcast_in_dim3A_529 = arith.constant 2 : i32
      %broadcast_in_dim3A_530 = vector.broadcast %broadcast_in_dim3A_529 : i32 to vector<16x1xi32>
      %gather3A_531 = vector.shape_cast %broadcast_in_dim3A_530 : vector<16x1xi32> to vector<16xi32>
      %gather3A_532 = tpu.dynamic_gather %mul3A_454[%gather3A_531] in [0] : vector<16xf32>, vector<16xi32> -> vector<16xf32>
      %add3A_533 = arith.constant 2 : i32
      %add3A_534 = arith.addi %multiple_of3A, %add3A_533 : i32
      %get3A_535 = arith.index_cast %add3A_534 : i32 to index
      %get3A_536 = arith.constant 0 : index
      %get3A_537 = tpu.vector_load %arg15[%get3A_535, %get3A_536] {strides = array<i32>} : memref<640x16xf32, #tpu.memory_space<vmem>>, vector<16xf32>,
      %mul3A_538 = arith.mulf %gather3A_532, %get3A_537 : vector<16xf32>
      %add3A_539 = arith.constant 2 : i32
      %add3A_540 = arith.addi %multiple_of3A, %add3A_539 : i32
      %get3A_541 = arith.constant 0 : i32
      %get3A_542 = arith.index_cast %get3A_541 : i32 to index
      %get3A_543 = arith.index_cast %add3A_540 : i32 to index
      %get3A_544 = arith.constant 0 : index
      %get3A_545 = tpu.vector_load %arg16[%get3A_542, %get3A_543, %get3A_544] {strides = array<i32>} : memref<2x640x16xf32, #tpu.memory_space<vmem>>, vector<16xf32>,
      %add3A_546 = arith.constant 2 : i32
      %add3A_547 = arith.addi %multiple_of3A, %add3A_546 : i32
      %get3A_548 = arith.constant 1 : i32
      %get3A_549 = arith.index_cast %get3A_548 : i32 to index
      %get3A_550 = arith.index_cast %add3A_547 : i32 to index
      %get3A_551 = arith.constant 0 : index
      %get3A_552 = tpu.vector_load %arg16[%get3A_549, %get3A_550, %get3A_551] {strides = array<i32>} : memref<2x640x16xf32, #tpu.memory_space<vmem>>, vector<16xf32>,
      %add3A_553 = arith.addf %get3A_545, %get3A_552 : vector<16xf32>
      %add3A_554 = arith.addf %add3A_553, %mul3A_538 : vector<16xf32>
      %mul3A_555 = arith.mulf %gather3A_532, %add3A_554 : vector<16xf32>
      %get3A_556 = arith.constant 0 : index
      %get3A_557 = tpu.vector_load %arg17[%get3A_556] {strides = array<i32>} : memref<16xf32, #tpu.memory_space<vmem>>, vector<16xf32>,
      %add3A_558 = arith.addf %mul3A_555, %get3A_557 : vector<16xf32>
      %max3A_559 = arith.constant 0.000000e+00 : f32
      %max3A_560 = vector.broadcast %max3A_559 : f32 to vector<16xf32>
      %max3A_561 = arith.maximumf %add3A_558, %max3A_560 : vector<16xf32>
      %mul3A_562 = arith.mulf %gather3A_532, %max3A_561 : vector<16xf32>
      %add3A_563 = arith.constant 2 : i32
      %add3A_564 = arith.addi %multiple_of3A, %add3A_563 : i32
      %swap3A_565 = arith.index_cast %add3A_564 : i32 to index
      %swap3A_566 = arith.constant 0 : index
      %swap3A_567 = tpu.vector_load %arg15[%swap3A_565, %swap3A_566] {strides = array<i32>} : memref<640x16xf32, #tpu.memory_space<vmem>>, vector<16xf32>,
      tpu.vector_store %arg15[%swap3A_565, %swap3A_566], %mul3A_562 {strides = array<i32>} : memref<640x16xf32, #tpu.memory_space<vmem>>, vector<16xf32>,
      %broadcast_in_dim3A_568 = arith.constant 3 : i32
      %broadcast_in_dim3A_569 = vector.broadcast %broadcast_in_dim3A_568 : i32 to vector<16x1xi32>
      %gather3A_570 = vector.shape_cast %broadcast_in_dim3A_569 : vector<16x1xi32> to vector<16xi32>
      %gather3A_571 = tpu.dynamic_gather %mul3A_454[%gather3A_570] in [0] : vector<16xf32>, vector<16xi32> -> vector<16xf32>
      %add3A_572 = arith.constant 3 : i32
      %add3A_573 = arith.addi %multiple_of3A, %add3A_572 : i32
      %get3A_574 = arith.index_cast %add3A_573 : i32 to index
      %get3A_575 = arith.constant 0 : index
      %get3A_576 = tpu.vector_load %arg15[%get3A_574, %get3A_575] {strides = array<i32>} : memref<640x16xf32, #tpu.memory_space<vmem>>, vector<16xf32>,
      %mul3A_577 = arith.mulf %gather3A_571, %get3A_576 : vector<16xf32>
      %add3A_578 = arith.constant 3 : i32
      %add3A_579 = arith.addi %multiple_of3A, %add3A_578 : i32
      %get3A_580 = arith.constant 0 : i32
      %get3A_581 = arith.index_cast %get3A_580 : i32 to index
      %get3A_582 = arith.index_cast %add3A_579 : i32 to index
      %get3A_583 = arith.constant 0 : index
      %get3A_584 = tpu.vector_load %arg16[%get3A_581, %get3A_582, %get3A_583] {strides = array<i32>} : memref<2x640x16xf32, #tpu.memory_space<vmem>>, vector<16xf32>,
      %add3A_585 = arith.constant 3 : i32
      %add3A_586 = arith.addi %multiple_of3A, %add3A_585 : i32
      %get3A_587 = arith.constant 1 : i32
      %get3A_588 = arith.index_cast %get3A_587 : i32 to index
      %get3A_589 = arith.index_cast %add3A_586 : i32 to index
      %get3A_590 = arith.constant 0 : index
      %get3A_591 = tpu.vector_load %arg16[%get3A_588, %get3A_589, %get3A_590] {strides = array<i32>} : memref<2x640x16xf32, #tpu.memory_space<vmem>>, vector<16xf32>,
      %add3A_592 = arith.addf %get3A_584, %get3A_591 : vector<16xf32>
      %add3A_593 = arith.addf %add3A_592, %mul3A_577 : vector<16xf32>
      %mul3A_594 = arith.mulf %gather3A_571, %add3A_593 : vector<16xf32>
      %get3A_595 = arith.constant 0 : index
      %get3A_596 = tpu.vector_load %arg17[%get3A_595] {strides = array<i32>} : memref<16xf32, #tpu.memory_space<vmem>>, vector<16xf32>,
      %add3A_597 = arith.addf %mul3A_594, %get3A_596 : vector<16xf32>
      %max3A_598 = arith.constant 0.000000e+00 : f32
      %max3A_599 = vector.broadcast %max3A_598 : f32 to vector<16xf32>
      %max3A_600 = arith.maximumf %add3A_597, %max3A_599 : vector<16xf32>
      %mul3A_601 = arith.mulf %gather3A_571, %max3A_600 : vector<16xf32>
      %add3A_602 = arith.constant 3 : i32
      %add3A_603 = arith.addi %multiple_of3A, %add3A_602 : i32
      %swap3A_604 = arith.index_cast %add3A_603 : i32 to index
      %swap3A_605 = arith.constant 0 : index
      %swap3A_606 = tpu.vector_load %arg15[%swap3A_604, %swap3A_605] {strides = array<i32>} : memref<640x16xf32, #tpu.memory_space<vmem>>, vector<16xf32>,
      tpu.vector_store %arg15[%swap3A_604, %swap3A_605], %mul3A_601 {strides = array<i32>} : memref<640x16xf32, #tpu.memory_space<vmem>>, vector<16xf32>,
      %broadcast_in_dim3A_607 = arith.constant 4 : i32
      %broadcast_in_dim3A_608 = vector.broadcast %broadcast_in_dim3A_607 : i32 to vector<16x1xi32>
      %gather3A_609 = vector.shape_cast %broadcast_in_dim3A_608 : vector<16x1xi32> to vector<16xi32>
      %gather3A_610 = tpu.dynamic_gather %mul3A_454[%gather3A_609] in [0] : vector<16xf32>, vector<16xi32> -> vector<16xf32>
      %add3A_611 = arith.constant 4 : i32
      %add3A_612 = arith.addi %multiple_of3A, %add3A_611 : i32
      %get3A_613 = arith.index_cast %add3A_612 : i32 to index
      %get3A_614 = arith.constant 0 : index
      %get3A_615 = tpu.vector_load %arg15[%get3A_613, %get3A_614] {strides = array<i32>} : memref<640x16xf32, #tpu.memory_space<vmem>>, vector<16xf32>,
      %mul3A_616 = arith.mulf %gather3A_610, %get3A_615 : vector<16xf32>
      %add3A_617 = arith.constant 4 : i32
      %add3A_618 = arith.addi %multiple_of3A, %add3A_617 : i32
      %get3A_619 = arith.constant 0 : i32
      %get3A_620 = arith.index_cast %get3A_619 : i32 to index
      %get3A_621 = arith.index_cast %add3A_618 : i32 to index
      %get3A_622 = arith.constant 0 : index
      %get3A_623 = tpu.vector_load %arg16[%get3A_620, %get3A_621, %get3A_622] {strides = array<i32>} : memref<2x640x16xf32, #tpu.memory_space<vmem>>, vector<16xf32>,
      %add3A_624 = arith.constant 4 : i32
      %add3A_625 = arith.addi %multiple_of3A, %add3A_624 : i32
      %get3A_626 = arith.constant 1 : i32
      %get3A_627 = arith.index_cast %get3A_626 : i32 to index
      %get3A_628 = arith.index_cast %add3A_625 : i32 to index
      %get3A_629 = arith.constant 0 : index
      %get3A_630 = tpu.vector_load %arg16[%get3A_627, %get3A_628, %get3A_629] {strides = array<i32>} : memref<2x640x16xf32, #tpu.memory_space<vmem>>, vector<16xf32>,
      %add3A_631 = arith.addf %get3A_623, %get3A_630 : vector<16xf32>
      %add3A_632 = arith.addf %add3A_631, %mul3A_616 : vector<16xf32>
      %mul3A_633 = arith.mulf %gather3A_610, %add3A_632 : vector<16xf32>
      %get3A_634 = arith.constant 0 : index
      %get3A_635 = tpu.vector_load %arg17[%get3A_634] {strides = array<i32>} : memref<16xf32, #tpu.memory_space<vmem>>, vector<16xf32>,
      %add3A_636 = arith.addf %mul3A_633, %get3A_635 : vector<16xf32>
      %max3A_637 = arith.constant 0.000000e+00 : f32
      %max3A_638 = vector.broadcast %max3A_637 : f32 to vector<16xf32>
      %max3A_639 = arith.maximumf %add3A_636, %max3A_638 : vector<16xf32>
      %mul3A_640 = arith.mulf %gather3A_610, %max3A_639 : vector<16xf32>
      %add3A_641 = arith.constant 4 : i32
      %add3A_642 = arith.addi %multiple_of3A, %add3A_641 : i32
      %swap3A_643 = arith.index_cast %add3A_642 : i32 to index
      %swap3A_644 = arith.constant 0 : index
      %swap3A_645 = tpu.vector_load %arg15[%swap3A_643, %swap3A_644] {strides = array<i32>} : memref<640x16xf32, #tpu.memory_space<vmem>>, vector<16xf32>,
      tpu.vector_store %arg15[%swap3A_643, %swap3A_644], %mul3A_640 {strides = array<i32>} : memref<640x16xf32, #tpu.memory_space<vmem>>, vector<16xf32>,
      %broadcast_in_dim3A_646 = arith.constant 5 : i32
      %broadcast_in_dim3A_647 = vector.broadcast %broadcast_in_dim3A_646 : i32 to vector<16x1xi32>
      %gather3A_648 = vector.shape_cast %broadcast_in_dim3A_647 : vector<16x1xi32> to vector<16xi32>
      %gather3A_649 = tpu.dynamic_gather %mul3A_454[%gather3A_648] in [0] : vector<16xf32>, vector<16xi32> -> vector<16xf32>
      %add3A_650 = arith.constant 5 : i32
      %add3A_651 = arith.addi %multiple_of3A, %add3A_650 : i32
      %get3A_652 = arith.index_cast %add3A_651 : i32 to index
      %get3A_653 = arith.constant 0 : index
      %get3A_654 = tpu.vector_load %arg15[%get3A_652, %get3A_653] {strides = array<i32>} : memref<640x16xf32, #tpu.memory_space<vmem>>, vector<16xf32>,
      %mul3A_655 = arith.mulf %gather3A_649, %get3A_654 : vector<16xf32>
      %add3A_656 = arith.constant 5 : i32
      %add3A_657 = arith.addi %multiple_of3A, %add3A_656 : i32
      %get3A_658 = arith.constant 0 : i32
      %get3A_659 = arith.index_cast %get3A_658 : i32 to index
      %get3A_660 = arith.index_cast %add3A_657 : i32 to index
      %get3A_661 = arith.constant 0 : index
      %get3A_662 = tpu.vector_load %arg16[%get3A_659, %get3A_660, %get3A_661] {strides = array<i32>} : memref<2x640x16xf32, #tpu.memory_space<vmem>>, vector<16xf32>,
      %add3A_663 = arith.constant 5 : i32
      %add3A_664 = arith.addi %multiple_of3A, %add3A_663 : i32
      %get3A_665 = arith.constant 1 : i32
      %get3A_666 = arith.index_cast %get3A_665 : i32 to index
      %get3A_667 = arith.index_cast %add3A_664 : i32 to index
      %get3A_668 = arith.constant 0 : index
      %get3A_669 = tpu.vector_load %arg16[%get3A_666, %get3A_667, %get3A_668] {strides = array<i32>} : memref<2x640x16xf32, #tpu.memory_space<vmem>>, vector<16xf32>,
      %add3A_670 = arith.addf %get3A_662, %get3A_669 : vector<16xf32>
      %add3A_671 = arith.addf %add3A_670, %mul3A_655 : vector<16xf32>
      %mul3A_672 = arith.mulf %gather3A_649, %add3A_671 : vector<16xf32>
      %get3A_673 = arith.constant 0 : index
      %get3A_674 = tpu.vector_load %arg17[%get3A_673] {strides = array<i32>} : memref<16xf32, #tpu.memory_space<vmem>>, vector<16xf32>,
      %add3A_675 = arith.addf %mul3A_672, %get3A_674 : vector<16xf32>
      %max3A_676 = arith.constant 0.000000e+00 : f32
      %max3A_677 = vector.broadcast %max3A_676 : f32 to vector<16xf32>
      %max3A_678 = arith.maximumf %add3A_675, %max3A_677 : vector<16xf32>
      %mul3A_679 = arith.mulf %gather3A_649, %max3A_678 : vector<16xf32>
      %add3A_680 = arith.constant 5 : i32
      %add3A_681 = arith.addi %multiple_of3A, %add3A_680 : i32
      %swap3A_682 = arith.index_cast %add3A_681 : i32 to index
      %swap3A_683 = arith.constant 0 : index
      %swap3A_684 = tpu.vector_load %arg15[%swap3A_682, %swap3A_683] {strides = array<i32>} : memref<640x16xf32, #tpu.memory_space<vmem>>, vector<16xf32>,
      tpu.vector_store %arg15[%swap3A_682, %swap3A_683], %mul3A_679 {strides = array<i32>} : memref<640x16xf32, #tpu.memory_space<vmem>>, vector<16xf32>,
      %broadcast_in_dim3A_685 = arith.constant 6 : i32
      %broadcast_in_dim3A_686 = vector.broadcast %broadcast_in_dim3A_685 : i32 to vector<16x1xi32>
      %gather3A_687 = vector.shape_cast %broadcast_in_dim3A_686 : vector<16x1xi32> to vector<16xi32>
      %gather3A_688 = tpu.dynamic_gather %mul3A_454[%gather3A_687] in [0] : vector<16xf32>, vector<16xi32> -> vector<16xf32>
      %add3A_689 = arith.constant 6 : i32
      %add3A_690 = arith.addi %multiple_of3A, %add3A_689 : i32
      %get3A_691 = arith.index_cast %add3A_690 : i32 to index
      %get3A_692 = arith.constant 0 : index
      %get3A_693 = tpu.vector_load %arg15[%get3A_691, %get3A_692] {strides = array<i32>} : memref<640x16xf32, #tpu.memory_space<vmem>>, vector<16xf32>,
      %mul3A_694 = arith.mulf %gather3A_688, %get3A_693 : vector<16xf32>
      %add3A_695 = arith.constant 6 : i32
      %add3A_696 = arith.addi %multiple_of3A, %add3A_695 : i32
      %get3A_697 = arith.constant 0 : i32
      %get3A_698 = arith.index_cast %get3A_697 : i32 to index
      %get3A_699 = arith.index_cast %add3A_696 : i32 to index
      %get3A_700 = arith.constant 0 : index
      %get3A_701 = tpu.vector_load %arg16[%get3A_698, %get3A_699, %get3A_700] {strides = array<i32>} : memref<2x640x16xf32, #tpu.memory_space<vmem>>, vector<16xf32>,
      %add3A_702 = arith.constant 6 : i32
      %add3A_703 = arith.addi %multiple_of3A, %add3A_702 : i32
      %get3A_704 = arith.constant 1 : i32
      %get3A_705 = arith.index_cast %get3A_704 : i32 to index
      %get3A_706 = arith.index_cast %add3A_703 : i32 to index
      %get3A_707 = arith.constant 0 : index
      %get3A_708 = tpu.vector_load %arg16[%get3A_705, %get3A_706, %get3A_707] {strides = array<i32>} : memref<2x640x16xf32, #tpu.memory_space<vmem>>, vector<16xf32>,
      %add3A_709 = arith.addf %get3A_701, %get3A_708 : vector<16xf32>
      %add3A_710 = arith.addf %add3A_709, %mul3A_694 : vector<16xf32>
      %mul3A_711 = arith.mulf %gather3A_688, %add3A_710 : vector<16xf32>
      %get3A_712 = arith.constant 0 : index
      %get3A_713 = tpu.vector_load %arg17[%get3A_712] {strides = array<i32>} : memref<16xf32, #tpu.memory_space<vmem>>, vector<16xf32>,
      %add3A_714 = arith.addf %mul3A_711, %get3A_713 : vector<16xf32>
      %max3A_715 = arith.constant 0.000000e+00 : f32
      %max3A_716 = vector.broadcast %max3A_715 : f32 to vector<16xf32>
      %max3A_717 = arith.maximumf %add3A_714, %max3A_716 : vector<16xf32>
      %mul3A_718 = arith.mulf %gather3A_688, %max3A_717 : vector<16xf32>
      %add3A_719 = arith.constant 6 : i32
      %add3A_720 = arith.addi %multiple_of3A, %add3A_719 : i32
      %swap3A_721 = arith.index_cast %add3A_720 : i32 to index
      %swap3A_722 = arith.constant 0 : index
      %swap3A_723 = tpu.vector_load %arg15[%swap3A_721, %swap3A_722] {strides = array<i32>} : memref<640x16xf32, #tpu.memory_space<vmem>>, vector<16xf32>,
      tpu.vector_store %arg15[%swap3A_721, %swap3A_722], %mul3A_718 {strides = array<i32>} : memref<640x16xf32, #tpu.memory_space<vmem>>, vector<16xf32>,
      %broadcast_in_dim3A_724 = arith.constant 7 : i32
      %broadcast_in_dim3A_725 = vector.broadcast %broadcast_in_dim3A_724 : i32 to vector<16x1xi32>
      %gather3A_726 = vector.shape_cast %broadcast_in_dim3A_725 : vector<16x1xi32> to vector<16xi32>
      %gather3A_727 = tpu.dynamic_gather %mul3A_454[%gather3A_726] in [0] : vector<16xf32>, vector<16xi32> -> vector<16xf32>
      %add3A_728 = arith.constant 7 : i32
      %add3A_729 = arith.addi %multiple_of3A, %add3A_728 : i32
      %get3A_730 = arith.index_cast %add3A_729 : i32 to index
      %get3A_731 = arith.constant 0 : index
      %get3A_732 = tpu.vector_load %arg15[%get3A_730, %get3A_731] {strides = array<i32>} : memref<640x16xf32, #tpu.memory_space<vmem>>, vector<16xf32>,
      %mul3A_733 = arith.mulf %gather3A_727, %get3A_732 : vector<16xf32>
      %add3A_734 = arith.constant 7 : i32
      %add3A_735 = arith.addi %multiple_of3A, %add3A_734 : i32
      %get3A_736 = arith.constant 0 : i32
      %get3A_737 = arith.index_cast %get3A_736 : i32 to index
      %get3A_738 = arith.index_cast %add3A_735 : i32 to index
      %get3A_739 = arith.constant 0 : index
      %get3A_740 = tpu.vector_load %arg16[%get3A_737, %get3A_738, %get3A_739] {strides = array<i32>} : memref<2x640x16xf32, #tpu.memory_space<vmem>>, vector<16xf32>,
      %add3A_741 = arith.constant 7 : i32
      %add3A_742 = arith.addi %multiple_of3A, %add3A_741 : i32
      %get3A_743 = arith.constant 1 : i32
      %get3A_744 = arith.index_cast %get3A_743 : i32 to index
      %get3A_745 = arith.index_cast %add3A_742 : i32 to index
      %get3A_746 = arith.constant 0 : index
      %get3A_747 = tpu.vector_load %arg16[%get3A_744, %get3A_745, %get3A_746] {strides = array<i32>} : memref<2x640x16xf32, #tpu.memory_space<vmem>>, vector<16xf32>,
      %add3A_748 = arith.addf %get3A_740, %get3A_747 : vector<16xf32>
      %add3A_749 = arith.addf %add3A_748, %mul3A_733 : vector<16xf32>
      %mul3A_750 = arith.mulf %gather3A_727, %add3A_749 : vector<16xf32>
      %get3A_751 = arith.constant 0 : index
      %get3A_752 = tpu.vector_load %arg17[%get3A_751] {strides = array<i32>} : memref<16xf32, #tpu.memory_space<vmem>>, vector<16xf32>,
      %add3A_753 = arith.addf %mul3A_750, %get3A_752 : vector<16xf32>
      %max3A_754 = arith.constant 0.000000e+00 : f32
      %max3A_755 = vector.broadcast %max3A_754 : f32 to vector<16xf32>
      %max3A_756 = arith.maximumf %add3A_753, %max3A_755 : vector<16xf32>
      %mul3A_757 = arith.mulf %gather3A_727, %max3A_756 : vector<16xf32>
      %add3A_758 = arith.constant 7 : i32
      %add3A_759 = arith.addi %multiple_of3A, %add3A_758 : i32
      %swap3A_760 = arith.index_cast %add3A_759 : i32 to index
      %swap3A_761 = arith.constant 0 : index
      %swap3A_762 = tpu.vector_load %arg15[%swap3A_760, %swap3A_761] {strides = array<i32>} : memref<640x16xf32, #tpu.memory_space<vmem>>, vector<16xf32>,
      tpu.vector_store %arg15[%swap3A_760, %swap3A_761], %mul3A_757 {strides = array<i32>} : memref<640x16xf32, #tpu.memory_space<vmem>>, vector<16xf32>,
      %broadcast_in_dim3A_763 = arith.constant 8 : i32
      %broadcast_in_dim3A_764 = vector.broadcast %broadcast_in_dim3A_763 : i32 to vector<16x1xi32>
      %gather3A_765 = vector.shape_cast %broadcast_in_dim3A_764 : vector<16x1xi32> to vector<16xi32>
      %gather3A_766 = tpu.dynamic_gather %mul3A_454[%gather3A_765] in [0] : vector<16xf32>, vector<16xi32> -> vector<16xf32>
      %add3A_767 = arith.constant 8 : i32
      %add3A_768 = arith.addi %multiple_of3A, %add3A_767 : i32
      %get3A_769 = arith.index_cast %add3A_768 : i32 to index
      %get3A_770 = arith.constant 0 : index
      %get3A_771 = tpu.vector_load %arg15[%get3A_769, %get3A_770] {strides = array<i32>} : memref<640x16xf32, #tpu.memory_space<vmem>>, vector<16xf32>,
      %mul3A_772 = arith.mulf %gather3A_766, %get3A_771 : vector<16xf32>
      %add3A_773 = arith.constant 8 : i32
      %add3A_774 = arith.addi %multiple_of3A, %add3A_773 : i32
      %get3A_775 = arith.constant 0 : i32
      %get3A_776 = arith.index_cast %get3A_775 : i32 to index
      %get3A_777 = arith.index_cast %add3A_774 : i32 to index
      %get3A_778 = arith.constant 0 : index
      %get3A_779 = tpu.vector_load %arg16[%get3A_776, %get3A_777, %get3A_778] {strides = array<i32>} : memref<2x640x16xf32, #tpu.memory_space<vmem>>, vector<16xf32>,
      %add3A_780 = arith.constant 8 : i32
      %add3A_781 = arith.addi %multiple_of3A, %add3A_780 : i32
      %get3A_782 = arith.constant 1 : i32
      %get3A_783 = arith.index_cast %get3A_782 : i32 to index
      %get3A_784 = arith.index_cast %add3A_781 : i32 to index
      %get3A_785 = arith.constant 0 : index
      %get3A_786 = tpu.vector_load %arg16[%get3A_783, %get3A_784, %get3A_785] {strides = array<i32>} : memref<2x640x16xf32, #tpu.memory_space<vmem>>, vector<16xf32>,
      %add3A_787 = arith.addf %get3A_779, %get3A_786 : vector<16xf32>
      %add3A_788 = arith.addf %add3A_787, %mul3A_772 : vector<16xf32>
      %mul3A_789 = arith.mulf %gather3A_766, %add3A_788 : vector<16xf32>
      %get3A_790 = arith.constant 0 : index
      %get3A_791 = tpu.vector_load %arg17[%get3A_790] {strides = array<i32>} : memref<16xf32, #tpu.memory_space<vmem>>, vector<16xf32>,
      %add3A_792 = arith.addf %mul3A_789, %get3A_791 : vector<16xf32>
      %max3A_793 = arith.constant 0.000000e+00 : f32
      %max3A_794 = vector.broadcast %max3A_793 : f32 to vector<16xf32>
      %max3A_795 = arith.maximumf %add3A_792, %max3A_794 : vector<16xf32>
      %mul3A_796 = arith.mulf %gather3A_766, %max3A_795 : vector<16xf32>
      %add3A_797 = arith.constant 8 : i32
      %add3A_798 = arith.addi %multiple_of3A, %add3A_797 : i32
      %swap3A_799 = arith.index_cast %add3A_798 : i32 to index
      %swap3A_800 = arith.constant 0 : index
      %swap3A_801 = tpu.vector_load %arg15[%swap3A_799, %swap3A_800] {strides = array<i32>} : memref<640x16xf32, #tpu.memory_space<vmem>>, vector<16xf32>,
      tpu.vector_store %arg15[%swap3A_799, %swap3A_800], %mul3A_796 {strides = array<i32>} : memref<640x16xf32, #tpu.memory_space<vmem>>, vector<16xf32>,
      %broadcast_in_dim3A_802 = arith.constant 9 : i32
      %broadcast_in_dim3A_803 = vector.broadcast %broadcast_in_dim3A_802 : i32 to vector<16x1xi32>
      %gather3A_804 = vector.shape_cast %broadcast_in_dim3A_803 : vector<16x1xi32> to vector<16xi32>
      %gather3A_805 = tpu.dynamic_gather %mul3A_454[%gather3A_804] in [0] : vector<16xf32>, vector<16xi32> -> vector<16xf32>
      %add3A_806 = arith.constant 9 : i32
      %add3A_807 = arith.addi %multiple_of3A, %add3A_806 : i32
      %get3A_808 = arith.index_cast %add3A_807 : i32 to index
      %get3A_809 = arith.constant 0 : index
      %get3A_810 = tpu.vector_load %arg15[%get3A_808, %get3A_809] {strides = array<i32>} : memref<640x16xf32, #tpu.memory_space<vmem>>, vector<16xf32>,
      %mul3A_811 = arith.mulf %gather3A_805, %get3A_810 : vector<16xf32>
      %add3A_812 = arith.constant 9 : i32
      %add3A_813 = arith.addi %multiple_of3A, %add3A_812 : i32
      %get3A_814 = arith.constant 0 : i32
      %get3A_815 = arith.index_cast %get3A_814 : i32 to index
      %get3A_816 = arith.index_cast %add3A_813 : i32 to index
      %get3A_817 = arith.constant 0 : index
      %get3A_818 = tpu.vector_load %arg16[%get3A_815, %get3A_816, %get3A_817] {strides = array<i32>} : memref<2x640x16xf32, #tpu.memory_space<vmem>>, vector<16xf32>,
      %add3A_819 = arith.constant 9 : i32
      %add3A_820 = arith.addi %multiple_of3A, %add3A_819 : i32
      %get3A_821 = arith.constant 1 : i32
      %get3A_822 = arith.index_cast %get3A_821 : i32 to index
      %get3A_823 = arith.index_cast %add3A_820 : i32 to index
      %get3A_824 = arith.constant 0 : index
      %get3A_825 = tpu.vector_load %arg16[%get3A_822, %get3A_823, %get3A_824] {strides = array<i32>} : memref<2x640x16xf32, #tpu.memory_space<vmem>>, vector<16xf32>,
      %add3A_826 = arith.addf %get3A_818, %get3A_825 : vector<16xf32>
      %add3A_827 = arith.addf %add3A_826, %mul3A_811 : vector<16xf32>
      %mul3A_828 = arith.mulf %gather3A_805, %add3A_827 : vector<16xf32>
      %get3A_829 = arith.constant 0 : index
      %get3A_830 = tpu.vector_load %arg17[%get3A_829] {strides = array<i32>} : memref<16xf32, #tpu.memory_space<vmem>>, vector<16xf32>,
      %add3A_831 = arith.addf %mul3A_828, %get3A_830 : vector<16xf32>
      %max3A_832 = arith.constant 0.000000e+00 : f32
      %max3A_833 = vector.broadcast %max3A_832 : f32 to vector<16xf32>
      %max3A_834 = arith.maximumf %add3A_831, %max3A_833 : vector<16xf32>
      %mul3A_835 = arith.mulf %gather3A_805, %max3A_834 : vector<16xf32>
      %add3A_836 = arith.constant 9 : i32
      %add3A_837 = arith.addi %multiple_of3A, %add3A_836 : i32
      %swap3A_838 = arith.index_cast %add3A_837 : i32 to index
      %swap3A_839 = arith.constant 0 : index
      %swap3A_840 = tpu.vector_load %arg15[%swap3A_838, %swap3A_839] {strides = array<i32>} : memref<640x16xf32, #tpu.memory_space<vmem>>, vector<16xf32>,
      tpu.vector_store %arg15[%swap3A_838, %swap3A_839], %mul3A_835 {strides = array<i32>} : memref<640x16xf32, #tpu.memory_space<vmem>>, vector<16xf32>,
      %broadcast_in_dim3A_841 = arith.constant 10 : i32
      %broadcast_in_dim3A_842 = vector.broadcast %broadcast_in_dim3A_841 : i32 to vector<16x1xi32>
      %gather3A_843 = vector.shape_cast %broadcast_in_dim3A_842 : vector<16x1xi32> to vector<16xi32>
      %gather3A_844 = tpu.dynamic_gather %mul3A_454[%gather3A_843] in [0] : vector<16xf32>, vector<16xi32> -> vector<16xf32>
      %add3A_845 = arith.constant 10 : i32
      %add3A_846 = arith.addi %multiple_of3A, %add3A_845 : i32
      %get3A_847 = arith.index_cast %add3A_846 : i32 to index
      %get3A_848 = arith.constant 0 : index
      %get3A_849 = tpu.vector_load %arg15[%get3A_847, %get3A_848] {strides = array<i32>} : memref<640x16xf32, #tpu.memory_space<vmem>>, vector<16xf32>,
      %mul3A_850 = arith.mulf %gather3A_844, %get3A_849 : vector<16xf32>
      %add3A_851 = arith.constant 10 : i32
      %add3A_852 = arith.addi %multiple_of3A, %add3A_851 : i32
      %get3A_853 = arith.constant 0 : i32
      %get3A_854 = arith.index_cast %get3A_853 : i32 to index
      %get3A_855 = arith.index_cast %add3A_852 : i32 to index
      %get3A_856 = arith.constant 0 : index
      %get3A_857 = tpu.vector_load %arg16[%get3A_854, %get3A_855, %get3A_856] {strides = array<i32>} : memref<2x640x16xf32, #tpu.memory_space<vmem>>, vector<16xf32>,
      %add3A_858 = arith.constant 10 : i32
      %add3A_859 = arith.addi %multiple_of3A, %add3A_858 : i32
      %get3A_860 = arith.constant 1 : i32
      %get3A_861 = arith.index_cast %get3A_860 : i32 to index
      %get3A_862 = arith.index_cast %add3A_859 : i32 to index
      %get3A_863 = arith.constant 0 : index
      %get3A_864 = tpu.vector_load %arg16[%get3A_861, %get3A_862, %get3A_863] {strides = array<i32>} : memref<2x640x16xf32, #tpu.memory_space<vmem>>, vector<16xf32>,
      %add3A_865 = arith.addf %get3A_857, %get3A_864 : vector<16xf32>
      %add3A_866 = arith.addf %add3A_865, %mul3A_850 : vector<16xf32>
      %mul3A_867 = arith.mulf %gather3A_844, %add3A_866 : vector<16xf32>
      %get3A_868 = arith.constant 0 : index
      %get3A_869 = tpu.vector_load %arg17[%get3A_868] {strides = array<i32>} : memref<16xf32, #tpu.memory_space<vmem>>, vector<16xf32>,
      %add3A_870 = arith.addf %mul3A_867, %get3A_869 : vector<16xf32>
      %max3A_871 = arith.constant 0.000000e+00 : f32
      %max3A_872 = vector.broadcast %max3A_871 : f32 to vector<16xf32>
      %max3A_873 = arith.maximumf %add3A_870, %max3A_872 : vector<16xf32>
      %mul3A_874 = arith.mulf %gather3A_844, %max3A_873 : vector<16xf32>
      %add3A_875 = arith.constant 10 : i32
      %add3A_876 = arith.addi %multiple_of3A, %add3A_875 : i32
      %swap3A_877 = arith.index_cast %add3A_876 : i32 to index
      %swap3A_878 = arith.constant 0 : index
      %swap3A_879 = tpu.vector_load %arg15[%swap3A_877, %swap3A_878] {strides = array<i32>} : memref<640x16xf32, #tpu.memory_space<vmem>>, vector<16xf32>,
      tpu.vector_store %arg15[%swap3A_877, %swap3A_878], %mul3A_874 {strides = array<i32>} : memref<640x16xf32, #tpu.memory_space<vmem>>, vector<16xf32>,
      %broadcast_in_dim3A_880 = arith.constant 11 : i32
      %broadcast_in_dim3A_881 = vector.broadcast %broadcast_in_dim3A_880 : i32 to vector<16x1xi32>
      %gather3A_882 = vector.shape_cast %broadcast_in_dim3A_881 : vector<16x1xi32> to vector<16xi32>
      %gather3A_883 = tpu.dynamic_gather %mul3A_454[%gather3A_882] in [0] : vector<16xf32>, vector<16xi32> -> vector<16xf32>
      %add3A_884 = arith.constant 11 : i32
      %add3A_885 = arith.addi %multiple_of3A, %add3A_884 : i32
      %get3A_886 = arith.index_cast %add3A_885 : i32 to index
      %get3A_887 = arith.constant 0 : index
      %get3A_888 = tpu.vector_load %arg15[%get3A_886, %get3A_887] {strides = array<i32>} : memref<640x16xf32, #tpu.memory_space<vmem>>, vector<16xf32>,
      %mul3A_889 = arith.mulf %gather3A_883, %get3A_888 : vector<16xf32>
      %add3A_890 = arith.constant 11 : i32
      %add3A_891 = arith.addi %multiple_of3A, %add3A_890 : i32
      %get3A_892 = arith.constant 0 : i32
      %get3A_893 = arith.index_cast %get3A_892 : i32 to index
      %get3A_894 = arith.index_cast %add3A_891 : i32 to index
      %get3A_895 = arith.constant 0 : index
      %get3A_896 = tpu.vector_load %arg16[%get3A_893, %get3A_894, %get3A_895] {strides = array<i32>} : memref<2x640x16xf32, #tpu.memory_space<vmem>>, vector<16xf32>,
      %add3A_897 = arith.constant 11 : i32
      %add3A_898 = arith.addi %multiple_of3A, %add3A_897 : i32
      %get3A_899 = arith.constant 1 : i32
      %get3A_900 = arith.index_cast %get3A_899 : i32 to index
      %get3A_901 = arith.index_cast %add3A_898 : i32 to index
      %get3A_902 = arith.constant 0 : index
      %get3A_903 = tpu.vector_load %arg16[%get3A_900, %get3A_901, %get3A_902] {strides = array<i32>} : memref<2x640x16xf32, #tpu.memory_space<vmem>>, vector<16xf32>,
      %add3A_904 = arith.addf %get3A_896, %get3A_903 : vector<16xf32>
      %add3A_905 = arith.addf %add3A_904, %mul3A_889 : vector<16xf32>
      %mul3A_906 = arith.mulf %gather3A_883, %add3A_905 : vector<16xf32>
      %get3A_907 = arith.constant 0 : index
      %get3A_908 = tpu.vector_load %arg17[%get3A_907] {strides = array<i32>} : memref<16xf32, #tpu.memory_space<vmem>>, vector<16xf32>,
      %add3A_909 = arith.addf %mul3A_906, %get3A_908 : vector<16xf32>
      %max3A_910 = arith.constant 0.000000e+00 : f32
      %max3A_911 = vector.broadcast %max3A_910 : f32 to vector<16xf32>
      %max3A_912 = arith.maximumf %add3A_909, %max3A_911 : vector<16xf32>
      %mul3A_913 = arith.mulf %gather3A_883, %max3A_912 : vector<16xf32>
      %add3A_914 = arith.constant 11 : i32
      %add3A_915 = arith.addi %multiple_of3A, %add3A_914 : i32
      %swap3A_916 = arith.index_cast %add3A_915 : i32 to index
      %swap3A_917 = arith.constant 0 : index
      %swap3A_918 = tpu.vector_load %arg15[%swap3A_916, %swap3A_917] {strides = array<i32>} : memref<640x16xf32, #tpu.memory_space<vmem>>, vector<16xf32>,
      tpu.vector_store %arg15[%swap3A_916, %swap3A_917], %mul3A_913 {strides = array<i32>} : memref<640x16xf32, #tpu.memory_space<vmem>>, vector<16xf32>,
      %broadcast_in_dim3A_919 = arith.constant 12 : i32
      %broadcast_in_dim3A_920 = vector.broadcast %broadcast_in_dim3A_919 : i32 to vector<16x1xi32>
      %gather3A_921 = vector.shape_cast %broadcast_in_dim3A_920 : vector<16x1xi32> to vector<16xi32>
      %gather3A_922 = tpu.dynamic_gather %mul3A_454[%gather3A_921] in [0] : vector<16xf32>, vector<16xi32> -> vector<16xf32>
      %add3A_923 = arith.constant 12 : i32
      %add3A_924 = arith.addi %multiple_of3A, %add3A_923 : i32
      %get3A_925 = arith.index_cast %add3A_924 : i32 to index
      %get3A_926 = arith.constant 0 : index
      %get3A_927 = tpu.vector_load %arg15[%get3A_925, %get3A_926] {strides = array<i32>} : memref<640x16xf32, #tpu.memory_space<vmem>>, vector<16xf32>,
      %mul3A_928 = arith.mulf %gather3A_922, %get3A_927 : vector<16xf32>
      %add3A_929 = arith.constant 12 : i32
      %add3A_930 = arith.addi %multiple_of3A, %add3A_929 : i32
      %get3A_931 = arith.constant 0 : i32
      %get3A_932 = arith.index_cast %get3A_931 : i32 to index
      %get3A_933 = arith.index_cast %add3A_930 : i32 to index
      %get3A_934 = arith.constant 0 : index
      %get3A_935 = tpu.vector_load %arg16[%get3A_932, %get3A_933, %get3A_934] {strides = array<i32>} : memref<2x640x16xf32, #tpu.memory_space<vmem>>, vector<16xf32>,
      %add3A_936 = arith.constant 12 : i32
      %add3A_937 = arith.addi %multiple_of3A, %add3A_936 : i32
      %get3A_938 = arith.constant 1 : i32
      %get3A_939 = arith.index_cast %get3A_938 : i32 to index
      %get3A_940 = arith.index_cast %add3A_937 : i32 to index
      %get3A_941 = arith.constant 0 : index
      %get3A_942 = tpu.vector_load %arg16[%get3A_939, %get3A_940, %get3A_941] {strides = array<i32>} : memref<2x640x16xf32, #tpu.memory_space<vmem>>, vector<16xf32>,
      %add3A_943 = arith.addf %get3A_935, %get3A_942 : vector<16xf32>
      %add3A_944 = arith.addf %add3A_943, %mul3A_928 : vector<16xf32>
      %mul3A_945 = arith.mulf %gather3A_922, %add3A_944 : vector<16xf32>
      %get3A_946 = arith.constant 0 : index
      %get3A_947 = tpu.vector_load %arg17[%get3A_946] {strides = array<i32>} : memref<16xf32, #tpu.memory_space<vmem>>, vector<16xf32>,
      %add3A_948 = arith.addf %mul3A_945, %get3A_947 : vector<16xf32>
      %max3A_949 = arith.constant 0.000000e+00 : f32
      %max3A_950 = vector.broadcast %max3A_949 : f32 to vector<16xf32>
      %max3A_951 = arith.maximumf %add3A_948, %max3A_950 : vector<16xf32>
      %mul3A_952 = arith.mulf %gather3A_922, %max3A_951 : vector<16xf32>
      %add3A_953 = arith.constant 12 : i32
      %add3A_954 = arith.addi %multiple_of3A, %add3A_953 : i32
      %swap3A_955 = arith.index_cast %add3A_954 : i32 to index
      %swap3A_956 = arith.constant 0 : index
      %swap3A_957 = tpu.vector_load %arg15[%swap3A_955, %swap3A_956] {strides = array<i32>} : memref<640x16xf32, #tpu.memory_space<vmem>>, vector<16xf32>,
      tpu.vector_store %arg15[%swap3A_955, %swap3A_956], %mul3A_952 {strides = array<i32>} : memref<640x16xf32, #tpu.memory_space<vmem>>, vector<16xf32>,
      %broadcast_in_dim3A_958 = arith.constant 13 : i32
      %broadcast_in_dim3A_959 = vector.broadcast %broadcast_in_dim3A_958 : i32 to vector<16x1xi32>
      %gather3A_960 = vector.shape_cast %broadcast_in_dim3A_959 : vector<16x1xi32> to vector<16xi32>
      %gather3A_961 = tpu.dynamic_gather %mul3A_454[%gather3A_960] in [0] : vector<16xf32>, vector<16xi32> -> vector<16xf32>
      %add3A_962 = arith.constant 13 : i32
      %add3A_963 = arith.addi %multiple_of3A, %add3A_962 : i32
      %get3A_964 = arith.index_cast %add3A_963 : i32 to index
      %get3A_965 = arith.constant 0 : index
      %get3A_966 = tpu.vector_load %arg15[%get3A_964, %get3A_965] {strides = array<i32>} : memref<640x16xf32, #tpu.memory_space<vmem>>, vector<16xf32>,
      %mul3A_967 = arith.mulf %gather3A_961, %get3A_966 : vector<16xf32>
      %add3A_968 = arith.constant 13 : i32
      %add3A_969 = arith.addi %multiple_of3A, %add3A_968 : i32
      %get3A_970 = arith.constant 0 : i32
      %get3A_971 = arith.index_cast %get3A_970 : i32 to index
      %get3A_972 = arith.index_cast %add3A_969 : i32 to index
      %get3A_973 = arith.constant 0 : index
      %get3A_974 = tpu.vector_load %arg16[%get3A_971, %get3A_972, %get3A_973] {strides = array<i32>} : memref<2x640x16xf32, #tpu.memory_space<vmem>>, vector<16xf32>,
      %add3A_975 = arith.constant 13 : i32
      %add3A_976 = arith.addi %multiple_of3A, %add3A_975 : i32
      %get3A_977 = arith.constant 1 : i32
      %get3A_978 = arith.index_cast %get3A_977 : i32 to index
      %get3A_979 = arith.index_cast %add3A_976 : i32 to index
      %get3A_980 = arith.constant 0 : index
      %get3A_981 = tpu.vector_load %arg16[%get3A_978, %get3A_979, %get3A_980] {strides = array<i32>} : memref<2x640x16xf32, #tpu.memory_space<vmem>>, vector<16xf32>,
      %add3A_982 = arith.addf %get3A_974, %get3A_981 : vector<16xf32>
      %add3A_983 = arith.addf %add3A_982, %mul3A_967 : vector<16xf32>
      %mul3A_984 = arith.mulf %gather3A_961, %add3A_983 : vector<16xf32>
      %get3A_985 = arith.constant 0 : index
      %get3A_986 = tpu.vector_load %arg17[%get3A_985] {strides = array<i32>} : memref<16xf32, #tpu.memory_space<vmem>>, vector<16xf32>,
      %add3A_987 = arith.addf %mul3A_984, %get3A_986 : vector<16xf32>
      %max3A_988 = arith.constant 0.000000e+00 : f32
      %max3A_989 = vector.broadcast %max3A_988 : f32 to vector<16xf32>
      %max3A_990 = arith.maximumf %add3A_987, %max3A_989 : vector<16xf32>
      %mul3A_991 = arith.mulf %gather3A_961, %max3A_990 : vector<16xf32>
      %add3A_992 = arith.constant 13 : i32
      %add3A_993 = arith.addi %multiple_of3A, %add3A_992 : i32
      %swap3A_994 = arith.index_cast %add3A_993 : i32 to index
      %swap3A_995 = arith.constant 0 : index
      %swap3A_996 = tpu.vector_load %arg15[%swap3A_994, %swap3A_995] {strides = array<i32>} : memref<640x16xf32, #tpu.memory_space<vmem>>, vector<16xf32>,
      tpu.vector_store %arg15[%swap3A_994, %swap3A_995], %mul3A_991 {strides = array<i32>} : memref<640x16xf32, #tpu.memory_space<vmem>>, vector<16xf32>,
      %broadcast_in_dim3A_997 = arith.constant 14 : i32
      %broadcast_in_dim3A_998 = vector.broadcast %broadcast_in_dim3A_997 : i32 to vector<16x1xi32>
      %gather3A_999 = vector.shape_cast %broadcast_in_dim3A_998 : vector<16x1xi32> to vector<16xi32>
      %gather3A_1000 = tpu.dynamic_gather %mul3A_454[%gather3A_999] in [0] : vector<16xf32>, vector<16xi32> -> vector<16xf32>
      %add3A_1001 = arith.constant 14 : i32
      %add3A_1002 = arith.addi %multiple_of3A, %add3A_1001 : i32
      %get3A_1003 = arith.index_cast %add3A_1002 : i32 to index
      %get3A_1004 = arith.constant 0 : index
      %get3A_1005 = tpu.vector_load %arg15[%get3A_1003, %get3A_1004] {strides = array<i32>} : memref<640x16xf32, #tpu.memory_space<vmem>>, vector<16xf32>,
      %mul3A_1006 = arith.mulf %gather3A_1000, %get3A_1005 : vector<16xf32>
      %add3A_1007 = arith.constant 14 : i32
      %add3A_1008 = arith.addi %multiple_of3A, %add3A_1007 : i32
      %get3A_1009 = arith.constant 0 : i32
      %get3A_1010 = arith.index_cast %get3A_1009 : i32 to index
      %get3A_1011 = arith.index_cast %add3A_1008 : i32 to index
      %get3A_1012 = arith.constant 0 : index
      %get3A_1013 = tpu.vector_load %arg16[%get3A_1010, %get3A_1011, %get3A_1012] {strides = array<i32>} : memref<2x640x16xf32, #tpu.memory_space<vmem>>, vector<16xf32>,
      %add3A_1014 = arith.constant 14 : i32
      %add3A_1015 = arith.addi %multiple_of3A, %add3A_1014 : i32
      %get3A_1016 = arith.constant 1 : i32
      %get3A_1017 = arith.index_cast %get3A_1016 : i32 to index
      %get3A_1018 = arith.index_cast %add3A_1015 : i32 to index
      %get3A_1019 = arith.constant 0 : index
      %get3A_1020 = tpu.vector_load %arg16[%get3A_1017, %get3A_1018, %get3A_1019] {strides = array<i32>} : memref<2x640x16xf32, #tpu.memory_space<vmem>>, vector<16xf32>,
      %add3A_1021 = arith.addf %get3A_1013, %get3A_1020 : vector<16xf32>
      %add3A_1022 = arith.addf %add3A_1021, %mul3A_1006 : vector<16xf32>
      %mul3A_1023 = arith.mulf %gather3A_1000, %add3A_1022 : vector<16xf32>
      %get3A_1024 = arith.constant 0 : index
      %get3A_1025 = tpu.vector_load %arg17[%get3A_1024] {strides = array<i32>} : memref<16xf32, #tpu.memory_space<vmem>>, vector<16xf32>,
      %add3A_1026 = arith.addf %mul3A_1023, %get3A_1025 : vector<16xf32>
      %max3A_1027 = arith.constant 0.000000e+00 : f32
      %max3A_1028 = vector.broadcast %max3A_1027 : f32 to vector<16xf32>
      %max3A_1029 = arith.maximumf %add3A_1026, %max3A_1028 : vector<16xf32>
      %mul3A_1030 = arith.mulf %gather3A_1000, %max3A_1029 : vector<16xf32>
      %add3A_1031 = arith.constant 14 : i32
      %add3A_1032 = arith.addi %multiple_of3A, %add3A_1031 : i32
      %swap3A_1033 = arith.index_cast %add3A_1032 : i32 to index
      %swap3A_1034 = arith.constant 0 : index
      %swap3A_1035 = tpu.vector_load %arg15[%swap3A_1033, %swap3A_1034] {strides = array<i32>} : memref<640x16xf32, #tpu.memory_space<vmem>>, vector<16xf32>,
      tpu.vector_store %arg15[%swap3A_1033, %swap3A_1034], %mul3A_1030 {strides = array<i32>} : memref<640x16xf32, #tpu.memory_space<vmem>>, vector<16xf32>,
      %broadcast_in_dim3A_1036 = arith.constant 15 : i32
      %broadcast_in_dim3A_1037 = vector.broadcast %broadcast_in_dim3A_1036 : i32 to vector<16x1xi32>
      %gather3A_1038 = vector.shape_cast %broadcast_in_dim3A_1037 : vector<16x1xi32> to vector<16xi32>
      %gather3A_1039 = tpu.dynamic_gather %mul3A_454[%gather3A_1038] in [0] : vector<16xf32>, vector<16xi32> -> vector<16xf32>
      %add3A_1040 = arith.constant 15 : i32
      %add3A_1041 = arith.addi %multiple_of3A, %add3A_1040 : i32
      %get3A_1042 = arith.index_cast %add3A_1041 : i32 to index
      %get3A_1043 = arith.constant 0 : index
      %get3A_1044 = tpu.vector_load %arg15[%get3A_1042, %get3A_1043] {strides = array<i32>} : memref<640x16xf32, #tpu.memory_space<vmem>>, vector<16xf32>,
      %mul3A_1045 = arith.mulf %gather3A_1039, %get3A_1044 : vector<16xf32>
      %add3A_1046 = arith.constant 15 : i32
      %add3A_1047 = arith.addi %multiple_of3A, %add3A_1046 : i32
      %get3A_1048 = arith.constant 0 : i32
      %get3A_1049 = arith.index_cast %get3A_1048 : i32 to index
      %get3A_1050 = arith.index_cast %add3A_1047 : i32 to index
      %get3A_1051 = arith.constant 0 : index
      %get3A_1052 = tpu.vector_load %arg16[%get3A_1049, %get3A_1050, %get3A_1051] {strides = array<i32>} : memref<2x640x16xf32, #tpu.memory_space<vmem>>, vector<16xf32>,
      %add3A_1053 = arith.constant 15 : i32
      %add3A_1054 = arith.addi %multiple_of3A, %add3A_1053 : i32
      %get3A_1055 = arith.constant 1 : i32
      %get3A_1056 = arith.index_cast %get3A_1055 : i32 to index
      %get3A_1057 = arith.index_cast %add3A_1054 : i32 to index
      %get3A_1058 = arith.constant 0 : index
      %get3A_1059 = tpu.vector_load %arg16[%get3A_1056, %get3A_1057, %get3A_1058] {strides = array<i32>} : memref<2x640x16xf32, #tpu.memory_space<vmem>>, vector<16xf32>,
      %add3A_1060 = arith.addf %get3A_1052, %get3A_1059 : vector<16xf32>
      %add3A_1061 = arith.addf %add3A_1060, %mul3A_1045 : vector<16xf32>
      %mul3A_1062 = arith.mulf %gather3A_1039, %add3A_1061 : vector<16xf32>
      %get3A_1063 = arith.constant 0 : index
      %get3A_1064 = tpu.vector_load %arg17[%get3A_1063] {strides = array<i32>} : memref<16xf32, #tpu.memory_space<vmem>>, vector<16xf32>,
      %add3A_1065 = arith.addf %mul3A_1062, %get3A_1064 : vector<16xf32>
      %max3A_1066 = arith.constant 0.000000e+00 : f32
      %max3A_1067 = vector.broadcast %max3A_1066 : f32 to vector<16xf32>
      %max3A_1068 = arith.maximumf %add3A_1065, %max3A_1067 : vector<16xf32>
      %mul3A_1069 = arith.mulf %gather3A_1039, %max3A_1068 : vector<16xf32>
      %add3A_1070 = arith.constant 15 : i32
      %add3A_1071 = arith.addi %multiple_of3A, %add3A_1070 : i32
      %swap3A_1072 = arith.index_cast %add3A_1071 : i32 to index
      %swap3A_1073 = arith.constant 0 : index
      %swap3A_1074 = tpu.vector_load %arg15[%swap3A_1072, %swap3A_1073] {strides = array<i32>} : memref<640x16xf32, #tpu.memory_space<vmem>>, vector<16xf32>,
      tpu.vector_store %arg15[%swap3A_1072, %swap3A_1073], %mul3A_1069 {strides = array<i32>} : memref<640x16xf32, #tpu.memory_space<vmem>>, vector<16xf32>,
    }
    %scan3A_10 = arith.constant 40 : i32
    %mul3A_11 = arith.constant 10240 : i32
    %mul3A_12 = arith.muli %arg0, %mul3A_11 : i32
    %add3A_13 = arith.addi %mul3A_12, %mul3A_2 : i32
    "tpu.region"() ({
      %run_scoped3A_259 = tpu.sem_alloc : memref<!tpu.dma_semaphore, #tpu.memory_space<semaphore_mem>>
      %dma_start3A_260 = arith.constant 0 : i32
      %dma_start3A_261 = tpu.memref_slice %arg10[%add3A_13, %dma_start3A_260] : memref<20480x16xf32, #tpu.memory_space<hbm>> -> memref<640x16xf32, #tpu.memory_space<hbm>>
      %dma_start3A_262 = arith.constant 0 : i32
      %dma_start3A_263 = tpu.memref_slice %arg10[%add3A_13, %dma_start3A_262] : memref<20480x16xf32, #tpu.memory_space<hbm>> -> memref<640x16xf32, #tpu.memory_space<hbm>>
      tpu.enqueue_dma source(%arg15 : memref<640x16xf32, #tpu.memory_space<vmem>>) target(%dma_start3A_263 : memref<640x16xf32, #tpu.memory_space<hbm>>) target_semaphore(%run_scoped3A_259 : memref<!tpu.dma_semaphore, #tpu.memory_space<semaphore_mem>>)
      %dma_wait3A_264 = arith.constant 0 : i32
      %dma_wait3A_265 = tpu.memref_slice %arg10[%add3A_13, %dma_wait3A_264] : memref<20480x16xf32, #tpu.memory_space<hbm>> -> memref<640x16xf32, #tpu.memory_space<hbm>>
      %dma_wait3A_266 = arith.constant 0 : i32
      %dma_wait3A_267 = tpu.memref_slice %arg10[%add3A_13, %dma_wait3A_266] : memref<20480x16xf32, #tpu.memory_space<hbm>> -> memref<640x16xf32, #tpu.memory_space<hbm>>
      tpu.wait_dma2 semaphore(%run_scoped3A_259 : memref<!tpu.dma_semaphore, #tpu.memory_space<semaphore_mem>>) src(%arg15 : memref<640x16xf32, #tpu.memory_space<vmem>>) dst(%dma_wait3A_267 : memref<640x16xf32, #tpu.memory_space<hbm>>)
      tpu.yield
    }) : () -> ()
    %barrier3A = arith.constant 0 : index
    tpu.barrier barrier_id(%barrier3A)
    %dma_start3A = arith.constant 0 : i32
    %dma_start3A_14 = arith.constant 0 : i32
    %dma_start3A_15 = arith.constant 0 : i32
    %dma_start3A_16 = arith.constant 0 : i32
    %dma_start3A_17 = tpu.memref_slice %arg13[%dma_start3A_14, %dma_start3A_15, %dma_start3A_16] : memref<4x128x16xf32, #tpu.memory_space<vmem>> -> memref<1x128x16xf32, #tpu.memory_space<vmem>>
    %dma_start3A_18 = tpu.memref_squeeze %dma_start3A_17 : memref<1x128x16xf32, #tpu.memory_space<vmem>> -> memref<128x16xf32, #tpu.memory_space<vmem>>
    %dma_start3A_19 = arith.constant 0 : i32
    %dma_start3A_20 = tpu.memref_slice %arg11[%dma_start3A, %dma_start3A_19] : memref<80x128xi32, #tpu.memory_space<vmem>> -> memref<1x128xi32, #tpu.memory_space<vmem>>
    %dma_start3A_21 = tpu.memref_squeeze %dma_start3A_20 : memref<1x128xi32, #tpu.memory_space<vmem>> -> memref<128xi32, #tpu.memory_space<vmem>>
    %dma_start3A_22 = arith.constant 0 : i32
    %dma_start3A_23 = arith.constant 0 : i32
    %dma_start3A_24 = tpu.memref_slice %arg10[%dma_start3A_22, %dma_start3A_23] : memref<20480x16xf32, #tpu.memory_space<hbm>> -> memref<20480x16xf32, #tpu.memory_space<hbm>>
    tpu.enqueue_indirect_dma source(%dma_start3A_24 : memref<20480x16xf32, #tpu.memory_space<hbm>>) target(%dma_start3A_18 : memref<128x16xf32, #tpu.memory_space<vmem>>) offsets(%dma_start3A_21 : memref<128xi32, #tpu.memory_space<vmem>>) semaphore(%arg19 : memref<!tpu.dma_semaphore, #tpu.memory_space<semaphore_mem>>)
    %dma_start3A_25 = arith.constant 1 : i32
    %dma_start3A_26 = arith.constant 1 : i32
    %dma_start3A_27 = arith.constant 0 : i32
    %dma_start3A_28 = arith.constant 0 : i32
    %dma_start3A_29 = tpu.memref_slice %arg13[%dma_start3A_26, %dma_start3A_27, %dma_start3A_28] : memref<4x128x16xf32, #tpu.memory_space<vmem>> -> memref<1x128x16xf32, #tpu.memory_space<vmem>>
    %dma_start3A_30 = tpu.memref_squeeze %dma_start3A_29 : memref<1x128x16xf32, #tpu.memory_space<vmem>> -> memref<128x16xf32, #tpu.memory_space<vmem>>
    %dma_start3A_31 = arith.constant 0 : i32
    %dma_start3A_32 = tpu.memref_slice %arg11[%dma_start3A_25, %dma_start3A_31] : memref<80x128xi32, #tpu.memory_space<vmem>> -> memref<1x128xi32, #tpu.memory_space<vmem>>
    %dma_start3A_33 = tpu.memref_squeeze %dma_start3A_32 : memref<1x128xi32, #tpu.memory_space<vmem>> -> memref<128xi32, #tpu.memory_space<vmem>>
    %dma_start3A_34 = arith.constant 0 : i32
    %dma_start3A_35 = arith.constant 0 : i32
    %dma_start3A_36 = tpu.memref_slice %arg10[%dma_start3A_34, %dma_start3A_35] : memref<20480x16xf32, #tpu.memory_space<hbm>> -> memref<20480x16xf32, #tpu.memory_space<hbm>>
    tpu.enqueue_indirect_dma source(%dma_start3A_36 : memref<20480x16xf32, #tpu.memory_space<hbm>>) target(%dma_start3A_30 : memref<128x16xf32, #tpu.memory_space<vmem>>) offsets(%dma_start3A_33 : memref<128xi32, #tpu.memory_space<vmem>>) semaphore(%arg20 : memref<!tpu.dma_semaphore, #tpu.memory_space<semaphore_mem>>)
    %dma_wait3A = arith.constant 0 : i32
    %dma_wait3A_37 = arith.constant 0 : i32
    %dma_wait3A_38 = arith.constant 0 : i32
    %dma_wait3A_39 = arith.constant 0 : i32
    %dma_wait3A_40 = tpu.memref_slice %arg13[%dma_wait3A_37, %dma_wait3A_38, %dma_wait3A_39] : memref<4x128x16xf32, #tpu.memory_space<vmem>> -> memref<1x128x16xf32, #tpu.memory_space<vmem>>
    %dma_wait3A_41 = tpu.memref_squeeze %dma_wait3A_40 : memref<1x128x16xf32, #tpu.memory_space<vmem>> -> memref<128x16xf32, #tpu.memory_space<vmem>>
    %dma_wait3A_42 = arith.constant 0 : i32
    %dma_wait3A_43 = tpu.memref_slice %arg11[%dma_wait3A, %dma_wait3A_42] : memref<80x128xi32, #tpu.memory_space<vmem>> -> memref<1x128xi32, #tpu.memory_space<vmem>>
    %dma_wait3A_44 = tpu.memref_squeeze %dma_wait3A_43 : memref<1x128xi32, #tpu.memory_space<vmem>> -> memref<128xi32, #tpu.memory_space<vmem>>
    %dma_wait3A_45 = arith.constant 0 : i32
    %dma_wait3A_46 = arith.constant 0 : i32
    %dma_wait3A_47 = tpu.memref_slice %arg10[%dma_wait3A_45, %dma_wait3A_46] : memref<20480x16xf32, #tpu.memory_space<hbm>> -> memref<20480x16xf32, #tpu.memory_space<hbm>>
    tpu.wait_indirect_dma semaphore(%arg19 : memref<!tpu.dma_semaphore, #tpu.memory_space<semaphore_mem>>) src(%dma_wait3A_47 : memref<20480x16xf32, #tpu.memory_space<hbm>>) dst(%dma_wait3A_41 : memref<128x16xf32, #tpu.memory_space<vmem>>)
    %dma_start3A_48 = arith.constant 0 : i32
    %dma_start3A_49 = arith.constant 0 : i32
    %dma_start3A_50 = arith.constant 0 : i32
    %dma_start3A_51 = arith.constant 0 : i32
    %dma_start3A_52 = tpu.memref_slice %arg13[%dma_start3A_48, %dma_start3A_50, %dma_start3A_51] : memref<4x128x16xf32, #tpu.memory_space<vmem>> -> memref<1x128x16xf32, #tpu.memory_space<vmem>>
    %dma_start3A_53 = tpu.memref_squeeze %dma_start3A_52 : memref<1x128x16xf32, #tpu.memory_space<vmem>> -> memref<128x16xf32, #tpu.memory_space<vmem>>
    %dma_start3A_54 = arith.constant 0 : i32
    %dma_start3A_55 = tpu.memref_slice %arg12[%dma_start3A_49, %dma_start3A_54] : memref<80x128xi32, #tpu.memory_space<vmem>> -> memref<1x128xi32, #tpu.memory_space<vmem>>
    %dma_start3A_56 = tpu.memref_squeeze %dma_start3A_55 : memref<1x128xi32, #tpu.memory_space<vmem>> -> memref<128xi32, #tpu.memory_space<vmem>>
    %dma_start3A_57 = arith.constant 0 : i32
    %dma_start3A_58 = arith.constant 0 : i32
    %dma_start3A_59 = tpu.memref_slice %arg18[%dma_start3A_57, %dma_start3A_58] : memref<10240x16xf32, #tpu.memory_space<vmem_shared>> -> memref<10240x16xf32, #tpu.memory_space<vmem_shared>>
    tpu.enqueue_indirect_dma source(%dma_start3A_53 : memref<128x16xf32, #tpu.memory_space<vmem>>) target(%dma_start3A_59 : memref<10240x16xf32, #tpu.memory_space<vmem_shared>>) offsets(%dma_start3A_56 : memref<128xi32, #tpu.memory_space<vmem>>) semaphore(%arg23 : memref<!tpu.dma_semaphore, #tpu.memory_space<semaphore_mem>>) {add = true}
    %dma_start3A_60 = arith.constant 2 : i32
    %dma_start3A_61 = arith.constant 2 : i32
    %dma_start3A_62 = arith.constant 0 : i32
    %dma_start3A_63 = arith.constant 0 : i32
    %dma_start3A_64 = tpu.memref_slice %arg13[%dma_start3A_61, %dma_start3A_62, %dma_start3A_63] : memref<4x128x16xf32, #tpu.memory_space<vmem>> -> memref<1x128x16xf32, #tpu.memory_space<vmem>>
    %dma_start3A_65 = tpu.memref_squeeze %dma_start3A_64 : memref<1x128x16xf32, #tpu.memory_space<vmem>> -> memref<128x16xf32, #tpu.memory_space<vmem>>
    %dma_start3A_66 = arith.constant 0 : i32
    %dma_start3A_67 = tpu.memref_slice %arg11[%dma_start3A_60, %dma_start3A_66] : memref<80x128xi32, #tpu.memory_space<vmem>> -> memref<1x128xi32, #tpu.memory_space<vmem>>
    %dma_start3A_68 = tpu.memref_squeeze %dma_start3A_67 : memref<1x128xi32, #tpu.memory_space<vmem>> -> memref<128xi32, #tpu.memory_space<vmem>>
    %dma_start3A_69 = arith.constant 0 : i32
    %dma_start3A_70 = arith.constant 0 : i32
    %dma_start3A_71 = tpu.memref_slice %arg10[%dma_start3A_69, %dma_start3A_70] : memref<20480x16xf32, #tpu.memory_space<hbm>> -> memref<20480x16xf32, #tpu.memory_space<hbm>>
    tpu.enqueue_indirect_dma source(%dma_start3A_71 : memref<20480x16xf32, #tpu.memory_space<hbm>>) target(%dma_start3A_65 : memref<128x16xf32, #tpu.memory_space<vmem>>) offsets(%dma_start3A_68 : memref<128xi32, #tpu.memory_space<vmem>>) semaphore(%arg21 : memref<!tpu.dma_semaphore, #tpu.memory_space<semaphore_mem>>)
    %dma_wait3A_72 = arith.constant 1 : i32
    %dma_wait3A_73 = arith.constant 1 : i32
    %dma_wait3A_74 = arith.constant 0 : i32
    %dma_wait3A_75 = arith.constant 0 : i32
    %dma_wait3A_76 = tpu.memref_slice %arg13[%dma_wait3A_73, %dma_wait3A_74, %dma_wait3A_75] : memref<4x128x16xf32, #tpu.memory_space<vmem>> -> memref<1x128x16xf32, #tpu.memory_space<vmem>>
    %dma_wait3A_77 = tpu.memref_squeeze %dma_wait3A_76 : memref<1x128x16xf32, #tpu.memory_space<vmem>> -> memref<128x16xf32, #tpu.memory_space<vmem>>
    %dma_wait3A_78 = arith.constant 0 : i32
    %dma_wait3A_79 = tpu.memref_slice %arg11[%dma_wait3A_72, %dma_wait3A_78] : memref<80x128xi32, #tpu.memory_space<vmem>> -> memref<1x128xi32, #tpu.memory_space<vmem>>
    %dma_wait3A_80 = tpu.memref_squeeze %dma_wait3A_79 : memref<1x128xi32, #tpu.memory_space<vmem>> -> memref<128xi32, #tpu.memory_space<vmem>>
    %dma_wait3A_81 = arith.constant 0 : i32
    %dma_wait3A_82 = arith.constant 0 : i32
    %dma_wait3A_83 = tpu.memref_slice %arg10[%dma_wait3A_81, %dma_wait3A_82] : memref<20480x16xf32, #tpu.memory_space<hbm>> -> memref<20480x16xf32, #tpu.memory_space<hbm>>
    tpu.wait_indirect_dma semaphore(%arg20 : memref<!tpu.dma_semaphore, #tpu.memory_space<semaphore_mem>>) src(%dma_wait3A_83 : memref<20480x16xf32, #tpu.memory_space<hbm>>) dst(%dma_wait3A_77 : memref<128x16xf32, #tpu.memory_space<vmem>>)
    %dma_start3A_84 = arith.constant 1 : i32
    %dma_start3A_85 = arith.constant 1 : i32
    %dma_start3A_86 = arith.constant 0 : i32
    %dma_start3A_87 = arith.constant 0 : i32
    %dma_start3A_88 = tpu.memref_slice %arg13[%dma_start3A_84, %dma_start3A_86, %dma_start3A_87] : memref<4x128x16xf32, #tpu.memory_space<vmem>> -> memref<1x128x16xf32, #tpu.memory_space<vmem>>
    %dma_start3A_89 = tpu.memref_squeeze %dma_start3A_88 : memref<1x128x16xf32, #tpu.memory_space<vmem>> -> memref<128x16xf32, #tpu.memory_space<vmem>>
    %dma_start3A_90 = arith.constant 0 : i32
    %dma_start3A_91 = tpu.memref_slice %arg12[%dma_start3A_85, %dma_start3A_90] : memref<80x128xi32, #tpu.memory_space<vmem>> -> memref<1x128xi32, #tpu.memory_space<vmem>>
    %dma_start3A_92 = tpu.memref_squeeze %dma_start3A_91 : memref<1x128xi32, #tpu.memory_space<vmem>> -> memref<128xi32, #tpu.memory_space<vmem>>
    %dma_start3A_93 = arith.constant 0 : i32
    %dma_start3A_94 = arith.constant 0 : i32
    %dma_start3A_95 = tpu.memref_slice %arg18[%dma_start3A_93, %dma_start3A_94] : memref<10240x16xf32, #tpu.memory_space<vmem_shared>> -> memref<10240x16xf32, #tpu.memory_space<vmem_shared>>
    tpu.enqueue_indirect_dma source(%dma_start3A_89 : memref<128x16xf32, #tpu.memory_space<vmem>>) target(%dma_start3A_95 : memref<10240x16xf32, #tpu.memory_space<vmem_shared>>) offsets(%dma_start3A_92 : memref<128xi32, #tpu.memory_space<vmem>>) semaphore(%arg24 : memref<!tpu.dma_semaphore, #tpu.memory_space<semaphore_mem>>) {add = true}
    %dma_start3A_96 = arith.constant 3 : i32
    %dma_start3A_97 = arith.constant 3 : i32
    %dma_start3A_98 = arith.constant 0 : i32
    %dma_start3A_99 = arith.constant 0 : i32
    %dma_start3A_100 = tpu.memref_slice %arg13[%dma_start3A_97, %dma_start3A_98, %dma_start3A_99] : memref<4x128x16xf32, #tpu.memory_space<vmem>> -> memref<1x128x16xf32, #tpu.memory_space<vmem>>
    %dma_start3A_101 = tpu.memref_squeeze %dma_start3A_100 : memref<1x128x16xf32, #tpu.memory_space<vmem>> -> memref<128x16xf32, #tpu.memory_space<vmem>>
    %dma_start3A_102 = arith.constant 0 : i32
    %dma_start3A_103 = tpu.memref_slice %arg11[%dma_start3A_96, %dma_start3A_102] : memref<80x128xi32, #tpu.memory_space<vmem>> -> memref<1x128xi32, #tpu.memory_space<vmem>>
    %dma_start3A_104 = tpu.memref_squeeze %dma_start3A_103 : memref<1x128xi32, #tpu.memory_space<vmem>> -> memref<128xi32, #tpu.memory_space<vmem>>
    %dma_start3A_105 = arith.constant 0 : i32
    %dma_start3A_106 = arith.constant 0 : i32
    %dma_start3A_107 = tpu.memref_slice %arg10[%dma_start3A_105, %dma_start3A_106] : memref<20480x16xf32, #tpu.memory_space<hbm>> -> memref<20480x16xf32, #tpu.memory_space<hbm>>
    tpu.enqueue_indirect_dma source(%dma_start3A_107 : memref<20480x16xf32, #tpu.memory_space<hbm>>) target(%dma_start3A_101 : memref<128x16xf32, #tpu.memory_space<vmem>>) offsets(%dma_start3A_104 : memref<128xi32, #tpu.memory_space<vmem>>) semaphore(%arg22 : memref<!tpu.dma_semaphore, #tpu.memory_space<semaphore_mem>>)
    %dma_wait3A_108 = arith.constant 2 : i32
    %dma_wait3A_109 = arith.constant 2 : i32
    %dma_wait3A_110 = arith.constant 0 : i32
    %dma_wait3A_111 = arith.constant 0 : i32
    %dma_wait3A_112 = tpu.memref_slice %arg13[%dma_wait3A_109, %dma_wait3A_110, %dma_wait3A_111] : memref<4x128x16xf32, #tpu.memory_space<vmem>> -> memref<1x128x16xf32, #tpu.memory_space<vmem>>
    %dma_wait3A_113 = tpu.memref_squeeze %dma_wait3A_112 : memref<1x128x16xf32, #tpu.memory_space<vmem>> -> memref<128x16xf32, #tpu.memory_space<vmem>>
    %dma_wait3A_114 = arith.constant 0 : i32
    %dma_wait3A_115 = tpu.memref_slice %arg11[%dma_wait3A_108, %dma_wait3A_114] : memref<80x128xi32, #tpu.memory_space<vmem>> -> memref<1x128xi32, #tpu.memory_space<vmem>>
    %dma_wait3A_116 = tpu.memref_squeeze %dma_wait3A_115 : memref<1x128xi32, #tpu.memory_space<vmem>> -> memref<128xi32, #tpu.memory_space<vmem>>
    %dma_wait3A_117 = arith.constant 0 : i32
    %dma_wait3A_118 = arith.constant 0 : i32
    %dma_wait3A_119 = tpu.memref_slice %arg10[%dma_wait3A_117, %dma_wait3A_118] : memref<20480x16xf32, #tpu.memory_space<hbm>> -> memref<20480x16xf32, #tpu.memory_space<hbm>>
    tpu.wait_indirect_dma semaphore(%arg21 : memref<!tpu.dma_semaphore, #tpu.memory_space<semaphore_mem>>) src(%dma_wait3A_119 : memref<20480x16xf32, #tpu.memory_space<hbm>>) dst(%dma_wait3A_113 : memref<128x16xf32, #tpu.memory_space<vmem>>)
    %dma_start3A_120 = arith.constant 2 : i32
    %dma_start3A_121 = arith.constant 2 : i32
    %dma_start3A_122 = arith.constant 0 : i32
    %dma_start3A_123 = arith.constant 0 : i32
    %dma_start3A_124 = tpu.memref_slice %arg13[%dma_start3A_120, %dma_start3A_122, %dma_start3A_123] : memref<4x128x16xf32, #tpu.memory_space<vmem>> -> memref<1x128x16xf32, #tpu.memory_space<vmem>>
    %dma_start3A_125 = tpu.memref_squeeze %dma_start3A_124 : memref<1x128x16xf32, #tpu.memory_space<vmem>> -> memref<128x16xf32, #tpu.memory_space<vmem>>
    %dma_start3A_126 = arith.constant 0 : i32
    %dma_start3A_127 = tpu.memref_slice %arg12[%dma_start3A_121, %dma_start3A_126] : memref<80x128xi32, #tpu.memory_space<vmem>> -> memref<1x128xi32, #tpu.memory_space<vmem>>
    %dma_start3A_128 = tpu.memref_squeeze %dma_start3A_127 : memref<1x128xi32, #tpu.memory_space<vmem>> -> memref<128xi32, #tpu.memory_space<vmem>>
    %dma_start3A_129 = arith.constant 0 : i32
    %dma_start3A_130 = arith.constant 0 : i32
    %dma_start3A_131 = tpu.memref_slice %arg18[%dma_start3A_129, %dma_start3A_130] : memref<10240x16xf32, #tpu.memory_space<vmem_shared>> -> memref<10240x16xf32, #tpu.memory_space<vmem_shared>>
    tpu.enqueue_indirect_dma source(%dma_start3A_125 : memref<128x16xf32, #tpu.memory_space<vmem>>) target(%dma_start3A_131 : memref<10240x16xf32, #tpu.memory_space<vmem_shared>>) offsets(%dma_start3A_128 : memref<128xi32, #tpu.memory_space<vmem>>) semaphore(%arg25 : memref<!tpu.dma_semaphore, #tpu.memory_space<semaphore_mem>>) {add = true}
    %dma_wait3A_132 = arith.constant 0 : i32
    %dma_wait3A_133 = arith.constant 0 : i32
    %dma_wait3A_134 = arith.constant 0 : i32
    %dma_wait3A_135 = arith.constant 0 : i32
    %dma_wait3A_136 = tpu.memref_slice %arg13[%dma_wait3A_132, %dma_wait3A_134, %dma_wait3A_135] : memref<4x128x16xf32, #tpu.memory_space<vmem>> -> memref<1x128x16xf32, #tpu.memory_space<vmem>>
    %dma_wait3A_137 = tpu.memref_squeeze %dma_wait3A_136 : memref<1x128x16xf32, #tpu.memory_space<vmem>> -> memref<128x16xf32, #tpu.memory_space<vmem>>
    %dma_wait3A_138 = arith.constant 0 : i32
    %dma_wait3A_139 = tpu.memref_slice %arg12[%dma_wait3A_133, %dma_wait3A_138] : memref<80x128xi32, #tpu.memory_space<vmem>> -> memref<1x128xi32, #tpu.memory_space<vmem>>
    %dma_wait3A_140 = tpu.memref_squeeze %dma_wait3A_139 : memref<1x128xi32, #tpu.memory_space<vmem>> -> memref<128xi32, #tpu.memory_space<vmem>>
    %dma_wait3A_141 = arith.constant 0 : i32
    %dma_wait3A_142 = arith.constant 0 : i32
    %dma_wait3A_143 = tpu.memref_slice %arg18[%dma_wait3A_141, %dma_wait3A_142] : memref<10240x16xf32, #tpu.memory_space<vmem_shared>> -> memref<10240x16xf32, #tpu.memory_space<vmem_shared>>
    tpu.wait_indirect_dma semaphore(%arg23 : memref<!tpu.dma_semaphore, #tpu.memory_space<semaphore_mem>>) src(%dma_wait3A_137 : memref<128x16xf32, #tpu.memory_space<vmem>>) dst(%dma_wait3A_143 : memref<10240x16xf32, #tpu.memory_space<vmem_shared>>)
    %dma_start3A_144 = arith.constant 4 : i32
    %dma_start3A_145 = arith.constant 0 : i32
    %dma_start3A_146 = arith.constant 0 : i32
    %dma_start3A_147 = arith.constant 0 : i32
    %dma_start3A_148 = tpu.memref_slice %arg13[%dma_start3A_145, %dma_start3A_146, %dma_start3A_147] : memref<4x128x16xf32, #tpu.memory_space<vmem>> -> memref<1x128x16xf32, #tpu.memory_space<vmem>>
    %dma_start3A_149 = tpu.memref_squeeze %dma_start3A_148 : memref<1x128x16xf32, #tpu.memory_space<vmem>> -> memref<128x16xf32, #tpu.memory_space<vmem>>
    %dma_start3A_150 = arith.constant 0 : i32
    %dma_start3A_151 = tpu.memref_slice %arg11[%dma_start3A_144, %dma_start3A_150] : memref<80x128xi32, #tpu.memory_space<vmem>> -> memref<1x128xi32, #tpu.memory_space<vmem>>
    %dma_start3A_152 = tpu.memref_squeeze %dma_start3A_151 : memref<1x128xi32, #tpu.memory_space<vmem>> -> memref<128xi32, #tpu.memory_space<vmem>>
    %dma_start3A_153 = arith.constant 0 : i32
    %dma_start3A_154 = arith.constant 0 : i32
    %dma_start3A_155 = tpu.memref_slice %arg10[%dma_start3A_153, %dma_start3A_154] : memref<20480x16xf32, #tpu.memory_space<hbm>> -> memref<20480x16xf32, #tpu.memory_space<hbm>>
    tpu.enqueue_indirect_dma source(%dma_start3A_155 : memref<20480x16xf32, #tpu.memory_space<hbm>>) target(%dma_start3A_149 : memref<128x16xf32, #tpu.memory_space<vmem>>) offsets(%dma_start3A_152 : memref<128xi32, #tpu.memory_space<vmem>>) semaphore(%arg19 : memref<!tpu.dma_semaphore, #tpu.memory_space<semaphore_mem>>)
    %dma_wait3A_156 = arith.constant 3 : i32
    %dma_wait3A_157 = arith.constant 3 : i32
    %dma_wait3A_158 = arith.constant 0 : i32
    %dma_wait3A_159 = arith.constant 0 : i32
    %dma_wait3A_160 = tpu.memref_slice %arg13[%dma_wait3A_157, %dma_wait3A_158, %dma_wait3A_159] : memref<4x128x16xf32, #tpu.memory_space<vmem>> -> memref<1x128x16xf32, #tpu.memory_space<vmem>>
    %dma_wait3A_161 = tpu.memref_squeeze %dma_wait3A_160 : memref<1x128x16xf32, #tpu.memory_space<vmem>> -> memref<128x16xf32, #tpu.memory_space<vmem>>
    %dma_wait3A_162 = arith.constant 0 : i32
    %dma_wait3A_163 = tpu.memref_slice %arg11[%dma_wait3A_156, %dma_wait3A_162] : memref<80x128xi32, #tpu.memory_space<vmem>> -> memref<1x128xi32, #tpu.memory_space<vmem>>
    %dma_wait3A_164 = tpu.memref_squeeze %dma_wait3A_163 : memref<1x128xi32, #tpu.memory_space<vmem>> -> memref<128xi32, #tpu.memory_space<vmem>>
    %dma_wait3A_165 = arith.constant 0 : i32
    %dma_wait3A_166 = arith.constant 0 : i32
    %dma_wait3A_167 = tpu.memref_slice %arg10[%dma_wait3A_165, %dma_wait3A_166] : memref<20480x16xf32, #tpu.memory_space<hbm>> -> memref<20480x16xf32, #tpu.memory_space<hbm>>
    tpu.wait_indirect_dma semaphore(%arg22 : memref<!tpu.dma_semaphore, #tpu.memory_space<semaphore_mem>>) src(%dma_wait3A_167 : memref<20480x16xf32, #tpu.memory_space<hbm>>) dst(%dma_wait3A_161 : memref<128x16xf32, #tpu.memory_space<vmem>>)
    %dma_start3A_168 = arith.constant 3 : i32
    %dma_start3A_169 = arith.constant 3 : i32
    %dma_start3A_170 = arith.constant 0 : i32
    %dma_start3A_171 = arith.constant 0 : i32
    %dma_start3A_172 = tpu.memref_slice %arg13[%dma_start3A_168, %dma_start3A_170, %dma_start3A_171] : memref<4x128x16xf32, #tpu.memory_space<vmem>> -> memref<1x128x16xf32, #tpu.memory_space<vmem>>
    %dma_start3A_173 = tpu.memref_squeeze %dma_start3A_172 : memref<1x128x16xf32, #tpu.memory_space<vmem>> -> memref<128x16xf32, #tpu.memory_space<vmem>>
    %dma_start3A_174 = arith.constant 0 : i32
    %dma_start3A_175 = tpu.memref_slice %arg12[%dma_start3A_169, %dma_start3A_174] : memref<80x128xi32, #tpu.memory_space<vmem>> -> memref<1x128xi32, #tpu.memory_space<vmem>>
    %dma_start3A_176 = tpu.memref_squeeze %dma_start3A_175 : memref<1x128xi32, #tpu.memory_space<vmem>> -> memref<128xi32, #tpu.memory_space<vmem>>
    %dma_start3A_177 = arith.constant 0 : i32
    %dma_start3A_178 = arith.constant 0 : i32
    %dma_start3A_179 = tpu.memref_slice %arg18[%dma_start3A_177, %dma_start3A_178] : memref<10240x16xf32, #tpu.memory_space<vmem_shared>> -> memref<10240x16xf32, #tpu.memory_space<vmem_shared>>
    tpu.enqueue_indirect_dma source(%dma_start3A_173 : memref<128x16xf32, #tpu.memory_space<vmem>>) target(%dma_start3A_179 : memref<10240x16xf32, #tpu.memory_space<vmem_shared>>) offsets(%dma_start3A_176 : memref<128xi32, #tpu.memory_space<vmem>>) semaphore(%arg26 : memref<!tpu.dma_semaphore, #tpu.memory_space<semaphore_mem>>) {add = true}
    %dma_wait3A_180 = arith.constant 1 : i32
    %dma_wait3A_181 = arith.constant 0 : i32
    %dma_wait3A_182 = arith.constant 0 : i32
    %dma_wait3A_183 = arith.constant 0 : i32
    %dma_wait3A_184 = tpu.memref_slice %arg13[%dma_wait3A_180, %dma_wait3A_182, %dma_wait3A_183] : memref<4x128x16xf32, #tpu.memory_space<vmem>> -> memref<1x128x16xf32, #tpu.memory_space<vmem>>
    %dma_wait3A_185 = tpu.memref_squeeze %dma_wait3A_184 : memref<1x128x16xf32, #tpu.memory_space<vmem>> -> memref<128x16xf32, #tpu.memory_space<vmem>>
    %dma_wait3A_186 = arith.constant 0 : i32
    %dma_wait3A_187 = tpu.memref_slice %arg12[%dma_wait3A_181, %dma_wait3A_186] : memref<80x128xi32, #tpu.memory_space<vmem>> -> memref<1x128xi32, #tpu.memory_space<vmem>>
    %dma_wait3A_188 = tpu.memref_squeeze %dma_wait3A_187 : memref<1x128xi32, #tpu.memory_space<vmem>> -> memref<128xi32, #tpu.memory_space<vmem>>
    %dma_wait3A_189 = arith.constant 0 : i32
    %dma_wait3A_190 = arith.constant 0 : i32
    %dma_wait3A_191 = tpu.memref_slice %arg18[%dma_wait3A_189, %dma_wait3A_190] : memref<10240x16xf32, #tpu.memory_space<vmem_shared>> -> memref<10240x16xf32, #tpu.memory_space<vmem_shared>>
    tpu.wait_indirect_dma semaphore(%arg24 : memref<!tpu.dma_semaphore, #tpu.memory_space<semaphore_mem>>) src(%dma_wait3A_185 : memref<128x16xf32, #tpu.memory_space<vmem>>) dst(%dma_wait3A_191 : memref<10240x16xf32, #tpu.memory_space<vmem_shared>>)
    %dma_start3A_192 = arith.constant 5 : i32
    %dma_start3A_193 = arith.constant 1 : i32
    %dma_start3A_194 = arith.constant 0 : i32
    %dma_start3A_195 = arith.constant 0 : i32
    %dma_start3A_196 = tpu.memref_slice %arg13[%dma_start3A_193, %dma_start3A_194, %dma_start3A_195] : memref<4x128x16xf32, #tpu.memory_space<vmem>> -> memref<1x128x16xf32, #tpu.memory_space<vmem>>
    %dma_start3A_197 = tpu.memref_squeeze %dma_start3A_196 : memref<1x128x16xf32, #tpu.memory_space<vmem>> -> memref<128x16xf32, #tpu.memory_space<vmem>>
    %dma_start3A_198 = arith.constant 0 : i32
    %dma_start3A_199 = tpu.memref_slice %arg11[%dma_start3A_192, %dma_start3A_198] : memref<80x128xi32, #tpu.memory_space<vmem>> -> memref<1x128xi32, #tpu.memory_space<vmem>>
    %dma_start3A_200 = tpu.memref_squeeze %dma_start3A_199 : memref<1x128xi32, #tpu.memory_space<vmem>> -> memref<128xi32, #tpu.memory_space<vmem>>
    %dma_start3A_201 = arith.constant 0 : i32
    %dma_start3A_202 = arith.constant 0 : i32
    %dma_start3A_203 = tpu.memref_slice %arg10[%dma_start3A_201, %dma_start3A_202] : memref<20480x16xf32, #tpu.memory_space<hbm>> -> memref<20480x16xf32, #tpu.memory_space<hbm>>
    tpu.enqueue_indirect_dma source(%dma_start3A_203 : memref<20480x16xf32, #tpu.memory_space<hbm>>) target(%dma_start3A_197 : memref<128x16xf32, #tpu.memory_space<vmem>>) offsets(%dma_start3A_200 : memref<128xi32, #tpu.memory_space<vmem>>) semaphore(%arg20 : memref<!tpu.dma_semaphore, #tpu.memory_space<semaphore_mem>>)
    %scan3A_204 = arith.constant 0 : i32
    %scan3A_205 = arith.constant 1 : i32
    %scan3A_206 = arith.constant 19 : i32
    %scan3A_207 = arith.addi %scan3A_205, %scan3A_206 : i32
    %scan3A_208 = arith.constant 1 : i32
    scf.for %scan3A_259 = %scan3A_205 to %scan3A_207 step %scan3A_208  : i32 {
      %mul3A_260 = arith.constant 4 : i32
      %mul3A_261 = arith.muli %mul3A_260, %scan3A_259 : i32
      %add3A_262 = arith.constant 0 : i32
      %add3A_263 = arith.addi %mul3A_261, %add3A_262 : i32
      %dma_wait3A_264 = arith.constant 0 : i32
      %dma_wait3A_265 = arith.constant 0 : i32
      %dma_wait3A_266 = arith.constant 0 : i32
      %dma_wait3A_267 = tpu.memref_slice %arg13[%dma_wait3A_264, %dma_wait3A_265, %dma_wait3A_266] : memref<4x128x16xf32, #tpu.memory_space<vmem>> -> memref<1x128x16xf32, #tpu.memory_space<vmem>>
      %dma_wait3A_268 = tpu.memref_squeeze %dma_wait3A_267 : memref<1x128x16xf32, #tpu.memory_space<vmem>> -> memref<128x16xf32, #tpu.memory_space<vmem>>
      %dma_wait3A_269 = arith.constant 0 : i32
      %dma_wait3A_270 = tpu.memref_slice %arg11[%add3A_263, %dma_wait3A_269] : memref<80x128xi32, #tpu.memory_space<vmem>> -> memref<1x128xi32, #tpu.memory_space<vmem>>
      %dma_wait3A_271 = tpu.memref_squeeze %dma_wait3A_270 : memref<1x128xi32, #tpu.memory_space<vmem>> -> memref<128xi32, #tpu.memory_space<vmem>>
      %dma_wait3A_272 = arith.constant 0 : i32
      %dma_wait3A_273 = arith.constant 0 : i32
      %dma_wait3A_274 = tpu.memref_slice %arg10[%dma_wait3A_272, %dma_wait3A_273] : memref<20480x16xf32, #tpu.memory_space<hbm>> -> memref<20480x16xf32, #tpu.memory_space<hbm>>
      tpu.wait_indirect_dma semaphore(%arg19 : memref<!tpu.dma_semaphore, #tpu.memory_space<semaphore_mem>>) src(%dma_wait3A_274 : memref<20480x16xf32, #tpu.memory_space<hbm>>) dst(%dma_wait3A_268 : memref<128x16xf32, #tpu.memory_space<vmem>>)
      %dma_start3A_275 = arith.constant 0 : i32
      %dma_start3A_276 = arith.constant 0 : i32
      %dma_start3A_277 = arith.constant 0 : i32
      %dma_start3A_278 = tpu.memref_slice %arg13[%dma_start3A_275, %dma_start3A_276, %dma_start3A_277] : memref<4x128x16xf32, #tpu.memory_space<vmem>> -> memref<1x128x16xf32, #tpu.memory_space<vmem>>
      %dma_start3A_279 = tpu.memref_squeeze %dma_start3A_278 : memref<1x128x16xf32, #tpu.memory_space<vmem>> -> memref<128x16xf32, #tpu.memory_space<vmem>>
      %dma_start3A_280 = arith.constant 0 : i32
      %dma_start3A_281 = tpu.memref_slice %arg12[%add3A_263, %dma_start3A_280] : memref<80x128xi32, #tpu.memory_space<vmem>> -> memref<1x128xi32, #tpu.memory_space<vmem>>
      %dma_start3A_282 = tpu.memref_squeeze %dma_start3A_281 : memref<1x128xi32, #tpu.memory_space<vmem>> -> memref<128xi32, #tpu.memory_space<vmem>>
      %dma_start3A_283 = arith.constant 0 : i32
      %dma_start3A_284 = arith.constant 0 : i32
      %dma_start3A_285 = tpu.memref_slice %arg18[%dma_start3A_283, %dma_start3A_284] : memref<10240x16xf32, #tpu.memory_space<vmem_shared>> -> memref<10240x16xf32, #tpu.memory_space<vmem_shared>>
      tpu.enqueue_indirect_dma source(%dma_start3A_279 : memref<128x16xf32, #tpu.memory_space<vmem>>) target(%dma_start3A_285 : memref<10240x16xf32, #tpu.memory_space<vmem_shared>>) offsets(%dma_start3A_282 : memref<128xi32, #tpu.memory_space<vmem>>) semaphore(%arg23 : memref<!tpu.dma_semaphore, #tpu.memory_space<semaphore_mem>>) {add = true}
      %add3A_286 = arith.constant 2 : i32
      %add3A_287 = arith.addi %add3A_263, %add3A_286 : i32
      %lt3A = arith.constant 80 : i32
      %lt3A_288 = arith.cmpi slt, %add3A_287, %lt3A : i32
      %convert_element_type3A = arith.extui %lt3A_288 : i1 to i32
      %cond3A = arith.constant 0 : i32
      %cond3A_289 = arith.cmpi ne, %convert_element_type3A, %cond3A : i32
      scf.if %cond3A_289 {
        %dma_wait3A_389 = arith.constant 2 : i32
        %dma_wait3A_390 = arith.constant 0 : i32
        %dma_wait3A_391 = arith.constant 0 : i32
        %dma_wait3A_392 = arith.constant 0 : i32
        %dma_wait3A_393 = tpu.memref_slice %arg13[%dma_wait3A_389, %dma_wait3A_391, %dma_wait3A_392] : memref<4x128x16xf32, #tpu.memory_space<vmem>> -> memref<1x128x16xf32, #tpu.memory_space<vmem>>
        %dma_wait3A_394 = tpu.memref_squeeze %dma_wait3A_393 : memref<1x128x16xf32, #tpu.memory_space<vmem>> -> memref<128x16xf32, #tpu.memory_space<vmem>>
        %dma_wait3A_395 = arith.constant 0 : i32
        %dma_wait3A_396 = tpu.memref_slice %arg12[%dma_wait3A_390, %dma_wait3A_395] : memref<80x128xi32, #tpu.memory_space<vmem>> -> memref<1x128xi32, #tpu.memory_space<vmem>>
        %dma_wait3A_397 = tpu.memref_squeeze %dma_wait3A_396 : memref<1x128xi32, #tpu.memory_space<vmem>> -> memref<128xi32, #tpu.memory_space<vmem>>
        %dma_wait3A_398 = arith.constant 0 : i32
        %dma_wait3A_399 = arith.constant 0 : i32
        %dma_wait3A_400 = tpu.memref_slice %arg18[%dma_wait3A_398, %dma_wait3A_399] : memref<10240x16xf32, #tpu.memory_space<vmem_shared>> -> memref<10240x16xf32, #tpu.memory_space<vmem_shared>>
        tpu.wait_indirect_dma semaphore(%arg25 : memref<!tpu.dma_semaphore, #tpu.memory_space<semaphore_mem>>) src(%dma_wait3A_394 : memref<128x16xf32, #tpu.memory_space<vmem>>) dst(%dma_wait3A_400 : memref<10240x16xf32, #tpu.memory_space<vmem_shared>>)
        %add3A_401 = arith.constant 2 : i32
        %add3A_402 = arith.addi %add3A_263, %add3A_401 : i32
        %dma_start3A_403 = arith.constant 2 : i32
        %dma_start3A_404 = arith.constant 0 : i32
        %dma_start3A_405 = arith.constant 0 : i32
        %dma_start3A_406 = tpu.memref_slice %arg13[%dma_start3A_403, %dma_start3A_404, %dma_start3A_405] : memref<4x128x16xf32, #tpu.memory_space<vmem>> -> memref<1x128x16xf32, #tpu.memory_space<vmem>>
        %dma_start3A_407 = tpu.memref_squeeze %dma_start3A_406 : memref<1x128x16xf32, #tpu.memory_space<vmem>> -> memref<128x16xf32, #tpu.memory_space<vmem>>
        %dma_start3A_408 = arith.constant 0 : i32
        %dma_start3A_409 = tpu.memref_slice %arg11[%add3A_402, %dma_start3A_408] : memref<80x128xi32, #tpu.memory_space<vmem>> -> memref<1x128xi32, #tpu.memory_space<vmem>>
        %dma_start3A_410 = tpu.memref_squeeze %dma_start3A_409 : memref<1x128xi32, #tpu.memory_space<vmem>> -> memref<128xi32, #tpu.memory_space<vmem>>
        %dma_start3A_411 = arith.constant 0 : i32
        %dma_start3A_412 = arith.constant 0 : i32
        %dma_start3A_413 = tpu.memref_slice %arg10[%dma_start3A_411, %dma_start3A_412] : memref<20480x16xf32, #tpu.memory_space<hbm>> -> memref<20480x16xf32, #tpu.memory_space<hbm>>
        tpu.enqueue_indirect_dma source(%dma_start3A_413 : memref<20480x16xf32, #tpu.memory_space<hbm>>) target(%dma_start3A_407 : memref<128x16xf32, #tpu.memory_space<vmem>>) offsets(%dma_start3A_410 : memref<128xi32, #tpu.memory_space<vmem>>) semaphore(%arg21 : memref<!tpu.dma_semaphore, #tpu.memory_space<semaphore_mem>>)
      } else {
      }
      %mul3A_290 = arith.constant 4 : i32
      %mul3A_291 = arith.muli %mul3A_290, %scan3A_259 : i32
      %add3A_292 = arith.constant 1 : i32
      %add3A_293 = arith.addi %mul3A_291, %add3A_292 : i32
      %dma_wait3A_294 = arith.constant 1 : i32
      %dma_wait3A_295 = arith.constant 0 : i32
      %dma_wait3A_296 = arith.constant 0 : i32
      %dma_wait3A_297 = tpu.memref_slice %arg13[%dma_wait3A_294, %dma_wait3A_295, %dma_wait3A_296] : memref<4x128x16xf32, #tpu.memory_space<vmem>> -> memref<1x128x16xf32, #tpu.memory_space<vmem>>
      %dma_wait3A_298 = tpu.memref_squeeze %dma_wait3A_297 : memref<1x128x16xf32, #tpu.memory_space<vmem>> -> memref<128x16xf32, #tpu.memory_space<vmem>>
      %dma_wait3A_299 = arith.constant 0 : i32
      %dma_wait3A_300 = tpu.memref_slice %arg11[%add3A_293, %dma_wait3A_299] : memref<80x128xi32, #tpu.memory_space<vmem>> -> memref<1x128xi32, #tpu.memory_space<vmem>>
      %dma_wait3A_301 = tpu.memref_squeeze %dma_wait3A_300 : memref<1x128xi32, #tpu.memory_space<vmem>> -> memref<128xi32, #tpu.memory_space<vmem>>
      %dma_wait3A_302 = arith.constant 0 : i32
      %dma_wait3A_303 = arith.constant 0 : i32
      %dma_wait3A_304 = tpu.memref_slice %arg10[%dma_wait3A_302, %dma_wait3A_303] : memref<20480x16xf32, #tpu.memory_space<hbm>> -> memref<20480x16xf32, #tpu.memory_space<hbm>>
      tpu.wait_indirect_dma semaphore(%arg20 : memref<!tpu.dma_semaphore, #tpu.memory_space<semaphore_mem>>) src(%dma_wait3A_304 : memref<20480x16xf32, #tpu.memory_space<hbm>>) dst(%dma_wait3A_298 : memref<128x16xf32, #tpu.memory_space<vmem>>)
      %dma_start3A_305 = arith.constant 1 : i32
      %dma_start3A_306 = arith.constant 0 : i32
      %dma_start3A_307 = arith.constant 0 : i32
      %dma_start3A_308 = tpu.memref_slice %arg13[%dma_start3A_305, %dma_start3A_306, %dma_start3A_307] : memref<4x128x16xf32, #tpu.memory_space<vmem>> -> memref<1x128x16xf32, #tpu.memory_space<vmem>>
      %dma_start3A_309 = tpu.memref_squeeze %dma_start3A_308 : memref<1x128x16xf32, #tpu.memory_space<vmem>> -> memref<128x16xf32, #tpu.memory_space<vmem>>
      %dma_start3A_310 = arith.constant 0 : i32
      %dma_start3A_311 = tpu.memref_slice %arg12[%add3A_293, %dma_start3A_310] : memref<80x128xi32, #tpu.memory_space<vmem>> -> memref<1x128xi32, #tpu.memory_space<vmem>>
      %dma_start3A_312 = tpu.memref_squeeze %dma_start3A_311 : memref<1x128xi32, #tpu.memory_space<vmem>> -> memref<128xi32, #tpu.memory_space<vmem>>
      %dma_start3A_313 = arith.constant 0 : i32
      %dma_start3A_314 = arith.constant 0 : i32
      %dma_start3A_315 = tpu.memref_slice %arg18[%dma_start3A_313, %dma_start3A_314] : memref<10240x16xf32, #tpu.memory_space<vmem_shared>> -> memref<10240x16xf32, #tpu.memory_space<vmem_shared>>
      tpu.enqueue_indirect_dma source(%dma_start3A_309 : memref<128x16xf32, #tpu.memory_space<vmem>>) target(%dma_start3A_315 : memref<10240x16xf32, #tpu.memory_space<vmem_shared>>) offsets(%dma_start3A_312 : memref<128xi32, #tpu.memory_space<vmem>>) semaphore(%arg24 : memref<!tpu.dma_semaphore, #tpu.memory_space<semaphore_mem>>) {add = true}
      %add3A_316 = arith.constant 2 : i32
      %add3A_317 = arith.addi %add3A_293, %add3A_316 : i32
      %lt3A_318 = arith.constant 80 : i32
      %lt3A_319 = arith.cmpi slt, %add3A_317, %lt3A_318 : i32
      %convert_element_type3A_320 = arith.extui %lt3A_319 : i1 to i32
      %cond3A_321 = arith.constant 0 : i32
      %cond3A_322 = arith.cmpi ne, %convert_element_type3A_320, %cond3A_321 : i32
      scf.if %cond3A_322 {
        %dma_wait3A_389 = arith.constant 3 : i32
        %dma_wait3A_390 = arith.constant 0 : i32
        %dma_wait3A_391 = arith.constant 0 : i32
        %dma_wait3A_392 = arith.constant 0 : i32
        %dma_wait3A_393 = tpu.memref_slice %arg13[%dma_wait3A_389, %dma_wait3A_391, %dma_wait3A_392] : memref<4x128x16xf32, #tpu.memory_space<vmem>> -> memref<1x128x16xf32, #tpu.memory_space<vmem>>
        %dma_wait3A_394 = tpu.memref_squeeze %dma_wait3A_393 : memref<1x128x16xf32, #tpu.memory_space<vmem>> -> memref<128x16xf32, #tpu.memory_space<vmem>>
        %dma_wait3A_395 = arith.constant 0 : i32
        %dma_wait3A_396 = tpu.memref_slice %arg12[%dma_wait3A_390, %dma_wait3A_395] : memref<80x128xi32, #tpu.memory_space<vmem>> -> memref<1x128xi32, #tpu.memory_space<vmem>>
        %dma_wait3A_397 = tpu.memref_squeeze %dma_wait3A_396 : memref<1x128xi32, #tpu.memory_space<vmem>> -> memref<128xi32, #tpu.memory_space<vmem>>
        %dma_wait3A_398 = arith.constant 0 : i32
        %dma_wait3A_399 = arith.constant 0 : i32
        %dma_wait3A_400 = tpu.memref_slice %arg18[%dma_wait3A_398, %dma_wait3A_399] : memref<10240x16xf32, #tpu.memory_space<vmem_shared>> -> memref<10240x16xf32, #tpu.memory_space<vmem_shared>>
        tpu.wait_indirect_dma semaphore(%arg26 : memref<!tpu.dma_semaphore, #tpu.memory_space<semaphore_mem>>) src(%dma_wait3A_394 : memref<128x16xf32, #tpu.memory_space<vmem>>) dst(%dma_wait3A_400 : memref<10240x16xf32, #tpu.memory_space<vmem_shared>>)
        %add3A_401 = arith.constant 2 : i32
        %add3A_402 = arith.addi %add3A_293, %add3A_401 : i32
        %dma_start3A_403 = arith.constant 3 : i32
        %dma_start3A_404 = arith.constant 0 : i32
        %dma_start3A_405 = arith.constant 0 : i32
        %dma_start3A_406 = tpu.memref_slice %arg13[%dma_start3A_403, %dma_start3A_404, %dma_start3A_405] : memref<4x128x16xf32, #tpu.memory_space<vmem>> -> memref<1x128x16xf32, #tpu.memory_space<vmem>>
        %dma_start3A_407 = tpu.memref_squeeze %dma_start3A_406 : memref<1x128x16xf32, #tpu.memory_space<vmem>> -> memref<128x16xf32, #tpu.memory_space<vmem>>
        %dma_start3A_408 = arith.constant 0 : i32
        %dma_start3A_409 = tpu.memref_slice %arg11[%add3A_402, %dma_start3A_408] : memref<80x128xi32, #tpu.memory_space<vmem>> -> memref<1x128xi32, #tpu.memory_space<vmem>>
        %dma_start3A_410 = tpu.memref_squeeze %dma_start3A_409 : memref<1x128xi32, #tpu.memory_space<vmem>> -> memref<128xi32, #tpu.memory_space<vmem>>
        %dma_start3A_411 = arith.constant 0 : i32
        %dma_start3A_412 = arith.constant 0 : i32
        %dma_start3A_413 = tpu.memref_slice %arg10[%dma_start3A_411, %dma_start3A_412] : memref<20480x16xf32, #tpu.memory_space<hbm>> -> memref<20480x16xf32, #tpu.memory_space<hbm>>
        tpu.enqueue_indirect_dma source(%dma_start3A_413 : memref<20480x16xf32, #tpu.memory_space<hbm>>) target(%dma_start3A_407 : memref<128x16xf32, #tpu.memory_space<vmem>>) offsets(%dma_start3A_410 : memref<128xi32, #tpu.memory_space<vmem>>) semaphore(%arg22 : memref<!tpu.dma_semaphore, #tpu.memory_space<semaphore_mem>>)
      } else {
      }
      %mul3A_323 = arith.constant 4 : i32
      %mul3A_324 = arith.muli %mul3A_323, %scan3A_259 : i32
      %add3A_325 = arith.constant 2 : i32
      %add3A_326 = arith.addi %mul3A_324, %add3A_325 : i32
      %dma_wait3A_327 = arith.constant 2 : i32
      %dma_wait3A_328 = arith.constant 0 : i32
      %dma_wait3A_329 = arith.constant 0 : i32
      %dma_wait3A_330 = tpu.memref_slice %arg13[%dma_wait3A_327, %dma_wait3A_328, %dma_wait3A_329] : memref<4x128x16xf32, #tpu.memory_space<vmem>> -> memref<1x128x16xf32, #tpu.memory_space<vmem>>
      %dma_wait3A_331 = tpu.memref_squeeze %dma_wait3A_330 : memref<1x128x16xf32, #tpu.memory_space<vmem>> -> memref<128x16xf32, #tpu.memory_space<vmem>>
      %dma_wait3A_332 = arith.constant 0 : i32
      %dma_wait3A_333 = tpu.memref_slice %arg11[%add3A_326, %dma_wait3A_332] : memref<80x128xi32, #tpu.memory_space<vmem>> -> memref<1x128xi32, #tpu.memory_space<vmem>>
      %dma_wait3A_334 = tpu.memref_squeeze %dma_wait3A_333 : memref<1x128xi32, #tpu.memory_space<vmem>> -> memref<128xi32, #tpu.memory_space<vmem>>
      %dma_wait3A_335 = arith.constant 0 : i32
      %dma_wait3A_336 = arith.constant 0 : i32
      %dma_wait3A_337 = tpu.memref_slice %arg10[%dma_wait3A_335, %dma_wait3A_336] : memref<20480x16xf32, #tpu.memory_space<hbm>> -> memref<20480x16xf32, #tpu.memory_space<hbm>>
      tpu.wait_indirect_dma semaphore(%arg21 : memref<!tpu.dma_semaphore, #tpu.memory_space<semaphore_mem>>) src(%dma_wait3A_337 : memref<20480x16xf32, #tpu.memory_space<hbm>>) dst(%dma_wait3A_331 : memref<128x16xf32, #tpu.memory_space<vmem>>)
      %dma_start3A_338 = arith.constant 2 : i32
      %dma_start3A_339 = arith.constant 0 : i32
      %dma_start3A_340 = arith.constant 0 : i32
      %dma_start3A_341 = tpu.memref_slice %arg13[%dma_start3A_338, %dma_start3A_339, %dma_start3A_340] : memref<4x128x16xf32, #tpu.memory_space<vmem>> -> memref<1x128x16xf32, #tpu.memory_space<vmem>>
      %dma_start3A_342 = tpu.memref_squeeze %dma_start3A_341 : memref<1x128x16xf32, #tpu.memory_space<vmem>> -> memref<128x16xf32, #tpu.memory_space<vmem>>
      %dma_start3A_343 = arith.constant 0 : i32
      %dma_start3A_344 = tpu.memref_slice %arg12[%add3A_326, %dma_start3A_343] : memref<80x128xi32, #tpu.memory_space<vmem>> -> memref<1x128xi32, #tpu.memory_space<vmem>>
      %dma_start3A_345 = tpu.memref_squeeze %dma_start3A_344 : memref<1x128xi32, #tpu.memory_space<vmem>> -> memref<128xi32, #tpu.memory_space<vmem>>
      %dma_start3A_346 = arith.constant 0 : i32
      %dma_start3A_347 = arith.constant 0 : i32
      %dma_start3A_348 = tpu.memref_slice %arg18[%dma_start3A_346, %dma_start3A_347] : memref<10240x16xf32, #tpu.memory_space<vmem_shared>> -> memref<10240x16xf32, #tpu.memory_space<vmem_shared>>
      tpu.enqueue_indirect_dma source(%dma_start3A_342 : memref<128x16xf32, #tpu.memory_space<vmem>>) target(%dma_start3A_348 : memref<10240x16xf32, #tpu.memory_space<vmem_shared>>) offsets(%dma_start3A_345 : memref<128xi32, #tpu.memory_space<vmem>>) semaphore(%arg25 : memref<!tpu.dma_semaphore, #tpu.memory_space<semaphore_mem>>) {add = true}
      %add3A_349 = arith.constant 2 : i32
      %add3A_350 = arith.addi %add3A_326, %add3A_349 : i32
      %lt3A_351 = arith.constant 80 : i32
      %lt3A_352 = arith.cmpi slt, %add3A_350, %lt3A_351 : i32
      %convert_element_type3A_353 = arith.extui %lt3A_352 : i1 to i32
      %cond3A_354 = arith.constant 0 : i32
      %cond3A_355 = arith.cmpi ne, %convert_element_type3A_353, %cond3A_354 : i32
      scf.if %cond3A_355 {
        %dma_wait3A_389 = arith.constant 0 : i32
        %dma_wait3A_390 = arith.constant 0 : i32
        %dma_wait3A_391 = arith.constant 0 : i32
        %dma_wait3A_392 = arith.constant 0 : i32
        %dma_wait3A_393 = tpu.memref_slice %arg13[%dma_wait3A_389, %dma_wait3A_391, %dma_wait3A_392] : memref<4x128x16xf32, #tpu.memory_space<vmem>> -> memref<1x128x16xf32, #tpu.memory_space<vmem>>
        %dma_wait3A_394 = tpu.memref_squeeze %dma_wait3A_393 : memref<1x128x16xf32, #tpu.memory_space<vmem>> -> memref<128x16xf32, #tpu.memory_space<vmem>>
        %dma_wait3A_395 = arith.constant 0 : i32
        %dma_wait3A_396 = tpu.memref_slice %arg12[%dma_wait3A_390, %dma_wait3A_395] : memref<80x128xi32, #tpu.memory_space<vmem>> -> memref<1x128xi32, #tpu.memory_space<vmem>>
        %dma_wait3A_397 = tpu.memref_squeeze %dma_wait3A_396 : memref<1x128xi32, #tpu.memory_space<vmem>> -> memref<128xi32, #tpu.memory_space<vmem>>
        %dma_wait3A_398 = arith.constant 0 : i32
        %dma_wait3A_399 = arith.constant 0 : i32
        %dma_wait3A_400 = tpu.memref_slice %arg18[%dma_wait3A_398, %dma_wait3A_399] : memref<10240x16xf32, #tpu.memory_space<vmem_shared>> -> memref<10240x16xf32, #tpu.memory_space<vmem_shared>>
        tpu.wait_indirect_dma semaphore(%arg23 : memref<!tpu.dma_semaphore, #tpu.memory_space<semaphore_mem>>) src(%dma_wait3A_394 : memref<128x16xf32, #tpu.memory_space<vmem>>) dst(%dma_wait3A_400 : memref<10240x16xf32, #tpu.memory_space<vmem_shared>>)
        %add3A_401 = arith.constant 2 : i32
        %add3A_402 = arith.addi %add3A_326, %add3A_401 : i32
        %dma_start3A_403 = arith.constant 0 : i32
        %dma_start3A_404 = arith.constant 0 : i32
        %dma_start3A_405 = arith.constant 0 : i32
        %dma_start3A_406 = tpu.memref_slice %arg13[%dma_start3A_403, %dma_start3A_404, %dma_start3A_405] : memref<4x128x16xf32, #tpu.memory_space<vmem>> -> memref<1x128x16xf32, #tpu.memory_space<vmem>>
        %dma_start3A_407 = tpu.memref_squeeze %dma_start3A_406 : memref<1x128x16xf32, #tpu.memory_space<vmem>> -> memref<128x16xf32, #tpu.memory_space<vmem>>
        %dma_start3A_408 = arith.constant 0 : i32
        %dma_start3A_409 = tpu.memref_slice %arg11[%add3A_402, %dma_start3A_408] : memref<80x128xi32, #tpu.memory_space<vmem>> -> memref<1x128xi32, #tpu.memory_space<vmem>>
        %dma_start3A_410 = tpu.memref_squeeze %dma_start3A_409 : memref<1x128xi32, #tpu.memory_space<vmem>> -> memref<128xi32, #tpu.memory_space<vmem>>
        %dma_start3A_411 = arith.constant 0 : i32
        %dma_start3A_412 = arith.constant 0 : i32
        %dma_start3A_413 = tpu.memref_slice %arg10[%dma_start3A_411, %dma_start3A_412] : memref<20480x16xf32, #tpu.memory_space<hbm>> -> memref<20480x16xf32, #tpu.memory_space<hbm>>
        tpu.enqueue_indirect_dma source(%dma_start3A_413 : memref<20480x16xf32, #tpu.memory_space<hbm>>) target(%dma_start3A_407 : memref<128x16xf32, #tpu.memory_space<vmem>>) offsets(%dma_start3A_410 : memref<128xi32, #tpu.memory_space<vmem>>) semaphore(%arg19 : memref<!tpu.dma_semaphore, #tpu.memory_space<semaphore_mem>>)
      } else {
      }
      %mul3A_356 = arith.constant 4 : i32
      %mul3A_357 = arith.muli %mul3A_356, %scan3A_259 : i32
      %add3A_358 = arith.constant 3 : i32
      %add3A_359 = arith.addi %mul3A_357, %add3A_358 : i32
      %dma_wait3A_360 = arith.constant 3 : i32
      %dma_wait3A_361 = arith.constant 0 : i32
      %dma_wait3A_362 = arith.constant 0 : i32
      %dma_wait3A_363 = tpu.memref_slice %arg13[%dma_wait3A_360, %dma_wait3A_361, %dma_wait3A_362] : memref<4x128x16xf32, #tpu.memory_space<vmem>> -> memref<1x128x16xf32, #tpu.memory_space<vmem>>
      %dma_wait3A_364 = tpu.memref_squeeze %dma_wait3A_363 : memref<1x128x16xf32, #tpu.memory_space<vmem>> -> memref<128x16xf32, #tpu.memory_space<vmem>>
      %dma_wait3A_365 = arith.constant 0 : i32
      %dma_wait3A_366 = tpu.memref_slice %arg11[%add3A_359, %dma_wait3A_365] : memref<80x128xi32, #tpu.memory_space<vmem>> -> memref<1x128xi32, #tpu.memory_space<vmem>>
      %dma_wait3A_367 = tpu.memref_squeeze %dma_wait3A_366 : memref<1x128xi32, #tpu.memory_space<vmem>> -> memref<128xi32, #tpu.memory_space<vmem>>
      %dma_wait3A_368 = arith.constant 0 : i32
      %dma_wait3A_369 = arith.constant 0 : i32
      %dma_wait3A_370 = tpu.memref_slice %arg10[%dma_wait3A_368, %dma_wait3A_369] : memref<20480x16xf32, #tpu.memory_space<hbm>> -> memref<20480x16xf32, #tpu.memory_space<hbm>>
      tpu.wait_indirect_dma semaphore(%arg22 : memref<!tpu.dma_semaphore, #tpu.memory_space<semaphore_mem>>) src(%dma_wait3A_370 : memref<20480x16xf32, #tpu.memory_space<hbm>>) dst(%dma_wait3A_364 : memref<128x16xf32, #tpu.memory_space<vmem>>)
      %dma_start3A_371 = arith.constant 3 : i32
      %dma_start3A_372 = arith.constant 0 : i32
      %dma_start3A_373 = arith.constant 0 : i32
      %dma_start3A_374 = tpu.memref_slice %arg13[%dma_start3A_371, %dma_start3A_372, %dma_start3A_373] : memref<4x128x16xf32, #tpu.memory_space<vmem>> -> memref<1x128x16xf32, #tpu.memory_space<vmem>>
      %dma_start3A_375 = tpu.memref_squeeze %dma_start3A_374 : memref<1x128x16xf32, #tpu.memory_space<vmem>> -> memref<128x16xf32, #tpu.memory_space<vmem>>
      %dma_start3A_376 = arith.constant 0 : i32
      %dma_start3A_377 = tpu.memref_slice %arg12[%add3A_359, %dma_start3A_376] : memref<80x128xi32, #tpu.memory_space<vmem>> -> memref<1x128xi32, #tpu.memory_space<vmem>>
      %dma_start3A_378 = tpu.memref_squeeze %dma_start3A_377 : memref<1x128xi32, #tpu.memory_space<vmem>> -> memref<128xi32, #tpu.memory_space<vmem>>
      %dma_start3A_379 = arith.constant 0 : i32
      %dma_start3A_380 = arith.constant 0 : i32
      %dma_start3A_381 = tpu.memref_slice %arg18[%dma_start3A_379, %dma_start3A_380] : memref<10240x16xf32, #tpu.memory_space<vmem_shared>> -> memref<10240x16xf32, #tpu.memory_space<vmem_shared>>
      tpu.enqueue_indirect_dma source(%dma_start3A_375 : memref<128x16xf32, #tpu.memory_space<vmem>>) target(%dma_start3A_381 : memref<10240x16xf32, #tpu.memory_space<vmem_shared>>) offsets(%dma_start3A_378 : memref<128xi32, #tpu.memory_space<vmem>>) semaphore(%arg26 : memref<!tpu.dma_semaphore, #tpu.memory_space<semaphore_mem>>) {add = true}
      %add3A_382 = arith.constant 2 : i32
      %add3A_383 = arith.addi %add3A_359, %add3A_382 : i32
      %lt3A_384 = arith.constant 80 : i32
      %lt3A_385 = arith.cmpi slt, %add3A_383, %lt3A_384 : i32
      %convert_element_type3A_386 = arith.extui %lt3A_385 : i1 to i32
      %cond3A_387 = arith.constant 0 : i32
      %cond3A_388 = arith.cmpi ne, %convert_element_type3A_386, %cond3A_387 : i32
      scf.if %cond3A_388 {
        %dma_wait3A_389 = arith.constant 1 : i32
        %dma_wait3A_390 = arith.constant 0 : i32
        %dma_wait3A_391 = arith.constant 0 : i32
        %dma_wait3A_392 = arith.constant 0 : i32
        %dma_wait3A_393 = tpu.memref_slice %arg13[%dma_wait3A_389, %dma_wait3A_391, %dma_wait3A_392] : memref<4x128x16xf32, #tpu.memory_space<vmem>> -> memref<1x128x16xf32, #tpu.memory_space<vmem>>
        %dma_wait3A_394 = tpu.memref_squeeze %dma_wait3A_393 : memref<1x128x16xf32, #tpu.memory_space<vmem>> -> memref<128x16xf32, #tpu.memory_space<vmem>>
        %dma_wait3A_395 = arith.constant 0 : i32
        %dma_wait3A_396 = tpu.memref_slice %arg12[%dma_wait3A_390, %dma_wait3A_395] : memref<80x128xi32, #tpu.memory_space<vmem>> -> memref<1x128xi32, #tpu.memory_space<vmem>>
        %dma_wait3A_397 = tpu.memref_squeeze %dma_wait3A_396 : memref<1x128xi32, #tpu.memory_space<vmem>> -> memref<128xi32, #tpu.memory_space<vmem>>
        %dma_wait3A_398 = arith.constant 0 : i32
        %dma_wait3A_399 = arith.constant 0 : i32
        %dma_wait3A_400 = tpu.memref_slice %arg18[%dma_wait3A_398, %dma_wait3A_399] : memref<10240x16xf32, #tpu.memory_space<vmem_shared>> -> memref<10240x16xf32, #tpu.memory_space<vmem_shared>>
        tpu.wait_indirect_dma semaphore(%arg24 : memref<!tpu.dma_semaphore, #tpu.memory_space<semaphore_mem>>) src(%dma_wait3A_394 : memref<128x16xf32, #tpu.memory_space<vmem>>) dst(%dma_wait3A_400 : memref<10240x16xf32, #tpu.memory_space<vmem_shared>>)
        %add3A_401 = arith.constant 2 : i32
        %add3A_402 = arith.addi %add3A_359, %add3A_401 : i32
        %dma_start3A_403 = arith.constant 1 : i32
        %dma_start3A_404 = arith.constant 0 : i32
        %dma_start3A_405 = arith.constant 0 : i32
        %dma_start3A_406 = tpu.memref_slice %arg13[%dma_start3A_403, %dma_start3A_404, %dma_start3A_405] : memref<4x128x16xf32, #tpu.memory_space<vmem>> -> memref<1x128x16xf32, #tpu.memory_space<vmem>>
        %dma_start3A_407 = tpu.memref_squeeze %dma_start3A_406 : memref<1x128x16xf32, #tpu.memory_space<vmem>> -> memref<128x16xf32, #tpu.memory_space<vmem>>
        %dma_start3A_408 = arith.constant 0 : i32
        %dma_start3A_409 = tpu.memref_slice %arg11[%add3A_402, %dma_start3A_408] : memref<80x128xi32, #tpu.memory_space<vmem>> -> memref<1x128xi32, #tpu.memory_space<vmem>>
        %dma_start3A_410 = tpu.memref_squeeze %dma_start3A_409 : memref<1x128xi32, #tpu.memory_space<vmem>> -> memref<128xi32, #tpu.memory_space<vmem>>
        %dma_start3A_411 = arith.constant 0 : i32
        %dma_start3A_412 = arith.constant 0 : i32
        %dma_start3A_413 = tpu.memref_slice %arg10[%dma_start3A_411, %dma_start3A_412] : memref<20480x16xf32, #tpu.memory_space<hbm>> -> memref<20480x16xf32, #tpu.memory_space<hbm>>
        tpu.enqueue_indirect_dma source(%dma_start3A_413 : memref<20480x16xf32, #tpu.memory_space<hbm>>) target(%dma_start3A_407 : memref<128x16xf32, #tpu.memory_space<vmem>>) offsets(%dma_start3A_410 : memref<128xi32, #tpu.memory_space<vmem>>) semaphore(%arg20 : memref<!tpu.dma_semaphore, #tpu.memory_space<semaphore_mem>>)
      } else {
      }
    }
    %scan3A_209 = arith.constant 19 : i32
    %dma_wait3A_210 = arith.constant 0 : i32
    %dma_wait3A_211 = arith.constant 0 : i32
    %dma_wait3A_212 = arith.constant 0 : i32
    %dma_wait3A_213 = arith.constant 0 : i32
    %dma_wait3A_214 = tpu.memref_slice %arg13[%dma_wait3A_210, %dma_wait3A_212, %dma_wait3A_213] : memref<4x128x16xf32, #tpu.memory_space<vmem>> -> memref<1x128x16xf32, #tpu.memory_space<vmem>>
    %dma_wait3A_215 = tpu.memref_squeeze %dma_wait3A_214 : memref<1x128x16xf32, #tpu.memory_space<vmem>> -> memref<128x16xf32, #tpu.memory_space<vmem>>
    %dma_wait3A_216 = arith.constant 0 : i32
    %dma_wait3A_217 = tpu.memref_slice %arg12[%dma_wait3A_211, %dma_wait3A_216] : memref<80x128xi32, #tpu.memory_space<vmem>> -> memref<1x128xi32, #tpu.memory_space<vmem>>
    %dma_wait3A_218 = tpu.memref_squeeze %dma_wait3A_217 : memref<1x128xi32, #tpu.memory_space<vmem>> -> memref<128xi32, #tpu.memory_space<vmem>>
    %dma_wait3A_219 = arith.constant 0 : i32
    %dma_wait3A_220 = arith.constant 0 : i32
    %dma_wait3A_221 = tpu.memref_slice %arg18[%dma_wait3A_219, %dma_wait3A_220] : memref<10240x16xf32, #tpu.memory_space<vmem_shared>> -> memref<10240x16xf32, #tpu.memory_space<vmem_shared>>
    tpu.wait_indirect_dma semaphore(%arg23 : memref<!tpu.dma_semaphore, #tpu.memory_space<semaphore_mem>>) src(%dma_wait3A_215 : memref<128x16xf32, #tpu.memory_space<vmem>>) dst(%dma_wait3A_221 : memref<10240x16xf32, #tpu.memory_space<vmem_shared>>)
    %dma_wait3A_222 = arith.constant 1 : i32
    %dma_wait3A_223 = arith.constant 0 : i32
    %dma_wait3A_224 = arith.constant 0 : i32
    %dma_wait3A_225 = arith.constant 0 : i32
    %dma_wait3A_226 = tpu.memref_slice %arg13[%dma_wait3A_222, %dma_wait3A_224, %dma_wait3A_225] : memref<4x128x16xf32, #tpu.memory_space<vmem>> -> memref<1x128x16xf32, #tpu.memory_space<vmem>>
    %dma_wait3A_227 = tpu.memref_squeeze %dma_wait3A_226 : memref<1x128x16xf32, #tpu.memory_space<vmem>> -> memref<128x16xf32, #tpu.memory_space<vmem>>
    %dma_wait3A_228 = arith.constant 0 : i32
    %dma_wait3A_229 = tpu.memref_slice %arg12[%dma_wait3A_223, %dma_wait3A_228] : memref<80x128xi32, #tpu.memory_space<vmem>> -> memref<1x128xi32, #tpu.memory_space<vmem>>
    %dma_wait3A_230 = tpu.memref_squeeze %dma_wait3A_229 : memref<1x128xi32, #tpu.memory_space<vmem>> -> memref<128xi32, #tpu.memory_space<vmem>>
    %dma_wait3A_231 = arith.constant 0 : i32
    %dma_wait3A_232 = arith.constant 0 : i32
    %dma_wait3A_233 = tpu.memref_slice %arg18[%dma_wait3A_231, %dma_wait3A_232] : memref<10240x16xf32, #tpu.memory_space<vmem_shared>> -> memref<10240x16xf32, #tpu.memory_space<vmem_shared>>
    tpu.wait_indirect_dma semaphore(%arg24 : memref<!tpu.dma_semaphore, #tpu.memory_space<semaphore_mem>>) src(%dma_wait3A_227 : memref<128x16xf32, #tpu.memory_space<vmem>>) dst(%dma_wait3A_233 : memref<10240x16xf32, #tpu.memory_space<vmem_shared>>)
    %dma_wait3A_234 = arith.constant 2 : i32
    %dma_wait3A_235 = arith.constant 0 : i32
    %dma_wait3A_236 = arith.constant 0 : i32
    %dma_wait3A_237 = arith.constant 0 : i32
    %dma_wait3A_238 = tpu.memref_slice %arg13[%dma_wait3A_234, %dma_wait3A_236, %dma_wait3A_237] : memref<4x128x16xf32, #tpu.memory_space<vmem>> -> memref<1x128x16xf32, #tpu.memory_space<vmem>>
    %dma_wait3A_239 = tpu.memref_squeeze %dma_wait3A_238 : memref<1x128x16xf32, #tpu.memory_space<vmem>> -> memref<128x16xf32, #tpu.memory_space<vmem>>
    %dma_wait3A_240 = arith.constant 0 : i32
    %dma_wait3A_241 = tpu.memref_slice %arg12[%dma_wait3A_235, %dma_wait3A_240] : memref<80x128xi32, #tpu.memory_space<vmem>> -> memref<1x128xi32, #tpu.memory_space<vmem>>
    %dma_wait3A_242 = tpu.memref_squeeze %dma_wait3A_241 : memref<1x128xi32, #tpu.memory_space<vmem>> -> memref<128xi32, #tpu.memory_space<vmem>>
    %dma_wait3A_243 = arith.constant 0 : i32
    %dma_wait3A_244 = arith.constant 0 : i32
    %dma_wait3A_245 = tpu.memref_slice %arg18[%dma_wait3A_243, %dma_wait3A_244] : memref<10240x16xf32, #tpu.memory_space<vmem_shared>> -> memref<10240x16xf32, #tpu.memory_space<vmem_shared>>
    tpu.wait_indirect_dma semaphore(%arg25 : memref<!tpu.dma_semaphore, #tpu.memory_space<semaphore_mem>>) src(%dma_wait3A_239 : memref<128x16xf32, #tpu.memory_space<vmem>>) dst(%dma_wait3A_245 : memref<10240x16xf32, #tpu.memory_space<vmem_shared>>)
    %dma_wait3A_246 = arith.constant 3 : i32
    %dma_wait3A_247 = arith.constant 0 : i32
    %dma_wait3A_248 = arith.constant 0 : i32
    %dma_wait3A_249 = arith.constant 0 : i32
    %dma_wait3A_250 = tpu.memref_slice %arg13[%dma_wait3A_246, %dma_wait3A_248, %dma_wait3A_249] : memref<4x128x16xf32, #tpu.memory_space<vmem>> -> memref<1x128x16xf32, #tpu.memory_space<vmem>>
    %dma_wait3A_251 = tpu.memref_squeeze %dma_wait3A_250 : memref<1x128x16xf32, #tpu.memory_space<vmem>> -> memref<128x16xf32, #tpu.memory_space<vmem>>
    %dma_wait3A_252 = arith.constant 0 : i32
    %dma_wait3A_253 = tpu.memref_slice %arg12[%dma_wait3A_247, %dma_wait3A_252] : memref<80x128xi32, #tpu.memory_space<vmem>> -> memref<1x128xi32, #tpu.memory_space<vmem>>
    %dma_wait3A_254 = tpu.memref_squeeze %dma_wait3A_253 : memref<1x128xi32, #tpu.memory_space<vmem>> -> memref<128xi32, #tpu.memory_space<vmem>>
    %dma_wait3A_255 = arith.constant 0 : i32
    %dma_wait3A_256 = arith.constant 0 : i32
    %dma_wait3A_257 = tpu.memref_slice %arg18[%dma_wait3A_255, %dma_wait3A_256] : memref<10240x16xf32, #tpu.memory_space<vmem_shared>> -> memref<10240x16xf32, #tpu.memory_space<vmem_shared>>
    tpu.wait_indirect_dma semaphore(%arg26 : memref<!tpu.dma_semaphore, #tpu.memory_space<semaphore_mem>>) src(%dma_wait3A_251 : memref<128x16xf32, #tpu.memory_space<vmem>>) dst(%dma_wait3A_257 : memref<10240x16xf32, #tpu.memory_space<vmem_shared>>)
    %barrier3A_258 = arith.constant 0 : index
    tpu.barrier barrier_id(%barrier3A_258)
    "tpu.region"() ({
      %run_scoped3A_259 = tpu.sem_alloc : memref<!tpu.dma_semaphore, #tpu.memory_space<semaphore_mem>>
      %dma_start3A_260 = arith.constant 0 : i32
      %dma_start3A_261 = tpu.memref_slice %arg9[%arg0, %mul3A_2, %dma_start3A_260] : memref<2x10240x16xf32, #tpu.memory_space<hbm>> -> memref<1x640x16xf32, #tpu.memory_space<hbm>>
      %dma_start3A_262 = tpu.memref_squeeze %dma_start3A_261 : memref<1x640x16xf32, #tpu.memory_space<hbm>> -> memref<640x16xf32, #tpu.memory_space<hbm>>
      %dma_start3A_263 = arith.constant 0 : i32
      %dma_start3A_264 = tpu.memref_slice %arg18[%mul3A_2, %dma_start3A_263] : memref<10240x16xf32, #tpu.memory_space<vmem_shared>> -> memref<640x16xf32, #tpu.memory_space<vmem_shared>>
      tpu.enqueue_dma source(%dma_start3A_264 : memref<640x16xf32, #tpu.memory_space<vmem_shared>>) target(%dma_start3A_262 : memref<640x16xf32, #tpu.memory_space<hbm>>) target_semaphore(%run_scoped3A_259 : memref<!tpu.dma_semaphore, #tpu.memory_space<semaphore_mem>>)
      %dma_wait3A_265 = arith.constant 0 : i32
      %dma_wait3A_266 = tpu.memref_slice %arg9[%arg0, %mul3A_2, %dma_wait3A_265] : memref<2x10240x16xf32, #tpu.memory_space<hbm>> -> memref<1x640x16xf32, #tpu.memory_space<hbm>>
      %dma_wait3A_267 = tpu.memref_squeeze %dma_wait3A_266 : memref<1x640x16xf32, #tpu.memory_space<hbm>> -> memref<640x16xf32, #tpu.memory_space<hbm>>
      %dma_wait3A_268 = arith.constant 0 : i32
      %dma_wait3A_269 = tpu.memref_slice %arg18[%mul3A_2, %dma_wait3A_268] : memref<10240x16xf32, #tpu.memory_space<vmem_shared>> -> memref<640x16xf32, #tpu.memory_space<vmem_shared>>
      tpu.wait_dma2 semaphore(%run_scoped3A_259 : memref<!tpu.dma_semaphore, #tpu.memory_space<semaphore_mem>>) src(%dma_wait3A_269 : memref<640x16xf32, #tpu.memory_space<vmem_shared>>) dst(%dma_wait3A_267 : memref<640x16xf32, #tpu.memory_space<hbm>>)
      tpu.yield
    }) : () -> ()
    return
  }
}

#map = affine_map<(d0, d1) -> (0, 0)>
#map1 = affine_map<(d0, d1) -> (0, 0, 0)>
module attributes {stable_mosaic.version = 14 : i64} {
  func.func @_sc_mp_body(%arg0: i32, %arg1: i32, %arg2: memref<32x10240xf32, #tpu.memory_space<hbm>>, %arg3: memref<10240x16xf32, #tpu.memory_space<hbm>>, %arg4: memref<32x80x128xi32, #tpu.memory_space<hbm>>, %arg5: memref<32x80x128xi32, #tpu.memory_space<hbm>>, %arg6: memref<10240x16xf32, #tpu.memory_space<hbm>>, %arg7: memref<2x10240x16xf32, #tpu.memory_space<hbm>>, %arg8: memref<20480x16xf32, #tpu.memory_space<hbm>>, %arg9: memref<80x128xi32, #tpu.memory_space<vmem>>, %arg10: memref<80x128xi32, #tpu.memory_space<vmem>>, %arg11: memref<4x128x16xf32, #tpu.memory_space<vmem>>, %arg12: memref<32x640xf32, #tpu.memory_space<vmem>>, %arg13: memref<640x16xf32, #tpu.memory_space<vmem>>, %arg14: memref<10240x16xf32, #tpu.memory_space<vmem_shared>>, %arg15: memref<!tpu.dma_semaphore, #tpu.memory_space<semaphore_mem>>, %arg16: memref<!tpu.dma_semaphore, #tpu.memory_space<semaphore_mem>>, %arg17: memref<!tpu.dma_semaphore, #tpu.memory_space<semaphore_mem>>, %arg18: memref<!tpu.dma_semaphore, #tpu.memory_space<semaphore_mem>>, %arg19: memref<!tpu.dma_semaphore, #tpu.memory_space<semaphore_mem>>, %arg20: memref<!tpu.dma_semaphore, #tpu.memory_space<semaphore_mem>>, %arg21: memref<!tpu.dma_semaphore, #tpu.memory_space<semaphore_mem>>, %arg22: memref<!tpu.dma_semaphore, #tpu.memory_space<semaphore_mem>>) attributes {dimension_semantics = [#tpu.dimension_semantics<core_parallel>, #tpu.dimension_semantics<subcore_parallel>], iteration_bounds = array<i64: 2, 16>, scalar_prefetch = 0 : i64, scratch_operands = 14 : i64, tpu.core_type = #tpu.core_type<sc_vector_subcore>, window_params = [{transform_indices = #map}, {transform_indices = #map}, {transform_indices = #map1}, {transform_indices = #map1}, {transform_indices = #map}, {transform_indices = #map1}, {transform_indices = #map}]} {
    %mul3A = arith.constant 16 : i32
    %mul3A_0 = arith.muli %arg0, %mul3A : i32
    %add3A = arith.addi %mul3A_0, %arg1 : i32
    %mul3A_1 = arith.constant 640 : i32
    %mul3A_2 = arith.muli %arg1, %mul3A_1 : i32
    "tpu.region"() ({
      %run_scoped3A = tpu.sem_alloc : memref<!tpu.dma_semaphore, #tpu.memory_space<semaphore_mem>>
      %dma_start3A_256 = arith.constant 0 : i32
      %dma_start3A_257 = tpu.memref_slice %arg14[%mul3A_2, %dma_start3A_256] : memref<10240x16xf32, #tpu.memory_space<vmem_shared>> -> memref<640x16xf32, #tpu.memory_space<vmem_shared>>
      %dma_start3A_258 = arith.constant 0 : i32
      %dma_start3A_259 = tpu.memref_slice %arg6[%mul3A_2, %dma_start3A_258] : memref<10240x16xf32, #tpu.memory_space<hbm>> -> memref<640x16xf32, #tpu.memory_space<hbm>>
      tpu.enqueue_dma source(%dma_start3A_259 : memref<640x16xf32, #tpu.memory_space<hbm>>) target(%dma_start3A_257 : memref<640x16xf32, #tpu.memory_space<vmem_shared>>) target_semaphore(%run_scoped3A : memref<!tpu.dma_semaphore, #tpu.memory_space<semaphore_mem>>)
      %dma_wait3A_260 = arith.constant 0 : i32
      %dma_wait3A_261 = tpu.memref_slice %arg14[%mul3A_2, %dma_wait3A_260] : memref<10240x16xf32, #tpu.memory_space<vmem_shared>> -> memref<640x16xf32, #tpu.memory_space<vmem_shared>>
      %dma_wait3A_262 = arith.constant 0 : i32
      %dma_wait3A_263 = tpu.memref_slice %arg6[%mul3A_2, %dma_wait3A_262] : memref<10240x16xf32, #tpu.memory_space<hbm>> -> memref<640x16xf32, #tpu.memory_space<hbm>>
      tpu.wait_dma2 semaphore(%run_scoped3A : memref<!tpu.dma_semaphore, #tpu.memory_space<semaphore_mem>>) src(%dma_wait3A_263 : memref<640x16xf32, #tpu.memory_space<hbm>>) dst(%dma_wait3A_261 : memref<640x16xf32, #tpu.memory_space<vmem_shared>>)
      tpu.yield
    }) : () -> ()
    "tpu.region"() ({
      %run_scoped3A = tpu.sem_alloc : memref<!tpu.dma_semaphore, #tpu.memory_space<semaphore_mem>>
      %dma_start3A_256 = arith.constant 0 : i32
      %dma_start3A_257 = arith.constant 0 : i32
      %dma_start3A_258 = tpu.memref_slice %arg4[%add3A, %dma_start3A_256, %dma_start3A_257] : memref<32x80x128xi32, #tpu.memory_space<hbm>> -> memref<1x80x128xi32, #tpu.memory_space<hbm>>
      %dma_start3A_259 = tpu.memref_squeeze %dma_start3A_258 : memref<1x80x128xi32, #tpu.memory_space<hbm>> -> memref<80x128xi32, #tpu.memory_space<hbm>>
      %dma_start3A_260 = arith.constant 0 : i32
      %dma_start3A_261 = arith.constant 0 : i32
      %dma_start3A_262 = tpu.memref_slice %arg4[%add3A, %dma_start3A_260, %dma_start3A_261] : memref<32x80x128xi32, #tpu.memory_space<hbm>> -> memref<1x80x128xi32, #tpu.memory_space<hbm>>
      %dma_start3A_263 = tpu.memref_squeeze %dma_start3A_262 : memref<1x80x128xi32, #tpu.memory_space<hbm>> -> memref<80x128xi32, #tpu.memory_space<hbm>>
      tpu.enqueue_dma source(%dma_start3A_263 : memref<80x128xi32, #tpu.memory_space<hbm>>) target(%arg9 : memref<80x128xi32, #tpu.memory_space<vmem>>) target_semaphore(%run_scoped3A : memref<!tpu.dma_semaphore, #tpu.memory_space<semaphore_mem>>)
      %dma_wait3A_264 = arith.constant 0 : i32
      %dma_wait3A_265 = arith.constant 0 : i32
      %dma_wait3A_266 = tpu.memref_slice %arg4[%add3A, %dma_wait3A_264, %dma_wait3A_265] : memref<32x80x128xi32, #tpu.memory_space<hbm>> -> memref<1x80x128xi32, #tpu.memory_space<hbm>>
      %dma_wait3A_267 = tpu.memref_squeeze %dma_wait3A_266 : memref<1x80x128xi32, #tpu.memory_space<hbm>> -> memref<80x128xi32, #tpu.memory_space<hbm>>
      %dma_wait3A_268 = arith.constant 0 : i32
      %dma_wait3A_269 = arith.constant 0 : i32
      %dma_wait3A_270 = tpu.memref_slice %arg4[%add3A, %dma_wait3A_268, %dma_wait3A_269] : memref<32x80x128xi32, #tpu.memory_space<hbm>> -> memref<1x80x128xi32, #tpu.memory_space<hbm>>
      %dma_wait3A_271 = tpu.memref_squeeze %dma_wait3A_270 : memref<1x80x128xi32, #tpu.memory_space<hbm>> -> memref<80x128xi32, #tpu.memory_space<hbm>>
      tpu.wait_dma2 semaphore(%run_scoped3A : memref<!tpu.dma_semaphore, #tpu.memory_space<semaphore_mem>>) src(%dma_wait3A_271 : memref<80x128xi32, #tpu.memory_space<hbm>>) dst(%arg9 : memref<80x128xi32, #tpu.memory_space<vmem>>)
      tpu.yield
    }) : () -> ()
    "tpu.region"() ({
      %run_scoped3A = tpu.sem_alloc : memref<!tpu.dma_semaphore, #tpu.memory_space<semaphore_mem>>
      %dma_start3A_256 = arith.constant 0 : i32
      %dma_start3A_257 = arith.constant 0 : i32
      %dma_start3A_258 = tpu.memref_slice %arg5[%add3A, %dma_start3A_256, %dma_start3A_257] : memref<32x80x128xi32, #tpu.memory_space<hbm>> -> memref<1x80x128xi32, #tpu.memory_space<hbm>>
      %dma_start3A_259 = tpu.memref_squeeze %dma_start3A_258 : memref<1x80x128xi32, #tpu.memory_space<hbm>> -> memref<80x128xi32, #tpu.memory_space<hbm>>
      %dma_start3A_260 = arith.constant 0 : i32
      %dma_start3A_261 = arith.constant 0 : i32
      %dma_start3A_262 = tpu.memref_slice %arg5[%add3A, %dma_start3A_260, %dma_start3A_261] : memref<32x80x128xi32, #tpu.memory_space<hbm>> -> memref<1x80x128xi32, #tpu.memory_space<hbm>>
      %dma_start3A_263 = tpu.memref_squeeze %dma_start3A_262 : memref<1x80x128xi32, #tpu.memory_space<hbm>> -> memref<80x128xi32, #tpu.memory_space<hbm>>
      tpu.enqueue_dma source(%dma_start3A_263 : memref<80x128xi32, #tpu.memory_space<hbm>>) target(%arg10 : memref<80x128xi32, #tpu.memory_space<vmem>>) target_semaphore(%run_scoped3A : memref<!tpu.dma_semaphore, #tpu.memory_space<semaphore_mem>>)
      %dma_wait3A_264 = arith.constant 0 : i32
      %dma_wait3A_265 = arith.constant 0 : i32
      %dma_wait3A_266 = tpu.memref_slice %arg5[%add3A, %dma_wait3A_264, %dma_wait3A_265] : memref<32x80x128xi32, #tpu.memory_space<hbm>> -> memref<1x80x128xi32, #tpu.memory_space<hbm>>
      %dma_wait3A_267 = tpu.memref_squeeze %dma_wait3A_266 : memref<1x80x128xi32, #tpu.memory_space<hbm>> -> memref<80x128xi32, #tpu.memory_space<hbm>>
      %dma_wait3A_268 = arith.constant 0 : i32
      %dma_wait3A_269 = arith.constant 0 : i32
      %dma_wait3A_270 = tpu.memref_slice %arg5[%add3A, %dma_wait3A_268, %dma_wait3A_269] : memref<32x80x128xi32, #tpu.memory_space<hbm>> -> memref<1x80x128xi32, #tpu.memory_space<hbm>>
      %dma_wait3A_271 = tpu.memref_squeeze %dma_wait3A_270 : memref<1x80x128xi32, #tpu.memory_space<hbm>> -> memref<80x128xi32, #tpu.memory_space<hbm>>
      tpu.wait_dma2 semaphore(%run_scoped3A : memref<!tpu.dma_semaphore, #tpu.memory_space<semaphore_mem>>) src(%dma_wait3A_271 : memref<80x128xi32, #tpu.memory_space<hbm>>) dst(%arg10 : memref<80x128xi32, #tpu.memory_space<vmem>>)
      tpu.yield
    }) : () -> ()
    "tpu.region"() ({
      %run_scoped3A = tpu.sem_alloc : memref<!tpu.dma_semaphore, #tpu.memory_space<semaphore_mem>>
      %dma_start3A_256 = arith.constant 0 : i32
      %dma_start3A_257 = tpu.memref_slice %arg2[%dma_start3A_256, %mul3A_2] : memref<32x10240xf32, #tpu.memory_space<hbm>> -> memref<32x640xf32, #tpu.memory_space<hbm>>
      %dma_start3A_258 = arith.constant 0 : i32
      %dma_start3A_259 = tpu.memref_slice %arg2[%dma_start3A_258, %mul3A_2] : memref<32x10240xf32, #tpu.memory_space<hbm>> -> memref<32x640xf32, #tpu.memory_space<hbm>>
      tpu.enqueue_dma source(%dma_start3A_259 : memref<32x640xf32, #tpu.memory_space<hbm>>) target(%arg12 : memref<32x640xf32, #tpu.memory_space<vmem>>) target_semaphore(%run_scoped3A : memref<!tpu.dma_semaphore, #tpu.memory_space<semaphore_mem>>)
      %dma_wait3A_260 = arith.constant 0 : i32
      %dma_wait3A_261 = tpu.memref_slice %arg2[%dma_wait3A_260, %mul3A_2] : memref<32x10240xf32, #tpu.memory_space<hbm>> -> memref<32x640xf32, #tpu.memory_space<hbm>>
      %dma_wait3A_262 = arith.constant 0 : i32
      %dma_wait3A_263 = tpu.memref_slice %arg2[%dma_wait3A_262, %mul3A_2] : memref<32x10240xf32, #tpu.memory_space<hbm>> -> memref<32x640xf32, #tpu.memory_space<hbm>>
      tpu.wait_dma2 semaphore(%run_scoped3A : memref<!tpu.dma_semaphore, #tpu.memory_space<semaphore_mem>>) src(%dma_wait3A_263 : memref<32x640xf32, #tpu.memory_space<hbm>>) dst(%arg12 : memref<32x640xf32, #tpu.memory_space<vmem>>)
      tpu.yield
    }) : () -> ()
    "tpu.region"() ({
      %run_scoped3A = tpu.sem_alloc : memref<!tpu.dma_semaphore, #tpu.memory_space<semaphore_mem>>
      %dma_start3A_256 = arith.constant 0 : i32
      %dma_start3A_257 = tpu.memref_slice %arg3[%mul3A_2, %dma_start3A_256] : memref<10240x16xf32, #tpu.memory_space<hbm>> -> memref<640x16xf32, #tpu.memory_space<hbm>>
      %dma_start3A_258 = arith.constant 0 : i32
      %dma_start3A_259 = tpu.memref_slice %arg3[%mul3A_2, %dma_start3A_258] : memref<10240x16xf32, #tpu.memory_space<hbm>> -> memref<640x16xf32, #tpu.memory_space<hbm>>
      tpu.enqueue_dma source(%dma_start3A_259 : memref<640x16xf32, #tpu.memory_space<hbm>>) target(%arg13 : memref<640x16xf32, #tpu.memory_space<vmem>>) target_semaphore(%run_scoped3A : memref<!tpu.dma_semaphore, #tpu.memory_space<semaphore_mem>>)
      %dma_wait3A_260 = arith.constant 0 : i32
      %dma_wait3A_261 = tpu.memref_slice %arg3[%mul3A_2, %dma_wait3A_260] : memref<10240x16xf32, #tpu.memory_space<hbm>> -> memref<640x16xf32, #tpu.memory_space<hbm>>
      %dma_wait3A_262 = arith.constant 0 : i32
      %dma_wait3A_263 = tpu.memref_slice %arg3[%mul3A_2, %dma_wait3A_262] : memref<10240x16xf32, #tpu.memory_space<hbm>> -> memref<640x16xf32, #tpu.memory_space<hbm>>
      tpu.wait_dma2 semaphore(%run_scoped3A : memref<!tpu.dma_semaphore, #tpu.memory_space<semaphore_mem>>) src(%dma_wait3A_263 : memref<640x16xf32, #tpu.memory_space<hbm>>) dst(%arg13 : memref<640x16xf32, #tpu.memory_space<vmem>>)
      tpu.yield
    }) : () -> ()
    %scan3A = arith.constant 0 : i32
    %scan3A_3 = arith.constant 0 : i32
    %scan3A_4 = arith.constant 40 : i32
    %scan3A_5 = arith.addi %scan3A_3, %scan3A_4 : i32
    %scan3A_6 = arith.constant 1 : i32
    scf.for %scan3A_256 = %scan3A_3 to %scan3A_5 step %scan3A_6  : i32 {
      %mul3A_257 = arith.constant 16 : i32
      %mul3A_258 = arith.muli %scan3A_256, %mul3A_257 : i32
      %multiple_of3A = tpu.assume_multiple %mul3A_258, 16 : i32
      %get3A = arith.constant 0 : i32
      %get3A_259 = arith.index_cast %get3A : i32 to index
      %get3A_260 = arith.index_cast %multiple_of3A : i32 to index
      %get3A_261 = tpu.vector_load %arg12[%get3A_259, %get3A_260] {strides = array<i32>} : memref<32x640xf32, #tpu.memory_space<vmem>>, vector<16xf32>,
      %get3A_262 = arith.constant 1 : i32
      %get3A_263 = arith.index_cast %get3A_262 : i32 to index
      %get3A_264 = arith.index_cast %multiple_of3A : i32 to index
      %get3A_265 = tpu.vector_load %arg12[%get3A_263, %get3A_264] {strides = array<i32>} : memref<32x640xf32, #tpu.memory_space<vmem>>, vector<16xf32>,
      %add3A_266 = arith.addf %get3A_261, %get3A_265 : vector<16xf32>
      %get3A_267 = arith.constant 2 : i32
      %get3A_268 = arith.index_cast %get3A_267 : i32 to index
      %get3A_269 = arith.index_cast %multiple_of3A : i32 to index
      %get3A_270 = tpu.vector_load %arg12[%get3A_268, %get3A_269] {strides = array<i32>} : memref<32x640xf32, #tpu.memory_space<vmem>>, vector<16xf32>,
      %add3A_271 = arith.addf %add3A_266, %get3A_270 : vector<16xf32>
      %get3A_272 = arith.constant 3 : i32
      %get3A_273 = arith.index_cast %get3A_272 : i32 to index
      %get3A_274 = arith.index_cast %multiple_of3A : i32 to index
      %get3A_275 = tpu.vector_load %arg12[%get3A_273, %get3A_274] {strides = array<i32>} : memref<32x640xf32, #tpu.memory_space<vmem>>, vector<16xf32>,
      %add3A_276 = arith.addf %add3A_271, %get3A_275 : vector<16xf32>
      %get3A_277 = arith.constant 4 : i32
      %get3A_278 = arith.index_cast %get3A_277 : i32 to index
      %get3A_279 = arith.index_cast %multiple_of3A : i32 to index
      %get3A_280 = tpu.vector_load %arg12[%get3A_278, %get3A_279] {strides = array<i32>} : memref<32x640xf32, #tpu.memory_space<vmem>>, vector<16xf32>,
      %add3A_281 = arith.addf %add3A_276, %get3A_280 : vector<16xf32>
      %get3A_282 = arith.constant 5 : i32
      %get3A_283 = arith.index_cast %get3A_282 : i32 to index
      %get3A_284 = arith.index_cast %multiple_of3A : i32 to index
      %get3A_285 = tpu.vector_load %arg12[%get3A_283, %get3A_284] {strides = array<i32>} : memref<32x640xf32, #tpu.memory_space<vmem>>, vector<16xf32>,
      %add3A_286 = arith.addf %add3A_281, %get3A_285 : vector<16xf32>
      %get3A_287 = arith.constant 6 : i32
      %get3A_288 = arith.index_cast %get3A_287 : i32 to index
      %get3A_289 = arith.index_cast %multiple_of3A : i32 to index
      %get3A_290 = tpu.vector_load %arg12[%get3A_288, %get3A_289] {strides = array<i32>} : memref<32x640xf32, #tpu.memory_space<vmem>>, vector<16xf32>,
      %add3A_291 = arith.addf %add3A_286, %get3A_290 : vector<16xf32>
      %get3A_292 = arith.constant 7 : i32
      %get3A_293 = arith.index_cast %get3A_292 : i32 to index
      %get3A_294 = arith.index_cast %multiple_of3A : i32 to index
      %get3A_295 = tpu.vector_load %arg12[%get3A_293, %get3A_294] {strides = array<i32>} : memref<32x640xf32, #tpu.memory_space<vmem>>, vector<16xf32>,
      %add3A_296 = arith.addf %add3A_291, %get3A_295 : vector<16xf32>
      %get3A_297 = arith.constant 8 : i32
      %get3A_298 = arith.index_cast %get3A_297 : i32 to index
      %get3A_299 = arith.index_cast %multiple_of3A : i32 to index
      %get3A_300 = tpu.vector_load %arg12[%get3A_298, %get3A_299] {strides = array<i32>} : memref<32x640xf32, #tpu.memory_space<vmem>>, vector<16xf32>,
      %add3A_301 = arith.addf %add3A_296, %get3A_300 : vector<16xf32>
      %get3A_302 = arith.constant 9 : i32
      %get3A_303 = arith.index_cast %get3A_302 : i32 to index
      %get3A_304 = arith.index_cast %multiple_of3A : i32 to index
      %get3A_305 = tpu.vector_load %arg12[%get3A_303, %get3A_304] {strides = array<i32>} : memref<32x640xf32, #tpu.memory_space<vmem>>, vector<16xf32>,
      %add3A_306 = arith.addf %add3A_301, %get3A_305 : vector<16xf32>
      %get3A_307 = arith.constant 10 : i32
      %get3A_308 = arith.index_cast %get3A_307 : i32 to index
      %get3A_309 = arith.index_cast %multiple_of3A : i32 to index
      %get3A_310 = tpu.vector_load %arg12[%get3A_308, %get3A_309] {strides = array<i32>} : memref<32x640xf32, #tpu.memory_space<vmem>>, vector<16xf32>,
      %add3A_311 = arith.addf %add3A_306, %get3A_310 : vector<16xf32>
      %get3A_312 = arith.constant 11 : i32
      %get3A_313 = arith.index_cast %get3A_312 : i32 to index
      %get3A_314 = arith.index_cast %multiple_of3A : i32 to index
      %get3A_315 = tpu.vector_load %arg12[%get3A_313, %get3A_314] {strides = array<i32>} : memref<32x640xf32, #tpu.memory_space<vmem>>, vector<16xf32>,
      %add3A_316 = arith.addf %add3A_311, %get3A_315 : vector<16xf32>
      %get3A_317 = arith.constant 12 : i32
      %get3A_318 = arith.index_cast %get3A_317 : i32 to index
      %get3A_319 = arith.index_cast %multiple_of3A : i32 to index
      %get3A_320 = tpu.vector_load %arg12[%get3A_318, %get3A_319] {strides = array<i32>} : memref<32x640xf32, #tpu.memory_space<vmem>>, vector<16xf32>,
      %add3A_321 = arith.addf %add3A_316, %get3A_320 : vector<16xf32>
      %get3A_322 = arith.constant 13 : i32
      %get3A_323 = arith.index_cast %get3A_322 : i32 to index
      %get3A_324 = arith.index_cast %multiple_of3A : i32 to index
      %get3A_325 = tpu.vector_load %arg12[%get3A_323, %get3A_324] {strides = array<i32>} : memref<32x640xf32, #tpu.memory_space<vmem>>, vector<16xf32>,
      %add3A_326 = arith.addf %add3A_321, %get3A_325 : vector<16xf32>
      %get3A_327 = arith.constant 14 : i32
      %get3A_328 = arith.index_cast %get3A_327 : i32 to index
      %get3A_329 = arith.index_cast %multiple_of3A : i32 to index
      %get3A_330 = tpu.vector_load %arg12[%get3A_328, %get3A_329] {strides = array<i32>} : memref<32x640xf32, #tpu.memory_space<vmem>>, vector<16xf32>,
      %add3A_331 = arith.addf %add3A_326, %get3A_330 : vector<16xf32>
      %get3A_332 = arith.constant 15 : i32
      %get3A_333 = arith.index_cast %get3A_332 : i32 to index
      %get3A_334 = arith.index_cast %multiple_of3A : i32 to index
      %get3A_335 = tpu.vector_load %arg12[%get3A_333, %get3A_334] {strides = array<i32>} : memref<32x640xf32, #tpu.memory_space<vmem>>, vector<16xf32>,
      %add3A_336 = arith.addf %add3A_331, %get3A_335 : vector<16xf32>
      %get3A_337 = arith.constant 16 : i32
      %get3A_338 = arith.index_cast %get3A_337 : i32 to index
      %get3A_339 = arith.index_cast %multiple_of3A : i32 to index
      %get3A_340 = tpu.vector_load %arg12[%get3A_338, %get3A_339] {strides = array<i32>} : memref<32x640xf32, #tpu.memory_space<vmem>>, vector<16xf32>,
      %add3A_341 = arith.addf %add3A_336, %get3A_340 : vector<16xf32>
      %get3A_342 = arith.constant 17 : i32
      %get3A_343 = arith.index_cast %get3A_342 : i32 to index
      %get3A_344 = arith.index_cast %multiple_of3A : i32 to index
      %get3A_345 = tpu.vector_load %arg12[%get3A_343, %get3A_344] {strides = array<i32>} : memref<32x640xf32, #tpu.memory_space<vmem>>, vector<16xf32>,
      %add3A_346 = arith.addf %add3A_341, %get3A_345 : vector<16xf32>
      %get3A_347 = arith.constant 18 : i32
      %get3A_348 = arith.index_cast %get3A_347 : i32 to index
      %get3A_349 = arith.index_cast %multiple_of3A : i32 to index
      %get3A_350 = tpu.vector_load %arg12[%get3A_348, %get3A_349] {strides = array<i32>} : memref<32x640xf32, #tpu.memory_space<vmem>>, vector<16xf32>,
      %add3A_351 = arith.addf %add3A_346, %get3A_350 : vector<16xf32>
      %get3A_352 = arith.constant 19 : i32
      %get3A_353 = arith.index_cast %get3A_352 : i32 to index
      %get3A_354 = arith.index_cast %multiple_of3A : i32 to index
      %get3A_355 = tpu.vector_load %arg12[%get3A_353, %get3A_354] {strides = array<i32>} : memref<32x640xf32, #tpu.memory_space<vmem>>, vector<16xf32>,
      %add3A_356 = arith.addf %add3A_351, %get3A_355 : vector<16xf32>
      %get3A_357 = arith.constant 20 : i32
      %get3A_358 = arith.index_cast %get3A_357 : i32 to index
      %get3A_359 = arith.index_cast %multiple_of3A : i32 to index
      %get3A_360 = tpu.vector_load %arg12[%get3A_358, %get3A_359] {strides = array<i32>} : memref<32x640xf32, #tpu.memory_space<vmem>>, vector<16xf32>,
      %add3A_361 = arith.addf %add3A_356, %get3A_360 : vector<16xf32>
      %get3A_362 = arith.constant 21 : i32
      %get3A_363 = arith.index_cast %get3A_362 : i32 to index
      %get3A_364 = arith.index_cast %multiple_of3A : i32 to index
      %get3A_365 = tpu.vector_load %arg12[%get3A_363, %get3A_364] {strides = array<i32>} : memref<32x640xf32, #tpu.memory_space<vmem>>, vector<16xf32>,
      %add3A_366 = arith.addf %add3A_361, %get3A_365 : vector<16xf32>
      %get3A_367 = arith.constant 22 : i32
      %get3A_368 = arith.index_cast %get3A_367 : i32 to index
      %get3A_369 = arith.index_cast %multiple_of3A : i32 to index
      %get3A_370 = tpu.vector_load %arg12[%get3A_368, %get3A_369] {strides = array<i32>} : memref<32x640xf32, #tpu.memory_space<vmem>>, vector<16xf32>,
      %add3A_371 = arith.addf %add3A_366, %get3A_370 : vector<16xf32>
      %get3A_372 = arith.constant 23 : i32
      %get3A_373 = arith.index_cast %get3A_372 : i32 to index
      %get3A_374 = arith.index_cast %multiple_of3A : i32 to index
      %get3A_375 = tpu.vector_load %arg12[%get3A_373, %get3A_374] {strides = array<i32>} : memref<32x640xf32, #tpu.memory_space<vmem>>, vector<16xf32>,
      %add3A_376 = arith.addf %add3A_371, %get3A_375 : vector<16xf32>
      %get3A_377 = arith.constant 24 : i32
      %get3A_378 = arith.index_cast %get3A_377 : i32 to index
      %get3A_379 = arith.index_cast %multiple_of3A : i32 to index
      %get3A_380 = tpu.vector_load %arg12[%get3A_378, %get3A_379] {strides = array<i32>} : memref<32x640xf32, #tpu.memory_space<vmem>>, vector<16xf32>,
      %add3A_381 = arith.addf %add3A_376, %get3A_380 : vector<16xf32>
      %get3A_382 = arith.constant 25 : i32
      %get3A_383 = arith.index_cast %get3A_382 : i32 to index
      %get3A_384 = arith.index_cast %multiple_of3A : i32 to index
      %get3A_385 = tpu.vector_load %arg12[%get3A_383, %get3A_384] {strides = array<i32>} : memref<32x640xf32, #tpu.memory_space<vmem>>, vector<16xf32>,
      %add3A_386 = arith.addf %add3A_381, %get3A_385 : vector<16xf32>
      %get3A_387 = arith.constant 26 : i32
      %get3A_388 = arith.index_cast %get3A_387 : i32 to index
      %get3A_389 = arith.index_cast %multiple_of3A : i32 to index
      %get3A_390 = tpu.vector_load %arg12[%get3A_388, %get3A_389] {strides = array<i32>} : memref<32x640xf32, #tpu.memory_space<vmem>>, vector<16xf32>,
      %add3A_391 = arith.addf %add3A_386, %get3A_390 : vector<16xf32>
      %get3A_392 = arith.constant 27 : i32
      %get3A_393 = arith.index_cast %get3A_392 : i32 to index
      %get3A_394 = arith.index_cast %multiple_of3A : i32 to index
      %get3A_395 = tpu.vector_load %arg12[%get3A_393, %get3A_394] {strides = array<i32>} : memref<32x640xf32, #tpu.memory_space<vmem>>, vector<16xf32>,
      %add3A_396 = arith.addf %add3A_391, %get3A_395 : vector<16xf32>
      %get3A_397 = arith.constant 28 : i32
      %get3A_398 = arith.index_cast %get3A_397 : i32 to index
      %get3A_399 = arith.index_cast %multiple_of3A : i32 to index
      %get3A_400 = tpu.vector_load %arg12[%get3A_398, %get3A_399] {strides = array<i32>} : memref<32x640xf32, #tpu.memory_space<vmem>>, vector<16xf32>,
      %add3A_401 = arith.addf %add3A_396, %get3A_400 : vector<16xf32>
      %get3A_402 = arith.constant 29 : i32
      %get3A_403 = arith.index_cast %get3A_402 : i32 to index
      %get3A_404 = arith.index_cast %multiple_of3A : i32 to index
      %get3A_405 = tpu.vector_load %arg12[%get3A_403, %get3A_404] {strides = array<i32>} : memref<32x640xf32, #tpu.memory_space<vmem>>, vector<16xf32>,
      %add3A_406 = arith.addf %add3A_401, %get3A_405 : vector<16xf32>
      %get3A_407 = arith.constant 30 : i32
      %get3A_408 = arith.index_cast %get3A_407 : i32 to index
      %get3A_409 = arith.index_cast %multiple_of3A : i32 to index
      %get3A_410 = tpu.vector_load %arg12[%get3A_408, %get3A_409] {strides = array<i32>} : memref<32x640xf32, #tpu.memory_space<vmem>>, vector<16xf32>,
      %add3A_411 = arith.addf %add3A_406, %get3A_410 : vector<16xf32>
      %get3A_412 = arith.constant 31 : i32
      %get3A_413 = arith.index_cast %get3A_412 : i32 to index
      %get3A_414 = arith.index_cast %multiple_of3A : i32 to index
      %get3A_415 = tpu.vector_load %arg12[%get3A_413, %get3A_414] {strides = array<i32>} : memref<32x640xf32, #tpu.memory_space<vmem>>, vector<16xf32>,
      %add3A_416 = arith.addf %add3A_411, %get3A_415 : vector<16xf32>
      %add3A_417 = arith.constant 1.000000e+00 : f32
      %add3A_418 = vector.broadcast %add3A_417 : f32 to vector<16xf32>
      %add3A_419 = arith.addf %add3A_416, %add3A_418 : vector<16xf32>
      %bitcast3A = vector.bitcast %add3A_419 : vector<16xf32> to vector<16xi32>
      %shift_right_arithmetic3A = arith.constant 1 : i32
      %shift_right_arithmetic3A_420 = vector.broadcast %shift_right_arithmetic3A : i32 to vector<16xi32>
      %shift_right_arithmetic3A_421 = arith.shrsi %bitcast3A, %shift_right_arithmetic3A_420 : vector<16xi32>
      %sub3A = arith.constant 1597463007 : i32
      %sub3A_422 = vector.broadcast %sub3A : i32 to vector<16xi32>
      %sub3A_423 = arith.subi %sub3A_422, %shift_right_arithmetic3A_421 : vector<16xi32>
      %bitcast3A_424 = vector.bitcast %sub3A_423 : vector<16xi32> to vector<16xf32>
      %mul3A_425 = arith.constant 5.000000e-01 : f32
      %mul3A_426 = vector.broadcast %mul3A_425 : f32 to vector<16xf32>
      %mul3A_427 = arith.mulf %mul3A_426, %add3A_419 : vector<16xf32>
      %mul3A_428 = arith.mulf %mul3A_427, %bitcast3A_424 : vector<16xf32>
      %mul3A_429 = arith.mulf %mul3A_428, %bitcast3A_424 : vector<16xf32>
      %sub3A_430 = arith.constant 1.500000e+00 : f32
      %sub3A_431 = vector.broadcast %sub3A_430 : f32 to vector<16xf32>
      %sub3A_432 = arith.subf %sub3A_431, %mul3A_429 : vector<16xf32>
      %mul3A_433 = arith.mulf %bitcast3A_424, %sub3A_432 : vector<16xf32>
      %mul3A_434 = arith.constant 5.000000e-01 : f32
      %mul3A_435 = vector.broadcast %mul3A_434 : f32 to vector<16xf32>
      %mul3A_436 = arith.mulf %mul3A_435, %add3A_419 : vector<16xf32>
      %mul3A_437 = arith.mulf %mul3A_436, %mul3A_433 : vector<16xf32>
      %mul3A_438 = arith.mulf %mul3A_437, %mul3A_433 : vector<16xf32>
      %sub3A_439 = arith.constant 1.500000e+00 : f32
      %sub3A_440 = vector.broadcast %sub3A_439 : f32 to vector<16xf32>
      %sub3A_441 = arith.subf %sub3A_440, %mul3A_438 : vector<16xf32>
      %mul3A_442 = arith.mulf %mul3A_433, %sub3A_441 : vector<16xf32>
      %mul3A_443 = arith.constant 5.000000e-01 : f32
      %mul3A_444 = vector.broadcast %mul3A_443 : f32 to vector<16xf32>
      %mul3A_445 = arith.mulf %mul3A_444, %add3A_419 : vector<16xf32>
      %mul3A_446 = arith.mulf %mul3A_445, %mul3A_442 : vector<16xf32>
      %mul3A_447 = arith.mulf %mul3A_446, %mul3A_442 : vector<16xf32>
      %sub3A_448 = arith.constant 1.500000e+00 : f32
      %sub3A_449 = vector.broadcast %sub3A_448 : f32 to vector<16xf32>
      %sub3A_450 = arith.subf %sub3A_449, %mul3A_447 : vector<16xf32>
      %mul3A_451 = arith.mulf %mul3A_442, %sub3A_450 : vector<16xf32>
      %broadcast_in_dim3A = arith.constant 0 : i32
      %broadcast_in_dim3A_452 = vector.broadcast %broadcast_in_dim3A : i32 to vector<16x1xi32>
      %gather3A = vector.shape_cast %broadcast_in_dim3A_452 : vector<16x1xi32> to vector<16xi32>
      %gather3A_453 = tpu.dynamic_gather %mul3A_451[%gather3A] in [0] : vector<16xf32>, vector<16xi32> -> vector<16xf32>
      %add3A_454 = arith.constant 0 : i32
      %add3A_455 = arith.addi %multiple_of3A, %add3A_454 : i32
      %get3A_456 = arith.index_cast %add3A_455 : i32 to index
      %get3A_457 = arith.constant 0 : index
      %get3A_458 = tpu.vector_load %arg13[%get3A_456, %get3A_457] {strides = array<i32>} : memref<640x16xf32, #tpu.memory_space<vmem>>, vector<16xf32>,
      %mul3A_459 = arith.mulf %gather3A_453, %get3A_458 : vector<16xf32>
      %add3A_460 = arith.constant 0 : i32
      %add3A_461 = arith.addi %multiple_of3A, %add3A_460 : i32
      %swap3A = arith.index_cast %add3A_461 : i32 to index
      %swap3A_462 = arith.constant 0 : index
      %swap3A_463 = tpu.vector_load %arg13[%swap3A, %swap3A_462] {strides = array<i32>} : memref<640x16xf32, #tpu.memory_space<vmem>>, vector<16xf32>,
      tpu.vector_store %arg13[%swap3A, %swap3A_462], %mul3A_459 {strides = array<i32>} : memref<640x16xf32, #tpu.memory_space<vmem>>, vector<16xf32>,
      %broadcast_in_dim3A_464 = arith.constant 1 : i32
      %broadcast_in_dim3A_465 = vector.broadcast %broadcast_in_dim3A_464 : i32 to vector<16x1xi32>
      %gather3A_466 = vector.shape_cast %broadcast_in_dim3A_465 : vector<16x1xi32> to vector<16xi32>
      %gather3A_467 = tpu.dynamic_gather %mul3A_451[%gather3A_466] in [0] : vector<16xf32>, vector<16xi32> -> vector<16xf32>
      %add3A_468 = arith.constant 1 : i32
      %add3A_469 = arith.addi %multiple_of3A, %add3A_468 : i32
      %get3A_470 = arith.index_cast %add3A_469 : i32 to index
      %get3A_471 = arith.constant 0 : index
      %get3A_472 = tpu.vector_load %arg13[%get3A_470, %get3A_471] {strides = array<i32>} : memref<640x16xf32, #tpu.memory_space<vmem>>, vector<16xf32>,
      %mul3A_473 = arith.mulf %gather3A_467, %get3A_472 : vector<16xf32>
      %add3A_474 = arith.constant 1 : i32
      %add3A_475 = arith.addi %multiple_of3A, %add3A_474 : i32
      %swap3A_476 = arith.index_cast %add3A_475 : i32 to index
      %swap3A_477 = arith.constant 0 : index
      %swap3A_478 = tpu.vector_load %arg13[%swap3A_476, %swap3A_477] {strides = array<i32>} : memref<640x16xf32, #tpu.memory_space<vmem>>, vector<16xf32>,
      tpu.vector_store %arg13[%swap3A_476, %swap3A_477], %mul3A_473 {strides = array<i32>} : memref<640x16xf32, #tpu.memory_space<vmem>>, vector<16xf32>,
      %broadcast_in_dim3A_479 = arith.constant 2 : i32
      %broadcast_in_dim3A_480 = vector.broadcast %broadcast_in_dim3A_479 : i32 to vector<16x1xi32>
      %gather3A_481 = vector.shape_cast %broadcast_in_dim3A_480 : vector<16x1xi32> to vector<16xi32>
      %gather3A_482 = tpu.dynamic_gather %mul3A_451[%gather3A_481] in [0] : vector<16xf32>, vector<16xi32> -> vector<16xf32>
      %add3A_483 = arith.constant 2 : i32
      %add3A_484 = arith.addi %multiple_of3A, %add3A_483 : i32
      %get3A_485 = arith.index_cast %add3A_484 : i32 to index
      %get3A_486 = arith.constant 0 : index
      %get3A_487 = tpu.vector_load %arg13[%get3A_485, %get3A_486] {strides = array<i32>} : memref<640x16xf32, #tpu.memory_space<vmem>>, vector<16xf32>,
      %mul3A_488 = arith.mulf %gather3A_482, %get3A_487 : vector<16xf32>
      %add3A_489 = arith.constant 2 : i32
      %add3A_490 = arith.addi %multiple_of3A, %add3A_489 : i32
      %swap3A_491 = arith.index_cast %add3A_490 : i32 to index
      %swap3A_492 = arith.constant 0 : index
      %swap3A_493 = tpu.vector_load %arg13[%swap3A_491, %swap3A_492] {strides = array<i32>} : memref<640x16xf32, #tpu.memory_space<vmem>>, vector<16xf32>,
      tpu.vector_store %arg13[%swap3A_491, %swap3A_492], %mul3A_488 {strides = array<i32>} : memref<640x16xf32, #tpu.memory_space<vmem>>, vector<16xf32>,
      %broadcast_in_dim3A_494 = arith.constant 3 : i32
      %broadcast_in_dim3A_495 = vector.broadcast %broadcast_in_dim3A_494 : i32 to vector<16x1xi32>
      %gather3A_496 = vector.shape_cast %broadcast_in_dim3A_495 : vector<16x1xi32> to vector<16xi32>
      %gather3A_497 = tpu.dynamic_gather %mul3A_451[%gather3A_496] in [0] : vector<16xf32>, vector<16xi32> -> vector<16xf32>
      %add3A_498 = arith.constant 3 : i32
      %add3A_499 = arith.addi %multiple_of3A, %add3A_498 : i32
      %get3A_500 = arith.index_cast %add3A_499 : i32 to index
      %get3A_501 = arith.constant 0 : index
      %get3A_502 = tpu.vector_load %arg13[%get3A_500, %get3A_501] {strides = array<i32>} : memref<640x16xf32, #tpu.memory_space<vmem>>, vector<16xf32>,
      %mul3A_503 = arith.mulf %gather3A_497, %get3A_502 : vector<16xf32>
      %add3A_504 = arith.constant 3 : i32
      %add3A_505 = arith.addi %multiple_of3A, %add3A_504 : i32
      %swap3A_506 = arith.index_cast %add3A_505 : i32 to index
      %swap3A_507 = arith.constant 0 : index
      %swap3A_508 = tpu.vector_load %arg13[%swap3A_506, %swap3A_507] {strides = array<i32>} : memref<640x16xf32, #tpu.memory_space<vmem>>, vector<16xf32>,
      tpu.vector_store %arg13[%swap3A_506, %swap3A_507], %mul3A_503 {strides = array<i32>} : memref<640x16xf32, #tpu.memory_space<vmem>>, vector<16xf32>,
      %broadcast_in_dim3A_509 = arith.constant 4 : i32
      %broadcast_in_dim3A_510 = vector.broadcast %broadcast_in_dim3A_509 : i32 to vector<16x1xi32>
      %gather3A_511 = vector.shape_cast %broadcast_in_dim3A_510 : vector<16x1xi32> to vector<16xi32>
      %gather3A_512 = tpu.dynamic_gather %mul3A_451[%gather3A_511] in [0] : vector<16xf32>, vector<16xi32> -> vector<16xf32>
      %add3A_513 = arith.constant 4 : i32
      %add3A_514 = arith.addi %multiple_of3A, %add3A_513 : i32
      %get3A_515 = arith.index_cast %add3A_514 : i32 to index
      %get3A_516 = arith.constant 0 : index
      %get3A_517 = tpu.vector_load %arg13[%get3A_515, %get3A_516] {strides = array<i32>} : memref<640x16xf32, #tpu.memory_space<vmem>>, vector<16xf32>,
      %mul3A_518 = arith.mulf %gather3A_512, %get3A_517 : vector<16xf32>
      %add3A_519 = arith.constant 4 : i32
      %add3A_520 = arith.addi %multiple_of3A, %add3A_519 : i32
      %swap3A_521 = arith.index_cast %add3A_520 : i32 to index
      %swap3A_522 = arith.constant 0 : index
      %swap3A_523 = tpu.vector_load %arg13[%swap3A_521, %swap3A_522] {strides = array<i32>} : memref<640x16xf32, #tpu.memory_space<vmem>>, vector<16xf32>,
      tpu.vector_store %arg13[%swap3A_521, %swap3A_522], %mul3A_518 {strides = array<i32>} : memref<640x16xf32, #tpu.memory_space<vmem>>, vector<16xf32>,
      %broadcast_in_dim3A_524 = arith.constant 5 : i32
      %broadcast_in_dim3A_525 = vector.broadcast %broadcast_in_dim3A_524 : i32 to vector<16x1xi32>
      %gather3A_526 = vector.shape_cast %broadcast_in_dim3A_525 : vector<16x1xi32> to vector<16xi32>
      %gather3A_527 = tpu.dynamic_gather %mul3A_451[%gather3A_526] in [0] : vector<16xf32>, vector<16xi32> -> vector<16xf32>
      %add3A_528 = arith.constant 5 : i32
      %add3A_529 = arith.addi %multiple_of3A, %add3A_528 : i32
      %get3A_530 = arith.index_cast %add3A_529 : i32 to index
      %get3A_531 = arith.constant 0 : index
      %get3A_532 = tpu.vector_load %arg13[%get3A_530, %get3A_531] {strides = array<i32>} : memref<640x16xf32, #tpu.memory_space<vmem>>, vector<16xf32>,
      %mul3A_533 = arith.mulf %gather3A_527, %get3A_532 : vector<16xf32>
      %add3A_534 = arith.constant 5 : i32
      %add3A_535 = arith.addi %multiple_of3A, %add3A_534 : i32
      %swap3A_536 = arith.index_cast %add3A_535 : i32 to index
      %swap3A_537 = arith.constant 0 : index
      %swap3A_538 = tpu.vector_load %arg13[%swap3A_536, %swap3A_537] {strides = array<i32>} : memref<640x16xf32, #tpu.memory_space<vmem>>, vector<16xf32>,
      tpu.vector_store %arg13[%swap3A_536, %swap3A_537], %mul3A_533 {strides = array<i32>} : memref<640x16xf32, #tpu.memory_space<vmem>>, vector<16xf32>,
      %broadcast_in_dim3A_539 = arith.constant 6 : i32
      %broadcast_in_dim3A_540 = vector.broadcast %broadcast_in_dim3A_539 : i32 to vector<16x1xi32>
      %gather3A_541 = vector.shape_cast %broadcast_in_dim3A_540 : vector<16x1xi32> to vector<16xi32>
      %gather3A_542 = tpu.dynamic_gather %mul3A_451[%gather3A_541] in [0] : vector<16xf32>, vector<16xi32> -> vector<16xf32>
      %add3A_543 = arith.constant 6 : i32
      %add3A_544 = arith.addi %multiple_of3A, %add3A_543 : i32
      %get3A_545 = arith.index_cast %add3A_544 : i32 to index
      %get3A_546 = arith.constant 0 : index
      %get3A_547 = tpu.vector_load %arg13[%get3A_545, %get3A_546] {strides = array<i32>} : memref<640x16xf32, #tpu.memory_space<vmem>>, vector<16xf32>,
      %mul3A_548 = arith.mulf %gather3A_542, %get3A_547 : vector<16xf32>
      %add3A_549 = arith.constant 6 : i32
      %add3A_550 = arith.addi %multiple_of3A, %add3A_549 : i32
      %swap3A_551 = arith.index_cast %add3A_550 : i32 to index
      %swap3A_552 = arith.constant 0 : index
      %swap3A_553 = tpu.vector_load %arg13[%swap3A_551, %swap3A_552] {strides = array<i32>} : memref<640x16xf32, #tpu.memory_space<vmem>>, vector<16xf32>,
      tpu.vector_store %arg13[%swap3A_551, %swap3A_552], %mul3A_548 {strides = array<i32>} : memref<640x16xf32, #tpu.memory_space<vmem>>, vector<16xf32>,
      %broadcast_in_dim3A_554 = arith.constant 7 : i32
      %broadcast_in_dim3A_555 = vector.broadcast %broadcast_in_dim3A_554 : i32 to vector<16x1xi32>
      %gather3A_556 = vector.shape_cast %broadcast_in_dim3A_555 : vector<16x1xi32> to vector<16xi32>
      %gather3A_557 = tpu.dynamic_gather %mul3A_451[%gather3A_556] in [0] : vector<16xf32>, vector<16xi32> -> vector<16xf32>
      %add3A_558 = arith.constant 7 : i32
      %add3A_559 = arith.addi %multiple_of3A, %add3A_558 : i32
      %get3A_560 = arith.index_cast %add3A_559 : i32 to index
      %get3A_561 = arith.constant 0 : index
      %get3A_562 = tpu.vector_load %arg13[%get3A_560, %get3A_561] {strides = array<i32>} : memref<640x16xf32, #tpu.memory_space<vmem>>, vector<16xf32>,
      %mul3A_563 = arith.mulf %gather3A_557, %get3A_562 : vector<16xf32>
      %add3A_564 = arith.constant 7 : i32
      %add3A_565 = arith.addi %multiple_of3A, %add3A_564 : i32
      %swap3A_566 = arith.index_cast %add3A_565 : i32 to index
      %swap3A_567 = arith.constant 0 : index
      %swap3A_568 = tpu.vector_load %arg13[%swap3A_566, %swap3A_567] {strides = array<i32>} : memref<640x16xf32, #tpu.memory_space<vmem>>, vector<16xf32>,
      tpu.vector_store %arg13[%swap3A_566, %swap3A_567], %mul3A_563 {strides = array<i32>} : memref<640x16xf32, #tpu.memory_space<vmem>>, vector<16xf32>,
      %broadcast_in_dim3A_569 = arith.constant 8 : i32
      %broadcast_in_dim3A_570 = vector.broadcast %broadcast_in_dim3A_569 : i32 to vector<16x1xi32>
      %gather3A_571 = vector.shape_cast %broadcast_in_dim3A_570 : vector<16x1xi32> to vector<16xi32>
      %gather3A_572 = tpu.dynamic_gather %mul3A_451[%gather3A_571] in [0] : vector<16xf32>, vector<16xi32> -> vector<16xf32>
      %add3A_573 = arith.constant 8 : i32
      %add3A_574 = arith.addi %multiple_of3A, %add3A_573 : i32
      %get3A_575 = arith.index_cast %add3A_574 : i32 to index
      %get3A_576 = arith.constant 0 : index
      %get3A_577 = tpu.vector_load %arg13[%get3A_575, %get3A_576] {strides = array<i32>} : memref<640x16xf32, #tpu.memory_space<vmem>>, vector<16xf32>,
      %mul3A_578 = arith.mulf %gather3A_572, %get3A_577 : vector<16xf32>
      %add3A_579 = arith.constant 8 : i32
      %add3A_580 = arith.addi %multiple_of3A, %add3A_579 : i32
      %swap3A_581 = arith.index_cast %add3A_580 : i32 to index
      %swap3A_582 = arith.constant 0 : index
      %swap3A_583 = tpu.vector_load %arg13[%swap3A_581, %swap3A_582] {strides = array<i32>} : memref<640x16xf32, #tpu.memory_space<vmem>>, vector<16xf32>,
      tpu.vector_store %arg13[%swap3A_581, %swap3A_582], %mul3A_578 {strides = array<i32>} : memref<640x16xf32, #tpu.memory_space<vmem>>, vector<16xf32>,
      %broadcast_in_dim3A_584 = arith.constant 9 : i32
      %broadcast_in_dim3A_585 = vector.broadcast %broadcast_in_dim3A_584 : i32 to vector<16x1xi32>
      %gather3A_586 = vector.shape_cast %broadcast_in_dim3A_585 : vector<16x1xi32> to vector<16xi32>
      %gather3A_587 = tpu.dynamic_gather %mul3A_451[%gather3A_586] in [0] : vector<16xf32>, vector<16xi32> -> vector<16xf32>
      %add3A_588 = arith.constant 9 : i32
      %add3A_589 = arith.addi %multiple_of3A, %add3A_588 : i32
      %get3A_590 = arith.index_cast %add3A_589 : i32 to index
      %get3A_591 = arith.constant 0 : index
      %get3A_592 = tpu.vector_load %arg13[%get3A_590, %get3A_591] {strides = array<i32>} : memref<640x16xf32, #tpu.memory_space<vmem>>, vector<16xf32>,
      %mul3A_593 = arith.mulf %gather3A_587, %get3A_592 : vector<16xf32>
      %add3A_594 = arith.constant 9 : i32
      %add3A_595 = arith.addi %multiple_of3A, %add3A_594 : i32
      %swap3A_596 = arith.index_cast %add3A_595 : i32 to index
      %swap3A_597 = arith.constant 0 : index
      %swap3A_598 = tpu.vector_load %arg13[%swap3A_596, %swap3A_597] {strides = array<i32>} : memref<640x16xf32, #tpu.memory_space<vmem>>, vector<16xf32>,
      tpu.vector_store %arg13[%swap3A_596, %swap3A_597], %mul3A_593 {strides = array<i32>} : memref<640x16xf32, #tpu.memory_space<vmem>>, vector<16xf32>,
      %broadcast_in_dim3A_599 = arith.constant 10 : i32
      %broadcast_in_dim3A_600 = vector.broadcast %broadcast_in_dim3A_599 : i32 to vector<16x1xi32>
      %gather3A_601 = vector.shape_cast %broadcast_in_dim3A_600 : vector<16x1xi32> to vector<16xi32>
      %gather3A_602 = tpu.dynamic_gather %mul3A_451[%gather3A_601] in [0] : vector<16xf32>, vector<16xi32> -> vector<16xf32>
      %add3A_603 = arith.constant 10 : i32
      %add3A_604 = arith.addi %multiple_of3A, %add3A_603 : i32
      %get3A_605 = arith.index_cast %add3A_604 : i32 to index
      %get3A_606 = arith.constant 0 : index
      %get3A_607 = tpu.vector_load %arg13[%get3A_605, %get3A_606] {strides = array<i32>} : memref<640x16xf32, #tpu.memory_space<vmem>>, vector<16xf32>,
      %mul3A_608 = arith.mulf %gather3A_602, %get3A_607 : vector<16xf32>
      %add3A_609 = arith.constant 10 : i32
      %add3A_610 = arith.addi %multiple_of3A, %add3A_609 : i32
      %swap3A_611 = arith.index_cast %add3A_610 : i32 to index
      %swap3A_612 = arith.constant 0 : index
      %swap3A_613 = tpu.vector_load %arg13[%swap3A_611, %swap3A_612] {strides = array<i32>} : memref<640x16xf32, #tpu.memory_space<vmem>>, vector<16xf32>,
      tpu.vector_store %arg13[%swap3A_611, %swap3A_612], %mul3A_608 {strides = array<i32>} : memref<640x16xf32, #tpu.memory_space<vmem>>, vector<16xf32>,
      %broadcast_in_dim3A_614 = arith.constant 11 : i32
      %broadcast_in_dim3A_615 = vector.broadcast %broadcast_in_dim3A_614 : i32 to vector<16x1xi32>
      %gather3A_616 = vector.shape_cast %broadcast_in_dim3A_615 : vector<16x1xi32> to vector<16xi32>
      %gather3A_617 = tpu.dynamic_gather %mul3A_451[%gather3A_616] in [0] : vector<16xf32>, vector<16xi32> -> vector<16xf32>
      %add3A_618 = arith.constant 11 : i32
      %add3A_619 = arith.addi %multiple_of3A, %add3A_618 : i32
      %get3A_620 = arith.index_cast %add3A_619 : i32 to index
      %get3A_621 = arith.constant 0 : index
      %get3A_622 = tpu.vector_load %arg13[%get3A_620, %get3A_621] {strides = array<i32>} : memref<640x16xf32, #tpu.memory_space<vmem>>, vector<16xf32>,
      %mul3A_623 = arith.mulf %gather3A_617, %get3A_622 : vector<16xf32>
      %add3A_624 = arith.constant 11 : i32
      %add3A_625 = arith.addi %multiple_of3A, %add3A_624 : i32
      %swap3A_626 = arith.index_cast %add3A_625 : i32 to index
      %swap3A_627 = arith.constant 0 : index
      %swap3A_628 = tpu.vector_load %arg13[%swap3A_626, %swap3A_627] {strides = array<i32>} : memref<640x16xf32, #tpu.memory_space<vmem>>, vector<16xf32>,
      tpu.vector_store %arg13[%swap3A_626, %swap3A_627], %mul3A_623 {strides = array<i32>} : memref<640x16xf32, #tpu.memory_space<vmem>>, vector<16xf32>,
      %broadcast_in_dim3A_629 = arith.constant 12 : i32
      %broadcast_in_dim3A_630 = vector.broadcast %broadcast_in_dim3A_629 : i32 to vector<16x1xi32>
      %gather3A_631 = vector.shape_cast %broadcast_in_dim3A_630 : vector<16x1xi32> to vector<16xi32>
      %gather3A_632 = tpu.dynamic_gather %mul3A_451[%gather3A_631] in [0] : vector<16xf32>, vector<16xi32> -> vector<16xf32>
      %add3A_633 = arith.constant 12 : i32
      %add3A_634 = arith.addi %multiple_of3A, %add3A_633 : i32
      %get3A_635 = arith.index_cast %add3A_634 : i32 to index
      %get3A_636 = arith.constant 0 : index
      %get3A_637 = tpu.vector_load %arg13[%get3A_635, %get3A_636] {strides = array<i32>} : memref<640x16xf32, #tpu.memory_space<vmem>>, vector<16xf32>,
      %mul3A_638 = arith.mulf %gather3A_632, %get3A_637 : vector<16xf32>
      %add3A_639 = arith.constant 12 : i32
      %add3A_640 = arith.addi %multiple_of3A, %add3A_639 : i32
      %swap3A_641 = arith.index_cast %add3A_640 : i32 to index
      %swap3A_642 = arith.constant 0 : index
      %swap3A_643 = tpu.vector_load %arg13[%swap3A_641, %swap3A_642] {strides = array<i32>} : memref<640x16xf32, #tpu.memory_space<vmem>>, vector<16xf32>,
      tpu.vector_store %arg13[%swap3A_641, %swap3A_642], %mul3A_638 {strides = array<i32>} : memref<640x16xf32, #tpu.memory_space<vmem>>, vector<16xf32>,
      %broadcast_in_dim3A_644 = arith.constant 13 : i32
      %broadcast_in_dim3A_645 = vector.broadcast %broadcast_in_dim3A_644 : i32 to vector<16x1xi32>
      %gather3A_646 = vector.shape_cast %broadcast_in_dim3A_645 : vector<16x1xi32> to vector<16xi32>
      %gather3A_647 = tpu.dynamic_gather %mul3A_451[%gather3A_646] in [0] : vector<16xf32>, vector<16xi32> -> vector<16xf32>
      %add3A_648 = arith.constant 13 : i32
      %add3A_649 = arith.addi %multiple_of3A, %add3A_648 : i32
      %get3A_650 = arith.index_cast %add3A_649 : i32 to index
      %get3A_651 = arith.constant 0 : index
      %get3A_652 = tpu.vector_load %arg13[%get3A_650, %get3A_651] {strides = array<i32>} : memref<640x16xf32, #tpu.memory_space<vmem>>, vector<16xf32>,
      %mul3A_653 = arith.mulf %gather3A_647, %get3A_652 : vector<16xf32>
      %add3A_654 = arith.constant 13 : i32
      %add3A_655 = arith.addi %multiple_of3A, %add3A_654 : i32
      %swap3A_656 = arith.index_cast %add3A_655 : i32 to index
      %swap3A_657 = arith.constant 0 : index
      %swap3A_658 = tpu.vector_load %arg13[%swap3A_656, %swap3A_657] {strides = array<i32>} : memref<640x16xf32, #tpu.memory_space<vmem>>, vector<16xf32>,
      tpu.vector_store %arg13[%swap3A_656, %swap3A_657], %mul3A_653 {strides = array<i32>} : memref<640x16xf32, #tpu.memory_space<vmem>>, vector<16xf32>,
      %broadcast_in_dim3A_659 = arith.constant 14 : i32
      %broadcast_in_dim3A_660 = vector.broadcast %broadcast_in_dim3A_659 : i32 to vector<16x1xi32>
      %gather3A_661 = vector.shape_cast %broadcast_in_dim3A_660 : vector<16x1xi32> to vector<16xi32>
      %gather3A_662 = tpu.dynamic_gather %mul3A_451[%gather3A_661] in [0] : vector<16xf32>, vector<16xi32> -> vector<16xf32>
      %add3A_663 = arith.constant 14 : i32
      %add3A_664 = arith.addi %multiple_of3A, %add3A_663 : i32
      %get3A_665 = arith.index_cast %add3A_664 : i32 to index
      %get3A_666 = arith.constant 0 : index
      %get3A_667 = tpu.vector_load %arg13[%get3A_665, %get3A_666] {strides = array<i32>} : memref<640x16xf32, #tpu.memory_space<vmem>>, vector<16xf32>,
      %mul3A_668 = arith.mulf %gather3A_662, %get3A_667 : vector<16xf32>
      %add3A_669 = arith.constant 14 : i32
      %add3A_670 = arith.addi %multiple_of3A, %add3A_669 : i32
      %swap3A_671 = arith.index_cast %add3A_670 : i32 to index
      %swap3A_672 = arith.constant 0 : index
      %swap3A_673 = tpu.vector_load %arg13[%swap3A_671, %swap3A_672] {strides = array<i32>} : memref<640x16xf32, #tpu.memory_space<vmem>>, vector<16xf32>,
      tpu.vector_store %arg13[%swap3A_671, %swap3A_672], %mul3A_668 {strides = array<i32>} : memref<640x16xf32, #tpu.memory_space<vmem>>, vector<16xf32>,
      %broadcast_in_dim3A_674 = arith.constant 15 : i32
      %broadcast_in_dim3A_675 = vector.broadcast %broadcast_in_dim3A_674 : i32 to vector<16x1xi32>
      %gather3A_676 = vector.shape_cast %broadcast_in_dim3A_675 : vector<16x1xi32> to vector<16xi32>
      %gather3A_677 = tpu.dynamic_gather %mul3A_451[%gather3A_676] in [0] : vector<16xf32>, vector<16xi32> -> vector<16xf32>
      %add3A_678 = arith.constant 15 : i32
      %add3A_679 = arith.addi %multiple_of3A, %add3A_678 : i32
      %get3A_680 = arith.index_cast %add3A_679 : i32 to index
      %get3A_681 = arith.constant 0 : index
      %get3A_682 = tpu.vector_load %arg13[%get3A_680, %get3A_681] {strides = array<i32>} : memref<640x16xf32, #tpu.memory_space<vmem>>, vector<16xf32>,
      %mul3A_683 = arith.mulf %gather3A_677, %get3A_682 : vector<16xf32>
      %add3A_684 = arith.constant 15 : i32
      %add3A_685 = arith.addi %multiple_of3A, %add3A_684 : i32
      %swap3A_686 = arith.index_cast %add3A_685 : i32 to index
      %swap3A_687 = arith.constant 0 : index
      %swap3A_688 = tpu.vector_load %arg13[%swap3A_686, %swap3A_687] {strides = array<i32>} : memref<640x16xf32, #tpu.memory_space<vmem>>, vector<16xf32>,
      tpu.vector_store %arg13[%swap3A_686, %swap3A_687], %mul3A_683 {strides = array<i32>} : memref<640x16xf32, #tpu.memory_space<vmem>>, vector<16xf32>,
    }
    %scan3A_7 = arith.constant 40 : i32
    %mul3A_8 = arith.constant 10240 : i32
    %mul3A_9 = arith.muli %arg0, %mul3A_8 : i32
    %add3A_10 = arith.addi %mul3A_9, %mul3A_2 : i32
    "tpu.region"() ({
      %run_scoped3A = tpu.sem_alloc : memref<!tpu.dma_semaphore, #tpu.memory_space<semaphore_mem>>
      %dma_start3A_256 = arith.constant 0 : i32
      %dma_start3A_257 = tpu.memref_slice %arg8[%add3A_10, %dma_start3A_256] : memref<20480x16xf32, #tpu.memory_space<hbm>> -> memref<640x16xf32, #tpu.memory_space<hbm>>
      %dma_start3A_258 = arith.constant 0 : i32
      %dma_start3A_259 = tpu.memref_slice %arg8[%add3A_10, %dma_start3A_258] : memref<20480x16xf32, #tpu.memory_space<hbm>> -> memref<640x16xf32, #tpu.memory_space<hbm>>
      tpu.enqueue_dma source(%arg13 : memref<640x16xf32, #tpu.memory_space<vmem>>) target(%dma_start3A_259 : memref<640x16xf32, #tpu.memory_space<hbm>>) target_semaphore(%run_scoped3A : memref<!tpu.dma_semaphore, #tpu.memory_space<semaphore_mem>>)
      %dma_wait3A_260 = arith.constant 0 : i32
      %dma_wait3A_261 = tpu.memref_slice %arg8[%add3A_10, %dma_wait3A_260] : memref<20480x16xf32, #tpu.memory_space<hbm>> -> memref<640x16xf32, #tpu.memory_space<hbm>>
      %dma_wait3A_262 = arith.constant 0 : i32
      %dma_wait3A_263 = tpu.memref_slice %arg8[%add3A_10, %dma_wait3A_262] : memref<20480x16xf32, #tpu.memory_space<hbm>> -> memref<640x16xf32, #tpu.memory_space<hbm>>
      tpu.wait_dma2 semaphore(%run_scoped3A : memref<!tpu.dma_semaphore, #tpu.memory_space<semaphore_mem>>) src(%arg13 : memref<640x16xf32, #tpu.memory_space<vmem>>) dst(%dma_wait3A_263 : memref<640x16xf32, #tpu.memory_space<hbm>>)
      tpu.yield
    }) : () -> ()
    %barrier3A = arith.constant 0 : index
    tpu.barrier barrier_id(%barrier3A)
    %dma_start3A = arith.constant 0 : i32
    %dma_start3A_11 = arith.constant 0 : i32
    %dma_start3A_12 = arith.constant 0 : i32
    %dma_start3A_13 = arith.constant 0 : i32
    %dma_start3A_14 = tpu.memref_slice %arg11[%dma_start3A_11, %dma_start3A_12, %dma_start3A_13] : memref<4x128x16xf32, #tpu.memory_space<vmem>> -> memref<1x128x16xf32, #tpu.memory_space<vmem>>
    %dma_start3A_15 = tpu.memref_squeeze %dma_start3A_14 : memref<1x128x16xf32, #tpu.memory_space<vmem>> -> memref<128x16xf32, #tpu.memory_space<vmem>>
    %dma_start3A_16 = arith.constant 0 : i32
    %dma_start3A_17 = tpu.memref_slice %arg9[%dma_start3A, %dma_start3A_16] : memref<80x128xi32, #tpu.memory_space<vmem>> -> memref<1x128xi32, #tpu.memory_space<vmem>>
    %dma_start3A_18 = tpu.memref_squeeze %dma_start3A_17 : memref<1x128xi32, #tpu.memory_space<vmem>> -> memref<128xi32, #tpu.memory_space<vmem>>
    %dma_start3A_19 = arith.constant 0 : i32
    %dma_start3A_20 = arith.constant 0 : i32
    %dma_start3A_21 = tpu.memref_slice %arg8[%dma_start3A_19, %dma_start3A_20] : memref<20480x16xf32, #tpu.memory_space<hbm>> -> memref<20480x16xf32, #tpu.memory_space<hbm>>
    tpu.enqueue_indirect_dma source(%dma_start3A_21 : memref<20480x16xf32, #tpu.memory_space<hbm>>) target(%dma_start3A_15 : memref<128x16xf32, #tpu.memory_space<vmem>>) offsets(%dma_start3A_18 : memref<128xi32, #tpu.memory_space<vmem>>) semaphore(%arg15 : memref<!tpu.dma_semaphore, #tpu.memory_space<semaphore_mem>>)
    %dma_start3A_22 = arith.constant 1 : i32
    %dma_start3A_23 = arith.constant 1 : i32
    %dma_start3A_24 = arith.constant 0 : i32
    %dma_start3A_25 = arith.constant 0 : i32
    %dma_start3A_26 = tpu.memref_slice %arg11[%dma_start3A_23, %dma_start3A_24, %dma_start3A_25] : memref<4x128x16xf32, #tpu.memory_space<vmem>> -> memref<1x128x16xf32, #tpu.memory_space<vmem>>
    %dma_start3A_27 = tpu.memref_squeeze %dma_start3A_26 : memref<1x128x16xf32, #tpu.memory_space<vmem>> -> memref<128x16xf32, #tpu.memory_space<vmem>>
    %dma_start3A_28 = arith.constant 0 : i32
    %dma_start3A_29 = tpu.memref_slice %arg9[%dma_start3A_22, %dma_start3A_28] : memref<80x128xi32, #tpu.memory_space<vmem>> -> memref<1x128xi32, #tpu.memory_space<vmem>>
    %dma_start3A_30 = tpu.memref_squeeze %dma_start3A_29 : memref<1x128xi32, #tpu.memory_space<vmem>> -> memref<128xi32, #tpu.memory_space<vmem>>
    %dma_start3A_31 = arith.constant 0 : i32
    %dma_start3A_32 = arith.constant 0 : i32
    %dma_start3A_33 = tpu.memref_slice %arg8[%dma_start3A_31, %dma_start3A_32] : memref<20480x16xf32, #tpu.memory_space<hbm>> -> memref<20480x16xf32, #tpu.memory_space<hbm>>
    tpu.enqueue_indirect_dma source(%dma_start3A_33 : memref<20480x16xf32, #tpu.memory_space<hbm>>) target(%dma_start3A_27 : memref<128x16xf32, #tpu.memory_space<vmem>>) offsets(%dma_start3A_30 : memref<128xi32, #tpu.memory_space<vmem>>) semaphore(%arg16 : memref<!tpu.dma_semaphore, #tpu.memory_space<semaphore_mem>>)
    %dma_wait3A = arith.constant 0 : i32
    %dma_wait3A_34 = arith.constant 0 : i32
    %dma_wait3A_35 = arith.constant 0 : i32
    %dma_wait3A_36 = arith.constant 0 : i32
    %dma_wait3A_37 = tpu.memref_slice %arg11[%dma_wait3A_34, %dma_wait3A_35, %dma_wait3A_36] : memref<4x128x16xf32, #tpu.memory_space<vmem>> -> memref<1x128x16xf32, #tpu.memory_space<vmem>>
    %dma_wait3A_38 = tpu.memref_squeeze %dma_wait3A_37 : memref<1x128x16xf32, #tpu.memory_space<vmem>> -> memref<128x16xf32, #tpu.memory_space<vmem>>
    %dma_wait3A_39 = arith.constant 0 : i32
    %dma_wait3A_40 = tpu.memref_slice %arg9[%dma_wait3A, %dma_wait3A_39] : memref<80x128xi32, #tpu.memory_space<vmem>> -> memref<1x128xi32, #tpu.memory_space<vmem>>
    %dma_wait3A_41 = tpu.memref_squeeze %dma_wait3A_40 : memref<1x128xi32, #tpu.memory_space<vmem>> -> memref<128xi32, #tpu.memory_space<vmem>>
    %dma_wait3A_42 = arith.constant 0 : i32
    %dma_wait3A_43 = arith.constant 0 : i32
    %dma_wait3A_44 = tpu.memref_slice %arg8[%dma_wait3A_42, %dma_wait3A_43] : memref<20480x16xf32, #tpu.memory_space<hbm>> -> memref<20480x16xf32, #tpu.memory_space<hbm>>
    tpu.wait_indirect_dma semaphore(%arg15 : memref<!tpu.dma_semaphore, #tpu.memory_space<semaphore_mem>>) src(%dma_wait3A_44 : memref<20480x16xf32, #tpu.memory_space<hbm>>) dst(%dma_wait3A_38 : memref<128x16xf32, #tpu.memory_space<vmem>>)
    %dma_start3A_45 = arith.constant 0 : i32
    %dma_start3A_46 = arith.constant 0 : i32
    %dma_start3A_47 = arith.constant 0 : i32
    %dma_start3A_48 = arith.constant 0 : i32
    %dma_start3A_49 = tpu.memref_slice %arg11[%dma_start3A_45, %dma_start3A_47, %dma_start3A_48] : memref<4x128x16xf32, #tpu.memory_space<vmem>> -> memref<1x128x16xf32, #tpu.memory_space<vmem>>
    %dma_start3A_50 = tpu.memref_squeeze %dma_start3A_49 : memref<1x128x16xf32, #tpu.memory_space<vmem>> -> memref<128x16xf32, #tpu.memory_space<vmem>>
    %dma_start3A_51 = arith.constant 0 : i32
    %dma_start3A_52 = tpu.memref_slice %arg10[%dma_start3A_46, %dma_start3A_51] : memref<80x128xi32, #tpu.memory_space<vmem>> -> memref<1x128xi32, #tpu.memory_space<vmem>>
    %dma_start3A_53 = tpu.memref_squeeze %dma_start3A_52 : memref<1x128xi32, #tpu.memory_space<vmem>> -> memref<128xi32, #tpu.memory_space<vmem>>
    %dma_start3A_54 = arith.constant 0 : i32
    %dma_start3A_55 = arith.constant 0 : i32
    %dma_start3A_56 = tpu.memref_slice %arg14[%dma_start3A_54, %dma_start3A_55] : memref<10240x16xf32, #tpu.memory_space<vmem_shared>> -> memref<10240x16xf32, #tpu.memory_space<vmem_shared>>
    tpu.enqueue_indirect_dma source(%dma_start3A_50 : memref<128x16xf32, #tpu.memory_space<vmem>>) target(%dma_start3A_56 : memref<10240x16xf32, #tpu.memory_space<vmem_shared>>) offsets(%dma_start3A_53 : memref<128xi32, #tpu.memory_space<vmem>>) semaphore(%arg19 : memref<!tpu.dma_semaphore, #tpu.memory_space<semaphore_mem>>) {add = true}
    %dma_start3A_57 = arith.constant 2 : i32
    %dma_start3A_58 = arith.constant 2 : i32
    %dma_start3A_59 = arith.constant 0 : i32
    %dma_start3A_60 = arith.constant 0 : i32
    %dma_start3A_61 = tpu.memref_slice %arg11[%dma_start3A_58, %dma_start3A_59, %dma_start3A_60] : memref<4x128x16xf32, #tpu.memory_space<vmem>> -> memref<1x128x16xf32, #tpu.memory_space<vmem>>
    %dma_start3A_62 = tpu.memref_squeeze %dma_start3A_61 : memref<1x128x16xf32, #tpu.memory_space<vmem>> -> memref<128x16xf32, #tpu.memory_space<vmem>>
    %dma_start3A_63 = arith.constant 0 : i32
    %dma_start3A_64 = tpu.memref_slice %arg9[%dma_start3A_57, %dma_start3A_63] : memref<80x128xi32, #tpu.memory_space<vmem>> -> memref<1x128xi32, #tpu.memory_space<vmem>>
    %dma_start3A_65 = tpu.memref_squeeze %dma_start3A_64 : memref<1x128xi32, #tpu.memory_space<vmem>> -> memref<128xi32, #tpu.memory_space<vmem>>
    %dma_start3A_66 = arith.constant 0 : i32
    %dma_start3A_67 = arith.constant 0 : i32
    %dma_start3A_68 = tpu.memref_slice %arg8[%dma_start3A_66, %dma_start3A_67] : memref<20480x16xf32, #tpu.memory_space<hbm>> -> memref<20480x16xf32, #tpu.memory_space<hbm>>
    tpu.enqueue_indirect_dma source(%dma_start3A_68 : memref<20480x16xf32, #tpu.memory_space<hbm>>) target(%dma_start3A_62 : memref<128x16xf32, #tpu.memory_space<vmem>>) offsets(%dma_start3A_65 : memref<128xi32, #tpu.memory_space<vmem>>) semaphore(%arg17 : memref<!tpu.dma_semaphore, #tpu.memory_space<semaphore_mem>>)
    %dma_wait3A_69 = arith.constant 1 : i32
    %dma_wait3A_70 = arith.constant 1 : i32
    %dma_wait3A_71 = arith.constant 0 : i32
    %dma_wait3A_72 = arith.constant 0 : i32
    %dma_wait3A_73 = tpu.memref_slice %arg11[%dma_wait3A_70, %dma_wait3A_71, %dma_wait3A_72] : memref<4x128x16xf32, #tpu.memory_space<vmem>> -> memref<1x128x16xf32, #tpu.memory_space<vmem>>
    %dma_wait3A_74 = tpu.memref_squeeze %dma_wait3A_73 : memref<1x128x16xf32, #tpu.memory_space<vmem>> -> memref<128x16xf32, #tpu.memory_space<vmem>>
    %dma_wait3A_75 = arith.constant 0 : i32
    %dma_wait3A_76 = tpu.memref_slice %arg9[%dma_wait3A_69, %dma_wait3A_75] : memref<80x128xi32, #tpu.memory_space<vmem>> -> memref<1x128xi32, #tpu.memory_space<vmem>>
    %dma_wait3A_77 = tpu.memref_squeeze %dma_wait3A_76 : memref<1x128xi32, #tpu.memory_space<vmem>> -> memref<128xi32, #tpu.memory_space<vmem>>
    %dma_wait3A_78 = arith.constant 0 : i32
    %dma_wait3A_79 = arith.constant 0 : i32
    %dma_wait3A_80 = tpu.memref_slice %arg8[%dma_wait3A_78, %dma_wait3A_79] : memref<20480x16xf32, #tpu.memory_space<hbm>> -> memref<20480x16xf32, #tpu.memory_space<hbm>>
    tpu.wait_indirect_dma semaphore(%arg16 : memref<!tpu.dma_semaphore, #tpu.memory_space<semaphore_mem>>) src(%dma_wait3A_80 : memref<20480x16xf32, #tpu.memory_space<hbm>>) dst(%dma_wait3A_74 : memref<128x16xf32, #tpu.memory_space<vmem>>)
    %dma_start3A_81 = arith.constant 1 : i32
    %dma_start3A_82 = arith.constant 1 : i32
    %dma_start3A_83 = arith.constant 0 : i32
    %dma_start3A_84 = arith.constant 0 : i32
    %dma_start3A_85 = tpu.memref_slice %arg11[%dma_start3A_81, %dma_start3A_83, %dma_start3A_84] : memref<4x128x16xf32, #tpu.memory_space<vmem>> -> memref<1x128x16xf32, #tpu.memory_space<vmem>>
    %dma_start3A_86 = tpu.memref_squeeze %dma_start3A_85 : memref<1x128x16xf32, #tpu.memory_space<vmem>> -> memref<128x16xf32, #tpu.memory_space<vmem>>
    %dma_start3A_87 = arith.constant 0 : i32
    %dma_start3A_88 = tpu.memref_slice %arg10[%dma_start3A_82, %dma_start3A_87] : memref<80x128xi32, #tpu.memory_space<vmem>> -> memref<1x128xi32, #tpu.memory_space<vmem>>
    %dma_start3A_89 = tpu.memref_squeeze %dma_start3A_88 : memref<1x128xi32, #tpu.memory_space<vmem>> -> memref<128xi32, #tpu.memory_space<vmem>>
    %dma_start3A_90 = arith.constant 0 : i32
    %dma_start3A_91 = arith.constant 0 : i32
    %dma_start3A_92 = tpu.memref_slice %arg14[%dma_start3A_90, %dma_start3A_91] : memref<10240x16xf32, #tpu.memory_space<vmem_shared>> -> memref<10240x16xf32, #tpu.memory_space<vmem_shared>>
    tpu.enqueue_indirect_dma source(%dma_start3A_86 : memref<128x16xf32, #tpu.memory_space<vmem>>) target(%dma_start3A_92 : memref<10240x16xf32, #tpu.memory_space<vmem_shared>>) offsets(%dma_start3A_89 : memref<128xi32, #tpu.memory_space<vmem>>) semaphore(%arg20 : memref<!tpu.dma_semaphore, #tpu.memory_space<semaphore_mem>>) {add = true}
    %dma_start3A_93 = arith.constant 3 : i32
    %dma_start3A_94 = arith.constant 3 : i32
    %dma_start3A_95 = arith.constant 0 : i32
    %dma_start3A_96 = arith.constant 0 : i32
    %dma_start3A_97 = tpu.memref_slice %arg11[%dma_start3A_94, %dma_start3A_95, %dma_start3A_96] : memref<4x128x16xf32, #tpu.memory_space<vmem>> -> memref<1x128x16xf32, #tpu.memory_space<vmem>>
    %dma_start3A_98 = tpu.memref_squeeze %dma_start3A_97 : memref<1x128x16xf32, #tpu.memory_space<vmem>> -> memref<128x16xf32, #tpu.memory_space<vmem>>
    %dma_start3A_99 = arith.constant 0 : i32
    %dma_start3A_100 = tpu.memref_slice %arg9[%dma_start3A_93, %dma_start3A_99] : memref<80x128xi32, #tpu.memory_space<vmem>> -> memref<1x128xi32, #tpu.memory_space<vmem>>
    %dma_start3A_101 = tpu.memref_squeeze %dma_start3A_100 : memref<1x128xi32, #tpu.memory_space<vmem>> -> memref<128xi32, #tpu.memory_space<vmem>>
    %dma_start3A_102 = arith.constant 0 : i32
    %dma_start3A_103 = arith.constant 0 : i32
    %dma_start3A_104 = tpu.memref_slice %arg8[%dma_start3A_102, %dma_start3A_103] : memref<20480x16xf32, #tpu.memory_space<hbm>> -> memref<20480x16xf32, #tpu.memory_space<hbm>>
    tpu.enqueue_indirect_dma source(%dma_start3A_104 : memref<20480x16xf32, #tpu.memory_space<hbm>>) target(%dma_start3A_98 : memref<128x16xf32, #tpu.memory_space<vmem>>) offsets(%dma_start3A_101 : memref<128xi32, #tpu.memory_space<vmem>>) semaphore(%arg18 : memref<!tpu.dma_semaphore, #tpu.memory_space<semaphore_mem>>)
    %dma_wait3A_105 = arith.constant 2 : i32
    %dma_wait3A_106 = arith.constant 2 : i32
    %dma_wait3A_107 = arith.constant 0 : i32
    %dma_wait3A_108 = arith.constant 0 : i32
    %dma_wait3A_109 = tpu.memref_slice %arg11[%dma_wait3A_106, %dma_wait3A_107, %dma_wait3A_108] : memref<4x128x16xf32, #tpu.memory_space<vmem>> -> memref<1x128x16xf32, #tpu.memory_space<vmem>>
    %dma_wait3A_110 = tpu.memref_squeeze %dma_wait3A_109 : memref<1x128x16xf32, #tpu.memory_space<vmem>> -> memref<128x16xf32, #tpu.memory_space<vmem>>
    %dma_wait3A_111 = arith.constant 0 : i32
    %dma_wait3A_112 = tpu.memref_slice %arg9[%dma_wait3A_105, %dma_wait3A_111] : memref<80x128xi32, #tpu.memory_space<vmem>> -> memref<1x128xi32, #tpu.memory_space<vmem>>
    %dma_wait3A_113 = tpu.memref_squeeze %dma_wait3A_112 : memref<1x128xi32, #tpu.memory_space<vmem>> -> memref<128xi32, #tpu.memory_space<vmem>>
    %dma_wait3A_114 = arith.constant 0 : i32
    %dma_wait3A_115 = arith.constant 0 : i32
    %dma_wait3A_116 = tpu.memref_slice %arg8[%dma_wait3A_114, %dma_wait3A_115] : memref<20480x16xf32, #tpu.memory_space<hbm>> -> memref<20480x16xf32, #tpu.memory_space<hbm>>
    tpu.wait_indirect_dma semaphore(%arg17 : memref<!tpu.dma_semaphore, #tpu.memory_space<semaphore_mem>>) src(%dma_wait3A_116 : memref<20480x16xf32, #tpu.memory_space<hbm>>) dst(%dma_wait3A_110 : memref<128x16xf32, #tpu.memory_space<vmem>>)
    %dma_start3A_117 = arith.constant 2 : i32
    %dma_start3A_118 = arith.constant 2 : i32
    %dma_start3A_119 = arith.constant 0 : i32
    %dma_start3A_120 = arith.constant 0 : i32
    %dma_start3A_121 = tpu.memref_slice %arg11[%dma_start3A_117, %dma_start3A_119, %dma_start3A_120] : memref<4x128x16xf32, #tpu.memory_space<vmem>> -> memref<1x128x16xf32, #tpu.memory_space<vmem>>
    %dma_start3A_122 = tpu.memref_squeeze %dma_start3A_121 : memref<1x128x16xf32, #tpu.memory_space<vmem>> -> memref<128x16xf32, #tpu.memory_space<vmem>>
    %dma_start3A_123 = arith.constant 0 : i32
    %dma_start3A_124 = tpu.memref_slice %arg10[%dma_start3A_118, %dma_start3A_123] : memref<80x128xi32, #tpu.memory_space<vmem>> -> memref<1x128xi32, #tpu.memory_space<vmem>>
    %dma_start3A_125 = tpu.memref_squeeze %dma_start3A_124 : memref<1x128xi32, #tpu.memory_space<vmem>> -> memref<128xi32, #tpu.memory_space<vmem>>
    %dma_start3A_126 = arith.constant 0 : i32
    %dma_start3A_127 = arith.constant 0 : i32
    %dma_start3A_128 = tpu.memref_slice %arg14[%dma_start3A_126, %dma_start3A_127] : memref<10240x16xf32, #tpu.memory_space<vmem_shared>> -> memref<10240x16xf32, #tpu.memory_space<vmem_shared>>
    tpu.enqueue_indirect_dma source(%dma_start3A_122 : memref<128x16xf32, #tpu.memory_space<vmem>>) target(%dma_start3A_128 : memref<10240x16xf32, #tpu.memory_space<vmem_shared>>) offsets(%dma_start3A_125 : memref<128xi32, #tpu.memory_space<vmem>>) semaphore(%arg21 : memref<!tpu.dma_semaphore, #tpu.memory_space<semaphore_mem>>) {add = true}
    %dma_wait3A_129 = arith.constant 0 : i32
    %dma_wait3A_130 = arith.constant 0 : i32
    %dma_wait3A_131 = arith.constant 0 : i32
    %dma_wait3A_132 = arith.constant 0 : i32
    %dma_wait3A_133 = tpu.memref_slice %arg11[%dma_wait3A_129, %dma_wait3A_131, %dma_wait3A_132] : memref<4x128x16xf32, #tpu.memory_space<vmem>> -> memref<1x128x16xf32, #tpu.memory_space<vmem>>
    %dma_wait3A_134 = tpu.memref_squeeze %dma_wait3A_133 : memref<1x128x16xf32, #tpu.memory_space<vmem>> -> memref<128x16xf32, #tpu.memory_space<vmem>>
    %dma_wait3A_135 = arith.constant 0 : i32
    %dma_wait3A_136 = tpu.memref_slice %arg10[%dma_wait3A_130, %dma_wait3A_135] : memref<80x128xi32, #tpu.memory_space<vmem>> -> memref<1x128xi32, #tpu.memory_space<vmem>>
    %dma_wait3A_137 = tpu.memref_squeeze %dma_wait3A_136 : memref<1x128xi32, #tpu.memory_space<vmem>> -> memref<128xi32, #tpu.memory_space<vmem>>
    %dma_wait3A_138 = arith.constant 0 : i32
    %dma_wait3A_139 = arith.constant 0 : i32
    %dma_wait3A_140 = tpu.memref_slice %arg14[%dma_wait3A_138, %dma_wait3A_139] : memref<10240x16xf32, #tpu.memory_space<vmem_shared>> -> memref<10240x16xf32, #tpu.memory_space<vmem_shared>>
    tpu.wait_indirect_dma semaphore(%arg19 : memref<!tpu.dma_semaphore, #tpu.memory_space<semaphore_mem>>) src(%dma_wait3A_134 : memref<128x16xf32, #tpu.memory_space<vmem>>) dst(%dma_wait3A_140 : memref<10240x16xf32, #tpu.memory_space<vmem_shared>>)
    %dma_start3A_141 = arith.constant 4 : i32
    %dma_start3A_142 = arith.constant 0 : i32
    %dma_start3A_143 = arith.constant 0 : i32
    %dma_start3A_144 = arith.constant 0 : i32
    %dma_start3A_145 = tpu.memref_slice %arg11[%dma_start3A_142, %dma_start3A_143, %dma_start3A_144] : memref<4x128x16xf32, #tpu.memory_space<vmem>> -> memref<1x128x16xf32, #tpu.memory_space<vmem>>
    %dma_start3A_146 = tpu.memref_squeeze %dma_start3A_145 : memref<1x128x16xf32, #tpu.memory_space<vmem>> -> memref<128x16xf32, #tpu.memory_space<vmem>>
    %dma_start3A_147 = arith.constant 0 : i32
    %dma_start3A_148 = tpu.memref_slice %arg9[%dma_start3A_141, %dma_start3A_147] : memref<80x128xi32, #tpu.memory_space<vmem>> -> memref<1x128xi32, #tpu.memory_space<vmem>>
    %dma_start3A_149 = tpu.memref_squeeze %dma_start3A_148 : memref<1x128xi32, #tpu.memory_space<vmem>> -> memref<128xi32, #tpu.memory_space<vmem>>
    %dma_start3A_150 = arith.constant 0 : i32
    %dma_start3A_151 = arith.constant 0 : i32
    %dma_start3A_152 = tpu.memref_slice %arg8[%dma_start3A_150, %dma_start3A_151] : memref<20480x16xf32, #tpu.memory_space<hbm>> -> memref<20480x16xf32, #tpu.memory_space<hbm>>
    tpu.enqueue_indirect_dma source(%dma_start3A_152 : memref<20480x16xf32, #tpu.memory_space<hbm>>) target(%dma_start3A_146 : memref<128x16xf32, #tpu.memory_space<vmem>>) offsets(%dma_start3A_149 : memref<128xi32, #tpu.memory_space<vmem>>) semaphore(%arg15 : memref<!tpu.dma_semaphore, #tpu.memory_space<semaphore_mem>>)
    %dma_wait3A_153 = arith.constant 3 : i32
    %dma_wait3A_154 = arith.constant 3 : i32
    %dma_wait3A_155 = arith.constant 0 : i32
    %dma_wait3A_156 = arith.constant 0 : i32
    %dma_wait3A_157 = tpu.memref_slice %arg11[%dma_wait3A_154, %dma_wait3A_155, %dma_wait3A_156] : memref<4x128x16xf32, #tpu.memory_space<vmem>> -> memref<1x128x16xf32, #tpu.memory_space<vmem>>
    %dma_wait3A_158 = tpu.memref_squeeze %dma_wait3A_157 : memref<1x128x16xf32, #tpu.memory_space<vmem>> -> memref<128x16xf32, #tpu.memory_space<vmem>>
    %dma_wait3A_159 = arith.constant 0 : i32
    %dma_wait3A_160 = tpu.memref_slice %arg9[%dma_wait3A_153, %dma_wait3A_159] : memref<80x128xi32, #tpu.memory_space<vmem>> -> memref<1x128xi32, #tpu.memory_space<vmem>>
    %dma_wait3A_161 = tpu.memref_squeeze %dma_wait3A_160 : memref<1x128xi32, #tpu.memory_space<vmem>> -> memref<128xi32, #tpu.memory_space<vmem>>
    %dma_wait3A_162 = arith.constant 0 : i32
    %dma_wait3A_163 = arith.constant 0 : i32
    %dma_wait3A_164 = tpu.memref_slice %arg8[%dma_wait3A_162, %dma_wait3A_163] : memref<20480x16xf32, #tpu.memory_space<hbm>> -> memref<20480x16xf32, #tpu.memory_space<hbm>>
    tpu.wait_indirect_dma semaphore(%arg18 : memref<!tpu.dma_semaphore, #tpu.memory_space<semaphore_mem>>) src(%dma_wait3A_164 : memref<20480x16xf32, #tpu.memory_space<hbm>>) dst(%dma_wait3A_158 : memref<128x16xf32, #tpu.memory_space<vmem>>)
    %dma_start3A_165 = arith.constant 3 : i32
    %dma_start3A_166 = arith.constant 3 : i32
    %dma_start3A_167 = arith.constant 0 : i32
    %dma_start3A_168 = arith.constant 0 : i32
    %dma_start3A_169 = tpu.memref_slice %arg11[%dma_start3A_165, %dma_start3A_167, %dma_start3A_168] : memref<4x128x16xf32, #tpu.memory_space<vmem>> -> memref<1x128x16xf32, #tpu.memory_space<vmem>>
    %dma_start3A_170 = tpu.memref_squeeze %dma_start3A_169 : memref<1x128x16xf32, #tpu.memory_space<vmem>> -> memref<128x16xf32, #tpu.memory_space<vmem>>
    %dma_start3A_171 = arith.constant 0 : i32
    %dma_start3A_172 = tpu.memref_slice %arg10[%dma_start3A_166, %dma_start3A_171] : memref<80x128xi32, #tpu.memory_space<vmem>> -> memref<1x128xi32, #tpu.memory_space<vmem>>
    %dma_start3A_173 = tpu.memref_squeeze %dma_start3A_172 : memref<1x128xi32, #tpu.memory_space<vmem>> -> memref<128xi32, #tpu.memory_space<vmem>>
    %dma_start3A_174 = arith.constant 0 : i32
    %dma_start3A_175 = arith.constant 0 : i32
    %dma_start3A_176 = tpu.memref_slice %arg14[%dma_start3A_174, %dma_start3A_175] : memref<10240x16xf32, #tpu.memory_space<vmem_shared>> -> memref<10240x16xf32, #tpu.memory_space<vmem_shared>>
    tpu.enqueue_indirect_dma source(%dma_start3A_170 : memref<128x16xf32, #tpu.memory_space<vmem>>) target(%dma_start3A_176 : memref<10240x16xf32, #tpu.memory_space<vmem_shared>>) offsets(%dma_start3A_173 : memref<128xi32, #tpu.memory_space<vmem>>) semaphore(%arg22 : memref<!tpu.dma_semaphore, #tpu.memory_space<semaphore_mem>>) {add = true}
    %dma_wait3A_177 = arith.constant 1 : i32
    %dma_wait3A_178 = arith.constant 0 : i32
    %dma_wait3A_179 = arith.constant 0 : i32
    %dma_wait3A_180 = arith.constant 0 : i32
    %dma_wait3A_181 = tpu.memref_slice %arg11[%dma_wait3A_177, %dma_wait3A_179, %dma_wait3A_180] : memref<4x128x16xf32, #tpu.memory_space<vmem>> -> memref<1x128x16xf32, #tpu.memory_space<vmem>>
    %dma_wait3A_182 = tpu.memref_squeeze %dma_wait3A_181 : memref<1x128x16xf32, #tpu.memory_space<vmem>> -> memref<128x16xf32, #tpu.memory_space<vmem>>
    %dma_wait3A_183 = arith.constant 0 : i32
    %dma_wait3A_184 = tpu.memref_slice %arg10[%dma_wait3A_178, %dma_wait3A_183] : memref<80x128xi32, #tpu.memory_space<vmem>> -> memref<1x128xi32, #tpu.memory_space<vmem>>
    %dma_wait3A_185 = tpu.memref_squeeze %dma_wait3A_184 : memref<1x128xi32, #tpu.memory_space<vmem>> -> memref<128xi32, #tpu.memory_space<vmem>>
    %dma_wait3A_186 = arith.constant 0 : i32
    %dma_wait3A_187 = arith.constant 0 : i32
    %dma_wait3A_188 = tpu.memref_slice %arg14[%dma_wait3A_186, %dma_wait3A_187] : memref<10240x16xf32, #tpu.memory_space<vmem_shared>> -> memref<10240x16xf32, #tpu.memory_space<vmem_shared>>
    tpu.wait_indirect_dma semaphore(%arg20 : memref<!tpu.dma_semaphore, #tpu.memory_space<semaphore_mem>>) src(%dma_wait3A_182 : memref<128x16xf32, #tpu.memory_space<vmem>>) dst(%dma_wait3A_188 : memref<10240x16xf32, #tpu.memory_space<vmem_shared>>)
    %dma_start3A_189 = arith.constant 5 : i32
    %dma_start3A_190 = arith.constant 1 : i32
    %dma_start3A_191 = arith.constant 0 : i32
    %dma_start3A_192 = arith.constant 0 : i32
    %dma_start3A_193 = tpu.memref_slice %arg11[%dma_start3A_190, %dma_start3A_191, %dma_start3A_192] : memref<4x128x16xf32, #tpu.memory_space<vmem>> -> memref<1x128x16xf32, #tpu.memory_space<vmem>>
    %dma_start3A_194 = tpu.memref_squeeze %dma_start3A_193 : memref<1x128x16xf32, #tpu.memory_space<vmem>> -> memref<128x16xf32, #tpu.memory_space<vmem>>
    %dma_start3A_195 = arith.constant 0 : i32
    %dma_start3A_196 = tpu.memref_slice %arg9[%dma_start3A_189, %dma_start3A_195] : memref<80x128xi32, #tpu.memory_space<vmem>> -> memref<1x128xi32, #tpu.memory_space<vmem>>
    %dma_start3A_197 = tpu.memref_squeeze %dma_start3A_196 : memref<1x128xi32, #tpu.memory_space<vmem>> -> memref<128xi32, #tpu.memory_space<vmem>>
    %dma_start3A_198 = arith.constant 0 : i32
    %dma_start3A_199 = arith.constant 0 : i32
    %dma_start3A_200 = tpu.memref_slice %arg8[%dma_start3A_198, %dma_start3A_199] : memref<20480x16xf32, #tpu.memory_space<hbm>> -> memref<20480x16xf32, #tpu.memory_space<hbm>>
    tpu.enqueue_indirect_dma source(%dma_start3A_200 : memref<20480x16xf32, #tpu.memory_space<hbm>>) target(%dma_start3A_194 : memref<128x16xf32, #tpu.memory_space<vmem>>) offsets(%dma_start3A_197 : memref<128xi32, #tpu.memory_space<vmem>>) semaphore(%arg16 : memref<!tpu.dma_semaphore, #tpu.memory_space<semaphore_mem>>)
    %scan3A_201 = arith.constant 0 : i32
    %scan3A_202 = arith.constant 1 : i32
    %scan3A_203 = arith.constant 19 : i32
    %scan3A_204 = arith.addi %scan3A_202, %scan3A_203 : i32
    %scan3A_205 = arith.constant 1 : i32
    scf.for %scan3A_256 = %scan3A_202 to %scan3A_204 step %scan3A_205  : i32 {
      %mul3A_257 = arith.constant 4 : i32
      %mul3A_258 = arith.muli %mul3A_257, %scan3A_256 : i32
      %add3A_259 = arith.constant 0 : i32
      %add3A_260 = arith.addi %mul3A_258, %add3A_259 : i32
      %dma_wait3A_261 = arith.constant 0 : i32
      %dma_wait3A_262 = arith.constant 0 : i32
      %dma_wait3A_263 = arith.constant 0 : i32
      %dma_wait3A_264 = tpu.memref_slice %arg11[%dma_wait3A_261, %dma_wait3A_262, %dma_wait3A_263] : memref<4x128x16xf32, #tpu.memory_space<vmem>> -> memref<1x128x16xf32, #tpu.memory_space<vmem>>
      %dma_wait3A_265 = tpu.memref_squeeze %dma_wait3A_264 : memref<1x128x16xf32, #tpu.memory_space<vmem>> -> memref<128x16xf32, #tpu.memory_space<vmem>>
      %dma_wait3A_266 = arith.constant 0 : i32
      %dma_wait3A_267 = tpu.memref_slice %arg9[%add3A_260, %dma_wait3A_266] : memref<80x128xi32, #tpu.memory_space<vmem>> -> memref<1x128xi32, #tpu.memory_space<vmem>>
      %dma_wait3A_268 = tpu.memref_squeeze %dma_wait3A_267 : memref<1x128xi32, #tpu.memory_space<vmem>> -> memref<128xi32, #tpu.memory_space<vmem>>
      %dma_wait3A_269 = arith.constant 0 : i32
      %dma_wait3A_270 = arith.constant 0 : i32
      %dma_wait3A_271 = tpu.memref_slice %arg8[%dma_wait3A_269, %dma_wait3A_270] : memref<20480x16xf32, #tpu.memory_space<hbm>> -> memref<20480x16xf32, #tpu.memory_space<hbm>>
      tpu.wait_indirect_dma semaphore(%arg15 : memref<!tpu.dma_semaphore, #tpu.memory_space<semaphore_mem>>) src(%dma_wait3A_271 : memref<20480x16xf32, #tpu.memory_space<hbm>>) dst(%dma_wait3A_265 : memref<128x16xf32, #tpu.memory_space<vmem>>)
      %dma_start3A_272 = arith.constant 0 : i32
      %dma_start3A_273 = arith.constant 0 : i32
      %dma_start3A_274 = arith.constant 0 : i32
      %dma_start3A_275 = tpu.memref_slice %arg11[%dma_start3A_272, %dma_start3A_273, %dma_start3A_274] : memref<4x128x16xf32, #tpu.memory_space<vmem>> -> memref<1x128x16xf32, #tpu.memory_space<vmem>>
      %dma_start3A_276 = tpu.memref_squeeze %dma_start3A_275 : memref<1x128x16xf32, #tpu.memory_space<vmem>> -> memref<128x16xf32, #tpu.memory_space<vmem>>
      %dma_start3A_277 = arith.constant 0 : i32
      %dma_start3A_278 = tpu.memref_slice %arg10[%add3A_260, %dma_start3A_277] : memref<80x128xi32, #tpu.memory_space<vmem>> -> memref<1x128xi32, #tpu.memory_space<vmem>>
      %dma_start3A_279 = tpu.memref_squeeze %dma_start3A_278 : memref<1x128xi32, #tpu.memory_space<vmem>> -> memref<128xi32, #tpu.memory_space<vmem>>
      %dma_start3A_280 = arith.constant 0 : i32
      %dma_start3A_281 = arith.constant 0 : i32
      %dma_start3A_282 = tpu.memref_slice %arg14[%dma_start3A_280, %dma_start3A_281] : memref<10240x16xf32, #tpu.memory_space<vmem_shared>> -> memref<10240x16xf32, #tpu.memory_space<vmem_shared>>
      tpu.enqueue_indirect_dma source(%dma_start3A_276 : memref<128x16xf32, #tpu.memory_space<vmem>>) target(%dma_start3A_282 : memref<10240x16xf32, #tpu.memory_space<vmem_shared>>) offsets(%dma_start3A_279 : memref<128xi32, #tpu.memory_space<vmem>>) semaphore(%arg19 : memref<!tpu.dma_semaphore, #tpu.memory_space<semaphore_mem>>) {add = true}
      %add3A_283 = arith.constant 2 : i32
      %add3A_284 = arith.addi %add3A_260, %add3A_283 : i32
      %lt3A = arith.constant 80 : i32
      %lt3A_285 = arith.cmpi slt, %add3A_284, %lt3A : i32
      %convert_element_type3A = arith.extui %lt3A_285 : i1 to i32
      %cond3A = arith.constant 0 : i32
      %cond3A_286 = arith.cmpi ne, %convert_element_type3A, %cond3A : i32
      scf.if %cond3A_286 {
        %dma_wait3A_386 = arith.constant 2 : i32
        %dma_wait3A_387 = arith.constant 0 : i32
        %dma_wait3A_388 = arith.constant 0 : i32
        %dma_wait3A_389 = arith.constant 0 : i32
        %dma_wait3A_390 = tpu.memref_slice %arg11[%dma_wait3A_386, %dma_wait3A_388, %dma_wait3A_389] : memref<4x128x16xf32, #tpu.memory_space<vmem>> -> memref<1x128x16xf32, #tpu.memory_space<vmem>>
        %dma_wait3A_391 = tpu.memref_squeeze %dma_wait3A_390 : memref<1x128x16xf32, #tpu.memory_space<vmem>> -> memref<128x16xf32, #tpu.memory_space<vmem>>
        %dma_wait3A_392 = arith.constant 0 : i32
        %dma_wait3A_393 = tpu.memref_slice %arg10[%dma_wait3A_387, %dma_wait3A_392] : memref<80x128xi32, #tpu.memory_space<vmem>> -> memref<1x128xi32, #tpu.memory_space<vmem>>
        %dma_wait3A_394 = tpu.memref_squeeze %dma_wait3A_393 : memref<1x128xi32, #tpu.memory_space<vmem>> -> memref<128xi32, #tpu.memory_space<vmem>>
        %dma_wait3A_395 = arith.constant 0 : i32
        %dma_wait3A_396 = arith.constant 0 : i32
        %dma_wait3A_397 = tpu.memref_slice %arg14[%dma_wait3A_395, %dma_wait3A_396] : memref<10240x16xf32, #tpu.memory_space<vmem_shared>> -> memref<10240x16xf32, #tpu.memory_space<vmem_shared>>
        tpu.wait_indirect_dma semaphore(%arg21 : memref<!tpu.dma_semaphore, #tpu.memory_space<semaphore_mem>>) src(%dma_wait3A_391 : memref<128x16xf32, #tpu.memory_space<vmem>>) dst(%dma_wait3A_397 : memref<10240x16xf32, #tpu.memory_space<vmem_shared>>)
        %add3A_398 = arith.constant 2 : i32
        %add3A_399 = arith.addi %add3A_260, %add3A_398 : i32
        %dma_start3A_400 = arith.constant 2 : i32
        %dma_start3A_401 = arith.constant 0 : i32
        %dma_start3A_402 = arith.constant 0 : i32
        %dma_start3A_403 = tpu.memref_slice %arg11[%dma_start3A_400, %dma_start3A_401, %dma_start3A_402] : memref<4x128x16xf32, #tpu.memory_space<vmem>> -> memref<1x128x16xf32, #tpu.memory_space<vmem>>
        %dma_start3A_404 = tpu.memref_squeeze %dma_start3A_403 : memref<1x128x16xf32, #tpu.memory_space<vmem>> -> memref<128x16xf32, #tpu.memory_space<vmem>>
        %dma_start3A_405 = arith.constant 0 : i32
        %dma_start3A_406 = tpu.memref_slice %arg9[%add3A_399, %dma_start3A_405] : memref<80x128xi32, #tpu.memory_space<vmem>> -> memref<1x128xi32, #tpu.memory_space<vmem>>
        %dma_start3A_407 = tpu.memref_squeeze %dma_start3A_406 : memref<1x128xi32, #tpu.memory_space<vmem>> -> memref<128xi32, #tpu.memory_space<vmem>>
        %dma_start3A_408 = arith.constant 0 : i32
        %dma_start3A_409 = arith.constant 0 : i32
        %dma_start3A_410 = tpu.memref_slice %arg8[%dma_start3A_408, %dma_start3A_409] : memref<20480x16xf32, #tpu.memory_space<hbm>> -> memref<20480x16xf32, #tpu.memory_space<hbm>>
        tpu.enqueue_indirect_dma source(%dma_start3A_410 : memref<20480x16xf32, #tpu.memory_space<hbm>>) target(%dma_start3A_404 : memref<128x16xf32, #tpu.memory_space<vmem>>) offsets(%dma_start3A_407 : memref<128xi32, #tpu.memory_space<vmem>>) semaphore(%arg17 : memref<!tpu.dma_semaphore, #tpu.memory_space<semaphore_mem>>)
      } else {
      }
      %mul3A_287 = arith.constant 4 : i32
      %mul3A_288 = arith.muli %mul3A_287, %scan3A_256 : i32
      %add3A_289 = arith.constant 1 : i32
      %add3A_290 = arith.addi %mul3A_288, %add3A_289 : i32
      %dma_wait3A_291 = arith.constant 1 : i32
      %dma_wait3A_292 = arith.constant 0 : i32
      %dma_wait3A_293 = arith.constant 0 : i32
      %dma_wait3A_294 = tpu.memref_slice %arg11[%dma_wait3A_291, %dma_wait3A_292, %dma_wait3A_293] : memref<4x128x16xf32, #tpu.memory_space<vmem>> -> memref<1x128x16xf32, #tpu.memory_space<vmem>>
      %dma_wait3A_295 = tpu.memref_squeeze %dma_wait3A_294 : memref<1x128x16xf32, #tpu.memory_space<vmem>> -> memref<128x16xf32, #tpu.memory_space<vmem>>
      %dma_wait3A_296 = arith.constant 0 : i32
      %dma_wait3A_297 = tpu.memref_slice %arg9[%add3A_290, %dma_wait3A_296] : memref<80x128xi32, #tpu.memory_space<vmem>> -> memref<1x128xi32, #tpu.memory_space<vmem>>
      %dma_wait3A_298 = tpu.memref_squeeze %dma_wait3A_297 : memref<1x128xi32, #tpu.memory_space<vmem>> -> memref<128xi32, #tpu.memory_space<vmem>>
      %dma_wait3A_299 = arith.constant 0 : i32
      %dma_wait3A_300 = arith.constant 0 : i32
      %dma_wait3A_301 = tpu.memref_slice %arg8[%dma_wait3A_299, %dma_wait3A_300] : memref<20480x16xf32, #tpu.memory_space<hbm>> -> memref<20480x16xf32, #tpu.memory_space<hbm>>
      tpu.wait_indirect_dma semaphore(%arg16 : memref<!tpu.dma_semaphore, #tpu.memory_space<semaphore_mem>>) src(%dma_wait3A_301 : memref<20480x16xf32, #tpu.memory_space<hbm>>) dst(%dma_wait3A_295 : memref<128x16xf32, #tpu.memory_space<vmem>>)
      %dma_start3A_302 = arith.constant 1 : i32
      %dma_start3A_303 = arith.constant 0 : i32
      %dma_start3A_304 = arith.constant 0 : i32
      %dma_start3A_305 = tpu.memref_slice %arg11[%dma_start3A_302, %dma_start3A_303, %dma_start3A_304] : memref<4x128x16xf32, #tpu.memory_space<vmem>> -> memref<1x128x16xf32, #tpu.memory_space<vmem>>
      %dma_start3A_306 = tpu.memref_squeeze %dma_start3A_305 : memref<1x128x16xf32, #tpu.memory_space<vmem>> -> memref<128x16xf32, #tpu.memory_space<vmem>>
      %dma_start3A_307 = arith.constant 0 : i32
      %dma_start3A_308 = tpu.memref_slice %arg10[%add3A_290, %dma_start3A_307] : memref<80x128xi32, #tpu.memory_space<vmem>> -> memref<1x128xi32, #tpu.memory_space<vmem>>
      %dma_start3A_309 = tpu.memref_squeeze %dma_start3A_308 : memref<1x128xi32, #tpu.memory_space<vmem>> -> memref<128xi32, #tpu.memory_space<vmem>>
      %dma_start3A_310 = arith.constant 0 : i32
      %dma_start3A_311 = arith.constant 0 : i32
      %dma_start3A_312 = tpu.memref_slice %arg14[%dma_start3A_310, %dma_start3A_311] : memref<10240x16xf32, #tpu.memory_space<vmem_shared>> -> memref<10240x16xf32, #tpu.memory_space<vmem_shared>>
      tpu.enqueue_indirect_dma source(%dma_start3A_306 : memref<128x16xf32, #tpu.memory_space<vmem>>) target(%dma_start3A_312 : memref<10240x16xf32, #tpu.memory_space<vmem_shared>>) offsets(%dma_start3A_309 : memref<128xi32, #tpu.memory_space<vmem>>) semaphore(%arg20 : memref<!tpu.dma_semaphore, #tpu.memory_space<semaphore_mem>>) {add = true}
      %add3A_313 = arith.constant 2 : i32
      %add3A_314 = arith.addi %add3A_290, %add3A_313 : i32
      %lt3A_315 = arith.constant 80 : i32
      %lt3A_316 = arith.cmpi slt, %add3A_314, %lt3A_315 : i32
      %convert_element_type3A_317 = arith.extui %lt3A_316 : i1 to i32
      %cond3A_318 = arith.constant 0 : i32
      %cond3A_319 = arith.cmpi ne, %convert_element_type3A_317, %cond3A_318 : i32
      scf.if %cond3A_319 {
        %dma_wait3A_386 = arith.constant 3 : i32
        %dma_wait3A_387 = arith.constant 0 : i32
        %dma_wait3A_388 = arith.constant 0 : i32
        %dma_wait3A_389 = arith.constant 0 : i32
        %dma_wait3A_390 = tpu.memref_slice %arg11[%dma_wait3A_386, %dma_wait3A_388, %dma_wait3A_389] : memref<4x128x16xf32, #tpu.memory_space<vmem>> -> memref<1x128x16xf32, #tpu.memory_space<vmem>>
        %dma_wait3A_391 = tpu.memref_squeeze %dma_wait3A_390 : memref<1x128x16xf32, #tpu.memory_space<vmem>> -> memref<128x16xf32, #tpu.memory_space<vmem>>
        %dma_wait3A_392 = arith.constant 0 : i32
        %dma_wait3A_393 = tpu.memref_slice %arg10[%dma_wait3A_387, %dma_wait3A_392] : memref<80x128xi32, #tpu.memory_space<vmem>> -> memref<1x128xi32, #tpu.memory_space<vmem>>
        %dma_wait3A_394 = tpu.memref_squeeze %dma_wait3A_393 : memref<1x128xi32, #tpu.memory_space<vmem>> -> memref<128xi32, #tpu.memory_space<vmem>>
        %dma_wait3A_395 = arith.constant 0 : i32
        %dma_wait3A_396 = arith.constant 0 : i32
        %dma_wait3A_397 = tpu.memref_slice %arg14[%dma_wait3A_395, %dma_wait3A_396] : memref<10240x16xf32, #tpu.memory_space<vmem_shared>> -> memref<10240x16xf32, #tpu.memory_space<vmem_shared>>
        tpu.wait_indirect_dma semaphore(%arg22 : memref<!tpu.dma_semaphore, #tpu.memory_space<semaphore_mem>>) src(%dma_wait3A_391 : memref<128x16xf32, #tpu.memory_space<vmem>>) dst(%dma_wait3A_397 : memref<10240x16xf32, #tpu.memory_space<vmem_shared>>)
        %add3A_398 = arith.constant 2 : i32
        %add3A_399 = arith.addi %add3A_290, %add3A_398 : i32
        %dma_start3A_400 = arith.constant 3 : i32
        %dma_start3A_401 = arith.constant 0 : i32
        %dma_start3A_402 = arith.constant 0 : i32
        %dma_start3A_403 = tpu.memref_slice %arg11[%dma_start3A_400, %dma_start3A_401, %dma_start3A_402] : memref<4x128x16xf32, #tpu.memory_space<vmem>> -> memref<1x128x16xf32, #tpu.memory_space<vmem>>
        %dma_start3A_404 = tpu.memref_squeeze %dma_start3A_403 : memref<1x128x16xf32, #tpu.memory_space<vmem>> -> memref<128x16xf32, #tpu.memory_space<vmem>>
        %dma_start3A_405 = arith.constant 0 : i32
        %dma_start3A_406 = tpu.memref_slice %arg9[%add3A_399, %dma_start3A_405] : memref<80x128xi32, #tpu.memory_space<vmem>> -> memref<1x128xi32, #tpu.memory_space<vmem>>
        %dma_start3A_407 = tpu.memref_squeeze %dma_start3A_406 : memref<1x128xi32, #tpu.memory_space<vmem>> -> memref<128xi32, #tpu.memory_space<vmem>>
        %dma_start3A_408 = arith.constant 0 : i32
        %dma_start3A_409 = arith.constant 0 : i32
        %dma_start3A_410 = tpu.memref_slice %arg8[%dma_start3A_408, %dma_start3A_409] : memref<20480x16xf32, #tpu.memory_space<hbm>> -> memref<20480x16xf32, #tpu.memory_space<hbm>>
        tpu.enqueue_indirect_dma source(%dma_start3A_410 : memref<20480x16xf32, #tpu.memory_space<hbm>>) target(%dma_start3A_404 : memref<128x16xf32, #tpu.memory_space<vmem>>) offsets(%dma_start3A_407 : memref<128xi32, #tpu.memory_space<vmem>>) semaphore(%arg18 : memref<!tpu.dma_semaphore, #tpu.memory_space<semaphore_mem>>)
      } else {
      }
      %mul3A_320 = arith.constant 4 : i32
      %mul3A_321 = arith.muli %mul3A_320, %scan3A_256 : i32
      %add3A_322 = arith.constant 2 : i32
      %add3A_323 = arith.addi %mul3A_321, %add3A_322 : i32
      %dma_wait3A_324 = arith.constant 2 : i32
      %dma_wait3A_325 = arith.constant 0 : i32
      %dma_wait3A_326 = arith.constant 0 : i32
      %dma_wait3A_327 = tpu.memref_slice %arg11[%dma_wait3A_324, %dma_wait3A_325, %dma_wait3A_326] : memref<4x128x16xf32, #tpu.memory_space<vmem>> -> memref<1x128x16xf32, #tpu.memory_space<vmem>>
      %dma_wait3A_328 = tpu.memref_squeeze %dma_wait3A_327 : memref<1x128x16xf32, #tpu.memory_space<vmem>> -> memref<128x16xf32, #tpu.memory_space<vmem>>
      %dma_wait3A_329 = arith.constant 0 : i32
      %dma_wait3A_330 = tpu.memref_slice %arg9[%add3A_323, %dma_wait3A_329] : memref<80x128xi32, #tpu.memory_space<vmem>> -> memref<1x128xi32, #tpu.memory_space<vmem>>
      %dma_wait3A_331 = tpu.memref_squeeze %dma_wait3A_330 : memref<1x128xi32, #tpu.memory_space<vmem>> -> memref<128xi32, #tpu.memory_space<vmem>>
      %dma_wait3A_332 = arith.constant 0 : i32
      %dma_wait3A_333 = arith.constant 0 : i32
      %dma_wait3A_334 = tpu.memref_slice %arg8[%dma_wait3A_332, %dma_wait3A_333] : memref<20480x16xf32, #tpu.memory_space<hbm>> -> memref<20480x16xf32, #tpu.memory_space<hbm>>
      tpu.wait_indirect_dma semaphore(%arg17 : memref<!tpu.dma_semaphore, #tpu.memory_space<semaphore_mem>>) src(%dma_wait3A_334 : memref<20480x16xf32, #tpu.memory_space<hbm>>) dst(%dma_wait3A_328 : memref<128x16xf32, #tpu.memory_space<vmem>>)
      %dma_start3A_335 = arith.constant 2 : i32
      %dma_start3A_336 = arith.constant 0 : i32
      %dma_start3A_337 = arith.constant 0 : i32
      %dma_start3A_338 = tpu.memref_slice %arg11[%dma_start3A_335, %dma_start3A_336, %dma_start3A_337] : memref<4x128x16xf32, #tpu.memory_space<vmem>> -> memref<1x128x16xf32, #tpu.memory_space<vmem>>
      %dma_start3A_339 = tpu.memref_squeeze %dma_start3A_338 : memref<1x128x16xf32, #tpu.memory_space<vmem>> -> memref<128x16xf32, #tpu.memory_space<vmem>>
      %dma_start3A_340 = arith.constant 0 : i32
      %dma_start3A_341 = tpu.memref_slice %arg10[%add3A_323, %dma_start3A_340] : memref<80x128xi32, #tpu.memory_space<vmem>> -> memref<1x128xi32, #tpu.memory_space<vmem>>
      %dma_start3A_342 = tpu.memref_squeeze %dma_start3A_341 : memref<1x128xi32, #tpu.memory_space<vmem>> -> memref<128xi32, #tpu.memory_space<vmem>>
      %dma_start3A_343 = arith.constant 0 : i32
      %dma_start3A_344 = arith.constant 0 : i32
      %dma_start3A_345 = tpu.memref_slice %arg14[%dma_start3A_343, %dma_start3A_344] : memref<10240x16xf32, #tpu.memory_space<vmem_shared>> -> memref<10240x16xf32, #tpu.memory_space<vmem_shared>>
      tpu.enqueue_indirect_dma source(%dma_start3A_339 : memref<128x16xf32, #tpu.memory_space<vmem>>) target(%dma_start3A_345 : memref<10240x16xf32, #tpu.memory_space<vmem_shared>>) offsets(%dma_start3A_342 : memref<128xi32, #tpu.memory_space<vmem>>) semaphore(%arg21 : memref<!tpu.dma_semaphore, #tpu.memory_space<semaphore_mem>>) {add = true}
      %add3A_346 = arith.constant 2 : i32
      %add3A_347 = arith.addi %add3A_323, %add3A_346 : i32
      %lt3A_348 = arith.constant 80 : i32
      %lt3A_349 = arith.cmpi slt, %add3A_347, %lt3A_348 : i32
      %convert_element_type3A_350 = arith.extui %lt3A_349 : i1 to i32
      %cond3A_351 = arith.constant 0 : i32
      %cond3A_352 = arith.cmpi ne, %convert_element_type3A_350, %cond3A_351 : i32
      scf.if %cond3A_352 {
        %dma_wait3A_386 = arith.constant 0 : i32
        %dma_wait3A_387 = arith.constant 0 : i32
        %dma_wait3A_388 = arith.constant 0 : i32
        %dma_wait3A_389 = arith.constant 0 : i32
        %dma_wait3A_390 = tpu.memref_slice %arg11[%dma_wait3A_386, %dma_wait3A_388, %dma_wait3A_389] : memref<4x128x16xf32, #tpu.memory_space<vmem>> -> memref<1x128x16xf32, #tpu.memory_space<vmem>>
        %dma_wait3A_391 = tpu.memref_squeeze %dma_wait3A_390 : memref<1x128x16xf32, #tpu.memory_space<vmem>> -> memref<128x16xf32, #tpu.memory_space<vmem>>
        %dma_wait3A_392 = arith.constant 0 : i32
        %dma_wait3A_393 = tpu.memref_slice %arg10[%dma_wait3A_387, %dma_wait3A_392] : memref<80x128xi32, #tpu.memory_space<vmem>> -> memref<1x128xi32, #tpu.memory_space<vmem>>
        %dma_wait3A_394 = tpu.memref_squeeze %dma_wait3A_393 : memref<1x128xi32, #tpu.memory_space<vmem>> -> memref<128xi32, #tpu.memory_space<vmem>>
        %dma_wait3A_395 = arith.constant 0 : i32
        %dma_wait3A_396 = arith.constant 0 : i32
        %dma_wait3A_397 = tpu.memref_slice %arg14[%dma_wait3A_395, %dma_wait3A_396] : memref<10240x16xf32, #tpu.memory_space<vmem_shared>> -> memref<10240x16xf32, #tpu.memory_space<vmem_shared>>
        tpu.wait_indirect_dma semaphore(%arg19 : memref<!tpu.dma_semaphore, #tpu.memory_space<semaphore_mem>>) src(%dma_wait3A_391 : memref<128x16xf32, #tpu.memory_space<vmem>>) dst(%dma_wait3A_397 : memref<10240x16xf32, #tpu.memory_space<vmem_shared>>)
        %add3A_398 = arith.constant 2 : i32
        %add3A_399 = arith.addi %add3A_323, %add3A_398 : i32
        %dma_start3A_400 = arith.constant 0 : i32
        %dma_start3A_401 = arith.constant 0 : i32
        %dma_start3A_402 = arith.constant 0 : i32
        %dma_start3A_403 = tpu.memref_slice %arg11[%dma_start3A_400, %dma_start3A_401, %dma_start3A_402] : memref<4x128x16xf32, #tpu.memory_space<vmem>> -> memref<1x128x16xf32, #tpu.memory_space<vmem>>
        %dma_start3A_404 = tpu.memref_squeeze %dma_start3A_403 : memref<1x128x16xf32, #tpu.memory_space<vmem>> -> memref<128x16xf32, #tpu.memory_space<vmem>>
        %dma_start3A_405 = arith.constant 0 : i32
        %dma_start3A_406 = tpu.memref_slice %arg9[%add3A_399, %dma_start3A_405] : memref<80x128xi32, #tpu.memory_space<vmem>> -> memref<1x128xi32, #tpu.memory_space<vmem>>
        %dma_start3A_407 = tpu.memref_squeeze %dma_start3A_406 : memref<1x128xi32, #tpu.memory_space<vmem>> -> memref<128xi32, #tpu.memory_space<vmem>>
        %dma_start3A_408 = arith.constant 0 : i32
        %dma_start3A_409 = arith.constant 0 : i32
        %dma_start3A_410 = tpu.memref_slice %arg8[%dma_start3A_408, %dma_start3A_409] : memref<20480x16xf32, #tpu.memory_space<hbm>> -> memref<20480x16xf32, #tpu.memory_space<hbm>>
        tpu.enqueue_indirect_dma source(%dma_start3A_410 : memref<20480x16xf32, #tpu.memory_space<hbm>>) target(%dma_start3A_404 : memref<128x16xf32, #tpu.memory_space<vmem>>) offsets(%dma_start3A_407 : memref<128xi32, #tpu.memory_space<vmem>>) semaphore(%arg15 : memref<!tpu.dma_semaphore, #tpu.memory_space<semaphore_mem>>)
      } else {
      }
      %mul3A_353 = arith.constant 4 : i32
      %mul3A_354 = arith.muli %mul3A_353, %scan3A_256 : i32
      %add3A_355 = arith.constant 3 : i32
      %add3A_356 = arith.addi %mul3A_354, %add3A_355 : i32
      %dma_wait3A_357 = arith.constant 3 : i32
      %dma_wait3A_358 = arith.constant 0 : i32
      %dma_wait3A_359 = arith.constant 0 : i32
      %dma_wait3A_360 = tpu.memref_slice %arg11[%dma_wait3A_357, %dma_wait3A_358, %dma_wait3A_359] : memref<4x128x16xf32, #tpu.memory_space<vmem>> -> memref<1x128x16xf32, #tpu.memory_space<vmem>>
      %dma_wait3A_361 = tpu.memref_squeeze %dma_wait3A_360 : memref<1x128x16xf32, #tpu.memory_space<vmem>> -> memref<128x16xf32, #tpu.memory_space<vmem>>
      %dma_wait3A_362 = arith.constant 0 : i32
      %dma_wait3A_363 = tpu.memref_slice %arg9[%add3A_356, %dma_wait3A_362] : memref<80x128xi32, #tpu.memory_space<vmem>> -> memref<1x128xi32, #tpu.memory_space<vmem>>
      %dma_wait3A_364 = tpu.memref_squeeze %dma_wait3A_363 : memref<1x128xi32, #tpu.memory_space<vmem>> -> memref<128xi32, #tpu.memory_space<vmem>>
      %dma_wait3A_365 = arith.constant 0 : i32
      %dma_wait3A_366 = arith.constant 0 : i32
      %dma_wait3A_367 = tpu.memref_slice %arg8[%dma_wait3A_365, %dma_wait3A_366] : memref<20480x16xf32, #tpu.memory_space<hbm>> -> memref<20480x16xf32, #tpu.memory_space<hbm>>
      tpu.wait_indirect_dma semaphore(%arg18 : memref<!tpu.dma_semaphore, #tpu.memory_space<semaphore_mem>>) src(%dma_wait3A_367 : memref<20480x16xf32, #tpu.memory_space<hbm>>) dst(%dma_wait3A_361 : memref<128x16xf32, #tpu.memory_space<vmem>>)
      %dma_start3A_368 = arith.constant 3 : i32
      %dma_start3A_369 = arith.constant 0 : i32
      %dma_start3A_370 = arith.constant 0 : i32
      %dma_start3A_371 = tpu.memref_slice %arg11[%dma_start3A_368, %dma_start3A_369, %dma_start3A_370] : memref<4x128x16xf32, #tpu.memory_space<vmem>> -> memref<1x128x16xf32, #tpu.memory_space<vmem>>
      %dma_start3A_372 = tpu.memref_squeeze %dma_start3A_371 : memref<1x128x16xf32, #tpu.memory_space<vmem>> -> memref<128x16xf32, #tpu.memory_space<vmem>>
      %dma_start3A_373 = arith.constant 0 : i32
      %dma_start3A_374 = tpu.memref_slice %arg10[%add3A_356, %dma_start3A_373] : memref<80x128xi32, #tpu.memory_space<vmem>> -> memref<1x128xi32, #tpu.memory_space<vmem>>
      %dma_start3A_375 = tpu.memref_squeeze %dma_start3A_374 : memref<1x128xi32, #tpu.memory_space<vmem>> -> memref<128xi32, #tpu.memory_space<vmem>>
      %dma_start3A_376 = arith.constant 0 : i32
      %dma_start3A_377 = arith.constant 0 : i32
      %dma_start3A_378 = tpu.memref_slice %arg14[%dma_start3A_376, %dma_start3A_377] : memref<10240x16xf32, #tpu.memory_space<vmem_shared>> -> memref<10240x16xf32, #tpu.memory_space<vmem_shared>>
      tpu.enqueue_indirect_dma source(%dma_start3A_372 : memref<128x16xf32, #tpu.memory_space<vmem>>) target(%dma_start3A_378 : memref<10240x16xf32, #tpu.memory_space<vmem_shared>>) offsets(%dma_start3A_375 : memref<128xi32, #tpu.memory_space<vmem>>) semaphore(%arg22 : memref<!tpu.dma_semaphore, #tpu.memory_space<semaphore_mem>>) {add = true}
      %add3A_379 = arith.constant 2 : i32
      %add3A_380 = arith.addi %add3A_356, %add3A_379 : i32
      %lt3A_381 = arith.constant 80 : i32
      %lt3A_382 = arith.cmpi slt, %add3A_380, %lt3A_381 : i32
      %convert_element_type3A_383 = arith.extui %lt3A_382 : i1 to i32
      %cond3A_384 = arith.constant 0 : i32
      %cond3A_385 = arith.cmpi ne, %convert_element_type3A_383, %cond3A_384 : i32
      scf.if %cond3A_385 {
        %dma_wait3A_386 = arith.constant 1 : i32
        %dma_wait3A_387 = arith.constant 0 : i32
        %dma_wait3A_388 = arith.constant 0 : i32
        %dma_wait3A_389 = arith.constant 0 : i32
        %dma_wait3A_390 = tpu.memref_slice %arg11[%dma_wait3A_386, %dma_wait3A_388, %dma_wait3A_389] : memref<4x128x16xf32, #tpu.memory_space<vmem>> -> memref<1x128x16xf32, #tpu.memory_space<vmem>>
        %dma_wait3A_391 = tpu.memref_squeeze %dma_wait3A_390 : memref<1x128x16xf32, #tpu.memory_space<vmem>> -> memref<128x16xf32, #tpu.memory_space<vmem>>
        %dma_wait3A_392 = arith.constant 0 : i32
        %dma_wait3A_393 = tpu.memref_slice %arg10[%dma_wait3A_387, %dma_wait3A_392] : memref<80x128xi32, #tpu.memory_space<vmem>> -> memref<1x128xi32, #tpu.memory_space<vmem>>
        %dma_wait3A_394 = tpu.memref_squeeze %dma_wait3A_393 : memref<1x128xi32, #tpu.memory_space<vmem>> -> memref<128xi32, #tpu.memory_space<vmem>>
        %dma_wait3A_395 = arith.constant 0 : i32
        %dma_wait3A_396 = arith.constant 0 : i32
        %dma_wait3A_397 = tpu.memref_slice %arg14[%dma_wait3A_395, %dma_wait3A_396] : memref<10240x16xf32, #tpu.memory_space<vmem_shared>> -> memref<10240x16xf32, #tpu.memory_space<vmem_shared>>
        tpu.wait_indirect_dma semaphore(%arg20 : memref<!tpu.dma_semaphore, #tpu.memory_space<semaphore_mem>>) src(%dma_wait3A_391 : memref<128x16xf32, #tpu.memory_space<vmem>>) dst(%dma_wait3A_397 : memref<10240x16xf32, #tpu.memory_space<vmem_shared>>)
        %add3A_398 = arith.constant 2 : i32
        %add3A_399 = arith.addi %add3A_356, %add3A_398 : i32
        %dma_start3A_400 = arith.constant 1 : i32
        %dma_start3A_401 = arith.constant 0 : i32
        %dma_start3A_402 = arith.constant 0 : i32
        %dma_start3A_403 = tpu.memref_slice %arg11[%dma_start3A_400, %dma_start3A_401, %dma_start3A_402] : memref<4x128x16xf32, #tpu.memory_space<vmem>> -> memref<1x128x16xf32, #tpu.memory_space<vmem>>
        %dma_start3A_404 = tpu.memref_squeeze %dma_start3A_403 : memref<1x128x16xf32, #tpu.memory_space<vmem>> -> memref<128x16xf32, #tpu.memory_space<vmem>>
        %dma_start3A_405 = arith.constant 0 : i32
        %dma_start3A_406 = tpu.memref_slice %arg9[%add3A_399, %dma_start3A_405] : memref<80x128xi32, #tpu.memory_space<vmem>> -> memref<1x128xi32, #tpu.memory_space<vmem>>
        %dma_start3A_407 = tpu.memref_squeeze %dma_start3A_406 : memref<1x128xi32, #tpu.memory_space<vmem>> -> memref<128xi32, #tpu.memory_space<vmem>>
        %dma_start3A_408 = arith.constant 0 : i32
        %dma_start3A_409 = arith.constant 0 : i32
        %dma_start3A_410 = tpu.memref_slice %arg8[%dma_start3A_408, %dma_start3A_409] : memref<20480x16xf32, #tpu.memory_space<hbm>> -> memref<20480x16xf32, #tpu.memory_space<hbm>>
        tpu.enqueue_indirect_dma source(%dma_start3A_410 : memref<20480x16xf32, #tpu.memory_space<hbm>>) target(%dma_start3A_404 : memref<128x16xf32, #tpu.memory_space<vmem>>) offsets(%dma_start3A_407 : memref<128xi32, #tpu.memory_space<vmem>>) semaphore(%arg16 : memref<!tpu.dma_semaphore, #tpu.memory_space<semaphore_mem>>)
      } else {
      }
    }
    %scan3A_206 = arith.constant 19 : i32
    %dma_wait3A_207 = arith.constant 0 : i32
    %dma_wait3A_208 = arith.constant 0 : i32
    %dma_wait3A_209 = arith.constant 0 : i32
    %dma_wait3A_210 = arith.constant 0 : i32
    %dma_wait3A_211 = tpu.memref_slice %arg11[%dma_wait3A_207, %dma_wait3A_209, %dma_wait3A_210] : memref<4x128x16xf32, #tpu.memory_space<vmem>> -> memref<1x128x16xf32, #tpu.memory_space<vmem>>
    %dma_wait3A_212 = tpu.memref_squeeze %dma_wait3A_211 : memref<1x128x16xf32, #tpu.memory_space<vmem>> -> memref<128x16xf32, #tpu.memory_space<vmem>>
    %dma_wait3A_213 = arith.constant 0 : i32
    %dma_wait3A_214 = tpu.memref_slice %arg10[%dma_wait3A_208, %dma_wait3A_213] : memref<80x128xi32, #tpu.memory_space<vmem>> -> memref<1x128xi32, #tpu.memory_space<vmem>>
    %dma_wait3A_215 = tpu.memref_squeeze %dma_wait3A_214 : memref<1x128xi32, #tpu.memory_space<vmem>> -> memref<128xi32, #tpu.memory_space<vmem>>
    %dma_wait3A_216 = arith.constant 0 : i32
    %dma_wait3A_217 = arith.constant 0 : i32
    %dma_wait3A_218 = tpu.memref_slice %arg14[%dma_wait3A_216, %dma_wait3A_217] : memref<10240x16xf32, #tpu.memory_space<vmem_shared>> -> memref<10240x16xf32, #tpu.memory_space<vmem_shared>>
    tpu.wait_indirect_dma semaphore(%arg19 : memref<!tpu.dma_semaphore, #tpu.memory_space<semaphore_mem>>) src(%dma_wait3A_212 : memref<128x16xf32, #tpu.memory_space<vmem>>) dst(%dma_wait3A_218 : memref<10240x16xf32, #tpu.memory_space<vmem_shared>>)
    %dma_wait3A_219 = arith.constant 1 : i32
    %dma_wait3A_220 = arith.constant 0 : i32
    %dma_wait3A_221 = arith.constant 0 : i32
    %dma_wait3A_222 = arith.constant 0 : i32
    %dma_wait3A_223 = tpu.memref_slice %arg11[%dma_wait3A_219, %dma_wait3A_221, %dma_wait3A_222] : memref<4x128x16xf32, #tpu.memory_space<vmem>> -> memref<1x128x16xf32, #tpu.memory_space<vmem>>
    %dma_wait3A_224 = tpu.memref_squeeze %dma_wait3A_223 : memref<1x128x16xf32, #tpu.memory_space<vmem>> -> memref<128x16xf32, #tpu.memory_space<vmem>>
    %dma_wait3A_225 = arith.constant 0 : i32
    %dma_wait3A_226 = tpu.memref_slice %arg10[%dma_wait3A_220, %dma_wait3A_225] : memref<80x128xi32, #tpu.memory_space<vmem>> -> memref<1x128xi32, #tpu.memory_space<vmem>>
    %dma_wait3A_227 = tpu.memref_squeeze %dma_wait3A_226 : memref<1x128xi32, #tpu.memory_space<vmem>> -> memref<128xi32, #tpu.memory_space<vmem>>
    %dma_wait3A_228 = arith.constant 0 : i32
    %dma_wait3A_229 = arith.constant 0 : i32
    %dma_wait3A_230 = tpu.memref_slice %arg14[%dma_wait3A_228, %dma_wait3A_229] : memref<10240x16xf32, #tpu.memory_space<vmem_shared>> -> memref<10240x16xf32, #tpu.memory_space<vmem_shared>>
    tpu.wait_indirect_dma semaphore(%arg20 : memref<!tpu.dma_semaphore, #tpu.memory_space<semaphore_mem>>) src(%dma_wait3A_224 : memref<128x16xf32, #tpu.memory_space<vmem>>) dst(%dma_wait3A_230 : memref<10240x16xf32, #tpu.memory_space<vmem_shared>>)
    %dma_wait3A_231 = arith.constant 2 : i32
    %dma_wait3A_232 = arith.constant 0 : i32
    %dma_wait3A_233 = arith.constant 0 : i32
    %dma_wait3A_234 = arith.constant 0 : i32
    %dma_wait3A_235 = tpu.memref_slice %arg11[%dma_wait3A_231, %dma_wait3A_233, %dma_wait3A_234] : memref<4x128x16xf32, #tpu.memory_space<vmem>> -> memref<1x128x16xf32, #tpu.memory_space<vmem>>
    %dma_wait3A_236 = tpu.memref_squeeze %dma_wait3A_235 : memref<1x128x16xf32, #tpu.memory_space<vmem>> -> memref<128x16xf32, #tpu.memory_space<vmem>>
    %dma_wait3A_237 = arith.constant 0 : i32
    %dma_wait3A_238 = tpu.memref_slice %arg10[%dma_wait3A_232, %dma_wait3A_237] : memref<80x128xi32, #tpu.memory_space<vmem>> -> memref<1x128xi32, #tpu.memory_space<vmem>>
    %dma_wait3A_239 = tpu.memref_squeeze %dma_wait3A_238 : memref<1x128xi32, #tpu.memory_space<vmem>> -> memref<128xi32, #tpu.memory_space<vmem>>
    %dma_wait3A_240 = arith.constant 0 : i32
    %dma_wait3A_241 = arith.constant 0 : i32
    %dma_wait3A_242 = tpu.memref_slice %arg14[%dma_wait3A_240, %dma_wait3A_241] : memref<10240x16xf32, #tpu.memory_space<vmem_shared>> -> memref<10240x16xf32, #tpu.memory_space<vmem_shared>>
    tpu.wait_indirect_dma semaphore(%arg21 : memref<!tpu.dma_semaphore, #tpu.memory_space<semaphore_mem>>) src(%dma_wait3A_236 : memref<128x16xf32, #tpu.memory_space<vmem>>) dst(%dma_wait3A_242 : memref<10240x16xf32, #tpu.memory_space<vmem_shared>>)
    %dma_wait3A_243 = arith.constant 3 : i32
    %dma_wait3A_244 = arith.constant 0 : i32
    %dma_wait3A_245 = arith.constant 0 : i32
    %dma_wait3A_246 = arith.constant 0 : i32
    %dma_wait3A_247 = tpu.memref_slice %arg11[%dma_wait3A_243, %dma_wait3A_245, %dma_wait3A_246] : memref<4x128x16xf32, #tpu.memory_space<vmem>> -> memref<1x128x16xf32, #tpu.memory_space<vmem>>
    %dma_wait3A_248 = tpu.memref_squeeze %dma_wait3A_247 : memref<1x128x16xf32, #tpu.memory_space<vmem>> -> memref<128x16xf32, #tpu.memory_space<vmem>>
    %dma_wait3A_249 = arith.constant 0 : i32
    %dma_wait3A_250 = tpu.memref_slice %arg10[%dma_wait3A_244, %dma_wait3A_249] : memref<80x128xi32, #tpu.memory_space<vmem>> -> memref<1x128xi32, #tpu.memory_space<vmem>>
    %dma_wait3A_251 = tpu.memref_squeeze %dma_wait3A_250 : memref<1x128xi32, #tpu.memory_space<vmem>> -> memref<128xi32, #tpu.memory_space<vmem>>
    %dma_wait3A_252 = arith.constant 0 : i32
    %dma_wait3A_253 = arith.constant 0 : i32
    %dma_wait3A_254 = tpu.memref_slice %arg14[%dma_wait3A_252, %dma_wait3A_253] : memref<10240x16xf32, #tpu.memory_space<vmem_shared>> -> memref<10240x16xf32, #tpu.memory_space<vmem_shared>>
    tpu.wait_indirect_dma semaphore(%arg22 : memref<!tpu.dma_semaphore, #tpu.memory_space<semaphore_mem>>) src(%dma_wait3A_248 : memref<128x16xf32, #tpu.memory_space<vmem>>) dst(%dma_wait3A_254 : memref<10240x16xf32, #tpu.memory_space<vmem_shared>>)
    %barrier3A_255 = arith.constant 0 : index
    tpu.barrier barrier_id(%barrier3A_255)
    "tpu.region"() ({
      %run_scoped3A = tpu.sem_alloc : memref<!tpu.dma_semaphore, #tpu.memory_space<semaphore_mem>>
      %dma_start3A_256 = arith.constant 0 : i32
      %dma_start3A_257 = tpu.memref_slice %arg7[%arg0, %mul3A_2, %dma_start3A_256] : memref<2x10240x16xf32, #tpu.memory_space<hbm>> -> memref<1x640x16xf32, #tpu.memory_space<hbm>>
      %dma_start3A_258 = tpu.memref_squeeze %dma_start3A_257 : memref<1x640x16xf32, #tpu.memory_space<hbm>> -> memref<640x16xf32, #tpu.memory_space<hbm>>
      %dma_start3A_259 = arith.constant 0 : i32
      %dma_start3A_260 = tpu.memref_slice %arg14[%mul3A_2, %dma_start3A_259] : memref<10240x16xf32, #tpu.memory_space<vmem_shared>> -> memref<640x16xf32, #tpu.memory_space<vmem_shared>>
      tpu.enqueue_dma source(%dma_start3A_260 : memref<640x16xf32, #tpu.memory_space<vmem_shared>>) target(%dma_start3A_258 : memref<640x16xf32, #tpu.memory_space<hbm>>) target_semaphore(%run_scoped3A : memref<!tpu.dma_semaphore, #tpu.memory_space<semaphore_mem>>)
      %dma_wait3A_261 = arith.constant 0 : i32
      %dma_wait3A_262 = tpu.memref_slice %arg7[%arg0, %mul3A_2, %dma_wait3A_261] : memref<2x10240x16xf32, #tpu.memory_space<hbm>> -> memref<1x640x16xf32, #tpu.memory_space<hbm>>
      %dma_wait3A_263 = tpu.memref_squeeze %dma_wait3A_262 : memref<1x640x16xf32, #tpu.memory_space<hbm>> -> memref<640x16xf32, #tpu.memory_space<hbm>>
      %dma_wait3A_264 = arith.constant 0 : i32
      %dma_wait3A_265 = tpu.memref_slice %arg14[%mul3A_2, %dma_wait3A_264] : memref<10240x16xf32, #tpu.memory_space<vmem_shared>> -> memref<640x16xf32, #tpu.memory_space<vmem_shared>>
      tpu.wait_dma2 semaphore(%run_scoped3A : memref<!tpu.dma_semaphore, #tpu.memory_space<semaphore_mem>>) src(%dma_wait3A_265 : memref<640x16xf32, #tpu.memory_space<vmem_shared>>) dst(%dma_wait3A_263 : memref<640x16xf32, #tpu.memory_space<hbm>>)
      tpu.yield
    }) : () -> ()
    return
  }
}

module attributes {stable_mosaic.version = 14 : i64} {
  func.func @_tc_mm1(%arg0: memref<10240x128xf32, #tpu.memory_space<vmem>>, %arg1: memref<128x16xf32, #tpu.memory_space<vmem>>, %arg2: memref<10240x16xf32, #tpu.memory_space<vmem>>) attributes {dimension_semantics = [], scalar_prefetch = 0 : i64, scratch_operands = 0 : i64, tpu.core_type = #tpu.core_type<tc>} {
    %get3A = arith.constant 0 : index
    %get3A_0 = arith.constant 0 : index
    %get3A_1 = vector.load %arg0[%get3A, %get3A_0] : memref<10240x128xf32, #tpu.memory_space<vmem>>, vector<10240x128xf32>
    %get3A_2 = arith.constant 0 : index
    %get3A_3 = arith.constant 0 : index
    %get3A_4 = vector.load %arg1[%get3A_2, %get3A_3] : memref<128x16xf32, #tpu.memory_space<vmem>>, vector<128x16xf32>
    %dot_general3A = arith.constant dense<0.000000e+00> : vector<10240x16xf32>
    %dot_general3A_5 = tpu.matmul %get3A_1, %get3A_4, %dot_general3A {dimension_numbers = #tpu.dot_dimension_numbers<[1], [0], [0], [1], [0, 0, 1, 1], [], []>, transpose_lhs_hint = false} : vector<10240x128xf32>, vector<128x16xf32>, vector<10240x16xf32> -> vector<10240x16xf32>
    %swap3A = arith.constant 0 : index
    %swap3A_6 = arith.constant 0 : index
    %swap3A_7 = vector.load %arg2[%swap3A, %swap3A_6] : memref<10240x16xf32, #tpu.memory_space<vmem>>, vector<10240x16xf32>
    tpu.vector_store %arg2[%swap3A, %swap3A_6], %dot_general3A_5 {strides = array<i32>} : memref<10240x16xf32, #tpu.memory_space<vmem>>, vector<10240x16xf32>,
    return
  }
}

module attributes {stable_mosaic.version = 14 : i64} {
  func.func @_tc_post(%arg0: memref<32x10240xf32, #tpu.memory_space<vmem>>, %arg1: memref<32x1xf32, #tpu.memory_space<vmem>>, %arg2: memref<10240x16xf32, #tpu.memory_space<vmem>>, %arg3: memref<2x10240x16xf32, #tpu.memory_space<vmem>>, %arg4: memref<2x10240x16xf32, #tpu.memory_space<vmem>>, %arg5: memref<1x16xf32, #tpu.memory_space<vmem>>, %arg6: memref<1x64xf32, #tpu.memory_space<vmem>>, %arg7: memref<16x64xf32, #tpu.memory_space<vmem>>, %arg8: memref<64x1xf32, #tpu.memory_space<vmem>>, %arg9: memref<1x1xf32, #tpu.memory_space<vmem>>, %arg10: memref<1x10240xi32, #tpu.memory_space<vmem>>, %arg11: memref<64x1xf32, #tpu.memory_space<vmem>>) attributes {dimension_semantics = [], scalar_prefetch = 0 : i64, scratch_operands = 0 : i64, tpu.core_type = #tpu.core_type<tc>} {
    %get3A = arith.constant 0 : index
    %get3A_0 = arith.constant 0 : index
    %get3A_1 = vector.load %arg0[%get3A, %get3A_0] : memref<32x10240xf32, #tpu.memory_space<vmem>>, vector<32x10240xf32>
    %get3A_2 = arith.constant 0 : index
    %get3A_3 = arith.constant 0 : index
    %get3A_4 = vector.load %arg1[%get3A_2, %get3A_3] : memref<32x1xf32, #tpu.memory_space<vmem>>, vector<32x1xf32>
    %dot_general3A = arith.constant dense<0.000000e+00> : vector<10240x1xf32>
    %dot_general3A_5 = tpu.matmul %get3A_1, %get3A_4, %dot_general3A {dimension_numbers = #tpu.dot_dimension_numbers<[0], [0], [1], [1], [0, 1, 1, 1], [], []>, transpose_lhs_hint = false} : vector<32x10240xf32>, vector<32x1xf32>, vector<10240x1xf32> -> vector<10240x1xf32>
    %add3A = arith.constant 1.000000e+00 : f32
    %add3A_6 = vector.broadcast %add3A : f32 to vector<10240x1xf32>
    %add3A_7 = arith.addf %dot_general3A_5, %add3A_6 : vector<10240x1xf32>
    %rsqrt3A = math.rsqrt %add3A_7 : vector<10240x1xf32>
    %get3A_8 = arith.constant 0 : index
    %get3A_9 = arith.constant 0 : index
    %get3A_10 = vector.load %arg2[%get3A_8, %get3A_9] : memref<10240x16xf32, #tpu.memory_space<vmem>>, vector<10240x16xf32>
    %mul3A = vector.broadcast %rsqrt3A : vector<10240x1xf32> to vector<10240x16xf32>
    %mul3A_11 = arith.mulf %mul3A, %get3A_10 : vector<10240x16xf32>
    %get3A_12 = arith.constant 0 : index
    %get3A_13 = arith.constant 0 : index
    %get3A_14 = arith.constant 0 : index
    %get3A_15 = vector.load %arg3[%get3A_12, %get3A_13, %get3A_14] : memref<2x10240x16xf32, #tpu.memory_space<vmem>>, vector<1x10240x16xf32>
    %get3A_16 = vector.shape_cast %get3A_15 : vector<1x10240x16xf32> to vector<10240x16xf32>
    %get3A_17 = arith.constant 1 : index
    %get3A_18 = arith.constant 0 : index
    %get3A_19 = arith.constant 0 : index
    %get3A_20 = vector.load %arg3[%get3A_17, %get3A_18, %get3A_19] : memref<2x10240x16xf32, #tpu.memory_space<vmem>>, vector<1x10240x16xf32>
    %get3A_21 = vector.shape_cast %get3A_20 : vector<1x10240x16xf32> to vector<10240x16xf32>
    %add3A_22 = arith.addf %get3A_16, %get3A_21 : vector<10240x16xf32>
    %add3A_23 = arith.addf %add3A_22, %mul3A_11 : vector<10240x16xf32>
    %mul3A_24 = vector.broadcast %rsqrt3A : vector<10240x1xf32> to vector<10240x16xf32>
    %mul3A_25 = arith.mulf %mul3A_24, %add3A_23 : vector<10240x16xf32>
    %get3A_26 = arith.constant 0 : index
    %get3A_27 = arith.constant 0 : index
    %get3A_28 = vector.load %arg5[%get3A_26, %get3A_27] : memref<1x16xf32, #tpu.memory_space<vmem>>, vector<1x16xf32>
    %add3A_29 = vector.broadcast %get3A_28 : vector<1x16xf32> to vector<10240x16xf32>
    %add3A_30 = arith.addf %mul3A_25, %add3A_29 : vector<10240x16xf32>
    %max3A = arith.constant 0.000000e+00 : f32
    %max3A_31 = vector.broadcast %max3A : f32 to vector<10240x16xf32>
    %max3A_32 = arith.maximumf %add3A_30, %max3A_31 : vector<10240x16xf32>
    %mul3A_33 = vector.broadcast %rsqrt3A : vector<10240x1xf32> to vector<10240x16xf32>
    %mul3A_34 = arith.mulf %mul3A_33, %max3A_32 : vector<10240x16xf32>
    %get3A_35 = arith.constant 0 : index
    %get3A_36 = arith.constant 0 : index
    %get3A_37 = arith.constant 0 : index
    %get3A_38 = vector.load %arg4[%get3A_35, %get3A_36, %get3A_37] : memref<2x10240x16xf32, #tpu.memory_space<vmem>>, vector<1x10240x16xf32>
    %get3A_39 = vector.shape_cast %get3A_38 : vector<1x10240x16xf32> to vector<10240x16xf32>
    %get3A_40 = arith.constant 1 : index
    %get3A_41 = arith.constant 0 : index
    %get3A_42 = arith.constant 0 : index
    %get3A_43 = vector.load %arg4[%get3A_40, %get3A_41, %get3A_42] : memref<2x10240x16xf32, #tpu.memory_space<vmem>>, vector<1x10240x16xf32>
    %get3A_44 = vector.shape_cast %get3A_43 : vector<1x10240x16xf32> to vector<10240x16xf32>
    %add3A_45 = arith.addf %get3A_39, %get3A_44 : vector<10240x16xf32>
    %add3A_46 = arith.addf %add3A_45, %mul3A_34 : vector<10240x16xf32>
    %mul3A_47 = vector.broadcast %rsqrt3A : vector<10240x1xf32> to vector<10240x16xf32>
    %mul3A_48 = arith.mulf %mul3A_47, %add3A_46 : vector<10240x16xf32>
    %get3A_49 = arith.constant 0 : index
    %get3A_50 = arith.constant 0 : index
    %get3A_51 = vector.load %arg7[%get3A_49, %get3A_50] : memref<16x64xf32, #tpu.memory_space<vmem>>, vector<16x64xf32>
    %dot_general3A_52 = arith.constant dense<0.000000e+00> : vector<10240x64xf32>
    %dot_general3A_53 = tpu.matmul %mul3A_48, %get3A_51, %dot_general3A_52 {dimension_numbers = #tpu.dot_dimension_numbers<[1], [0], [0], [1], [0, 0, 1, 1], [], []>, transpose_lhs_hint = false} : vector<10240x16xf32>, vector<16x64xf32>, vector<10240x64xf32> -> vector<10240x64xf32>
    %get3A_54 = arith.constant 0 : index
    %get3A_55 = arith.constant 0 : index
    %get3A_56 = vector.load %arg6[%get3A_54, %get3A_55] : memref<1x64xf32, #tpu.memory_space<vmem>>, vector<1x64xf32>
    %add3A_57 = vector.broadcast %get3A_56 : vector<1x64xf32> to vector<10240x64xf32>
    %add3A_58 = arith.addf %dot_general3A_53, %add3A_57 : vector<10240x64xf32>
    %max3A_59 = arith.constant 0.000000e+00 : f32
    %max3A_60 = vector.broadcast %max3A_59 : f32 to vector<10240x64xf32>
    %max3A_61 = arith.maximumf %add3A_58, %max3A_60 : vector<10240x64xf32>
    %get3A_62 = arith.constant 0 : index
    %get3A_63 = arith.constant 0 : index
    %get3A_64 = vector.load %arg8[%get3A_62, %get3A_63] : memref<64x1xf32, #tpu.memory_space<vmem>>, vector<64x1xf32>
    %dot_general3A_65 = arith.constant dense<0.000000e+00> : vector<10240x1xf32>
    %dot_general3A_66 = tpu.matmul %max3A_61, %get3A_64, %dot_general3A_65 {dimension_numbers = #tpu.dot_dimension_numbers<[1], [0], [0], [1], [0, 0, 1, 1], [], []>, transpose_lhs_hint = false} : vector<10240x64xf32>, vector<64x1xf32>, vector<10240x1xf32> -> vector<10240x1xf32>
    %iota3A = tpu.iota {dimensions = array<i32: 0>} : vector<64x10240xi32>
    %get3A_67 = arith.constant 0 : index
    %get3A_68 = arith.constant 0 : index
    %get3A_69 = vector.load %arg10[%get3A_67, %get3A_68] : memref<1x10240xi32, #tpu.memory_space<vmem>>, vector<1x10240xi32>
    %eq3A = vector.broadcast %get3A_69 : vector<1x10240xi32> to vector<64x10240xi32>
    %eq3A_70 = arith.cmpi eq, %iota3A, %eq3A : vector<64x10240xi32>
    %convert_element_type3A = arith.extui %eq3A_70 : vector<64x10240xi1> to vector<64x10240xi32>
    %convert_element_type3A_71 = arith.sitofp %convert_element_type3A : vector<64x10240xi32> to vector<64x10240xf32>
    %dot_general3A_72 = arith.constant dense<0.000000e+00> : vector<64x1xf32>
    %dot_general3A_73 = tpu.matmul %convert_element_type3A_71, %dot_general3A_66, %dot_general3A_72 {dimension_numbers = #tpu.dot_dimension_numbers<[1], [0], [0], [1], [0, 0, 1, 1], [], []>, transpose_lhs_hint = false} : vector<64x10240xf32>, vector<10240x1xf32>, vector<64x1xf32> -> vector<64x1xf32>
    %get3A_74 = arith.constant 0 : index
    %get3A_75 = arith.constant 0 : index
    %get3A_76 = vector.load %arg9[%get3A_74, %get3A_75] : memref<1x1xf32, #tpu.memory_space<vmem>>, vector<1x1xf32>
    %add3A_77 = vector.broadcast %get3A_76 : vector<1x1xf32> to vector<64x1xf32>
    %add3A_78 = arith.addf %dot_general3A_73, %add3A_77 : vector<64x1xf32>
    %neg3A = arith.constant 0.000000e+00 : f32
    %neg3A_79 = vector.broadcast %neg3A : f32 to vector<64x1xf32>
    %neg3A_80 = arith.subf %neg3A_79, %add3A_78 : vector<64x1xf32>
    %exp3A = math.exp %neg3A_80 : vector<64x1xf32>
    %add3A_81 = arith.constant 1.000000e+00 : f32
    %add3A_82 = vector.broadcast %add3A_81 : f32 to vector<64x1xf32>
    %add3A_83 = arith.addf %add3A_82, %exp3A : vector<64x1xf32>
    %div3A = arith.constant 1.000000e+00 : f32
    %div3A_84 = vector.broadcast %div3A : f32 to vector<64x1xf32>
    %div3A_85 = arith.divf %div3A_84, %add3A_83 : vector<64x1xf32>
    %swap3A = arith.constant 0 : index
    %swap3A_86 = arith.constant 0 : index
    %swap3A_87 = vector.load %arg11[%swap3A, %swap3A_86] : memref<64x1xf32, #tpu.memory_space<vmem>>, vector<64x1xf32>
    tpu.vector_store %arg11[%swap3A, %swap3A_86], %div3A_85 {strides = array<i32>} : memref<64x1xf32, #tpu.memory_space<vmem>>, vector<64x1xf32>,
    return
  }
}

</mosaic_0001>

<sc_bundles>
// kernel: kernel.10.cloned.1.call-start
scs
__scs_entry_jumppad:
0x0: {  	(pc) =	sbr.rel $0x88, $3  }
0x1: {  	(tag) =	ssettag $0x0;
	lr =	simm.s32 $0x1  }
0x2: {  	[smem:$0x3F98] =	sst lr;
	_ =	strace $0xD0000000  }
0x3: {  	_ = 	snop  }
0x4: {  	_ = 	snop  }
0x5: {  	_ = 	snop  }
0x6: {  	_ = 	snop  }
0x7: {  	_ = 	snop  }
__scs_overlays_trampoline_lowered:
0x8: {  	[smem:$0x3FA7] =	sst s0  }
0x9: {  	[smem:$0x3FA8] =	sst s1  }
0xa: {  	[smem:$0x3FA9] =	sst s2  }
0xb: {  	[smem:$0x3FAA] =	sst s3  }
0xc: {  	[smem:$0x3FAB] =	sst s4  }
0xd: {  	[smem:$0x3FAC] =	sst s5  }
0xe: {  	[smem:$0x3FAD] =	sst s6  }
0xf: {  	[smem:$0x3FAE] =	sst s7  }
0x10: {  	[smem:$0x3FAF] =	sst s8  }
0x11: {  	[smem:$0x3FB0] =	sst s9;
	s0 =	simm.s32 @!p0 $0x0  }
0x12: {  	s1 =	sld [smem:$0x3F96];
	s0 =	simm.s32 @p0 $0x1  }
0x13: {  	[smem:$0x3FB1] =	sst s0;
	s0 =	simm.s32 @!p1 $0x0  }
0x14: {  	s2 =	sld [smem:$0x3F95];
	s0 =	simm.s32 @p1 $0x1  }
0x15: {  	[smem:$0x3FB2] =	sst s0;
	s0 =	simm.s32 @!p2 $0x0  }
0x16: {  	s3 =	sld [smem:$0x3FDB];
	s0 =	simm.s32 @p2 $0x1  }
0x17: {  	s4 =	simm.s32 $0x1BF5;
	[smem:$0x3FB4] =	sst s0  }
0x18: {  	s0 =	sld [smem:$0x3F97];
	_ =	swait.ge [sflag:s4], $0x0  }
0x19: {  	s7 =	sld [smem:$0x3F98]  }
0x1a: {  	s8 =	sadd.s32 $0xFFFFE003, lr  }
0x1b: {  	s9 =	sadd.s32 $0xFFFFFEF7, lr;
	s5 =	simm.s32 $0xFFFFFFFF;
	p2 =	slt.u32 s8, $0xFFFFF086  }
0x1c: {  	p1 =	slt.u32 s9, $0xF7A;
	s5 =	simm.s32 @!p2 $0x0  }
0x1d: {  	s5 =	simm.s32 @p1 $0x1;
	p0 =	seq.s32 s7, s2  }
0x1e: {  	s7 =	smul.u32 @!p0 $0xF7A, s2;
	p2 =	seq.s32 @!p0 s5, $0x0  }
0x1f: {  	s9 =	smul.u32 $0xF7A, s1;
	s8 =	simm.s32 @!p0 $0x1BF5;
	p2 =	por !p2, p0  }
0x20: {  	[sflag:s8] =	ssyncset.s32 @!p0 $0xFFFFF086;
	s6 =	sadd.s32 @!p0 s3, s7;
	s7 =	simm.s32 @!p0 $0x108  }
0x21: {  	s3 =	sadd.s32 s3, s9;
	s6 =	sadd.s32 @!p0 $0x88, s6;
	s7 =	simm.s32 @p2 $0x1082  }
0x22: {  	[simem:s7], [sflag:s8] =	dma.local @!p0 [hbm:s6], $0xF7A  }
0x23: {  	s9 =	sor.u32 $0xD0000000, s2;
	s6 =	simm.s32 $0x108;
	_ =	swait.ge @!p0 [sflag:s8], $0x0  }
0x24: {  	s3 =	sadd.s32 $0x88, s3;
	s6 =	simm.s32 @!p1 $0x1082;
	[sflag:s4] =	ssyncset.s32 $0xFFFFF086  }
0x25: {  	[simem:s6], [sflag:s4] =	dma.local [hbm:s3], $0xF7A  }
0x26: {  	[smem:$0x3F98] =	sst s1;
	(tag) =	ssettag s2;
	_ =	strace s9  }
0x27: {  	s1 =	sld [smem:$0x3FA8]  }
0x28: {  	s2 =	sld [smem:$0x3FA9]  }
0x29: {  	s4 =	sld [smem:$0x3FAB]  }
0x2a: {  	p0 =	seq.s32 s5, $0x0;
	s5 =	sld [smem:$0x3FAC]  }
0x2b: {  	s6 =	sld [smem:$0x3FAD]  }
0x2c: {  	s7 =	sld [smem:$0x3FAE]  }
0x2d: {  	s3 =	simm.s32 $0x108;
	s8 =	sld [smem:$0x3FAF]  }
0x2e: {  	s3 =	simm.s32 @!p0 $0x1082;
	s9 =	sld [smem:$0x3FB0]  }
0x2f: {  	lr =	sadd.s32 s0, s3;
	s0 =	sld [smem:$0x3FA7]  }
0x30: {  	s3 =	sld [smem:$0x3FAA]  }
0x31: {  	[smem:$0x3FB3] =	sst s10  }
0x32: {  	s10 =	sld [smem:$0x3FB1];
	_ =	sdelay $0x3  }
0x33: {  	p0 =	seq.s32 s10, $0x1;
	s10 =	sld [smem:$0x3FB3];
	_ =	sdelay $0x3  }
0x34: {  	[smem:$0x3FB3] =	sst s10  }
0x35: {  	s10 =	sld [smem:$0x3FB2];
	_ =	sdelay $0x3  }
0x36: {  	p1 =	seq.s32 s10, $0x1;
	s10 =	sld [smem:$0x3FB3];
	_ =	sdelay $0x3  }
0x37: {  	[smem:$0x3FB3] =	sst s10  }
0x38: {  	s10 =	sld [smem:$0x3FB4]  }
0x39: {  	_ = 	snop;
	(pc) =	sbr.ind lr, $3  }
0x3a: {  	_ = 	snop  }
0x3b: {  	_ = 	snop  }
0x3c: {  	p2 =	seq.s32 s10, $0x1;
	s10 =	sld [smem:$0x3FB3]  }
0x3d: {  	_ =	shalt  }
0x3e: {  	_ =	shalt  }
0x3f: {  	_ =	shalt  }
0x40: {  	_ =	shalt  }
0x41: {  	_ =	shalt  }
0x42: {  	_ =	shalt  }
0x43: {  	_ =	shalt  }
0x44: {  	_ =	shalt  }
0x45: {  	_ =	shalt  }
0x46: {  	_ =	shalt  }
0x47: {  	_ =	shalt  }
0x48: {  	_ =	shalt  }
0x49: {  	_ =	shalt  }
0x4a: {  	_ =	shalt  }
0x4b: {  	_ =	shalt  }
0x4c: {  	_ =	shalt  }
0x4d: {  	_ =	shalt  }
0x4e: {  	_ =	shalt  }
0x4f: {  	_ =	shalt  }
0x50: {  	_ =	shalt  }
0x51: {  	_ =	shalt  }
0x52: {  	_ =	shalt  }
0x53: {  	_ =	shalt  }
0x54: {  	_ =	shalt  }
0x55: {  	_ =	shalt  }
0x56: {  	_ =	shalt  }
0x57: {  	_ =	shalt  }
0x58: {  	_ =	shalt  }
0x59: {  	_ =	shalt  }
0x5a: {  	_ =	shalt  }
0x5b: {  	_ =	shalt  }
0x5c: {  	_ =	shalt  }
0x5d: {  	_ =	shalt  }
0x5e: {  	_ =	shalt  }
0x5f: {  	_ =	shalt  }
0x60: {  	_ =	shalt  }
0x61: {  	_ =	shalt  }
0x62: {  	_ =	shalt  }
0x63: {  	_ =	shalt  }
0x64: {  	_ =	shalt  }
0x65: {  	_ =	shalt  }
0x66: {  	_ =	shalt  }
0x67: {  	_ =	shalt  }
0x68: {  	_ =	shalt  }
0x69: {  	_ =	shalt  }
0x6a: {  	_ =	shalt  }
0x6b: {  	_ =	shalt  }
0x6c: {  	_ =	shalt  }
0x6d: {  	_ =	shalt  }
0x6e: {  	_ =	shalt  }
0x6f: {  	_ =	shalt  }
0x70: {  	_ =	shalt  }
0x71: {  	_ =	shalt  }
0x72: {  	_ =	shalt  }
0x73: {  	_ =	shalt  }
0x74: {  	_ =	shalt  }
0x75: {  	_ =	shalt  }
0x76: {  	_ =	shalt  }
0x77: {  	_ =	shalt  }
0x78: {  	_ =	shalt  }
0x79: {  	_ =	shalt  }
0x7a: {  	_ =	shalt  }
0x7b: {  	_ =	shalt  }
0x7c: {  	_ =	shalt  }
0x7d: {  	_ =	shalt  }
0x7e: {  	_ =	shalt  }
0x7f: {  	_ =	shalt  }
0x80: {  	_ =	shalt  }
0x81: {  	_ =	shalt  }
0x82: {  	_ =	shalt  }
0x83: {  	_ =	shalt  }
0x84: {  	_ =	shalt  }
0x85: {  	_ =	shalt  }
0x86: {  	_ =	shalt  }
0x87: {  	_ =	shalt  }
.Lfunc_end0:
.L_simem_size_0:
called_computation.1_lowered:
.L_overlay_start_0:
0x88: {  	s2 =	sld [smem:$0x3FD9]  }
0x89: {  	s3 =	sld [smem:$0x3FFE];
	_ =	sdelay $0x1  }
0x8a: {  	s1 =	srdreg.scid  }
0x8b: {  	s0 =	sand.u32 $0x1, s1  }
0x8c: {  	s16 =	sshll.u32 s0, $0xA;
	s2 =	sadd.s32 s3, s2  }
0x8d: {  	s2 =	sadd.s32 s2, s16  }
0x8e: {  	[smem:$0x3FBF] =	sst s2  }
0x8f: {  	_ = 	snop  }
0x90: {  	(tm) =	ssettm $0x1  }
0x91: {  	s17 =	sld [smem:$0x3FFB];
	_ =	sdelay $0x3  }
0x92: {  	_ =	strace s17  }
0x93: {  	s2 =	sld [smem:$0x3FFC];
	_ =	sdelay $0x3  }
0x94: {  	_ =	strace s2  }
0x95: {  	s2 =	sld [smem:$0x3FFD];
	_ =	sdelay $0x3  }
0x96: {  	_ =	strace s2  }
0x97: {  	_ =	strace $0x8FFFFFFF  }
0x98: {  	s18 =	sld [smem:$0x3FDB];
	_ =	sdelay $0x1  }
0x99: {  	s19 =	simm.s32 $_scs_section_size  }
0x9a: {  	s4 =	simm.s32 $_size__tile_overlayer_lowered;
	s5 =	simm.s32 $_tile_overlayer_lowered  }
0x9b: {  	s22 =	simm.s32 $0x1BFF;
	s21 =	sshll.u32 s5, $0x1;
	s2 =	sadd.s32 s19, s18  }
0x9c: {  	s6 =	simm.s32 $0x0;
	s20 =	sshll.u32 s4, $0x1;
	s4 =	sadd.s32 s21, s2  }
0x9d: {  	[timem:s6], [sflag:s22] =	dma.local [hbm:s4], s20  }
0x9e: {  	_ =	swait.ge [sflag:s22], s20  }
0x9f: {  	s3 =	ssub.s32 $0x0, s20;
	[sflag:s22] =	ssyncset.done $0x0  }
0xa0: {  	[sflag:s22] =	ssyncadd.s32 s3;
	_ =	sdelay $0x1  }
0xa1: {  	s23 =	simm.s32 $0x1B8B  }
0xa2: {  	_ =	swait.ge [sflag:s23], $0x1  }
0xa3: {  	[sflag:s23] =	ssyncset.done $0x0  }
0xa4: {  	s25 =	simm.s32 $0x1B8E;
	s24 =	sld [smem:$0x3FFE];
	[sflag:s23] =	ssyncadd.s32 $0xFFFFFFFF  }
0xa5: {  	s26 =	simm.s32 $execute0_lowered;
	[smem:$0x3FD2] =	sst s25  }
0xa6: {  	s4 =	sshll.u32 s26, $0x1;
	_ =	strace $0x80000049;
	[dreg:$0x1] =	wrdreg $0xFFFFFFFF  }
0xa7: {  	s28 =	simm.s32 $_size_execute0_lowered;
	s2 =	sadd.s32 s2, s4;
	[dreg:$0x0] =	wrdreg $0x0  }
0xa8: {  	s4 =	sshll.u32 s28, $0x1;
	[dreg:$0x2] =	wrdreg s2  }
0xa9: {  	[dreg:$0x3] =	wrdreg s4  }
0xaa: {  	[dreg:$0x4] =	wrdreg $0xC0  }
0xab: {  	_ =	task [dreg:s6], $0x5FFFF  }
0xac: {  	[dreg:$0x1] =	wrdreg $0xFFFFFFFF  }
0xad: {  	[dreg:$0x0] =	wrdreg $0x60  }
0xae: {  	[dreg:$0x2] =	wrdreg s24  }
0xaf: {  	[dreg:$0x3] =	wrdreg $0xE8000  }
0xb0: {  	[dreg:$0x4] =	wrdreg $0x9  }
0xb1: {  	_ =	task.clear_ibuf [dreg:s6], $0x5FFFF;
	_ =	strace $0x90000049  }
0xb2: {  	s29 =	simm.s32 $0x9;
	_ =	strace $0x8000004B  }
0xb3: {  	_ =	swait.ge [sflag:s29], $0x1  }
0xb4: {  	[sflag:s29] =	ssyncadd.s32 $0xFFFFFFFF  }
0xb5: {  	_ =	strace $0x9000004B  }
0xb6: {  	_ =	sfence  }
0xb7: {  	s30 =	sld [smem:$0x0];
	_ =	sdelay $0x2  }
0xb8: {  	s31 =	sshll.u32 s1, $0xD;
	s1 =	sshrl.u32 s1, $0x2  }
0xb9: {  	s3 =	sand.u32 $0x4000, s31;
	s1 =	sadd.s32 s1, s30  }
0xba: {  	s0 =	sor.u32 s3, s0;
	s1 =	sshll.u32 s1, $0x11  }
0xbb: {  	s0 =	sor.u32 s1, s0  }
0xbc: {  	s0 =	sadd.s32 $0x8F2B, s0  }
0xbd: {  	[sflag:s0] =	ssyncadd.remote.s32 $0x1  }
0xbe: {  	_ =	sfence.sel $0xFFFF  }
0xbf: {  	[dreg:$0x0] =	wrdreg $0xFFFFFFFF;
	(pc) =	sbr.abs _section_cstart, $3  }
0xc0: {  	[dreg:$0x1] =	wrdreg $0xFFFFFFFF  }
0xc1: {  	_ =	task.clear_ibuf [dreg:s6], $0x2FFFF;
	_ =	strace $0x9FFFFFFF  }
0xc2: {  	(tm) =	ssettm $0x7FFFFFFF  }
0xc3: {  	_ =	shalt  }
tec
execute0_lowered:
.L_overlay_start_1:
0x0: {  	(tag) =	ssettag $0x1  }
0x1: {  	s0 =	rddreg [dreg:$0x0]  }
0x2: {  	s2 =	rddreg [dreg:$0x1];
	s13 =	stileid.u32  }
0x3: {  	s3 =	simm.s32 $0x0;
	s4 =	srdreg.scid;
	s15 =	simm.s32 $0x9  }
0x4: {  	s16 =	simm.s32 $0x2800;
	s30 =	simm.s32 $0x6800;
	s31 =	simm.s32 $0x3  }
0x5: {  	s29 =	simm.s32 $0x6;
	s28 =	simm.s32 $0x0;
	s1 =	smul.u32 $0x280, s13  }
0x6: {  	[smem:$0x7FF] =	sst s3;
	s5 =	smul.u32 $0x2800, s13;
	s6 =	sand.u32 $0x1, s4  }
0x7: {  	s25 =	sshll.u32 s13, $0x6;
	s7 =	sshll.u32 s6, $0x4;
	s8 =	smul.u32 $0x28000, s6  }
0x8: {  	_ =	strace $0x8000004A;
	s10 =	ssub.s32 $0x2, s6;
	s23 =	smul.u32 $0x2800, s6  }
0x9: {  	s6 =	sor.u32 $0x1C09, s25;
	s25 =	simm.s32 $0x6000;
	s18 =	sshrl.u32 s1, $0x3  }
0xa: {  	s19 =	sor.u32 s13, s7;
	s20 =	sshrl.u32 s5, $0x3;
	s21 =	sshrl.u32 s10, $0x1  }
0xb: {  	s9 =	sadd.s32 s18, s0;
	s4 =	smul.u32 $0x500, s19;
	s8 =	sadd.s32 s5, s8  }
0xc: {  	s7 =	sadd.s32 s20, s0;
	s22 =	ssub.s32 s10, s21;
	s5 =	sadd.s32 s5, s2  }
0xd: {  	s1 =	sadd.s32 s1, s23;
	s19 =	simm.s32 $0xC000;
	s20 =	simm.s32 $0x80  }
0xe: {  	s21 =	simm.s32 $0x5000;
	s23 =	simm.s32 $0x1;
	s18 =	simm.s32 $0x8  }
0xf: {  	s8 =	sshrl.u32 s8, $0x3;
	s24 =	sadd.s32 $0x25600, s7;
	s9 =	sadd.s32 $0xC600, s9  }
0x10: {  	v0 =	vimm.s32 $0x1;
	s1 =	sshll.u32 s1, $0x1;
	s10 =	sadd.s32 $0x16600, s7;
	s13 =	smax.u32 s22, $0x1  }
0x11: {  	v1 =	vimm.s32 $0x0;
	v2 =	vimm.s32 $0x2;
	v3 =	vimm.s32 $0x3;
	s14 =	sshrl.u32 s5, $0x3;
	s22 =	simm.s32 $0x5800;
	s11 =	sadd.s32 s4, s0  }
0x12: {  	v4 =	vimm.s32 $0x4;
	v5 =	vimm.s32 $0x5;
	v6 =	vimm.s32 $0x6;
	s12 =	sadd.s32 s8, s0;
	s4 =	sadd.s32 $0x2A600, s0;
	[dreg:$0x3] =	wrdreg s24  }
0x13: {  	v7 =	vimm.s32 $0x7;
	v8 =	vimm.s32 $0x8;
	v9 =	vimm.s32 $0x9;
	s24 =	simm.s32 $0x4;
	s0 =	simm.s32 $0x7;
	s26 =	sadd.s32 $0x1B600, s11  }
0x14: {  	v10 =	vimm.s32 $0xA;
	v11 =	vimm.s32 $0xB;
	v12 =	vimm.s32 $0xC;
	s8 =	sadd.s32 $0x2600, s11;
	s11 =	sadd.s32 s4, s1;
	s12 =	sadd.s32 $0x34600, s12  }
0x15: {  	v13 =	vimm.s32 $0xD;
	v14 =	vimm.s32 $0xE;
	v15 =	vimm.s32 $0xF;
	s1 =	simm.s32 $0x5;
	[dreg:$0x4] =	wrdreg s26;
	s26 =	simm.s32 $0x2  }
.LBB2_1:
0x16: {  	s5 =	rddreg [dreg:$0x3]  }
0x17: {  	[spmem:s14], [sflag:s6] =	dma.local [hbm:s5], $0x500  }
0x18: {  	_ =	swait.ge [sflag:s15], $0x500  }
0x19: {  	[sflag:s15] =	ssyncset.done $0x0  }
0x1a: {  	s7 =	rddreg [dreg:$0x4];
	[sflag:s15] =	ssyncadd.s32 $0xFFFFFB00  }
0x1b: {  	[tilespmem:s3], [sflag:$0x9] =	stream.linear.gather [hbm4b:s7+s3], $0x2800, $0x38;
	[tilespmem:$0x11000] =	vst v63  }
0x1c: {  	_ =	swait.ge [sflag:s15], $0x2800  }
0x1d: {  	[sflag:s15] =	ssyncset.done $0x0  }
0x1e: {  	[sflag:s15] =	ssyncadd.s32 $0xFFFFD800  }
0x1f: {  	[tilespmem:s16], [sflag:$0x9] =	stream.linear.gather [hbm4b:s8+s3], $0x2800, $0x38;
	[tilespmem:$0x11000] =	vst v63  }
0x20: {  	_ =	swait.ge [sflag:s15], $0x2800  }
0x21: {  	[sflag:s15] =	ssyncset.done $0x0  }
0x22: {  	s17 =	simm.s32 $0x280;
	s7 =	simm.s32 $0x7000;
	[sflag:s15] =	ssyncadd.s32 $0xFFFFD800  }
0x23: {  	[tilespmem:s7], [sflag:$0x9] =	stream.strided.gather [hbm4b:s9+s17], $0x5000, s16, s17, $0x38;
	[tilespmem:$0x11000] =	vst v63  }
0x24: {  	_ =	swait.ge [sflag:s15], $0x5000  }
0x25: {  	[sflag:s15] =	ssyncset.done $0x0  }
0x26: {  	[sflag:s15] =	ssyncadd.s32 $0xFFFFB000  }
0x27: {  	[tilespmem:s19], [sflag:$0x9] =	stream.linear.gather [hbm4b:s10+s3], $0x2800, $0x38;
	[tilespmem:$0x11000] =	vst v63  }
0x28: {  	_ =	swait.ge [sflag:s15], $0x2800  }
0x29: {  	[sflag:s15] =	ssyncset.done $0x0  }
0x2a: {  	s17 =	simm.s32 $0x0;
	[sflag:s15] =	ssyncadd.s32 $0xFFFFD800  }
0x2b: {  	v16 =	vld [tilespmem:s17+$0x7000]  }
0x2c: {  	v17 =	vld [tilespmem:s17+$0x7280];
	_ =	sdelay $0x1  }
0x2d: {  	v18 =	vld [tilespmem:s17+$0x7500];
	_ =	sdelay $0x1  }
0x2e: {  	v19 =	vld [tilespmem:s17+$0x7780]  }
0x2f: {  	v16 =	vadd.f32 v17, v16  }
0x30: {  	v17 =	vld [tilespmem:s17+$0x7A00]  }
0x31: {  	v16 =	vadd.f32 v18, v16  }
0x32: {  	v18 =	vld [tilespmem:s17+$0x7C80]  }
0x33: {  	v16 =	vadd.f32 v19, v16  }
0x34: {  	v19 =	vld [tilespmem:s17+$0x7F00]  }
0x35: {  	v16 =	vadd.f32 v17, v16  }
0x36: {  	v17 =	vld [tilespmem:s17+$0x8180]  }
0x37: {  	v16 =	vadd.f32 v18, v16  }
0x38: {  	v18 =	vld [tilespmem:s17+$0x8400]  }
0x39: {  	v16 =	vadd.f32 v19, v16  }
0x3a: {  	v19 =	vld [tilespmem:s17+$0x8680]  }
0x3b: {  	v16 =	vadd.f32 v17, v16  }
0x3c: {  	v17 =	vld [tilespmem:s17+$0x8900]  }
0x3d: {  	v16 =	vadd.f32 v18, v16  }
0x3e: {  	v18 =	vld [tilespmem:s17+$0x8B80]  }
0x3f: {  	v16 =	vadd.f32 v19, v16  }
0x40: {  	v19 =	vld [tilespmem:s17+$0x8E00]  }
0x41: {  	v16 =	vadd.f32 v17, v16  }
0x42: {  	v17 =	vld [tilespmem:s17+$0x9080]  }
0x43: {  	v16 =	vadd.f32 v18, v16  }
0x44: {  	v18 =	vld [tilespmem:s17+$0x9300]  }
0x45: {  	v16 =	vadd.f32 v19, v16  }
0x46: {  	v19 =	vld [tilespmem:s17+$0x9580]  }
0x47: {  	v16 =	vadd.f32 v17, v16  }
0x48: {  	v17 =	vld [tilespmem:s17+$0x9800]  }
0x49: {  	v16 =	vadd.f32 v18, v16  }
0x4a: {  	v18 =	vld [tilespmem:s17+$0x9A80]  }
0x4b: {  	v16 =	vadd.f32 v19, v16  }
0x4c: {  	v19 =	vld [tilespmem:s17+$0x9D00]  }
0x4d: {  	v16 =	vadd.f32 v17, v16  }
0x4e: {  	v17 =	vld [tilespmem:s17+$0x9F80]  }
0x4f: {  	v16 =	vadd.f32 v18, v16  }
0x50: {  	v18 =	vld [tilespmem:s17+$0xA200]  }
0x51: {  	v16 =	vadd.f32 v19, v16  }
0x52: {  	v19 =	vld [tilespmem:s17+$0xA480]  }
0x53: {  	v16 =	vadd.f32 v17, v16  }
0x54: {  	v17 =	vld [tilespmem:s17+$0xA700]  }
0x55: {  	v16 =	vadd.f32 v18, v16  }
0x56: {  	v18 =	vld [tilespmem:s17+$0xA980]  }
0x57: {  	v16 =	vadd.f32 v19, v16  }
0x58: {  	v19 =	vld [tilespmem:s17+$0xAC00]  }
0x59: {  	v16 =	vadd.f32 v17, v16  }
0x5a: {  	v17 =	vld [tilespmem:s17+$0xAE80]  }
0x5b: {  	v16 =	vadd.f32 v18, v16  }
0x5c: {  	v18 =	vld [tilespmem:s17+$0xB100]  }
0x5d: {  	v16 =	vadd.f32 v19, v16  }
0x5e: {  	v19 =	vld [tilespmem:s17+$0xB380]  }
0x5f: {  	v16 =	vadd.f32 v17, v16  }
0x60: {  	v17 =	vld [tilespmem:s17+$0xB600]  }
0x61: {  	v16 =	vadd.f32 v18, v16  }
0x62: {  	v18 =	vld [tilespmem:s17+$0xB880]  }
0x63: {  	v16 =	vadd.f32 v19, v16  }
0x64: {  	v19 =	vld [tilespmem:s17+$0xBB00]  }
0x65: {  	v16 =	vadd.f32 v17, v16  }
0x66: {  	v17 =	vld [tilespmem:s17+$0xBD80]  }
0x67: {  	v16 =	vadd.f32 v18, v16;
	_ =	sdelay $0x1  }
0x68: {  	v16 =	vadd.f32 v19, v16;
	_ =	sdelay $0x1  }
0x69: {  	v16 =	vadd.f32 v17, v16;
	_ =	sdelay $0x1  }
0x6a: {  	v16 =	vadd.f32 $1.000000000e+00, v16;
	_ =	sdelay $0x1  }
0x6b: {  	v17 =	vshra.s32 v16, $0x1;
	v16 =	vmul.f32 $5.000000000e-01, v16  }
0x6c: {  	v17 =	vsub.s32 $0x5F3759DF, v17  }
0x6d: {  	v18 =	vmul.f32 v17, v16;
	_ =	sdelay $0x1  }
0x6e: {  	v18 =	vmul.f32 v17, v18;
	_ =	sdelay $0x1  }
0x6f: {  	v18 =	vsub.f32 $1.500000000e+00, v18;
	_ =	sdelay $0x1  }
0x70: {  	v17 =	vmul.f32 v17, v18;
	_ =	sdelay $0x1  }
0x71: {  	v18 =	vmul.f32 v17, v16;
	_ =	sdelay $0x1  }
0x72: {  	v18 =	vmul.f32 v18, v17;
	_ =	sdelay $0x1  }
0x73: {  	v18 =	vsub.f32 $1.500000000e+00, v18;
	_ =	sdelay $0x1  }
0x74: {  	v17 =	vmul.f32 v18, v17;
	_ =	sdelay $0x1  }
0x75: {  	v16 =	vmul.f32 v17, v16;
	_ =	sdelay $0x1  }
0x76: {  	v16 =	vmul.f32 v16, v17;
	_ =	sdelay $0x1  }
0x77: {  	s5 =	simm.s32 $0xC080;
	v16 =	vsub.f32 $1.500000000e+00, v16  }
0x78: {  	v18 =	vld [tilespmem:s5+$0xFFFFFF80]  }
0x79: {  	v19 =	vld [tilespmem:s5+$0x70];
	v16 =	vmul.f32 v16, v17  }
0x7a: {  	v20 =	vld [tilespmem:s5+$0x50]  }
0x7b: {  	v24 =	vld [tilespmem:s5+$0x30];
	v21 =	vperm.xlane v16, v1  }
0x7c: {  	v17 =	vld [tilespmem:s5+$0x60];
	v22 =	vperm.xlane v16, v15  }
0x7d: {  	v26 =	vld [tilespmem:s5+$0x20];
	v49 =	vperm.xlane v16, v13;
	v18 =	vmul.f32 v18, v21  }
0x7e: {  	v23 =	vld [tilespmem:s5+$0x40];
	v51 =	vperm.xlane v16, v11;
	v19 =	vmul.f32 v19, v22  }
0x7f: {  	v57 =	vld [tilespmem:s5+$0xFFFFFFC0];
	v25 =	vperm.xlane v16, v14;
	v20 =	vmul.f32 v20, v49;
	[tilespmem:s5+$0xFFFFFF80] =	vst v18  }
0x80: {  	v50 =	vld [tilespmem:s5+$0x10];
	v27 =	vperm.xlane v16, v10;
	v21 =	vmul.f32 v24, v51;
	[tilespmem:s5+$0x70] =	vst v19  }
0x81: {  	v52 =	vld [tilespmem:s5+$0x0];
	v17 =	vmul.f32 v17, v25;
	v18 =	vperm.xlane v16, v12;
	[tilespmem:s5+$0x50] =	vst v20  }
0x82: {  	v62 =	vperm.xlane v16, v4;
	v55 =	vmul.f32 v26, v27;
	v19 =	vld [tilespmem:s5+$0xFFFFFFF0];
	[tilespmem:s5+$0x30] =	vst v21  }
0x83: {  	v53 =	vld [tilespmem:s5+$0xFFFFFFE0];
	[tilespmem:s5+$0x60] =	vst v17;
	v17 =	vperm.xlane v16, v9;
	v18 =	vmul.f32 v23, v18  }
0x84: {  	v54 =	vld [tilespmem:s5+$0xFFFFFFD0];
	v56 =	vperm.xlane v16, v8;
	v22 =	vmul.f32 v57, v62;
	[tilespmem:s5+$0x20] =	vst v55  }
0x85: {  	v58 =	vld [tilespmem:s5+$0xFFFFFFB0];
	v17 =	vmul.f32 v50, v17;
	[tilespmem:s5+$0x40] =	vst v18;
	v18 =	vperm.xlane v16, v7  }
0x86: {  	v61 =	vld [tilespmem:s5+$0xFFFFFFA0];
	v59 =	vperm.xlane v16, v6;
	v25 =	vmul.f32 v52, v56;
	[tilespmem:s5+$0xFFFFFFC0] =	vst v22  }
0x87: {  	v60 =	vperm.xlane v16, v5;
	[tilespmem:s5+$0x10] =	vst v17;
	v17 =	vld [tilespmem:s5+$0xFFFFFF90];
	v18 =	vmul.f32 v19, v18  }
0x88: {  	v63 =	vperm.xlane v16, v3;
	[tilespmem:s5+$0x0] =	vst v25;
	v19 =	vmul.f32 v53, v59  }
0x89: {  	v20 =	vmul.f32 v54, v60;
	[tilespmem:s5+$0xFFFFFFF0] =	vst v18;
	v18 =	vperm.xlane v16, v2  }
0x8a: {  	[tilespmem:s5+$0xFFFFFFE0] =	vst v19;
	v16 =	vperm.xlane v16, v0;
	v19 =	vmul.f32 v58, v63  }
0x8b: {  	[tilespmem:s5+$0xFFFFFFD0] =	vst v20;
	v18 =	vmul.f32 v61, v18  }
0x8c: {  	v16 =	vmul.f32 v17, v16;
	[tilespmem:s5+$0xFFFFFFB0] =	vst v19  }
0x8d: {  	[tilespmem:s5+$0xFFFFFFA0] =	vst v18  }
0x8e: {  	s7 =	simm.s32 $0x10;
	[tilespmem:s5+$0xFFFFFF90] =	vst v16  }
0x8f: {  	s17 =	simm.s32 $0x80;
	v16 =	vld [tilespmem:s7+$0x7000]  }
.LBB2_2:
0x90: {  	p0 =	sne.s32 s17, $0x9C0;
	v17 =	vld [tilespmem:s7+$0x7280]  }
0x91: {  	v18 =	vld [tilespmem:s7+$0x7500]  }
0x92: {  	v19 =	vld [tilespmem:s7+$0x7780]  }
0x93: {  	v20 =	vld [tilespmem:s7+$0x7A00]  }
0x94: {  	v21 =	vld [tilespmem:s7+$0x7C80]  }
0x95: {  	v16 =	vadd.f32 v17, v16;
	v17 =	vld [tilespmem:s7+$0x7F00]  }
0x96: {  	v22 =	vld [tilespmem:s7+$0x8180]  }
0x97: {  	v16 =	vadd.f32 v18, v16;
	v18 =	vld [tilespmem:s7+$0x8400]  }
0x98: {  	v23 =	vld [tilespmem:s7+$0x8680]  }
0x99: {  	v16 =	vadd.f32 v19, v16;
	v19 =	vld [tilespmem:s7+$0x8900]  }
0x9a: {  	v24 =	vld [tilespmem:s7+$0x8B80]  }
0x9b: {  	v16 =	vadd.f32 v20, v16;
	v20 =	vld [tilespmem:s7+$0x8E00]  }
0x9c: {  	v25 =	vld [tilespmem:s7+$0x9080]  }
0x9d: {  	v16 =	vadd.f32 v21, v16;
	v21 =	vld [tilespmem:s7+$0x9300]  }
0x9e: {  	v26 =	vld [tilespmem:s7+$0x9580]  }
0x9f: {  	v16 =	vadd.f32 v17, v16;
	v17 =	vld [tilespmem:s7+$0x9800]  }
0xa0: {  	v27 =	vld [tilespmem:s7+$0x9A80]  }
0xa1: {  	v16 =	vadd.f32 v22, v16;
	v22 =	vld [tilespmem:s7+$0x9D00]  }
0xa2: {  	v28 =	vld [tilespmem:s7+$0x9F80]  }
0xa3: {  	v16 =	vadd.f32 v18, v16;
	v18 =	vld [tilespmem:s7+$0xA200]  }
0xa4: {  	v29 =	vld [tilespmem:s7+$0xA480]  }
0xa5: {  	v16 =	vadd.f32 v23, v16;
	v23 =	vld [tilespmem:s7+$0xA700]  }
0xa6: {  	v30 =	vld [tilespmem:s7+$0xA980]  }
0xa7: {  	v16 =	vadd.f32 v19, v16;
	v19 =	vld [tilespmem:s7+$0xAC00]  }
0xa8: {  	v31 =	vld [tilespmem:s7+$0xAE80]  }
0xa9: {  	v16 =	vadd.f32 v24, v16;
	v24 =	vld [tilespmem:s7+$0xB100]  }
0xaa: {  	v32 =	vld [tilespmem:s7+$0xB380]  }
0xab: {  	v16 =	vadd.f32 v20, v16;
	v20 =	vld [tilespmem:s7+$0xB600]  }
0xac: {  	v33 =	vld [tilespmem:s7+$0xB880]  }
0xad: {  	v16 =	vadd.f32 v25, v16;
	v25 =	vld [tilespmem:s7+$0xBB00]  }
0xae: {  	v34 =	vld [tilespmem:s7+$0xBD80]  }
0xaf: {  	v16 =	vadd.f32 v21, v16;
	_ =	sdelay $0x1  }
0xb0: {  	v16 =	vadd.f32 v26, v16;
	_ =	sdelay $0x1  }
0xb1: {  	v16 =	vadd.f32 v17, v16;
	_ =	sdelay $0x1  }
0xb2: {  	v16 =	vadd.f32 v27, v16;
	_ =	sdelay $0x1  }
0xb3: {  	v16 =	vadd.f32 v22, v16;
	_ =	sdelay $0x1  }
0xb4: {  	v16 =	vadd.f32 v28, v16;
	_ =	sdelay $0x1  }
0xb5: {  	v16 =	vadd.f32 v18, v16;
	_ =	sdelay $0x1  }
0xb6: {  	v16 =	vadd.f32 v29, v16;
	_ =	sdelay $0x1  }
0xb7: {  	v16 =	vadd.f32 v23, v16;
	_ =	sdelay $0x1  }
0xb8: {  	v16 =	vadd.f32 v30, v16;
	_ =	sdelay $0x1  }
0xb9: {  	v16 =	vadd.f32 v19, v16;
	_ =	sdelay $0x1  }
0xba: {  	v16 =	vadd.f32 v31, v16;
	_ =	sdelay $0x1  }
0xbb: {  	v16 =	vadd.f32 v24, v16;
	_ =	sdelay $0x1  }
0xbc: {  	v16 =	vadd.f32 v32, v16;
	_ =	sdelay $0x1  }
0xbd: {  	v16 =	vadd.f32 v20, v16;
	_ =	sdelay $0x1  }
0xbe: {  	v16 =	vadd.f32 v33, v16;
	_ =	sdelay $0x1  }
0xbf: {  	v16 =	vadd.f32 v25, v16;
	_ =	sdelay $0x1  }
0xc0: {  	v16 =	vadd.f32 v34, v16;
	_ =	sdelay $0x1  }
0xc1: {  	v16 =	vadd.f32 $1.000000000e+00, v16;
	_ =	sdelay $0x1  }
0xc2: {  	v17 =	vshra.s32 v16, $0x1;
	v16 =	vmul.f32 $5.000000000e-01, v16  }
0xc3: {  	v17 =	vsub.s32 $0x5F3759DF, v17  }
0xc4: {  	v18 =	vmul.f32 v17, v16;
	_ =	sdelay $0x1  }
0xc5: {  	v18 =	vmul.f32 v17, v18;
	_ =	sdelay $0x1  }
0xc6: {  	v18 =	vsub.f32 $1.500000000e+00, v18;
	_ =	sdelay $0x1  }
0xc7: {  	v17 =	vmul.f32 v17, v18;
	_ =	sdelay $0x1  }
0xc8: {  	v18 =	vmul.f32 v17, v16;
	_ =	sdelay $0x1  }
0xc9: {  	v18 =	vmul.f32 v18, v17;
	_ =	sdelay $0x1  }
0xca: {  	v18 =	vsub.f32 $1.500000000e+00, v18;
	_ =	sdelay $0x1  }
0xcb: {  	v17 =	vmul.f32 v18, v17;
	_ =	sdelay $0x1  }
0xcc: {  	v16 =	vmul.f32 v17, v16;
	_ =	sdelay $0x1  }
0xcd: {  	s5 =	sadd.s32 $0x100, s5;
	v16 =	vmul.f32 v16, v17  }
0xce: {  	v18 =	vld [tilespmem:s5+$0xFFFFFF80]  }
0xcf: {  	v16 =	vsub.f32 $1.500000000e+00, v16;
	v19 =	vld [tilespmem:s5+$0x50]  }
0xd0: {  	v20 =	vld [tilespmem:s5+$0x70]  }
0xd1: {  	v16 =	vmul.f32 v16, v17;
	v17 =	vld [tilespmem:s5+$0x60]  }
0xd2: {  	v21 =	vld [tilespmem:s5+$0x10]  }
0xd3: {  	v22 =	vperm.xlane v16, v1;
	v23 =	vld [tilespmem:s5+$0x30];
	v24 =	vperm.xlane v16, v15  }
0xd4: {  	v26 =	vperm.xlane v16, v13;
	v27 =	vperm.xlane v16, v14;
	v25 =	vld [tilespmem:s5+$0x40]  }
0xd5: {  	v18 =	vmul.f32 v18, v22;
	v22 =	vld [tilespmem:s5+$0x20];
	v20 =	vmul.f32 v20, v24  }
0xd6: {  	v19 =	vmul.f32 v19, v26;
	v24 =	vld [tilespmem:s5+$0xFFFFFFD0];
	v17 =	vmul.f32 v17, v27  }
0xd7: {  	v26 =	vperm.xlane v16, v11;
	v27 =	vperm.xlane v16, v12;
	[tilespmem:s5+$0xFFFFFF80] =	vst v18;
	v18 =	vld [tilespmem:s5+$0xFFFFFFF0]  }
0xd8: {  	v29 =	vperm.xlane v16, v9;
	v30 =	vperm.xlane v16, v10;
	v28 =	vld [tilespmem:s5+$0x0];
	[tilespmem:s5+$0x70] =	vst v20  }
0xd9: {  	v23 =	vmul.f32 v23, v26;
	v20 =	vld [tilespmem:s5+$0xFFFFFFE0];
	v25 =	vmul.f32 v25, v27;
	[tilespmem:s5+$0x60] =	vst v17  }
0xda: {  	v21 =	vmul.f32 v21, v29;
	v17 =	vld [tilespmem:s5+$0xFFFFFF90];
	v22 =	vmul.f32 v22, v30;
	[tilespmem:s5+$0x50] =	vst v19  }
0xdb: {  	v26 =	vperm.xlane v16, v7;
	v27 =	vperm.xlane v16, v8;
	v19 =	vld [tilespmem:s5+$0xFFFFFFB0];
	[tilespmem:s5+$0x40] =	vst v25  }
0xdc: {  	v29 =	vperm.xlane v16, v5;
	v30 =	vperm.xlane v16, v6;
	v25 =	vld [tilespmem:s5+$0xFFFFFFC0];
	[tilespmem:s5+$0x30] =	vst v23  }
0xdd: {  	v18 =	vmul.f32 v18, v26;
	v23 =	vld [tilespmem:s5+$0xFFFFFFA0];
	v26 =	vmul.f32 v28, v27;
	[tilespmem:s5+$0x20] =	vst v22  }
0xde: {  	v22 =	vmul.f32 v24, v29;
	v20 =	vmul.f32 v20, v30;
	[tilespmem:s5+$0x10] =	vst v21  }
0xdf: {  	v24 =	vperm.xlane v16, v4;
	v21 =	vperm.xlane v16, v3;
	[tilespmem:s5+$0x0] =	vst v26  }
0xe0: {  	v26 =	vperm.xlane v16, v0;
	v16 =	vperm.xlane v16, v2;
	[tilespmem:s5+$0xFFFFFFF0] =	vst v18  }
0xe1: {  	v18 =	vmul.f32 v19, v21;
	v19 =	vmul.f32 v25, v24;
	[tilespmem:s5+$0xFFFFFFE0] =	vst v20  }
0xe2: {  	v17 =	vmul.f32 v17, v26;
	v16 =	vmul.f32 v23, v16;
	[tilespmem:s5+$0xFFFFFFD0] =	vst v22  }
.Ltmp0:
0xe3: {  	[tilespmem:s5+$0xFFFFFFC0] =	vst v19;
	(pc) =	sbr.rel @p0 .LBB2_2-.Ltmp0, $4  }
0xe4: {  	[tilespmem:s5+$0xFFFFFFB0] =	vst v18  }
0xe5: {  	[tilespmem:s5+$0xFFFFFFA0] =	vst v16  }
0xe6: {  	s7 =	sshra.s32 s17, $0x2;
	[tilespmem:s5+$0xFFFFFF90] =	vst v17  }
0xe7: {  	s17 =	sadd.s32 $0x40, s17;
	v16 =	vld [tilespmem:s7+$0x7000]  }
0xe8: {  	v17 =	vld [tilespmem:s7+$0x7280];
	_ =	sdelay $0x1  }
0xe9: {  	v18 =	vld [tilespmem:s7+$0x7500];
	_ =	sdelay $0x1  }
0xea: {  	v19 =	vld [tilespmem:s7+$0x7780]  }
0xeb: {  	v16 =	vadd.f32 v17, v16  }
0xec: {  	v17 =	vld [tilespmem:s7+$0x7A00]  }
0xed: {  	v16 =	vadd.f32 v18, v16  }
0xee: {  	v22 =	vld [tilespmem:s7+$0x7C80]  }
0xef: {  	v16 =	vadd.f32 v19, v16  }
0xf0: {  	v23 =	vld [tilespmem:s7+$0x7F00]  }
0xf1: {  	v16 =	vadd.f32 v17, v16  }
0xf2: {  	v17 =	vld [tilespmem:s7+$0x8180]  }
0xf3: {  	v16 =	vadd.f32 v22, v16  }
0xf4: {  	v24 =	vld [tilespmem:s7+$0x8400]  }
0xf5: {  	v16 =	vadd.f32 v23, v16  }
0xf6: {  	v25 =	vld [tilespmem:s7+$0x8680]  }
0xf7: {  	v16 =	vadd.f32 v17, v16  }
0xf8: {  	v17 =	vld [tilespmem:s7+$0x8900]  }
0xf9: {  	v16 =	vadd.f32 v24, v16  }
0xfa: {  	v26 =	vld [tilespmem:s7+$0x8B80]  }
0xfb: {  	v16 =	vadd.f32 v25, v16  }
0xfc: {  	v27 =	vld [tilespmem:s7+$0x8E00]  }
0xfd: {  	v16 =	vadd.f32 v17, v16  }
0xfe: {  	v17 =	vld [tilespmem:s7+$0x9080]  }
0xff: {  	v16 =	vadd.f32 v26, v16  }
0x100: {  	v28 =	vld [tilespmem:s7+$0x9300]  }
0x101: {  	v16 =	vadd.f32 v27, v16  }
0x102: {  	v29 =	vld [tilespmem:s7+$0x9580]  }
0x103: {  	v16 =	vadd.f32 v17, v16  }
0x104: {  	v17 =	vld [tilespmem:s7+$0x9800]  }
0x105: {  	v16 =	vadd.f32 v28, v16  }
0x106: {  	v30 =	vld [tilespmem:s7+$0x9A80]  }
0x107: {  	v16 =	vadd.f32 v29, v16  }
0x108: {  	v31 =	vld [tilespmem:s7+$0x9D00]  }
0x109: {  	v16 =	vadd.f32 v17, v16  }
0x10a: {  	v17 =	vld [tilespmem:s7+$0x9F80]  }
0x10b: {  	v16 =	vadd.f32 v30, v16  }
0x10c: {  	v32 =	vld [tilespmem:s7+$0xA200]  }
0x10d: {  	v16 =	vadd.f32 v31, v16  }
0x10e: {  	v33 =	vld [tilespmem:s7+$0xA480]  }
0x10f: {  	v16 =	vadd.f32 v17, v16  }
0x110: {  	v17 =	vld [tilespmem:s7+$0xA700]  }
0x111: {  	v16 =	vadd.f32 v32, v16  }
0x112: {  	v34 =	vld [tilespmem:s7+$0xA980]  }
0x113: {  	v16 =	vadd.f32 v33, v16  }
0x114: {  	v35 =	vld [tilespmem:s7+$0xAC00]  }
0x115: {  	v16 =	vadd.f32 v17, v16  }
0x116: {  	v17 =	vld [tilespmem:s7+$0xAE80]  }
0x117: {  	v16 =	vadd.f32 v34, v16  }
0x118: {  	v36 =	vld [tilespmem:s7+$0xB100]  }
0x119: {  	v16 =	vadd.f32 v35, v16  }
0x11a: {  	v37 =	vld [tilespmem:s7+$0xB380]  }
0x11b: {  	v16 =	vadd.f32 v17, v16  }
0x11c: {  	v17 =	vld [tilespmem:s7+$0xB600]  }
0x11d: {  	v16 =	vadd.f32 v36, v16  }
0x11e: {  	v38 =	vld [tilespmem:s7+$0xB880]  }
0x11f: {  	v16 =	vadd.f32 v37, v16  }
0x120: {  	v39 =	vld [tilespmem:s7+$0xBB00]  }
0x121: {  	v16 =	vadd.f32 v17, v16  }
0x122: {  	v17 =	vld [tilespmem:s7+$0xBD80]  }
0x123: {  	v16 =	vadd.f32 v38, v16;
	_ =	sdelay $0x1  }
0x124: {  	v16 =	vadd.f32 v39, v16;
	_ =	sdelay $0x1  }
0x125: {  	v16 =	vadd.f32 v17, v16;
	_ =	sdelay $0x1  }
0x126: {  	v16 =	vadd.f32 $1.000000000e+00, v16;
	_ =	sdelay $0x1  }
0x127: {  	v17 =	vshra.s32 v16, $0x1;
	v16 =	vmul.f32 $5.000000000e-01, v16  }
0x128: {  	v17 =	vsub.s32 $0x5F3759DF, v17  }
0x129: {  	v40 =	vmul.f32 v17, v16;
	_ =	sdelay $0x1  }
0x12a: {  	v18 =	vmul.f32 v17, v40;
	_ =	sdelay $0x1  }
0x12b: {  	v18 =	vsub.f32 $1.500000000e+00, v18;
	_ =	sdelay $0x1  }
0x12c: {  	v17 =	vmul.f32 v17, v18;
	_ =	sdelay $0x1  }
0x12d: {  	v18 =	vmul.f32 v17, v16;
	_ =	sdelay $0x1  }
0x12e: {  	v18 =	vmul.f32 v18, v17;
	_ =	sdelay $0x1  }
0x12f: {  	v18 =	vsub.f32 $1.500000000e+00, v18;
	_ =	sdelay $0x1  }
0x130: {  	v17 =	vmul.f32 v18, v17;
	_ =	sdelay $0x1  }
0x131: {  	v16 =	vmul.f32 v17, v16;
	_ =	sdelay $0x1  }
0x132: {  	v16 =	vmul.f32 v16, v17;
	_ =	sdelay $0x1  }
0x133: {  	s5 =	sadd.s32 $0x100, s5;
	v16 =	vsub.f32 $1.500000000e+00, v16  }
0x134: {  	v41 =	vld [tilespmem:s5+$0xFFFFFF80]  }
0x135: {  	v42 =	vld [tilespmem:s5+$0x70];
	v16 =	vmul.f32 v16, v17  }
0x136: {  	v20 =	vld [tilespmem:s5+$0x50]  }
0x137: {  	v24 =	vld [tilespmem:s5+$0x30];
	v21 =	vperm.xlane v16, v1  }
0x138: {  	v17 =	vld [tilespmem:s5+$0x60];
	v22 =	vperm.xlane v16, v15  }
0x139: {  	v26 =	vld [tilespmem:s5+$0x20];
	v43 =	vperm.xlane v16, v13;
	v18 =	vmul.f32 v41, v21  }
0x13a: {  	v49 =	vld [tilespmem:s5+$0xFFFFFFE0];
	v46 =	vperm.xlane v16, v11;
	v19 =	vmul.f32 v42, v22  }
0x13b: {  	v54 =	vld [tilespmem:s5+$0xFFFFFFC0];
	v25 =	vperm.xlane v16, v14;
	v20 =	vmul.f32 v20, v43;
	[tilespmem:s5+$0xFFFFFF80] =	vst v18  }
0x13c: {  	v44 =	vld [tilespmem:s5+$0x10];
	v27 =	vperm.xlane v16, v10;
	v21 =	vmul.f32 v24, v46;
	[tilespmem:s5+$0x70] =	vst v19  }
0x13d: {  	v55 =	vld [tilespmem:s5+$0xFFFFFFB0];
	v56 =	vperm.xlane v16, v6;
	v17 =	vmul.f32 v17, v25;
	[tilespmem:s5+$0x50] =	vst v20  }
0x13e: {  	v23 =	vld [tilespmem:s5+$0x40];
	v60 =	vperm.xlane v16, v4;
	v51 =	vmul.f32 v26, v27;
	[tilespmem:s5+$0x30] =	vst v21  }
0x13f: {  	v47 =	vld [tilespmem:s5+$0x0];
	v59 =	vmul.f32 v49, v56;
	[tilespmem:s5+$0x60] =	vst v17;
	v17 =	vperm.xlane v16, v9  }
0x140: {  	v48 =	vld [tilespmem:s5+$0xFFFFFFF0];
	v61 =	vperm.xlane v16, v3;
	v22 =	vmul.f32 v54, v60;
	[tilespmem:s5+$0x20] =	vst v51  }
0x141: {  	v50 =	vld [tilespmem:s5+$0xFFFFFFD0];
	v45 =	vperm.xlane v16, v12;
	[tilespmem:s5+$0xFFFFFFE0] =	vst v59;
	v17 =	vmul.f32 v44, v17  }
0x142: {  	v58 =	vld [tilespmem:s5+$0xFFFFFFA0];
	v52 =	vperm.xlane v16, v8;
	v63 =	vmul.f32 v55, v61;
	[tilespmem:s5+$0xFFFFFFC0] =	vst v22  }
0x143: {  	v53 =	vperm.xlane v16, v7;
	v18 =	vmul.f32 v23, v45;
	[tilespmem:s5+$0x10] =	vst v17;
	v17 =	vld [tilespmem:s5+$0xFFFFFF90]  }
0x144: {  	v57 =	vperm.xlane v16, v5;
	v25 =	vmul.f32 v47, v52;
	[tilespmem:s5+$0xFFFFFFB0] =	vst v63  }
0x145: {  	v62 =	vperm.xlane v16, v2;
	[tilespmem:s5+$0x40] =	vst v18;
	v18 =	vmul.f32 v48, v53  }
0x146: {  	v20 =	vmul.f32 v50, v57;
	[tilespmem:s5+$0x0] =	vst v25;
	v16 =	vperm.xlane v16, v0  }
0x147: {  	[tilespmem:s5+$0xFFFFFFF0] =	vst v18;
	v18 =	vmul.f32 v58, v62  }
0x148: {  	[tilespmem:s5+$0xFFFFFFD0] =	vst v20;
	v16 =	vmul.f32 v17, v16  }
0x149: {  	[tilespmem:s5+$0xFFFFFFA0] =	vst v18  }
0x14a: {  	s17 =	simm.s32 $0x0;
	[tilespmem:s5+$0xFFFFFF90] =	vst v16  }
0x14b: {  	[hbm4b:s11+s17] =	stream.linear.scatter [tilespmem:s19], [sflag:$0x9], $0x2800, $0x38;
	[tilespmem:$0x11000] =	vst v63  }
0x14c: {  	_ =	swait.ge [sflag:s15], $0x2800  }
0x14d: {  	[sflag:s15] =	ssyncset.done $0x0  }
0x14e: {  	[sflag:s15] =	ssyncadd.s32 $0xFFFFD800  }
0x14f: {  	[bflag:$0x0] =	sbarrier.arrive $0xFFFF  }
0x150: {  	[tilespmem:s21], [sflag:$0x1] =	stream.indirect.gather [hbm4b:s4+s20], $0x10, s17, s20, $0xb8;
	[tilespmem:$0x11000] =	vst v63  }
0x151: {  	_ = 	snop  }
0x152: {  	[tilespmem:s22], [sflag:$0x2] =	stream.indirect.gather [hbm4b:s4+s20], $0x10, s20, s20, $0xb8;
	[tilespmem:$0x11000] =	vst v63  }
0x153: {  	_ =	swait.ge [sflag:s23], $0x800  }
0x154: {  	[sflag:s23] =	ssyncset.done $0x0  }
0x155: {  	[sflag:s23] =	ssyncadd.s32 $0xFFFFF800  }
0x156: {  	[spmem:s2] =	stream.indirect.scatter.add.f32 [tilespmem:s21], [sflag:$0x5], $0x10, s16, s20, $0xb8;
	[tilespmem:$0x11000] =	vst v63  }
0x157: {  	s7 =	simm.s32 $0x100  }
0x158: {  	[tilespmem:s25], [sflag:$0x3] =	stream.indirect.gather [hbm4b:s4+s20], $0x10, s7, s20, $0xb8;
	[tilespmem:$0x11000] =	vst v63  }
0x159: {  	_ =	swait.ge [sflag:s26], $0x800  }
0x15a: {  	[sflag:s26] =	ssyncset.done $0x0  }
0x15b: {  	s17 =	simm.s32 $0x2880;
	[sflag:s26] =	ssyncadd.s32 $0xFFFFF800  }
0x15c: {  	[spmem:s2] =	stream.indirect.scatter.add.f32 [tilespmem:s22], [sflag:$0x6], $0x10, s17, s20, $0xb8;
	[tilespmem:$0x11000] =	vst v63  }
0x15d: {  	s7 =	simm.s32 $0x180  }
0x15e: {  	[tilespmem:s30], [sflag:$0x4] =	stream.indirect.gather [hbm4b:s4+s20], $0x10, s7, s20, $0xb8;
	[tilespmem:$0x11000] =	vst v63  }
0x15f: {  	_ =	swait.ge [sflag:s31], $0x800  }
0x160: {  	[sflag:s31] =	ssyncset.done $0x0  }
0x161: {  	s17 =	simm.s32 $0x2900;
	[sflag:s31] =	ssyncadd.s32 $0xFFFFF800  }
0x162: {  	[spmem:s2] =	stream.indirect.scatter.add.f32 [tilespmem:s25], [sflag:$0x7], $0x10, s17, s20, $0xb8;
	[tilespmem:$0x11000] =	vst v63  }
0x163: {  	_ =	swait.ge [sflag:s1], $0x800  }
0x164: {  	[sflag:s1] =	ssyncset.done $0x0  }
0x165: {  	s7 =	simm.s32 $0x200;
	[sflag:s1] =	ssyncadd.s32 $0xFFFFF800  }
0x166: {  	[tilespmem:s21], [sflag:$0x1] =	stream.indirect.gather [hbm4b:s4+s20], $0x10, s7, s20, $0xb8;
	[tilespmem:$0x11000] =	vst v63  }
0x167: {  	_ =	swait.ge [sflag:s24], $0x800  }
0x168: {  	[sflag:s24] =	ssyncset.done $0x0  }
0x169: {  	s17 =	simm.s32 $0x2980;
	[sflag:s24] =	ssyncadd.s32 $0xFFFFF800  }
0x16a: {  	[spmem:s2] =	stream.indirect.scatter.add.f32 [tilespmem:s30], [sflag:$0x8], $0x10, s17, s20, $0xb8;
	[tilespmem:$0x11000] =	vst v63  }
0x16b: {  	_ =	swait.ge [sflag:s29], $0x800  }
0x16c: {  	[sflag:s29] =	ssyncset.done $0x0  }
0x16d: {  	s7 =	simm.s32 $0x280;
	[sflag:s29] =	ssyncadd.s32 $0xFFFFF800  }
0x16e: {  	[tilespmem:s22], [sflag:$0x2] =	stream.indirect.gather [hbm4b:s4+s20], $0x10, s7, s20, $0xb8;
	[tilespmem:$0x11000] =	vst v63  }
0x16f: {  	_ =	swait.ge [sflag:s23], $0x800  }
0x170: {  	[sflag:s23] =	ssyncset.done $0x0  }
0x171: {  	s17 =	simm.s32 $0x2A00;
	[sflag:s23] =	ssyncadd.s32 $0xFFFFF800  }
0x172: {  	[spmem:s2] =	stream.indirect.scatter.add.f32 [tilespmem:s21], [sflag:$0x5], $0x10, s17, s20, $0xb8;
	[tilespmem:$0x11000] =	vst v63  }
0x173: {  	_ =	swait.ge [sflag:s0], $0x800  }
0x174: {  	[sflag:s0] =	ssyncset.done $0x0  }
0x175: {  	s7 =	simm.s32 $0x300;
	[sflag:s0] =	ssyncadd.s32 $0xFFFFF800  }
0x176: {  	[tilespmem:s25], [sflag:$0x3] =	stream.indirect.gather [hbm4b:s4+s20], $0x10, s7, s20, $0xb8;
	[tilespmem:$0x11000] =	vst v63  }
0x177: {  	_ =	swait.ge [sflag:s26], $0x800  }
0x178: {  	[sflag:s26] =	ssyncset.done $0x0  }
0x179: {  	s17 =	simm.s32 $0x2A80;
	[sflag:s26] =	ssyncadd.s32 $0xFFFFF800  }
0x17a: {  	[spmem:s2] =	stream.indirect.scatter.add.f32 [tilespmem:s22], [sflag:$0x6], $0x10, s17, s20, $0xb8;
	[tilespmem:$0x11000] =	vst v63  }
0x17b: {  	_ =	swait.ge [sflag:s18], $0x800  }
0x17c: {  	[sflag:s18] =	ssyncset.done $0x0  }
0x17d: {  	s7 =	simm.s32 $0x380;
	[sflag:s18] =	ssyncadd.s32 $0xFFFFF800  }
0x17e: {  	[tilespmem:s30], [sflag:$0x4] =	stream.indirect.gather [hbm4b:s4+s20], $0x10, s7, s20, $0xb8;
	[tilespmem:$0x11000] =	vst v63  }
0x17f: {  	_ =	swait.ge [sflag:s31], $0x800  }
0x180: {  	[sflag:s31] =	ssyncset.done $0x0  }
0x181: {  	s17 =	simm.s32 $0x2B00;
	[sflag:s31] =	ssyncadd.s32 $0xFFFFF800  }
0x182: {  	[spmem:s2] =	stream.indirect.scatter.add.f32 [tilespmem:s25], [sflag:$0x7], $0x10, s17, s20, $0xb8;
	[tilespmem:$0x11000] =	vst v63  }
0x183: {  	_ =	swait.ge [sflag:s1], $0x800  }
0x184: {  	[sflag:s1] =	ssyncset.done $0x0  }
0x185: {  	s7 =	simm.s32 $0x400;
	[sflag:s1] =	ssyncadd.s32 $0xFFFFF800  }
0x186: {  	[tilespmem:s21], [sflag:$0x1] =	stream.indirect.gather [hbm4b:s4+s20], $0x10, s7, s20, $0xb8;
	[tilespmem:$0x11000] =	vst v63  }
0x187: {  	_ =	swait.ge [sflag:s24], $0x800  }
0x188: {  	[sflag:s24] =	ssyncset.done $0x0  }
0x189: {  	s17 =	simm.s32 $0x2B80;
	[sflag:s24] =	ssyncadd.s32 $0xFFFFF800  }
0x18a: {  	[spmem:s2] =	stream.indirect.scatter.add.f32 [tilespmem:s30], [sflag:$0x8], $0x10, s17, s20, $0xb8;
	[tilespmem:$0x11000] =	vst v63  }
0x18b: {  	_ =	swait.ge [sflag:s29], $0x800  }
0x18c: {  	[sflag:s29] =	ssyncset.done $0x0  }
0x18d: {  	s5 =	simm.s32 $0x800;
	s7 =	simm.s32 $0x480;
	[sflag:s29] =	ssyncadd.s32 $0xFFFFF800  }
.LBB2_4:
0x18e: {  	[tilespmem:s22], [sflag:$0x2] =	stream.indirect.gather [hbm4b:s4+s20], $0x10, s7, s20, $0xb8;
	[tilespmem:$0x11000] =	vst v63  }
0x18f: {  	s7 =	smov.u32 s5  }
0x190: {  	p0 =	sne.s32 s5, $0x8800;
	s5 =	sadd.s32 $0x800, s5;
	_ =	swait.ge [sflag:s23], $0x800  }
0x191: {  	s7 =	sshra.s32 s7, $0x2;
	[sflag:s23] =	ssyncset.done $0x0  }
0x192: {  	s17 =	sadd.s32 $0x2A00, s7;
	[sflag:s23] =	ssyncadd.s32 $0xFFFFF800  }
0x193: {  	[spmem:s2] =	stream.indirect.scatter.add.f32 [tilespmem:s21], [sflag:$0x5], $0x10, s17, s20, $0xb8;
	[tilespmem:$0x11000] =	vst v63  }
0x194: {  	_ =	swait.ge [sflag:s0], $0x800  }
0x195: {  	[sflag:s0] =	ssyncset.done $0x0  }
0x196: {  	s17 =	sadd.s32 $0x300, s7;
	[sflag:s0] =	ssyncadd.s32 $0xFFFFF800  }
0x197: {  	[tilespmem:s25], [sflag:$0x3] =	stream.indirect.gather [hbm4b:s4+s20], $0x10, s17, s20, $0xb8;
	[tilespmem:$0x11000] =	vst v63  }
0x198: {  	_ =	swait.ge [sflag:s26], $0x800  }
0x199: {  	[sflag:s26] =	ssyncset.done $0x0  }
0x19a: {  	s17 =	sadd.s32 $0x2A80, s7;
	[sflag:s26] =	ssyncadd.s32 $0xFFFFF800  }
0x19b: {  	[spmem:s2] =	stream.indirect.scatter.add.f32 [tilespmem:s22], [sflag:$0x6], $0x10, s17, s20, $0xb8;
	[tilespmem:$0x11000] =	vst v63  }
0x19c: {  	_ =	swait.ge [sflag:s18], $0x800  }
0x19d: {  	[sflag:s18] =	ssyncset.done $0x0  }
0x19e: {  	s17 =	sadd.s32 $0x380, s7;
	[sflag:s18] =	ssyncadd.s32 $0xFFFFF800  }
0x19f: {  	[tilespmem:s30], [sflag:$0x4] =	stream.indirect.gather [hbm4b:s4+s20], $0x10, s17, s20, $0xb8;
	[tilespmem:$0x11000] =	vst v63  }
0x1a0: {  	_ =	swait.ge [sflag:s31], $0x800  }
0x1a1: {  	[sflag:s31] =	ssyncset.done $0x0  }
0x1a2: {  	s17 =	sadd.s32 $0x2B00, s7;
	[sflag:s31] =	ssyncadd.s32 $0xFFFFF800  }
0x1a3: {  	[spmem:s2] =	stream.indirect.scatter.add.f32 [tilespmem:s25], [sflag:$0x7], $0x10, s17, s20, $0xb8;
	[tilespmem:$0x11000] =	vst v63  }
0x1a4: {  	_ =	swait.ge [sflag:s1], $0x800  }
0x1a5: {  	[sflag:s1] =	ssyncset.done $0x0  }
0x1a6: {  	s17 =	sadd.s32 $0x400, s7;
	[sflag:s1] =	ssyncadd.s32 $0xFFFFF800  }
0x1a7: {  	[tilespmem:s21], [sflag:$0x1] =	stream.indirect.gather [hbm4b:s4+s20], $0x10, s17, s20, $0xb8;
	[tilespmem:$0x11000] =	vst v63  }
0x1a8: {  	_ =	swait.ge [sflag:s24], $0x800  }
0x1a9: {  	[sflag:s24] =	ssyncset.done $0x0  }
.Ltmp1:
0x1aa: {  	s17 =	sadd.s32 $0x2B80, s7;
	[sflag:s24] =	ssyncadd.s32 $0xFFFFF800;
	(pc) =	sbr.rel @p0 .LBB2_4-.Ltmp1, $4  }
0x1ab: {  	[spmem:s2] =	stream.indirect.scatter.add.f32 [tilespmem:s30], [sflag:$0x8], $0x10, s17, s20, $0xb8;
	[tilespmem:$0x11000] =	vst v63  }
0x1ac: {  	_ =	swait.ge [sflag:s29], $0x800  }
0x1ad: {  	[sflag:s29] =	ssyncset.done $0x0  }
0x1ae: {  	s7 =	sadd.s32 $0x480, s7;
	[sflag:s29] =	ssyncadd.s32 $0xFFFFF800  }
0x1af: {  	[tilespmem:s22], [sflag:$0x2] =	stream.indirect.gather [hbm4b:s4+s20], $0x10, s7, s20, $0xb8;
	[tilespmem:$0x11000] =	vst v63  }
0x1b0: {  	_ =	swait.ge [sflag:s23], $0x800  }
0x1b1: {  	[sflag:s23] =	ssyncset.done $0x0  }
0x1b2: {  	s5 =	simm.s32 $0x4E00;
	[sflag:s23] =	ssyncadd.s32 $0xFFFFF800  }
0x1b3: {  	[spmem:s2] =	stream.indirect.scatter.add.f32 [tilespmem:s21], [sflag:$0x5], $0x10, s5, s20, $0xb8;
	[tilespmem:$0x11000] =	vst v63  }
0x1b4: {  	_ =	swait.ge [sflag:s0], $0x800  }
0x1b5: {  	[sflag:s0] =	ssyncset.done $0x0  }
0x1b6: {  	s17 =	simm.s32 $0x2700;
	[sflag:s0] =	ssyncadd.s32 $0xFFFFF800  }
0x1b7: {  	[tilespmem:s25], [sflag:$0x3] =	stream.indirect.gather [hbm4b:s4+s20], $0x10, s17, s20, $0xb8;
	[tilespmem:$0x11000] =	vst v63  }
0x1b8: {  	_ =	swait.ge [sflag:s26], $0x800  }
0x1b9: {  	[sflag:s26] =	ssyncset.done $0x0  }
0x1ba: {  	s7 =	simm.s32 $0x4E80;
	[sflag:s26] =	ssyncadd.s32 $0xFFFFF800  }
0x1bb: {  	[spmem:s2] =	stream.indirect.scatter.add.f32 [tilespmem:s22], [sflag:$0x6], $0x10, s7, s20, $0xb8;
	[tilespmem:$0x11000] =	vst v63  }
0x1bc: {  	_ =	swait.ge [sflag:s18], $0x800  }
0x1bd: {  	[sflag:s18] =	ssyncset.done $0x0  }
0x1be: {  	s17 =	simm.s32 $0x2780;
	[sflag:s18] =	ssyncadd.s32 $0xFFFFF800  }
0x1bf: {  	[tilespmem:s30], [sflag:$0x4] =	stream.indirect.gather [hbm4b:s4+s20], $0x10, s17, s20, $0xb8;
	[tilespmem:$0x11000] =	vst v63  }
0x1c0: {  	_ =	swait.ge [sflag:s31], $0x800  }
0x1c1: {  	[sflag:s31] =	ssyncset.done $0x0  }
0x1c2: {  	s7 =	simm.s32 $0x4F00;
	[sflag:s31] =	ssyncadd.s32 $0xFFFFF800  }
0x1c3: {  	[spmem:s2] =	stream.indirect.scatter.add.f32 [tilespmem:s25], [sflag:$0x7], $0x10, s7, s20, $0xb8;
	[tilespmem:$0x11000] =	vst v63  }
0x1c4: {  	_ =	swait.ge [sflag:s24], $0x800  }
0x1c5: {  	[sflag:s24] =	ssyncset.done $0x0  }
0x1c6: {  	s17 =	simm.s32 $0x4F80;
	[sflag:s24] =	ssyncadd.s32 $0xFFFFF800  }
0x1c7: {  	[spmem:s2] =	stream.indirect.scatter.add.f32 [tilespmem:s30], [sflag:$0x8], $0x10, s17, s20, $0xb8;
	[tilespmem:$0x11000] =	vst v63  }
0x1c8: {  	_ =	swait.ge [sflag:s1], $0x800  }
0x1c9: {  	[sflag:s1] =	ssyncset.done $0x0  }
0x1ca: {  	[sflag:s1] =	ssyncadd.s32 $0xFFFFF800  }
0x1cb: {  	_ =	swait.ge [sflag:s29], $0x800  }
0x1cc: {  	[sflag:s29] =	ssyncset.done $0x0  }
0x1cd: {  	[sflag:s29] =	ssyncadd.s32 $0xFFFFF800  }
0x1ce: {  	_ =	swait.ge [sflag:s0], $0x800  }
0x1cf: {  	[sflag:s0] =	ssyncset.done $0x0  }
0x1d0: {  	[sflag:s0] =	ssyncadd.s32 $0xFFFFF800  }
0x1d1: {  	_ =	swait.ge [sflag:s18], $0x800  }
0x1d2: {  	s28 =	sadd.s32 $0x1, s28;
	[sflag:s18] =	ssyncset.done $0x0  }
0x1d3: {  	p0 =	sne.s32 s28, s13;
	[sflag:s18] =	ssyncadd.s32 $0xFFFFF800  }
.Ltmp2:
0x1d4: {  	[bflag:$0x0] =	sbarrier.arrive $0xFFFF;
	(pc) =	sbr.rel @p0 .LBB2_1-.Ltmp2, $4  }
0x1d5: {  	[hbm:s12], [sflag:s6] =	dma.local [spmem:s14], $0x500  }
0x1d6: {  	_ =	swait.ge [sflag:s15], $0x500  }
0x1d7: {  	[sflag:s15] =	ssyncset.done $0x0  }
0x1d8: {  	[sflag:s15] =	ssyncadd.s32 $0xFFFFFB00  }
0x1d9: {  	_ =	sfence.sel $0x180000  }
0x1da: {  	[bflag:$0x0] =	sbarrier.arrive $0xFFFF  }
0x1db: {  	_ =	strace $0x9000004A  }
0x1dc: {  	s0 =	stileid.u32;
	[bflag:$0x2] =	sbarrier.arrive $0xFFFF  }
0x1dd: {  	p0 =	sne.s32 s0, $0x0;
	s0 =	rddreg [dreg:$0x2]  }
0x1de: {  	s0 =	sadd.s32 @!p0 $0x100000, s0  }
0x1df: {  	[sflag:s0] =	ssyncadd.tile.s32 @!p0 $0x1;
	_ =	shalt  }
.Lfunc_end2:
_tile_overlayer_lowered:
.L_overlay_start_2:
0x1e0: {  	(tag) =	ssettag $0x2  }
0x1e1: {  	s0 =	rddreg [dreg:$0x0];
	s2 =	stileid.u32  }
0x1e2: {  	s1 =	rddreg [dreg:$0x1];
	p0 =	sne.s32 s2, $0x0  }
0x1e3: {  	s3 =	rddreg [dreg:$0x2];
	[bflag:$0x3] =	sbarrier.arrive $0xFFFF;
	s2 =	simm.s32 @!p0 $0x1C09  }
0x1e4: {  	[timem:s3], [sflag:s2] =	dma.local @!p0 [hbm:s0], s1  }
0x1e5: {  	s0 =	simm.s32 @!p0 $0x9  }
0x1e6: {  	_ =	swait.ge @!p0 [sflag:s0], s1  }
0x1e7: {  	s1 =	ssub.s32 @!p0 $0x0, s1;
	[sflag:s0] =	ssyncset.done @!p0 $0x0  }
0x1e8: {  	[sflag:s0] =	ssyncadd.s32 @!p0 s1  }
0x1e9: {  	[bflag:$0x3] =	sbarrier.arrive $0xFFFF  }
0x1ea: {  	_ =	shalt  }

// kernel: kernel.13.cloned.1.call-start
scs
__scs_entry_jumppad:
0x0: {  	(pc) =	sbr.rel $0x88, $3  }
0x1: {  	(tag) =	ssettag $0x0;
	lr =	simm.s32 $0x1  }
0x2: {  	[smem:$0x3F98] =	sst lr;
	_ =	strace $0xD0000000  }
0x3: {  	_ = 	snop  }
0x4: {  	_ = 	snop  }
0x5: {  	_ = 	snop  }
0x6: {  	_ = 	snop  }
0x7: {  	_ = 	snop  }
__scs_overlays_trampoline_lowered:
0x8: {  	[smem:$0x3FA7] =	sst s0  }
0x9: {  	[smem:$0x3FA8] =	sst s1  }
0xa: {  	[smem:$0x3FA9] =	sst s2  }
0xb: {  	[smem:$0x3FAA] =	sst s3  }
0xc: {  	[smem:$0x3FAB] =	sst s4  }
0xd: {  	[smem:$0x3FAC] =	sst s5  }
0xe: {  	[smem:$0x3FAD] =	sst s6  }
0xf: {  	[smem:$0x3FAE] =	sst s7  }
0x10: {  	[smem:$0x3FAF] =	sst s8  }
0x11: {  	[smem:$0x3FB0] =	sst s9;
	s0 =	simm.s32 @!p0 $0x0  }
0x12: {  	s1 =	sld [smem:$0x3F96];
	s0 =	simm.s32 @p0 $0x1  }
0x13: {  	[smem:$0x3FB1] =	sst s0;
	s0 =	simm.s32 @!p1 $0x0  }
0x14: {  	s2 =	sld [smem:$0x3F95];
	s0 =	simm.s32 @p1 $0x1  }
0x15: {  	[smem:$0x3FB2] =	sst s0;
	s0 =	simm.s32 @!p2 $0x0  }
0x16: {  	s3 =	sld [smem:$0x3FDB];
	s0 =	simm.s32 @p2 $0x1  }
0x17: {  	s4 =	simm.s32 $0x1BF5;
	[smem:$0x3FB4] =	sst s0  }
0x18: {  	s0 =	sld [smem:$0x3F97];
	_ =	swait.ge [sflag:s4], $0x0  }
0x19: {  	s7 =	sld [smem:$0x3F98]  }
0x1a: {  	s8 =	sadd.s32 $0xFFFFE003, lr  }
0x1b: {  	s9 =	sadd.s32 $0xFFFFFEF7, lr;
	s5 =	simm.s32 $0xFFFFFFFF;
	p2 =	slt.u32 s8, $0xFFFFF086  }
0x1c: {  	p1 =	slt.u32 s9, $0xF7A;
	s5 =	simm.s32 @!p2 $0x0  }
0x1d: {  	s5 =	simm.s32 @p1 $0x1;
	p0 =	seq.s32 s7, s2  }
0x1e: {  	s7 =	smul.u32 @!p0 $0xF7A, s2;
	p2 =	seq.s32 @!p0 s5, $0x0  }
0x1f: {  	s9 =	smul.u32 $0xF7A, s1;
	s8 =	simm.s32 @!p0 $0x1BF5;
	p2 =	por !p2, p0  }
0x20: {  	[sflag:s8] =	ssyncset.s32 @!p0 $0xFFFFF086;
	s6 =	sadd.s32 @!p0 s3, s7;
	s7 =	simm.s32 @!p0 $0x108  }
0x21: {  	s3 =	sadd.s32 s3, s9;
	s6 =	sadd.s32 @!p0 $0x88, s6;
	s7 =	simm.s32 @p2 $0x1082  }
0x22: {  	[simem:s7], [sflag:s8] =	dma.local @!p0 [hbm:s6], $0xF7A  }
0x23: {  	s9 =	sor.u32 $0xD0000000, s2;
	s6 =	simm.s32 $0x108;
	_ =	swait.ge @!p0 [sflag:s8], $0x0  }
0x24: {  	s3 =	sadd.s32 $0x88, s3;
	s6 =	simm.s32 @!p1 $0x1082;
	[sflag:s4] =	ssyncset.s32 $0xFFFFF086  }
0x25: {  	[simem:s6], [sflag:s4] =	dma.local [hbm:s3], $0xF7A  }
0x26: {  	[smem:$0x3F98] =	sst s1;
	(tag) =	ssettag s2;
	_ =	strace s9  }
0x27: {  	s1 =	sld [smem:$0x3FA8]  }
0x28: {  	s2 =	sld [smem:$0x3FA9]  }
0x29: {  	s4 =	sld [smem:$0x3FAB]  }
0x2a: {  	p0 =	seq.s32 s5, $0x0;
	s5 =	sld [smem:$0x3FAC]  }
0x2b: {  	s6 =	sld [smem:$0x3FAD]  }
0x2c: {  	s7 =	sld [smem:$0x3FAE]  }
0x2d: {  	s3 =	simm.s32 $0x108;
	s8 =	sld [smem:$0x3FAF]  }
0x2e: {  	s3 =	simm.s32 @!p0 $0x1082;
	s9 =	sld [smem:$0x3FB0]  }
0x2f: {  	lr =	sadd.s32 s0, s3;
	s0 =	sld [smem:$0x3FA7]  }
0x30: {  	s3 =	sld [smem:$0x3FAA]  }
0x31: {  	[smem:$0x3FB3] =	sst s10  }
0x32: {  	s10 =	sld [smem:$0x3FB1];
	_ =	sdelay $0x3  }
0x33: {  	p0 =	seq.s32 s10, $0x1;
	s10 =	sld [smem:$0x3FB3];
	_ =	sdelay $0x3  }
0x34: {  	[smem:$0x3FB3] =	sst s10  }
0x35: {  	s10 =	sld [smem:$0x3FB2];
	_ =	sdelay $0x3  }
0x36: {  	p1 =	seq.s32 s10, $0x1;
	s10 =	sld [smem:$0x3FB3];
	_ =	sdelay $0x3  }
0x37: {  	[smem:$0x3FB3] =	sst s10  }
0x38: {  	s10 =	sld [smem:$0x3FB4]  }
0x39: {  	_ = 	snop;
	(pc) =	sbr.ind lr, $3  }
0x3a: {  	_ = 	snop  }
0x3b: {  	_ = 	snop  }
0x3c: {  	p2 =	seq.s32 s10, $0x1;
	s10 =	sld [smem:$0x3FB3]  }
0x3d: {  	_ =	shalt  }
0x3e: {  	_ =	shalt  }
0x3f: {  	_ =	shalt  }
0x40: {  	_ =	shalt  }
0x41: {  	_ =	shalt  }
0x42: {  	_ =	shalt  }
0x43: {  	_ =	shalt  }
0x44: {  	_ =	shalt  }
0x45: {  	_ =	shalt  }
0x46: {  	_ =	shalt  }
0x47: {  	_ =	shalt  }
0x48: {  	_ =	shalt  }
0x49: {  	_ =	shalt  }
0x4a: {  	_ =	shalt  }
0x4b: {  	_ =	shalt  }
0x4c: {  	_ =	shalt  }
0x4d: {  	_ =	shalt  }
0x4e: {  	_ =	shalt  }
0x4f: {  	_ =	shalt  }
0x50: {  	_ =	shalt  }
0x51: {  	_ =	shalt  }
0x52: {  	_ =	shalt  }
0x53: {  	_ =	shalt  }
0x54: {  	_ =	shalt  }
0x55: {  	_ =	shalt  }
0x56: {  	_ =	shalt  }
0x57: {  	_ =	shalt  }
0x58: {  	_ =	shalt  }
0x59: {  	_ =	shalt  }
0x5a: {  	_ =	shalt  }
0x5b: {  	_ =	shalt  }
0x5c: {  	_ =	shalt  }
0x5d: {  	_ =	shalt  }
0x5e: {  	_ =	shalt  }
0x5f: {  	_ =	shalt  }
0x60: {  	_ =	shalt  }
0x61: {  	_ =	shalt  }
0x62: {  	_ =	shalt  }
0x63: {  	_ =	shalt  }
0x64: {  	_ =	shalt  }
0x65: {  	_ =	shalt  }
0x66: {  	_ =	shalt  }
0x67: {  	_ =	shalt  }
0x68: {  	_ =	shalt  }
0x69: {  	_ =	shalt  }
0x6a: {  	_ =	shalt  }
0x6b: {  	_ =	shalt  }
0x6c: {  	_ =	shalt  }
0x6d: {  	_ =	shalt  }
0x6e: {  	_ =	shalt  }
0x6f: {  	_ =	shalt  }
0x70: {  	_ =	shalt  }
0x71: {  	_ =	shalt  }
0x72: {  	_ =	shalt  }
0x73: {  	_ =	shalt  }
0x74: {  	_ =	shalt  }
0x75: {  	_ =	shalt  }
0x76: {  	_ =	shalt  }
0x77: {  	_ =	shalt  }
0x78: {  	_ =	shalt  }
0x79: {  	_ =	shalt  }
0x7a: {  	_ =	shalt  }
0x7b: {  	_ =	shalt  }
0x7c: {  	_ =	shalt  }
0x7d: {  	_ =	shalt  }
0x7e: {  	_ =	shalt  }
0x7f: {  	_ =	shalt  }
0x80: {  	_ =	shalt  }
0x81: {  	_ =	shalt  }
0x82: {  	_ =	shalt  }
0x83: {  	_ =	shalt  }
0x84: {  	_ =	shalt  }
0x85: {  	_ =	shalt  }
0x86: {  	_ =	shalt  }
0x87: {  	_ =	shalt  }
.Lfunc_end0:
.L_simem_size_0:
called_computation.2_lowered:
.L_overlay_start_0:
0x88: {  	s2 =	sld [smem:$0x3FD9]  }
0x89: {  	s3 =	sld [smem:$0x3FFE];
	_ =	sdelay $0x1  }
0x8a: {  	s1 =	srdreg.scid  }
0x8b: {  	s0 =	sand.u32 $0x1, s1  }
0x8c: {  	s17 =	sshll.u32 s0, $0xA;
	s2 =	sadd.s32 s3, s2  }
0x8d: {  	s2 =	sadd.s32 s2, s17  }
0x8e: {  	[smem:$0x3FBF] =	sst s2  }
0x8f: {  	_ = 	snop  }
0x90: {  	s2 =	sld [smem:$0x3FC5];
	(tm) =	ssettm $0x1  }
0x91: {  	s18 =	sld [smem:$0x3FFB];
	_ =	sdelay $0x3  }
0x92: {  	_ =	strace s18  }
0x93: {  	s3 =	sld [smem:$0x3FFC];
	_ =	sdelay $0x3  }
0x94: {  	_ =	strace s3  }
0x95: {  	s3 =	sld [smem:$0x3FFD];
	_ =	sdelay $0x3  }
0x96: {  	_ =	strace s3  }
0x97: {  	_ =	strace $0x8FFFFFFF  }
0x98: {  	s19 =	sld [smem:$0x3FDB];
	_ =	sdelay $0x1  }
0x99: {  	s4 =	simm.s32 $_scs_section_size  }
0x9a: {  	s5 =	simm.s32 $_size__tile_overlayer_lowered;
	s6 =	simm.s32 $_tile_overlayer_lowered  }
0x9b: {  	s22 =	simm.s32 $0x1BFF;
	s21 =	sshll.u32 s6, $0x1;
	s3 =	sadd.s32 s4, s19  }
0x9c: {  	s7 =	simm.s32 $0x0;
	s20 =	sshll.u32 s5, $0x1;
	s5 =	sadd.s32 s21, s3  }
0x9d: {  	[timem:s7], [sflag:s22] =	dma.local [hbm:s5], s20  }
0x9e: {  	_ =	swait.ge [sflag:s22], s20  }
0x9f: {  	s4 =	ssub.s32 $0x0, s20;
	[sflag:s22] =	ssyncset.done $0x0  }
0xa0: {  	[sflag:s22] =	ssyncadd.s32 s4;
	_ =	sdelay $0x1  }
0xa1: {  	s23 =	simm.s32 $0x1B8B  }
0xa2: {  	_ =	swait.ge [sflag:s23], $0x1  }
0xa3: {  	[sflag:s23] =	ssyncset.done $0x0  }
0xa4: {  	s25 =	simm.s32 $0x1B8E;
	s24 =	sld [smem:$0x3FFE];
	[sflag:s23] =	ssyncadd.s32 $0xFFFFFFFF  }
0xa5: {  	s26 =	simm.s32 $execute0_lowered;
	[smem:$0x3FD2] =	sst s25  }
0xa6: {  	s5 =	sshll.u32 s26, $0x1;
	_ =	strace $0x8000004C;
	[dreg:$0x1] =	wrdreg $0xFFFFFFFF  }
0xa7: {  	s28 =	simm.s32 $_size_execute0_lowered;
	s3 =	sadd.s32 s3, s5;
	[dreg:$0x0] =	wrdreg $0x0  }
0xa8: {  	s5 =	sshll.u32 s28, $0x1;
	[dreg:$0x2] =	wrdreg s3  }
0xa9: {  	[dreg:$0x3] =	wrdreg s5  }
0xaa: {  	[dreg:$0x4] =	wrdreg $0xC0  }
0xab: {  	_ =	task [dreg:s7], $0x5FFFF  }
0xac: {  	[dreg:$0x1] =	wrdreg $0xFFFFFFFF  }
0xad: {  	[dreg:$0x0] =	wrdreg $0x60  }
0xae: {  	[dreg:$0x2] =	wrdreg s24  }
0xaf: {  	[dreg:$0x3] =	wrdreg s2  }
0xb0: {  	[dreg:$0x4] =	wrdreg $0x138100  }
0xb1: {  	[dreg:$0x5] =	wrdreg $0x9  }
0xb2: {  	_ =	task.clear_ibuf [dreg:s7], $0x6FFFF;
	_ =	strace $0x9000004C  }
0xb3: {  	s29 =	simm.s32 $0x9;
	_ =	strace $0x8000004E  }
0xb4: {  	_ =	swait.ge [sflag:s29], $0x1  }
0xb5: {  	[sflag:s29] =	ssyncadd.s32 $0xFFFFFFFF  }
0xb6: {  	_ =	strace $0x9000004E  }
0xb7: {  	_ =	sfence  }
0xb8: {  	s30 =	sld [smem:$0x0];
	_ =	sdelay $0x2  }
0xb9: {  	s31 =	sshll.u32 s1, $0xD;
	s1 =	sshrl.u32 s1, $0x2  }
0xba: {  	s3 =	sand.u32 $0x4000, s31;
	s1 =	sadd.s32 s1, s30  }
0xbb: {  	s0 =	sor.u32 s3, s0;
	s1 =	sshll.u32 s1, $0x11  }
0xbc: {  	s0 =	sor.u32 s1, s0  }
0xbd: {  	s0 =	sadd.s32 $0x8F2B, s0  }
0xbe: {  	[sflag:s0] =	ssyncadd.remote.s32 $0x1  }
0xbf: {  	_ =	sfence.sel $0xFFFF  }
0xc0: {  	[dreg:$0x0] =	wrdreg $0xFFFFFFFF;
	(pc) =	sbr.abs _section_cstart, $3  }
0xc1: {  	[dreg:$0x1] =	wrdreg $0xFFFFFFFF  }
0xc2: {  	_ =	task.clear_ibuf [dreg:s7], $0x2FFFF;
	_ =	strace $0x9FFFFFFF  }
0xc3: {  	(tm) =	ssettm $0x7FFFFFFF  }
tec
execute0_lowered:
.L_overlay_start_1:
0x0: {  	(tag) =	ssettag $0x1  }
0x1: {  	s0 =	rddreg [dreg:$0x0]  }
0x2: {  	s3 =	rddreg [dreg:$0x2];
	s4 =	simm.s32 $0x0  }
0x3: {  	s12 =	stileid.u32;
	s1 =	srdreg.scid;
	s28 =	simm.s32 $0x5000  }
0x4: {  	s29 =	simm.s32 $0x5800;
	s30 =	simm.s32 $0x1;
	s31 =	simm.s32 $0x5  }
0x5: {  	[smem:$0x7FF] =	sst s4;
	s2 =	smul.u32 $0x280, s12;
	s1 =	sand.u32 $0x1, s1  }
0x6: {  	s6 =	smul.u32 $0x2800, s12;
	s21 =	sshll.u32 s12, $0x6;
	_ =	strace $0x8000004D  }
0x7: {  	s5 =	sshll.u32 s1, $0x4;
	s8 =	smul.u32 $0x28000, s1;
	s17 =	ssub.s32 $0x2, s1  }
0x8: {  	s1 =	smul.u32 $0x2800, s1;
	s7 =	sshrl.u32 s2, $0x3;
	s5 =	sor.u32 s12, s5  }
0x9: {  	s15 =	sshrl.u32 s6, $0x3;
	s19 =	sshrl.u32 s17, $0x1;
	s9 =	sadd.s32 s7, s0  }
0xa: {  	s5 =	smul.u32 $0x500, s5;
	s10 =	sadd.s32 s15, s0;
	s16 =	sadd.s32 s6, s8  }
0xb: {  	s20 =	ssub.s32 s17, s19;
	s6 =	sadd.s32 s6, s3;
	s7 =	sor.u32 $0x1C09, s21  }
0xc: {  	s1 =	sadd.s32 s2, s1;
	s19 =	simm.s32 $0x2800;
	s21 =	simm.s32 $0x4  }
0xd: {  	s2 =	simm.s32 $0x6;
	s8 =	simm.s32 $0x0;
	s18 =	sshrl.u32 s16, $0x3  }
0xe: {  	s22 =	sadd.s32 $0x25600, s10;
	s25 =	sadd.s32 $0xC600, s9;
	s26 =	sadd.s32 $0x16600, s10  }
0xf: {  	s12 =	sadd.s32 $0x34600, s10;
	s1 =	sshll.u32 s1, $0x1;
	s13 =	sadd.s32 $0x39600, s10  }
0x10: {  	s16 =	smax.u32 s20, $0x1;
	s17 =	sshrl.u32 s6, $0x3;
	s20 =	simm.s32 $0x280  }
0x11: {  	s6 =	simm.s32 $0x8;
	s11 =	sadd.s32 s5, s0;
	[dreg:$0x4] =	wrdreg s22  }
0x12: {  	v0 =	vimm.s32 $0x1;
	s15 =	sadd.s32 s18, s0;
	s5 =	sadd.s32 $0x2A600, s0;
	[dreg:$0x7] =	wrdreg s25  }
0x13: {  	v1 =	vimm.s32 $0x0;
	v2 =	vimm.s32 $0x2;
	v3 =	vimm.s32 $0x3;
	[dreg:$0x8] =	wrdreg s26;
	s18 =	simm.s32 $0x9;
	s22 =	simm.s32 $0xC000  }
0x14: {  	v4 =	vimm.s32 $0x4;
	v5 =	vimm.s32 $0x5;
	v6 =	vimm.s32 $0x6;
	s26 =	simm.s32 $0x80;
	s0 =	simm.s32 $0x6000;
	s25 =	simm.s32 $0x7  }
0x15: {  	v7 =	vimm.s32 $0x7;
	v8 =	vimm.s32 $0x8;
	v9 =	vimm.s32 $0x9;
	s23 =	sadd.s32 $0x1B600, s11;
	s24 =	sadd.s32 $0x2600, s11;
	s14 =	sadd.s32 s5, s1  }
0x16: {  	v10 =	vimm.s32 $0xA;
	v11 =	vimm.s32 $0xB;
	v12 =	vimm.s32 $0xC;
	s15 =	sadd.s32 $0x3E600, s15;
	s1 =	simm.s32 $0x2;
	[dreg:$0x5] =	wrdreg s23  }
0x17: {  	v13 =	vimm.s32 $0xD;
	v14 =	vimm.s32 $0xE;
	v15 =	vimm.s32 $0xF;
	[dreg:$0x6] =	wrdreg s24;
	s23 =	simm.s32 $0x6800;
	s24 =	simm.s32 $0x3  }
.LBB2_1:
0x18: {  	s9 =	rddreg [dreg:$0x4]  }
0x19: {  	[spmem:s17], [sflag:s7] =	dma.local [hbm:s9], $0x500  }
0x1a: {  	_ =	swait.ge [sflag:s18], $0x500  }
0x1b: {  	[sflag:s18] =	ssyncset.done $0x0  }
0x1c: {  	s11 =	rddreg [dreg:$0x5];
	[sflag:s18] =	ssyncadd.s32 $0xFFFFFB00  }
0x1d: {  	[tilespmem:s4], [sflag:$0x9] =	stream.linear.gather [hbm4b:s11+s4], $0x2800, $0x38;
	[tilespmem:$0x16010] =	vst v63  }
0x1e: {  	_ =	swait.ge [sflag:s18], $0x2800  }
0x1f: {  	[sflag:s18] =	ssyncset.done $0x0  }
0x20: {  	s10 =	rddreg [dreg:$0x6];
	[sflag:s18] =	ssyncadd.s32 $0xFFFFD800  }
0x21: {  	[tilespmem:s19], [sflag:$0x9] =	stream.linear.gather [hbm4b:s10+s4], $0x2800, $0x38;
	[tilespmem:$0x16010] =	vst v63  }
0x22: {  	_ =	swait.ge [sflag:s18], $0x2800  }
0x23: {  	[sflag:s18] =	ssyncset.done $0x0  }
0x24: {  	s10 =	simm.s32 $0x7000;
	s11 =	rddreg [dreg:$0x7];
	[sflag:s18] =	ssyncadd.s32 $0xFFFFD800  }
0x25: {  	[tilespmem:s10], [sflag:$0x9] =	stream.strided.gather [hbm4b:s11+s20], $0x5000, s19, s20, $0x38;
	[tilespmem:$0x16010] =	vst v63  }
0x26: {  	_ =	swait.ge [sflag:s18], $0x5000  }
0x27: {  	[sflag:s18] =	ssyncset.done $0x0  }
0x28: {  	s11 =	rddreg [dreg:$0x8];
	[sflag:s18] =	ssyncadd.s32 $0xFFFFB000  }
0x29: {  	[tilespmem:s22], [sflag:$0x9] =	stream.linear.gather [hbm4b:s11+s4], $0x2800, $0x38;
	[tilespmem:$0x16010] =	vst v63  }
0x2a: {  	_ =	swait.ge [sflag:s18], $0x2800  }
0x2b: {  	[sflag:s18] =	ssyncset.done $0x0  }
0x2c: {  	s20 =	simm.s32 $0xE800;
	[sflag:s18] =	ssyncadd.s32 $0xFFFFD800  }
0x2d: {  	[tilespmem:s20], [sflag:$0x9] =	stream.linear.gather [hbm4b:s12+s4], $0x2800, $0x38;
	[tilespmem:$0x16010] =	vst v63  }
0x2e: {  	_ =	swait.ge [sflag:s18], $0x2800  }
0x2f: {  	[sflag:s18] =	ssyncset.done $0x0  }
0x30: {  	s10 =	simm.s32 $0x11000;
	[sflag:s18] =	ssyncadd.s32 $0xFFFFD800  }
0x31: {  	[tilespmem:s10], [sflag:$0x9] =	stream.linear.gather [hbm4b:s13+s4], $0x2800, $0x38;
	[tilespmem:$0x16010] =	vst v63  }
0x32: {  	_ =	swait.ge [sflag:s18], $0x2800  }
0x33: {  	[sflag:s18] =	ssyncset.done $0x0  }
0x34: {  	[sflag:s18] =	ssyncadd.s32 $0xFFFFD800  }
0x35: {  	s20 =	simm.s32 $0x13800;
	s11 =	rddreg [dreg:$0x1]  }
0x36: {  	[tilespmem:s20], [sflag:$0x9] =	stream.linear.gather [hbm4b:s11+s4], $0x10, $0x38;
	[tilespmem:$0x16010] =	vst v63  }
0x37: {  	_ =	swait.ge [sflag:s18], $0x10  }
0x38: {  	s9 =	simm.s32 $0x110F0;
	[sflag:s18] =	ssyncset.done $0x0  }
0x39: {  	s10 =	simm.s32 $0xC080;
	s11 =	simm.s32 $0x0;
	[sflag:s18] =	ssyncadd.s32 $0xFFFFFFF0  }
.LBB2_2:
0x3a: {  	s20 =	sshra.s32 s11, $0x2  }
0x3b: {  	v16 =	vld [tilespmem:s20+$0x7000]  }
0x3c: {  	v17 =	vld [tilespmem:s20+$0x7280];
	_ =	sdelay $0x1  }
0x3d: {  	v18 =	vld [tilespmem:s20+$0x7500];
	_ =	sdelay $0x1  }
0x3e: {  	v19 =	vld [tilespmem:s20+$0x7780]  }
0x3f: {  	v16 =	vadd.f32 v17, v16  }
0x40: {  	v17 =	vld [tilespmem:s20+$0x7A00]  }
0x41: {  	v16 =	vadd.f32 v18, v16  }
0x42: {  	v23 =	vld [tilespmem:s20+$0x7C80]  }
0x43: {  	v16 =	vadd.f32 v19, v16  }
0x44: {  	v24 =	vld [tilespmem:s20+$0x7F00]  }
0x45: {  	v16 =	vadd.f32 v17, v16  }
0x46: {  	v17 =	vld [tilespmem:s20+$0x8180]  }
0x47: {  	v16 =	vadd.f32 v23, v16  }
0x48: {  	v25 =	vld [tilespmem:s20+$0x8400]  }
0x49: {  	v16 =	vadd.f32 v24, v16  }
0x4a: {  	v26 =	vld [tilespmem:s20+$0x8680]  }
0x4b: {  	v16 =	vadd.f32 v17, v16  }
0x4c: {  	v17 =	vld [tilespmem:s20+$0x8900]  }
0x4d: {  	v16 =	vadd.f32 v25, v16  }
0x4e: {  	v27 =	vld [tilespmem:s20+$0x8B80]  }
0x4f: {  	v16 =	vadd.f32 v26, v16  }
0x50: {  	v28 =	vld [tilespmem:s20+$0x8E00]  }
0x51: {  	v16 =	vadd.f32 v17, v16  }
0x52: {  	v17 =	vld [tilespmem:s20+$0x9080]  }
0x53: {  	v16 =	vadd.f32 v27, v16  }
0x54: {  	v29 =	vld [tilespmem:s20+$0x9300]  }
0x55: {  	v16 =	vadd.f32 v28, v16  }
0x56: {  	v30 =	vld [tilespmem:s20+$0x9580]  }
0x57: {  	v16 =	vadd.f32 v17, v16  }
0x58: {  	v17 =	vld [tilespmem:s20+$0x9800]  }
0x59: {  	v16 =	vadd.f32 v29, v16  }
0x5a: {  	v31 =	vld [tilespmem:s20+$0x9A80]  }
0x5b: {  	v16 =	vadd.f32 v30, v16  }
0x5c: {  	v32 =	vld [tilespmem:s20+$0x9D00]  }
0x5d: {  	v16 =	vadd.f32 v17, v16  }
0x5e: {  	v17 =	vld [tilespmem:s20+$0x9F80]  }
0x5f: {  	v16 =	vadd.f32 v31, v16  }
0x60: {  	v33 =	vld [tilespmem:s20+$0xA200]  }
0x61: {  	v16 =	vadd.f32 v32, v16  }
0x62: {  	v34 =	vld [tilespmem:s20+$0xA480]  }
0x63: {  	v16 =	vadd.f32 v17, v16  }
0x64: {  	v17 =	vld [tilespmem:s20+$0xA700]  }
0x65: {  	v16 =	vadd.f32 v33, v16  }
0x66: {  	v35 =	vld [tilespmem:s20+$0xA980]  }
0x67: {  	v16 =	vadd.f32 v34, v16  }
0x68: {  	v36 =	vld [tilespmem:s20+$0xAC00]  }
0x69: {  	v16 =	vadd.f32 v17, v16  }
0x6a: {  	v17 =	vld [tilespmem:s20+$0xAE80]  }
0x6b: {  	v16 =	vadd.f32 v35, v16  }
0x6c: {  	v37 =	vld [tilespmem:s20+$0xB100]  }
0x6d: {  	v16 =	vadd.f32 v36, v16  }
0x6e: {  	v38 =	vld [tilespmem:s20+$0xB380]  }
0x6f: {  	v16 =	vadd.f32 v17, v16  }
0x70: {  	v17 =	vld [tilespmem:s20+$0xB600]  }
0x71: {  	v16 =	vadd.f32 v37, v16  }
0x72: {  	v39 =	vld [tilespmem:s20+$0xB880]  }
0x73: {  	v16 =	vadd.f32 v38, v16  }
0x74: {  	v40 =	vld [tilespmem:s20+$0xBB00]  }
0x75: {  	v16 =	vadd.f32 v17, v16  }
0x76: {  	v17 =	vld [tilespmem:s20+$0xBD80]  }
0x77: {  	v16 =	vadd.f32 v39, v16;
	_ =	sdelay $0x1  }
0x78: {  	v16 =	vadd.f32 v40, v16;
	_ =	sdelay $0x1  }
0x79: {  	v16 =	vadd.f32 v17, v16;
	_ =	sdelay $0x1  }
0x7a: {  	v16 =	vadd.f32 $1.000000000e+00, v16;
	_ =	sdelay $0x1  }
0x7b: {  	v17 =	vshra.s32 v16, $0x1;
	v16 =	vmul.f32 $5.000000000e-01, v16  }
0x7c: {  	v17 =	vsub.s32 $0x5F3759DF, v17  }
0x7d: {  	v41 =	vmul.f32 v17, v16;
	_ =	sdelay $0x1  }
0x7e: {  	v18 =	vmul.f32 v17, v41;
	_ =	sdelay $0x1  }
0x7f: {  	v18 =	vsub.f32 $1.500000000e+00, v18;
	_ =	sdelay $0x1  }
0x80: {  	v17 =	vmul.f32 v17, v18;
	_ =	sdelay $0x1  }
0x81: {  	v18 =	vmul.f32 v17, v16;
	_ =	sdelay $0x1  }
0x82: {  	v18 =	vmul.f32 v18, v17;
	_ =	sdelay $0x1  }
0x83: {  	v18 =	vsub.f32 $1.500000000e+00, v18;
	_ =	sdelay $0x1  }
0x84: {  	v17 =	vmul.f32 v18, v17;
	_ =	sdelay $0x1  }
0x85: {  	v16 =	vmul.f32 v17, v16;
	_ =	sdelay $0x1  }
0x86: {  	v16 =	vmul.f32 v16, v17  }
0x87: {  	v42 =	vld [tilespmem:s10+$0xFFFFFF80]  }
0x88: {  	v43 =	vld [tilespmem:s9+$0xFFFFD710];
	v16 =	vsub.f32 $1.500000000e+00, v16  }
0x89: {  	v20 =	vld [tilespmem:s9+$0xFFFFFF10]  }
0x8a: {  	v16 =	vmul.f32 v16, v17;
	_ =	sdelay $0x1  }
0x8b: {  	v17 =	vperm.xlane v16, v1;
	_ =	sdelay $0x1  }
0x8c: {  	v19 =	vadd.f32 v20, v43;
	v18 =	vmul.f32 v42, v17  }
0x8d: {  	v44 =	vld [tilespmem:$0x13800]  }
0x8e: {  	v18 =	vadd.f32 v19, v18;
	_ =	sdelay $0x1  }
0x8f: {  	v18 =	vmul.f32 v18, v17;
	_ =	sdelay $0x1  }
0x90: {  	v18 =	vadd.f32 v18, v44;
	_ =	sdelay $0x1  }
0x91: {  	v18 =	vmax.f32 v18, $0.0e+00  }
0x92: {  	v17 =	vmul.f32 v18, v17;
	_ =	sdelay $0x1  }
0x93: {  	[tilespmem:s10+$0xFFFFFF80] =	vst v17;
	v17 =	vld [tilespmem:s10+$0xFFFFFF90]  }
0x94: {  	v45 =	vld [tilespmem:s9+$0xFFFFD720]  }
0x95: {  	v46 =	vld [tilespmem:s9+$0xFFFFFF20];
	_ =	sdelay $0x2  }
0x96: {  	v47 =	vperm.xlane v16, v0;
	_ =	sdelay $0x1  }
0x97: {  	v17 =	vmul.f32 v17, v47;
	v18 =	vadd.f32 v46, v45  }
0x98: {  	v48 =	vld [tilespmem:$0x13800]  }
0x99: {  	v17 =	vadd.f32 v18, v17;
	_ =	sdelay $0x1  }
0x9a: {  	v17 =	vmul.f32 v17, v47;
	_ =	sdelay $0x1  }
0x9b: {  	v17 =	vadd.f32 v17, v48;
	_ =	sdelay $0x1  }
0x9c: {  	v17 =	vmax.f32 v17, $0.0e+00  }
0x9d: {  	v17 =	vmul.f32 v17, v47;
	_ =	sdelay $0x1  }
0x9e: {  	[tilespmem:s10+$0xFFFFFF90] =	vst v17;
	v17 =	vld [tilespmem:s10+$0xFFFFFFA0]  }
0x9f: {  	v49 =	vld [tilespmem:s9+$0xFFFFD730]  }
0xa0: {  	v50 =	vld [tilespmem:s9+$0xFFFFFF30];
	_ =	sdelay $0x2  }
0xa1: {  	v51 =	vperm.xlane v16, v2;
	_ =	sdelay $0x1  }
0xa2: {  	v17 =	vmul.f32 v17, v51;
	v18 =	vadd.f32 v50, v49  }
0xa3: {  	v52 =	vld [tilespmem:$0x13800]  }
0xa4: {  	v17 =	vadd.f32 v18, v17;
	_ =	sdelay $0x1  }
0xa5: {  	v17 =	vmul.f32 v17, v51;
	_ =	sdelay $0x1  }
0xa6: {  	v17 =	vadd.f32 v17, v52;
	_ =	sdelay $0x1  }
0xa7: {  	v17 =	vmax.f32 v17, $0.0e+00  }
0xa8: {  	v17 =	vmul.f32 v17, v51;
	_ =	sdelay $0x1  }
0xa9: {  	[tilespmem:s10+$0xFFFFFFA0] =	vst v17;
	v17 =	vld [tilespmem:s10+$0xFFFFFFB0]  }
0xaa: {  	v53 =	vld [tilespmem:s9+$0xFFFFD740]  }
0xab: {  	v54 =	vld [tilespmem:s9+$0xFFFFFF40];
	_ =	sdelay $0x2  }
0xac: {  	v55 =	vperm.xlane v16, v3;
	_ =	sdelay $0x1  }
0xad: {  	v17 =	vmul.f32 v17, v55;
	v18 =	vadd.f32 v54, v53  }
0xae: {  	v56 =	vld [tilespmem:$0x13800]  }
0xaf: {  	v17 =	vadd.f32 v18, v17;
	_ =	sdelay $0x1  }
0xb0: {  	v17 =	vmul.f32 v17, v55;
	_ =	sdelay $0x1  }
0xb1: {  	v17 =	vadd.f32 v17, v56;
	_ =	sdelay $0x1  }
0xb2: {  	v17 =	vmax.f32 v17, $0.0e+00  }
0xb3: {  	v17 =	vmul.f32 v17, v55;
	_ =	sdelay $0x1  }
0xb4: {  	[tilespmem:s10+$0xFFFFFFB0] =	vst v17;
	v17 =	vld [tilespmem:s10+$0xFFFFFFC0]  }
0xb5: {  	v57 =	vld [tilespmem:s9+$0xFFFFD750]  }
0xb6: {  	v58 =	vld [tilespmem:s9+$0xFFFFFF50];
	_ =	sdelay $0x2  }
0xb7: {  	v59 =	vperm.xlane v16, v4;
	_ =	sdelay $0x1  }
0xb8: {  	v17 =	vmul.f32 v17, v59;
	v18 =	vadd.f32 v58, v57  }
0xb9: {  	v60 =	vld [tilespmem:$0x13800]  }
0xba: {  	v17 =	vadd.f32 v18, v17;
	_ =	sdelay $0x1  }
0xbb: {  	v17 =	vmul.f32 v17, v59;
	_ =	sdelay $0x1  }
0xbc: {  	v17 =	vadd.f32 v17, v60;
	_ =	sdelay $0x1  }
0xbd: {  	v17 =	vmax.f32 v17, $0.0e+00  }
0xbe: {  	v17 =	vmul.f32 v17, v59;
	_ =	sdelay $0x1  }
0xbf: {  	[tilespmem:s10+$0xFFFFFFC0] =	vst v17;
	v17 =	vld [tilespmem:s10+$0xFFFFFFD0]  }
0xc0: {  	v61 =	vld [tilespmem:s9+$0xFFFFD760]  }
0xc1: {  	v62 =	vld [tilespmem:s9+$0xFFFFFF60];
	_ =	sdelay $0x2  }
0xc2: {  	v63 =	vperm.xlane v16, v5;
	_ =	sdelay $0x1  }
0xc3: {  	v17 =	vmul.f32 v17, v63;
	v18 =	vadd.f32 v62, v61  }
0xc4: {  	v24 =	vld [tilespmem:$0x13800]  }
0xc5: {  	v17 =	vadd.f32 v18, v17;
	_ =	sdelay $0x1  }
0xc6: {  	v17 =	vmul.f32 v17, v63;
	_ =	sdelay $0x1  }
0xc7: {  	v17 =	vadd.f32 v17, v24;
	_ =	sdelay $0x1  }
0xc8: {  	v17 =	vmax.f32 v17, $0.0e+00  }
0xc9: {  	v17 =	vmul.f32 v17, v63;
	_ =	sdelay $0x1  }
0xca: {  	[tilespmem:s10+$0xFFFFFFD0] =	vst v17;
	v17 =	vld [tilespmem:s10+$0xFFFFFFE0]  }
0xcb: {  	v25 =	vld [tilespmem:s9+$0xFFFFD770]  }
0xcc: {  	v26 =	vld [tilespmem:s9+$0xFFFFFF70];
	_ =	sdelay $0x2  }
0xcd: {  	v27 =	vperm.xlane v16, v6;
	_ =	sdelay $0x1  }
0xce: {  	v17 =	vmul.f32 v17, v27;
	v18 =	vadd.f32 v26, v25  }
0xcf: {  	v28 =	vld [tilespmem:$0x13800]  }
0xd0: {  	v17 =	vadd.f32 v18, v17;
	_ =	sdelay $0x1  }
0xd1: {  	v17 =	vmul.f32 v17, v27;
	_ =	sdelay $0x1  }
0xd2: {  	v17 =	vadd.f32 v17, v28;
	_ =	sdelay $0x1  }
0xd3: {  	v17 =	vmax.f32 v17, $0.0e+00  }
0xd4: {  	v17 =	vmul.f32 v17, v27;
	_ =	sdelay $0x1  }
0xd5: {  	[tilespmem:s10+$0xFFFFFFE0] =	vst v17;
	v17 =	vld [tilespmem:s10+$0xFFFFFFF0]  }
0xd6: {  	v29 =	vld [tilespmem:s9+$0xFFFFD780]  }
0xd7: {  	v30 =	vld [tilespmem:s9+$0xFFFFFF80];
	_ =	sdelay $0x2  }
0xd8: {  	v31 =	vperm.xlane v16, v7;
	_ =	sdelay $0x1  }
0xd9: {  	v17 =	vmul.f32 v17, v31;
	v18 =	vadd.f32 v30, v29  }
0xda: {  	v32 =	vld [tilespmem:$0x13800]  }
0xdb: {  	v17 =	vadd.f32 v18, v17;
	_ =	sdelay $0x1  }
0xdc: {  	v17 =	vmul.f32 v17, v31;
	_ =	sdelay $0x1  }
0xdd: {  	v17 =	vadd.f32 v17, v32;
	_ =	sdelay $0x1  }
0xde: {  	v17 =	vmax.f32 v17, $0.0e+00  }
0xdf: {  	v17 =	vmul.f32 v17, v31;
	_ =	sdelay $0x1  }
0xe0: {  	[tilespmem:s10+$0xFFFFFFF0] =	vst v17;
	v17 =	vld [tilespmem:s10+$0x0]  }
0xe1: {  	v33 =	vld [tilespmem:s9+$0xFFFFD790]  }
0xe2: {  	v34 =	vld [tilespmem:s9+$0xFFFFFF90];
	_ =	sdelay $0x2  }
0xe3: {  	v35 =	vperm.xlane v16, v8;
	_ =	sdelay $0x1  }
0xe4: {  	v17 =	vmul.f32 v17, v35;
	v18 =	vadd.f32 v34, v33  }
0xe5: {  	v36 =	vld [tilespmem:$0x13800]  }
0xe6: {  	v17 =	vadd.f32 v18, v17;
	_ =	sdelay $0x1  }
0xe7: {  	v17 =	vmul.f32 v17, v35;
	_ =	sdelay $0x1  }
0xe8: {  	v17 =	vadd.f32 v17, v36;
	_ =	sdelay $0x1  }
0xe9: {  	v17 =	vmax.f32 v17, $0.0e+00  }
0xea: {  	v17 =	vmul.f32 v17, v35;
	_ =	sdelay $0x1  }
0xeb: {  	[tilespmem:s10+$0x0] =	vst v17;
	v17 =	vld [tilespmem:s10+$0x10]  }
0xec: {  	v37 =	vld [tilespmem:s9+$0xFFFFD7A0]  }
0xed: {  	v38 =	vld [tilespmem:s9+$0xFFFFFFA0];
	_ =	sdelay $0x2  }
0xee: {  	v39 =	vperm.xlane v16, v9;
	_ =	sdelay $0x1  }
0xef: {  	v17 =	vmul.f32 v17, v39;
	v18 =	vadd.f32 v38, v37  }
0xf0: {  	v40 =	vld [tilespmem:$0x13800]  }
0xf1: {  	v17 =	vadd.f32 v18, v17;
	_ =	sdelay $0x1  }
0xf2: {  	v17 =	vmul.f32 v17, v39;
	_ =	sdelay $0x1  }
0xf3: {  	v17 =	vadd.f32 v17, v40;
	_ =	sdelay $0x1  }
0xf4: {  	v17 =	vmax.f32 v17, $0.0e+00  }
0xf5: {  	v17 =	vmul.f32 v17, v39;
	_ =	sdelay $0x1  }
0xf6: {  	[tilespmem:s10+$0x10] =	vst v17;
	v17 =	vld [tilespmem:s10+$0x20]  }
0xf7: {  	v41 =	vld [tilespmem:s9+$0xFFFFD7B0]  }
0xf8: {  	v42 =	vld [tilespmem:s9+$0xFFFFFFB0];
	_ =	sdelay $0x2  }
0xf9: {  	v43 =	vperm.xlane v16, v10;
	_ =	sdelay $0x1  }
0xfa: {  	v17 =	vmul.f32 v17, v43;
	v18 =	vadd.f32 v42, v41  }
0xfb: {  	v44 =	vld [tilespmem:$0x13800]  }
0xfc: {  	v17 =	vadd.f32 v18, v17;
	_ =	sdelay $0x1  }
0xfd: {  	v17 =	vmul.f32 v17, v43;
	_ =	sdelay $0x1  }
0xfe: {  	v17 =	vadd.f32 v17, v44;
	_ =	sdelay $0x1  }
0xff: {  	v17 =	vmax.f32 v17, $0.0e+00  }
0x100: {  	v17 =	vmul.f32 v17, v43;
	_ =	sdelay $0x1  }
0x101: {  	[tilespmem:s10+$0x20] =	vst v17;
	v17 =	vld [tilespmem:s10+$0x30]  }
0x102: {  	v45 =	vld [tilespmem:s9+$0xFFFFD7C0]  }
0x103: {  	v46 =	vld [tilespmem:s9+$0xFFFFFFC0];
	_ =	sdelay $0x2  }
0x104: {  	v47 =	vperm.xlane v16, v11;
	_ =	sdelay $0x1  }
0x105: {  	v17 =	vmul.f32 v17, v47;
	v18 =	vadd.f32 v46, v45  }
0x106: {  	v48 =	vld [tilespmem:$0x13800]  }
0x107: {  	v17 =	vadd.f32 v18, v17;
	_ =	sdelay $0x1  }
0x108: {  	v17 =	vmul.f32 v17, v47;
	_ =	sdelay $0x1  }
0x109: {  	v17 =	vadd.f32 v17, v48;
	_ =	sdelay $0x1  }
0x10a: {  	v17 =	vmax.f32 v17, $0.0e+00  }
0x10b: {  	v17 =	vmul.f32 v17, v47;
	_ =	sdelay $0x1  }
0x10c: {  	[tilespmem:s10+$0x30] =	vst v17;
	v17 =	vld [tilespmem:s10+$0x40]  }
0x10d: {  	v49 =	vld [tilespmem:s9+$0xFFFFD7D0]  }
0x10e: {  	v50 =	vld [tilespmem:s9+$0xFFFFFFD0];
	_ =	sdelay $0x2  }
0x10f: {  	v51 =	vperm.xlane v16, v12;
	_ =	sdelay $0x1  }
0x110: {  	v17 =	vmul.f32 v17, v51;
	v18 =	vadd.f32 v50, v49  }
0x111: {  	v52 =	vld [tilespmem:$0x13800]  }
0x112: {  	v17 =	vadd.f32 v18, v17;
	_ =	sdelay $0x1  }
0x113: {  	v17 =	vmul.f32 v17, v51;
	_ =	sdelay $0x1  }
0x114: {  	v17 =	vadd.f32 v17, v52;
	_ =	sdelay $0x1  }
0x115: {  	v17 =	vmax.f32 v17, $0.0e+00  }
0x116: {  	v17 =	vmul.f32 v17, v51;
	_ =	sdelay $0x1  }
0x117: {  	[tilespmem:s10+$0x40] =	vst v17;
	v17 =	vld [tilespmem:s10+$0x50]  }
0x118: {  	v53 =	vld [tilespmem:s9+$0xFFFFD7E0]  }
0x119: {  	v54 =	vld [tilespmem:s9+$0xFFFFFFE0];
	_ =	sdelay $0x2  }
0x11a: {  	v55 =	vperm.xlane v16, v13;
	_ =	sdelay $0x1  }
0x11b: {  	v17 =	vmul.f32 v17, v55;
	v18 =	vadd.f32 v54, v53  }
0x11c: {  	v56 =	vld [tilespmem:$0x13800]  }
0x11d: {  	v17 =	vadd.f32 v18, v17;
	_ =	sdelay $0x1  }
0x11e: {  	v17 =	vmul.f32 v17, v55;
	_ =	sdelay $0x1  }
0x11f: {  	v17 =	vadd.f32 v17, v56;
	_ =	sdelay $0x1  }
0x120: {  	v17 =	vmax.f32 v17, $0.0e+00  }
0x121: {  	v17 =	vmul.f32 v17, v55;
	_ =	sdelay $0x1  }
0x122: {  	[tilespmem:s10+$0x50] =	vst v17;
	v17 =	vld [tilespmem:s10+$0x60]  }
0x123: {  	v57 =	vld [tilespmem:s9+$0xFFFFD7F0]  }
0x124: {  	v58 =	vld [tilespmem:s9+$0xFFFFFFF0];
	_ =	sdelay $0x2  }
0x125: {  	v59 =	vperm.xlane v16, v14;
	_ =	sdelay $0x1  }
0x126: {  	v17 =	vmul.f32 v17, v59;
	v18 =	vadd.f32 v58, v57  }
0x127: {  	v60 =	vld [tilespmem:$0x13800]  }
0x128: {  	v17 =	vadd.f32 v18, v17;
	_ =	sdelay $0x1  }
0x129: {  	v17 =	vmul.f32 v17, v59;
	_ =	sdelay $0x1  }
0x12a: {  	v17 =	vadd.f32 v17, v60;
	_ =	sdelay $0x1  }
0x12b: {  	v17 =	vmax.f32 v17, $0.0e+00  }
0x12c: {  	v17 =	vmul.f32 v17, v59;
	_ =	sdelay $0x1  }
0x12d: {  	[tilespmem:s10+$0x60] =	vst v17;
	v17 =	vld [tilespmem:s10+$0x70]  }
0x12e: {  	v61 =	vld [tilespmem:s9+$0xFFFFD800]  }
0x12f: {  	v62 =	vld [tilespmem:s9+$0x0];
	_ =	sdelay $0x2  }
0x130: {  	v16 =	vperm.xlane v16, v15;
	_ =	sdelay $0x1  }
0x131: {  	v17 =	vmul.f32 v17, v16;
	v18 =	vadd.f32 v62, v61  }
0x132: {  	v63 =	vld [tilespmem:$0x13800]  }
0x133: {  	v17 =	vadd.f32 v18, v17;
	_ =	sdelay $0x1  }
0x134: {  	v17 =	vmul.f32 v17, v16;
	_ =	sdelay $0x1  }
0x135: {  	p0 =	sne.s32 s11, $0x9C0;
	v17 =	vadd.f32 v17, v63  }
.Ltmp0:
0x136: {  	_ = 	snop;
	(pc) =	sbr.rel @p0 .LBB2_2-.Ltmp0, $3  }
0x137: {  	v17 =	vmax.f32 v17, $0.0e+00  }
0x138: {  	v16 =	vmul.f32 v17, v16;
	_ =	sdelay $0x1  }
0x139: {  	s11 =	sadd.s32 $0x40, s11;
	s9 =	sadd.s32 $0x100, s9;
	[tilespmem:s10+$0x70] =	vst v16;
	s10 =	sadd.s32 $0x100, s10  }
0x13a: {  	s9 =	simm.s32 $0x0  }
0x13b: {  	[hbm4b:s14+s9] =	stream.linear.scatter [tilespmem:s22], [sflag:$0x9], $0x2800, $0x38;
	[tilespmem:$0x16010] =	vst v63  }
0x13c: {  	_ =	swait.ge [sflag:s18], $0x2800  }
0x13d: {  	[sflag:s18] =	ssyncset.done $0x0  }
0x13e: {  	[sflag:s18] =	ssyncadd.s32 $0xFFFFD800  }
0x13f: {  	[bflag:$0x0] =	sbarrier.arrive $0xFFFF  }
0x140: {  	[tilespmem:s28], [sflag:$0x1] =	stream.indirect.gather [hbm4b:s5+s26], $0x10, s9, s26, $0xb8;
	[tilespmem:$0x16010] =	vst v63  }
0x141: {  	_ = 	snop  }
0x142: {  	[tilespmem:s29], [sflag:$0x2] =	stream.indirect.gather [hbm4b:s5+s26], $0x10, s26, s26, $0xb8;
	[tilespmem:$0x16010] =	vst v63  }
0x143: {  	_ =	swait.ge [sflag:s30], $0x800  }
0x144: {  	[sflag:s30] =	ssyncset.done $0x0  }
0x145: {  	[sflag:s30] =	ssyncadd.s32 $0xFFFFF800  }
0x146: {  	[spmem:s3] =	stream.indirect.scatter.add.f32 [tilespmem:s28], [sflag:$0x5], $0x10, s19, s26, $0xb8;
	[tilespmem:$0x16010] =	vst v63  }
0x147: {  	s11 =	simm.s32 $0x100  }
0x148: {  	[tilespmem:s0], [sflag:$0x3] =	stream.indirect.gather [hbm4b:s5+s26], $0x10, s11, s26, $0xb8;
	[tilespmem:$0x16010] =	vst v63  }
0x149: {  	_ =	swait.ge [sflag:s1], $0x800  }
0x14a: {  	[sflag:s1] =	ssyncset.done $0x0  }
0x14b: {  	s20 =	simm.s32 $0x2880;
	[sflag:s1] =	ssyncadd.s32 $0xFFFFF800  }
0x14c: {  	[spmem:s3] =	stream.indirect.scatter.add.f32 [tilespmem:s29], [sflag:$0x6], $0x10, s20, s26, $0xb8;
	[tilespmem:$0x16010] =	vst v63  }
0x14d: {  	s10 =	simm.s32 $0x180  }
0x14e: {  	[tilespmem:s23], [sflag:$0x4] =	stream.indirect.gather [hbm4b:s5+s26], $0x10, s10, s26, $0xb8;
	[tilespmem:$0x16010] =	vst v63  }
0x14f: {  	_ =	swait.ge [sflag:s24], $0x800  }
0x150: {  	[sflag:s24] =	ssyncset.done $0x0  }
0x151: {  	s11 =	simm.s32 $0x2900;
	[sflag:s24] =	ssyncadd.s32 $0xFFFFF800  }
0x152: {  	[spmem:s3] =	stream.indirect.scatter.add.f32 [tilespmem:s0], [sflag:$0x7], $0x10, s11, s26, $0xb8;
	[tilespmem:$0x16010] =	vst v63  }
0x153: {  	_ =	swait.ge [sflag:s31], $0x800  }
0x154: {  	[sflag:s31] =	ssyncset.done $0x0  }
0x155: {  	s20 =	simm.s32 $0x200;
	[sflag:s31] =	ssyncadd.s32 $0xFFFFF800  }
0x156: {  	[tilespmem:s28], [sflag:$0x1] =	stream.indirect.gather [hbm4b:s5+s26], $0x10, s20, s26, $0xb8;
	[tilespmem:$0x16010] =	vst v63  }
0x157: {  	_ =	swait.ge [sflag:s21], $0x800  }
0x158: {  	[sflag:s21] =	ssyncset.done $0x0  }
0x159: {  	s10 =	simm.s32 $0x2980;
	[sflag:s21] =	ssyncadd.s32 $0xFFFFF800  }
0x15a: {  	[spmem:s3] =	stream.indirect.scatter.add.f32 [tilespmem:s23], [sflag:$0x8], $0x10, s10, s26, $0xb8;
	[tilespmem:$0x16010] =	vst v63  }
0x15b: {  	_ =	swait.ge [sflag:s2], $0x800  }
0x15c: {  	[sflag:s2] =	ssyncset.done $0x0  }
0x15d: {  	s20 =	simm.s32 $0x280;
	[sflag:s2] =	ssyncadd.s32 $0xFFFFF800  }
0x15e: {  	[tilespmem:s29], [sflag:$0x2] =	stream.indirect.gather [hbm4b:s5+s26], $0x10, s20, s26, $0xb8;
	[tilespmem:$0x16010] =	vst v63  }
0x15f: {  	_ =	swait.ge [sflag:s30], $0x800  }
0x160: {  	[sflag:s30] =	ssyncset.done $0x0  }
0x161: {  	s11 =	simm.s32 $0x2A00;
	[sflag:s30] =	ssyncadd.s32 $0xFFFFF800  }
0x162: {  	[spmem:s3] =	stream.indirect.scatter.add.f32 [tilespmem:s28], [sflag:$0x5], $0x10, s11, s26, $0xb8;
	[tilespmem:$0x16010] =	vst v63  }
0x163: {  	_ =	swait.ge [sflag:s25], $0x800  }
0x164: {  	[sflag:s25] =	ssyncset.done $0x0  }
0x165: {  	s10 =	simm.s32 $0x300;
	[sflag:s25] =	ssyncadd.s32 $0xFFFFF800  }
0x166: {  	[tilespmem:s0], [sflag:$0x3] =	stream.indirect.gather [hbm4b:s5+s26], $0x10, s10, s26, $0xb8;
	[tilespmem:$0x16010] =	vst v63  }
0x167: {  	_ =	swait.ge [sflag:s1], $0x800  }
0x168: {  	[sflag:s1] =	ssyncset.done $0x0  }
0x169: {  	s11 =	simm.s32 $0x2A80;
	[sflag:s1] =	ssyncadd.s32 $0xFFFFF800  }
0x16a: {  	[spmem:s3] =	stream.indirect.scatter.add.f32 [tilespmem:s29], [sflag:$0x6], $0x10, s11, s26, $0xb8;
	[tilespmem:$0x16010] =	vst v63  }
0x16b: {  	_ =	swait.ge [sflag:s6], $0x800  }
0x16c: {  	[sflag:s6] =	ssyncset.done $0x0  }
0x16d: {  	s10 =	simm.s32 $0x380;
	[sflag:s6] =	ssyncadd.s32 $0xFFFFF800  }
0x16e: {  	[tilespmem:s23], [sflag:$0x4] =	stream.indirect.gather [hbm4b:s5+s26], $0x10, s10, s26, $0xb8;
	[tilespmem:$0x16010] =	vst v63  }
0x16f: {  	_ =	swait.ge [sflag:s24], $0x800  }
0x170: {  	[sflag:s24] =	ssyncset.done $0x0  }
0x171: {  	s11 =	simm.s32 $0x2B00;
	[sflag:s24] =	ssyncadd.s32 $0xFFFFF800  }
0x172: {  	[spmem:s3] =	stream.indirect.scatter.add.f32 [tilespmem:s0], [sflag:$0x7], $0x10, s11, s26, $0xb8;
	[tilespmem:$0x16010] =	vst v63  }
0x173: {  	_ =	swait.ge [sflag:s31], $0x800  }
0x174: {  	[sflag:s31] =	ssyncset.done $0x0  }
0x175: {  	s10 =	simm.s32 $0x400;
	[sflag:s31] =	ssyncadd.s32 $0xFFFFF800  }
0x176: {  	[tilespmem:s28], [sflag:$0x1] =	stream.indirect.gather [hbm4b:s5+s26], $0x10, s10, s26, $0xb8;
	[tilespmem:$0x16010] =	vst v63  }
0x177: {  	_ =	swait.ge [sflag:s21], $0x800  }
0x178: {  	[sflag:s21] =	ssyncset.done $0x0  }
0x179: {  	s11 =	simm.s32 $0x2B80;
	[sflag:s21] =	ssyncadd.s32 $0xFFFFF800  }
0x17a: {  	[spmem:s3] =	stream.indirect.scatter.add.f32 [tilespmem:s23], [sflag:$0x8], $0x10, s11, s26, $0xb8;
	[tilespmem:$0x16010] =	vst v63  }
0x17b: {  	_ =	swait.ge [sflag:s2], $0x800  }
0x17c: {  	[sflag:s2] =	ssyncset.done $0x0  }
0x17d: {  	s9 =	simm.s32 $0x800;
	s10 =	simm.s32 $0x480;
	[sflag:s2] =	ssyncadd.s32 $0xFFFFF800  }
.LBB2_4:
0x17e: {  	[tilespmem:s29], [sflag:$0x2] =	stream.indirect.gather [hbm4b:s5+s26], $0x10, s10, s26, $0xb8;
	[tilespmem:$0x16010] =	vst v63  }
0x17f: {  	s10 =	smov.u32 s9  }
0x180: {  	p0 =	sne.s32 s9, $0x8800;
	s9 =	sadd.s32 $0x800, s9;
	_ =	swait.ge [sflag:s30], $0x800  }
0x181: {  	s10 =	sshra.s32 s10, $0x2;
	[sflag:s30] =	ssyncset.done $0x0  }
0x182: {  	s11 =	sadd.s32 $0x2A00, s10;
	[sflag:s30] =	ssyncadd.s32 $0xFFFFF800  }
0x183: {  	[spmem:s3] =	stream.indirect.scatter.add.f32 [tilespmem:s28], [sflag:$0x5], $0x10, s11, s26, $0xb8;
	[tilespmem:$0x16010] =	vst v63  }
0x184: {  	_ =	swait.ge [sflag:s25], $0x800  }
0x185: {  	[sflag:s25] =	ssyncset.done $0x0  }
0x186: {  	s11 =	sadd.s32 $0x300, s10;
	[sflag:s25] =	ssyncadd.s32 $0xFFFFF800  }
0x187: {  	[tilespmem:s0], [sflag:$0x3] =	stream.indirect.gather [hbm4b:s5+s26], $0x10, s11, s26, $0xb8;
	[tilespmem:$0x16010] =	vst v63  }
0x188: {  	_ =	swait.ge [sflag:s1], $0x800  }
0x189: {  	[sflag:s1] =	ssyncset.done $0x0  }
0x18a: {  	s11 =	sadd.s32 $0x2A80, s10;
	[sflag:s1] =	ssyncadd.s32 $0xFFFFF800  }
0x18b: {  	[spmem:s3] =	stream.indirect.scatter.add.f32 [tilespmem:s29], [sflag:$0x6], $0x10, s11, s26, $0xb8;
	[tilespmem:$0x16010] =	vst v63  }
0x18c: {  	_ =	swait.ge [sflag:s6], $0x800  }
0x18d: {  	[sflag:s6] =	ssyncset.done $0x0  }
0x18e: {  	s11 =	sadd.s32 $0x380, s10;
	[sflag:s6] =	ssyncadd.s32 $0xFFFFF800  }
0x18f: {  	[tilespmem:s23], [sflag:$0x4] =	stream.indirect.gather [hbm4b:s5+s26], $0x10, s11, s26, $0xb8;
	[tilespmem:$0x16010] =	vst v63  }
0x190: {  	_ =	swait.ge [sflag:s24], $0x800  }
0x191: {  	[sflag:s24] =	ssyncset.done $0x0  }
0x192: {  	s11 =	sadd.s32 $0x2B00, s10;
	[sflag:s24] =	ssyncadd.s32 $0xFFFFF800  }
0x193: {  	[spmem:s3] =	stream.indirect.scatter.add.f32 [tilespmem:s0], [sflag:$0x7], $0x10, s11, s26, $0xb8;
	[tilespmem:$0x16010] =	vst v63  }
0x194: {  	_ =	swait.ge [sflag:s31], $0x800  }
0x195: {  	[sflag:s31] =	ssyncset.done $0x0  }
0x196: {  	s11 =	sadd.s32 $0x400, s10;
	[sflag:s31] =	ssyncadd.s32 $0xFFFFF800  }
0x197: {  	[tilespmem:s28], [sflag:$0x1] =	stream.indirect.gather [hbm4b:s5+s26], $0x10, s11, s26, $0xb8;
	[tilespmem:$0x16010] =	vst v63  }
0x198: {  	_ =	swait.ge [sflag:s21], $0x800  }
0x199: {  	[sflag:s21] =	ssyncset.done $0x0  }
.Ltmp1:
0x19a: {  	s11 =	sadd.s32 $0x2B80, s10;
	[sflag:s21] =	ssyncadd.s32 $0xFFFFF800;
	(pc) =	sbr.rel @p0 .LBB2_4-.Ltmp1, $4  }
0x19b: {  	[spmem:s3] =	stream.indirect.scatter.add.f32 [tilespmem:s23], [sflag:$0x8], $0x10, s11, s26, $0xb8;
	[tilespmem:$0x16010] =	vst v63  }
0x19c: {  	_ =	swait.ge [sflag:s2], $0x800  }
0x19d: {  	[sflag:s2] =	ssyncset.done $0x0  }
0x19e: {  	s10 =	sadd.s32 $0x480, s10;
	[sflag:s2] =	ssyncadd.s32 $0xFFFFF800  }
0x19f: {  	[tilespmem:s29], [sflag:$0x2] =	stream.indirect.gather [hbm4b:s5+s26], $0x10, s10, s26, $0xb8;
	[tilespmem:$0x16010] =	vst v63  }
0x1a0: {  	_ =	swait.ge [sflag:s30], $0x800  }
0x1a1: {  	[sflag:s30] =	ssyncset.done $0x0  }
0x1a2: {  	s9 =	simm.s32 $0x4E00;
	[sflag:s30] =	ssyncadd.s32 $0xFFFFF800  }
0x1a3: {  	[spmem:s3] =	stream.indirect.scatter.add.f32 [tilespmem:s28], [sflag:$0x5], $0x10, s9, s26, $0xb8;
	[tilespmem:$0x16010] =	vst v63  }
0x1a4: {  	_ =	swait.ge [sflag:s25], $0x800  }
0x1a5: {  	[sflag:s25] =	ssyncset.done $0x0  }
0x1a6: {  	s11 =	simm.s32 $0x2700;
	[sflag:s25] =	ssyncadd.s32 $0xFFFFF800  }
0x1a7: {  	[tilespmem:s0], [sflag:$0x3] =	stream.indirect.gather [hbm4b:s5+s26], $0x10, s11, s26, $0xb8;
	[tilespmem:$0x16010] =	vst v63  }
0x1a8: {  	_ =	swait.ge [sflag:s1], $0x800  }
0x1a9: {  	[sflag:s1] =	ssyncset.done $0x0  }
0x1aa: {  	s10 =	simm.s32 $0x4E80;
	[sflag:s1] =	ssyncadd.s32 $0xFFFFF800  }
0x1ab: {  	[spmem:s3] =	stream.indirect.scatter.add.f32 [tilespmem:s29], [sflag:$0x6], $0x10, s10, s26, $0xb8;
	[tilespmem:$0x16010] =	vst v63  }
0x1ac: {  	_ =	swait.ge [sflag:s6], $0x800  }
0x1ad: {  	[sflag:s6] =	ssyncset.done $0x0  }
0x1ae: {  	s11 =	simm.s32 $0x2780;
	[sflag:s6] =	ssyncadd.s32 $0xFFFFF800  }
0x1af: {  	[tilespmem:s23], [sflag:$0x4] =	stream.indirect.gather [hbm4b:s5+s26], $0x10, s11, s26, $0xb8;
	[tilespmem:$0x16010] =	vst v63  }
0x1b0: {  	_ =	swait.ge [sflag:s24], $0x800  }
0x1b1: {  	[sflag:s24] =	ssyncset.done $0x0  }
0x1b2: {  	s10 =	simm.s32 $0x4F00;
	[sflag:s24] =	ssyncadd.s32 $0xFFFFF800  }
0x1b3: {  	[spmem:s3] =	stream.indirect.scatter.add.f32 [tilespmem:s0], [sflag:$0x7], $0x10, s10, s26, $0xb8;
	[tilespmem:$0x16010] =	vst v63  }
0x1b4: {  	_ =	swait.ge [sflag:s21], $0x800  }
0x1b5: {  	[sflag:s21] =	ssyncset.done $0x0  }
0x1b6: {  	s11 =	simm.s32 $0x4F80;
	[sflag:s21] =	ssyncadd.s32 $0xFFFFF800  }
0x1b7: {  	[spmem:s3] =	stream.indirect.scatter.add.f32 [tilespmem:s23], [sflag:$0x8], $0x10, s11, s26, $0xb8;
	[tilespmem:$0x16010] =	vst v63  }
0x1b8: {  	_ =	swait.ge [sflag:s31], $0x800  }
0x1b9: {  	[sflag:s31] =	ssyncset.done $0x0  }
0x1ba: {  	[sflag:s31] =	ssyncadd.s32 $0xFFFFF800  }
0x1bb: {  	_ =	swait.ge [sflag:s2], $0x800  }
0x1bc: {  	[sflag:s2] =	ssyncset.done $0x0  }
0x1bd: {  	[sflag:s2] =	ssyncadd.s32 $0xFFFFF800  }
0x1be: {  	_ =	swait.ge [sflag:s25], $0x800  }
0x1bf: {  	[sflag:s25] =	ssyncset.done $0x0  }
0x1c0: {  	[sflag:s25] =	ssyncadd.s32 $0xFFFFF800  }
0x1c1: {  	_ =	swait.ge [sflag:s6], $0x800  }
0x1c2: {  	s8 =	sadd.s32 $0x1, s8;
	[sflag:s6] =	ssyncset.done $0x0  }
0x1c3: {  	p0 =	sne.s32 s8, s16;
	[sflag:s6] =	ssyncadd.s32 $0xFFFFF800  }
.Ltmp2:
0x1c4: {  	[bflag:$0x0] =	sbarrier.arrive $0xFFFF;
	(pc) =	sbr.rel @p0 .LBB2_1-.Ltmp2, $4  }
0x1c5: {  	[hbm:s15], [sflag:s7] =	dma.local [spmem:s17], $0x500  }
0x1c6: {  	_ =	swait.ge [sflag:s18], $0x500  }
0x1c7: {  	[sflag:s18] =	ssyncset.done $0x0  }
0x1c8: {  	[sflag:s18] =	ssyncadd.s32 $0xFFFFFB00  }
0x1c9: {  	_ =	sfence.sel $0x180000  }
0x1ca: {  	[bflag:$0x0] =	sbarrier.arrive $0xFFFF  }
0x1cb: {  	_ =	strace $0x9000004D  }
0x1cc: {  	s0 =	stileid.u32;
	[bflag:$0x2] =	sbarrier.arrive $0xFFFF  }
0x1cd: {  	p0 =	sne.s32 s0, $0x0;
	s0 =	rddreg [dreg:$0x3]  }
0x1ce: {  	s0 =	sadd.s32 @!p0 $0x100000, s0  }
0x1cf: {  	[sflag:s0] =	ssyncadd.tile.s32 @!p0 $0x1;
	_ =	shalt  }
.Lfunc_end2:
_tile_overlayer_lowered:
.L_overlay_start_2:
0x1d0: {  	(tag) =	ssettag $0x2  }
0x1d1: {  	s0 =	rddreg [dreg:$0x0];
	s2 =	stileid.u32  }
0x1d2: {  	s1 =	rddreg [dreg:$0x1];
	p0 =	sne.s32 s2, $0x0  }
0x1d3: {  	s3 =	rddreg [dreg:$0x2];
	[bflag:$0x3] =	sbarrier.arrive $0xFFFF;
	s2 =	simm.s32 @!p0 $0x1C09  }
0x1d4: {  	[timem:s3], [sflag:s2] =	dma.local @!p0 [hbm:s0], s1  }
0x1d5: {  	s0 =	simm.s32 @!p0 $0x9  }
0x1d6: {  	_ =	swait.ge @!p0 [sflag:s0], s1  }
0x1d7: {  	s1 =	ssub.s32 @!p0 $0x0, s1;
	[sflag:s0] =	ssyncset.done @!p0 $0x0  }
0x1d8: {  	[sflag:s0] =	ssyncadd.s32 @!p0 s1  }
0x1d9: {  	[bflag:$0x3] =	sbarrier.arrive $0xFFFF  }
0x1da: {  	_ =	shalt  }

// kernel: kernel.7.cloned.1.call-start
scs
__scs_entry_jumppad:
0x0: {  	(pc) =	sbr.rel $0x88, $3  }
0x1: {  	(tag) =	ssettag $0x0;
	lr =	simm.s32 $0x1  }
0x2: {  	[smem:$0x3F98] =	sst lr;
	_ =	strace $0xD0000000  }
0x3: {  	_ = 	snop  }
0x4: {  	_ = 	snop  }
0x5: {  	_ = 	snop  }
0x6: {  	_ = 	snop  }
0x7: {  	_ = 	snop  }
__scs_overlays_trampoline_lowered:
0x8: {  	[smem:$0x3FA7] =	sst s0  }
0x9: {  	[smem:$0x3FA8] =	sst s1  }
0xa: {  	[smem:$0x3FA9] =	sst s2  }
0xb: {  	[smem:$0x3FAA] =	sst s3  }
0xc: {  	[smem:$0x3FAB] =	sst s4  }
0xd: {  	[smem:$0x3FAC] =	sst s5  }
0xe: {  	[smem:$0x3FAD] =	sst s6  }
0xf: {  	[smem:$0x3FAE] =	sst s7  }
0x10: {  	[smem:$0x3FAF] =	sst s8  }
0x11: {  	[smem:$0x3FB0] =	sst s9;
	s0 =	simm.s32 @!p0 $0x0  }
0x12: {  	s1 =	sld [smem:$0x3F96];
	s0 =	simm.s32 @p0 $0x1  }
0x13: {  	[smem:$0x3FB1] =	sst s0;
	s0 =	simm.s32 @!p1 $0x0  }
0x14: {  	s2 =	sld [smem:$0x3F95];
	s0 =	simm.s32 @p1 $0x1  }
0x15: {  	[smem:$0x3FB2] =	sst s0;
	s0 =	simm.s32 @!p2 $0x0  }
0x16: {  	s3 =	sld [smem:$0x3FDB];
	s0 =	simm.s32 @p2 $0x1  }
0x17: {  	s4 =	simm.s32 $0x1BF5;
	[smem:$0x3FB4] =	sst s0  }
0x18: {  	s0 =	sld [smem:$0x3F97];
	_ =	swait.ge [sflag:s4], $0x0  }
0x19: {  	s7 =	sld [smem:$0x3F98]  }
0x1a: {  	s8 =	sadd.s32 $0xFFFFE003, lr  }
0x1b: {  	s9 =	sadd.s32 $0xFFFFFEF7, lr;
	s5 =	simm.s32 $0xFFFFFFFF;
	p2 =	slt.u32 s8, $0xFFFFF086  }
0x1c: {  	p1 =	slt.u32 s9, $0xF7A;
	s5 =	simm.s32 @!p2 $0x0  }
0x1d: {  	s5 =	simm.s32 @p1 $0x1;
	p0 =	seq.s32 s7, s2  }
0x1e: {  	s7 =	smul.u32 @!p0 $0xF7A, s2;
	p2 =	seq.s32 @!p0 s5, $0x0  }
0x1f: {  	s9 =	smul.u32 $0xF7A, s1;
	s8 =	simm.s32 @!p0 $0x1BF5;
	p2 =	por !p2, p0  }
0x20: {  	[sflag:s8] =	ssyncset.s32 @!p0 $0xFFFFF086;
	s6 =	sadd.s32 @!p0 s3, s7;
	s7 =	simm.s32 @!p0 $0x108  }
0x21: {  	s3 =	sadd.s32 s3, s9;
	s6 =	sadd.s32 @!p0 $0x88, s6;
	s7 =	simm.s32 @p2 $0x1082  }
0x22: {  	[simem:s7], [sflag:s8] =	dma.local @!p0 [hbm:s6], $0xF7A  }
0x23: {  	s9 =	sor.u32 $0xD0000000, s2;
	s6 =	simm.s32 $0x108;
	_ =	swait.ge @!p0 [sflag:s8], $0x0  }
0x24: {  	s3 =	sadd.s32 $0x88, s3;
	s6 =	simm.s32 @!p1 $0x1082;
	[sflag:s4] =	ssyncset.s32 $0xFFFFF086  }
0x25: {  	[simem:s6], [sflag:s4] =	dma.local [hbm:s3], $0xF7A  }
0x26: {  	[smem:$0x3F98] =	sst s1;
	(tag) =	ssettag s2;
	_ =	strace s9  }
0x27: {  	s1 =	sld [smem:$0x3FA8]  }
0x28: {  	s2 =	sld [smem:$0x3FA9]  }
0x29: {  	s4 =	sld [smem:$0x3FAB]  }
0x2a: {  	p0 =	seq.s32 s5, $0x0;
	s5 =	sld [smem:$0x3FAC]  }
0x2b: {  	s6 =	sld [smem:$0x3FAD]  }
0x2c: {  	s7 =	sld [smem:$0x3FAE]  }
0x2d: {  	s3 =	simm.s32 $0x108;
	s8 =	sld [smem:$0x3FAF]  }
0x2e: {  	s3 =	simm.s32 @!p0 $0x1082;
	s9 =	sld [smem:$0x3FB0]  }
0x2f: {  	lr =	sadd.s32 s0, s3;
	s0 =	sld [smem:$0x3FA7]  }
0x30: {  	s3 =	sld [smem:$0x3FAA]  }
0x31: {  	[smem:$0x3FB3] =	sst s10  }
0x32: {  	s10 =	sld [smem:$0x3FB1];
	_ =	sdelay $0x3  }
0x33: {  	p0 =	seq.s32 s10, $0x1;
	s10 =	sld [smem:$0x3FB3];
	_ =	sdelay $0x3  }
0x34: {  	[smem:$0x3FB3] =	sst s10  }
0x35: {  	s10 =	sld [smem:$0x3FB2];
	_ =	sdelay $0x3  }
0x36: {  	p1 =	seq.s32 s10, $0x1;
	s10 =	sld [smem:$0x3FB3];
	_ =	sdelay $0x3  }
0x37: {  	[smem:$0x3FB3] =	sst s10  }
0x38: {  	s10 =	sld [smem:$0x3FB4]  }
0x39: {  	_ = 	snop;
	(pc) =	sbr.ind lr, $3  }
0x3a: {  	_ = 	snop  }
0x3b: {  	_ = 	snop  }
0x3c: {  	p2 =	seq.s32 s10, $0x1;
	s10 =	sld [smem:$0x3FB3]  }
0x3d: {  	_ =	shalt  }
0x3e: {  	_ =	shalt  }
0x3f: {  	_ =	shalt  }
0x40: {  	_ =	shalt  }
0x41: {  	_ =	shalt  }
0x42: {  	_ =	shalt  }
0x43: {  	_ =	shalt  }
0x44: {  	_ =	shalt  }
0x45: {  	_ =	shalt  }
0x46: {  	_ =	shalt  }
0x47: {  	_ =	shalt  }
0x48: {  	_ =	shalt  }
0x49: {  	_ =	shalt  }
0x4a: {  	_ =	shalt  }
0x4b: {  	_ =	shalt  }
0x4c: {  	_ =	shalt  }
0x4d: {  	_ =	shalt  }
0x4e: {  	_ =	shalt  }
0x4f: {  	_ =	shalt  }
0x50: {  	_ =	shalt  }
0x51: {  	_ =	shalt  }
0x52: {  	_ =	shalt  }
0x53: {  	_ =	shalt  }
0x54: {  	_ =	shalt  }
0x55: {  	_ =	shalt  }
0x56: {  	_ =	shalt  }
0x57: {  	_ =	shalt  }
0x58: {  	_ =	shalt  }
0x59: {  	_ =	shalt  }
0x5a: {  	_ =	shalt  }
0x5b: {  	_ =	shalt  }
0x5c: {  	_ =	shalt  }
0x5d: {  	_ =	shalt  }
0x5e: {  	_ =	shalt  }
0x5f: {  	_ =	shalt  }
0x60: {  	_ =	shalt  }
0x61: {  	_ =	shalt  }
0x62: {  	_ =	shalt  }
0x63: {  	_ =	shalt  }
0x64: {  	_ =	shalt  }
0x65: {  	_ =	shalt  }
0x66: {  	_ =	shalt  }
0x67: {  	_ =	shalt  }
0x68: {  	_ =	shalt  }
0x69: {  	_ =	shalt  }
0x6a: {  	_ =	shalt  }
0x6b: {  	_ =	shalt  }
0x6c: {  	_ =	shalt  }
0x6d: {  	_ =	shalt  }
0x6e: {  	_ =	shalt  }
0x6f: {  	_ =	shalt  }
0x70: {  	_ =	shalt  }
0x71: {  	_ =	shalt  }
0x72: {  	_ =	shalt  }
0x73: {  	_ =	shalt  }
0x74: {  	_ =	shalt  }
0x75: {  	_ =	shalt  }
0x76: {  	_ =	shalt  }
0x77: {  	_ =	shalt  }
0x78: {  	_ =	shalt  }
0x79: {  	_ =	shalt  }
0x7a: {  	_ =	shalt  }
0x7b: {  	_ =	shalt  }
0x7c: {  	_ =	shalt  }
0x7d: {  	_ =	shalt  }
0x7e: {  	_ =	shalt  }
0x7f: {  	_ =	shalt  }
0x80: {  	_ =	shalt  }
0x81: {  	_ =	shalt  }
0x82: {  	_ =	shalt  }
0x83: {  	_ =	shalt  }
0x84: {  	_ =	shalt  }
0x85: {  	_ =	shalt  }
0x86: {  	_ =	shalt  }
0x87: {  	_ =	shalt  }
.Lfunc_end0:
.L_simem_size_0:
called_computation_lowered:
.L_overlay_start_0:
0x88: {  	s2 =	sld [smem:$0x3FD9]  }
0x89: {  	s3 =	sld [smem:$0x3FFE];
	_ =	sdelay $0x1  }
0x8a: {  	s1 =	srdreg.scid  }
0x8b: {  	s0 =	sand.u32 $0x1, s1  }
0x8c: {  	s16 =	sshll.u32 s0, $0xA;
	s2 =	sadd.s32 s3, s2  }
0x8d: {  	s2 =	sadd.s32 s2, s16  }
0x8e: {  	[smem:$0x3FBF] =	sst s2  }
0x8f: {  	_ = 	snop  }
0x90: {  	(tm) =	ssettm $0x1  }
0x91: {  	s17 =	sld [smem:$0x3FFB];
	_ =	sdelay $0x3  }
0x92: {  	_ =	strace s17  }
0x93: {  	s2 =	sld [smem:$0x3FFC];
	_ =	sdelay $0x3  }
0x94: {  	_ =	strace s2  }
0x95: {  	s2 =	sld [smem:$0x3FFD];
	_ =	sdelay $0x3  }
0x96: {  	_ =	strace s2  }
0x97: {  	_ =	strace $0x8FFFFFFF  }
0x98: {  	s18 =	sld [smem:$0x3FDB];
	_ =	sdelay $0x1  }
0x99: {  	s19 =	simm.s32 $_scs_section_size  }
0x9a: {  	s4 =	simm.s32 $_size__tile_overlayer_lowered;
	s5 =	simm.s32 $_tile_overlayer_lowered  }
0x9b: {  	s22 =	simm.s32 $0x1BFF;
	s21 =	sshll.u32 s5, $0x1;
	s2 =	sadd.s32 s19, s18  }
0x9c: {  	s6 =	simm.s32 $0x0;
	s20 =	sshll.u32 s4, $0x1;
	s4 =	sadd.s32 s21, s2  }
0x9d: {  	[timem:s6], [sflag:s22] =	dma.local [hbm:s4], s20  }
0x9e: {  	_ =	swait.ge [sflag:s22], s20  }
0x9f: {  	s3 =	ssub.s32 $0x0, s20;
	[sflag:s22] =	ssyncset.done $0x0  }
0xa0: {  	[sflag:s22] =	ssyncadd.s32 s3;
	_ =	sdelay $0x1  }
0xa1: {  	s23 =	simm.s32 $0x1B8B  }
0xa2: {  	_ =	swait.ge [sflag:s23], $0x1  }
0xa3: {  	[sflag:s23] =	ssyncset.done $0x0  }
0xa4: {  	s25 =	simm.s32 $0x1B8E;
	s24 =	sld [smem:$0x3FFE];
	[sflag:s23] =	ssyncadd.s32 $0xFFFFFFFF  }
0xa5: {  	s26 =	simm.s32 $execute0_lowered;
	[smem:$0x3FD2] =	sst s25  }
0xa6: {  	s4 =	sshll.u32 s26, $0x1;
	_ =	strace $0x80000046;
	[dreg:$0x1] =	wrdreg $0xFFFFFFFF  }
0xa7: {  	s28 =	simm.s32 $_size_execute0_lowered;
	s2 =	sadd.s32 s2, s4;
	[dreg:$0x0] =	wrdreg $0x0  }
0xa8: {  	s4 =	sshll.u32 s28, $0x1;
	[dreg:$0x2] =	wrdreg s2  }
0xa9: {  	[dreg:$0x3] =	wrdreg s4  }
0xaa: {  	[dreg:$0x4] =	wrdreg $0xC0  }
0xab: {  	_ =	task [dreg:s6], $0x5FFFF  }
0xac: {  	[dreg:$0x1] =	wrdreg $0xFFFFFFFF  }
0xad: {  	[dreg:$0x0] =	wrdreg $0x60  }
0xae: {  	[dreg:$0x2] =	wrdreg s24  }
0xaf: {  	[dreg:$0x3] =	wrdreg $0x9  }
0xb0: {  	_ =	task.clear_ibuf [dreg:s6], $0x4FFFF;
	_ =	strace $0x90000046  }
0xb1: {  	s29 =	simm.s32 $0x9;
	_ =	strace $0x80000048  }
0xb2: {  	_ =	swait.ge [sflag:s29], $0x1  }
0xb3: {  	[sflag:s29] =	ssyncadd.s32 $0xFFFFFFFF  }
0xb4: {  	_ =	strace $0x90000048  }
0xb5: {  	_ =	sfence  }
0xb6: {  	s30 =	sld [smem:$0x0];
	_ =	sdelay $0x2  }
0xb7: {  	s31 =	sshll.u32 s1, $0xD;
	s1 =	sshrl.u32 s1, $0x2  }
0xb8: {  	s3 =	sand.u32 $0x4000, s31;
	s1 =	sadd.s32 s1, s30  }
0xb9: {  	s0 =	sor.u32 s3, s0;
	s1 =	sshll.u32 s1, $0x11  }
0xba: {  	s0 =	sor.u32 s1, s0  }
0xbb: {  	s0 =	sadd.s32 $0x8F2B, s0  }
0xbc: {  	[sflag:s0] =	ssyncadd.remote.s32 $0x1  }
0xbd: {  	_ =	sfence.sel $0xFFFF  }
0xbe: {  	[dreg:$0x0] =	wrdreg $0xFFFFFFFF;
	(pc) =	sbr.abs _section_cstart, $3  }
0xbf: {  	[dreg:$0x1] =	wrdreg $0xFFFFFFFF  }
0xc0: {  	_ =	task.clear_ibuf [dreg:s6], $0x2FFFF;
	_ =	strace $0x9FFFFFFF  }
0xc1: {  	(tm) =	ssettm $0x7FFFFFFF  }
tec
execute0_lowered:
.L_overlay_start_1:
0x0: {  	(tag) =	ssettag $0x1  }
0x1: {  	s0 =	srdreg.scid  }
0x2: {  	s4 =	rddreg [dreg:$0x0];
	s3 =	sand.u32 $0x1, s0  }
0x3: {  	s1 =	stileid.u32;
	s7 =	simm.s32 $0x2800;
	s2 =	sshll.u32 s3, $0x4  }
0x4: {  	s0 =	rddreg [dreg:$0x1];
	s3 =	ssub.s32 $0x2, s3;
	s5 =	sor.u32 s1, s2  }
0x5: {  	s2 =	simm.s32 $0x0;
	s6 =	sshrl.u32 s3, $0x1;
	s5 =	smul.u32 $0x500, s5  }
0x6: {  	s8 =	simm.s32 $0x0;
	[smem:$0x7FF] =	sst s2;
	s31 =	ssub.s32 s3, s6  }
0x7: {  	s6 =	simm.s32 $0x1;
	_ =	strace $0x80000047;
	s4 =	sadd.s32 s5, s4  }
0x8: {  	v0 =	vimm.f32 $0.0e+00;
	v1 =	vimm.f32 $1.000000000e+00;
	s5 =	smax.u32 s31, $0x1;
	s3 =	sadd.s32 $0x2600, s4;
	s4 =	sadd.s32 $0xC600, s4  }
.LBB2_1:
0x9: {  	[tilespmem:s2], [sflag:$0x1] =	stream.linear.gather [hbm4b:s3+s2], $0x2800, $0x38;
	[tilespmem:$0x5000] =	vst v63  }
0xa: {  	_ =	swait.ge [sflag:s6], $0x2800  }
0xb: {  	[sflag:s6] =	ssyncset.done $0x0  }
0xc: {  	s9 =	simm.s32 $0x0;
	[sflag:s6] =	ssyncadd.s32 $0xFFFFD800  }
.LBB2_2:
0xd: {  	p0 =	sne.s32 s9, $0x9FC0  }
.Ltmp0:
0xe: {  	_ = 	snop;
	(pc) =	sbr.rel @p0 .LBB2_2-.Ltmp0, $3  }
0xf: {  	_ =	sdelay $0x1  }
0x10: {  	s10 =	sshra.s32 s9, $0x2  }
0x11: {  	s9 =	sadd.s32 $0x40, s9;
	[tilespmem:s10+$0x2800] =	vst v0  }
0x12: {  	s9 =	simm.s32 $0x0  }
.LBB2_4:
0x13: {  	s10 =	sshra.s32 s9, $0x2  }
0x14: {  	v2 =	vld [tilespmem:s10+$0x0];
	_ =	sdelay $0x7  }
0x15: {  	[tilespmem:v2+s7+$0x0] =	vst.idx.add.f32.msk $0xffff, v1  }
0x16: {  	v2 =	vld [tilespmem:s10+$0x10];
	_ =	sdelay $0x7  }
0x17: {  	[tilespmem:v2+s7+$0x0] =	vst.idx.add.f32.msk $0xffff, v1  }
0x18: {  	v2 =	vld [tilespmem:s10+$0x20];
	_ =	sdelay $0x7  }
0x19: {  	[tilespmem:v2+s7+$0x0] =	vst.idx.add.f32.msk $0xffff, v1  }
0x1a: {  	v2 =	vld [tilespmem:s10+$0x30];
	_ =	sdelay $0x7  }
0x1b: {  	[tilespmem:v2+s7+$0x0] =	vst.idx.add.f32.msk $0xffff, v1  }
0x1c: {  	v2 =	vld [tilespmem:s10+$0x40];
	_ =	sdelay $0x7  }
0x1d: {  	[tilespmem:v2+s7+$0x0] =	vst.idx.add.f32.msk $0xffff, v1  }
0x1e: {  	v2 =	vld [tilespmem:s10+$0x50];
	_ =	sdelay $0x7  }
0x1f: {  	[tilespmem:v2+s7+$0x0] =	vst.idx.add.f32.msk $0xffff, v1  }
0x20: {  	v2 =	vld [tilespmem:s10+$0x60];
	_ =	sdelay $0x7  }
0x21: {  	[tilespmem:v2+s7+$0x0] =	vst.idx.add.f32.msk $0xffff, v1  }
0x22: {  	v2 =	vld [tilespmem:s10+$0x70];
	_ =	sdelay $0x2  }
0x23: {  	p0 =	sne.s32 s9, $0x9E00  }
.Ltmp1:
0x24: {  	_ = 	snop;
	(pc) =	sbr.rel @p0 .LBB2_4-.Ltmp1, $2  }
0x25: {  	_ =	sdelay $0x2  }
0x26: {  	s9 =	sadd.s32 $0x200, s9;
	[tilespmem:v2+s7+$0x0] =	vst.idx.add.f32.msk $0xffff, v1  }
0x27: {  	s8 =	sadd.s32 $0x1, s8  }
0x28: {  	p0 =	sne.s32 s8, s5  }
.Ltmp2:
0x29: {  	_ = 	snop;
	(pc) =	sbr.rel @p0 .LBB2_1-.Ltmp2, $4  }
0x2a: {  	[hbm4b:s4+s2] =	stream.linear.scatter [tilespmem:s7], [sflag:$0x1], $0x2800, $0x38;
	[tilespmem:$0x5000] =	vst v63  }
0x2b: {  	_ =	swait.ge [sflag:s6], $0x2800  }
0x2c: {  	[sflag:s6] =	ssyncset.done $0x0  }
0x2d: {  	[sflag:s6] =	ssyncadd.s32 $0xFFFFD800  }
0x2e: {  	_ =	sfence.sel $0x180000  }
0x2f: {  	[bflag:$0x0] =	sbarrier.arrive $0xFFFF  }
0x30: {  	p0 =	sne.s32 s1, $0x0;
	_ =	strace $0x90000047  }
0x31: {  	s0 =	sadd.s32 @!p0 $0x100000, s0;
	[bflag:$0x2] =	sbarrier.arrive $0xFFFF  }
0x32: {  	[sflag:s0] =	ssyncadd.tile.s32 @!p0 $0x1;
	_ =	shalt  }
.Lfunc_end2:
_tile_overlayer_lowered:
.L_overlay_start_2:
0x33: {  	(tag) =	ssettag $0x2  }
0x34: {  	s0 =	rddreg [dreg:$0x0];
	s2 =	stileid.u32  }
0x35: {  	s1 =	rddreg [dreg:$0x1];
	p0 =	sne.s32 s2, $0x0  }
0x36: {  	s3 =	rddreg [dreg:$0x2];
	[bflag:$0x3] =	sbarrier.arrive $0xFFFF;
	s2 =	simm.s32 @!p0 $0x1C01  }
0x37: {  	[timem:s3], [sflag:s2] =	dma.local @!p0 [hbm:s0], s1  }
0x38: {  	s0 =	simm.s32 @!p0 $0x1  }
0x39: {  	_ =	swait.ge @!p0 [sflag:s0], s1  }
0x3a: {  	s1 =	ssub.s32 @!p0 $0x0, s1;
	[sflag:s0] =	ssyncset.done @!p0 $0x0  }
0x3b: {  	[sflag:s0] =	ssyncadd.s32 @!p0 s1  }
0x3c: {  	[bflag:$0x3] =	sbarrier.arrive $0xFFFF  }
0x3d: {  	_ =	shalt  }

</sc_bundles>
